<compile_context>
chip_gen: v7x
topology: tpu7x:2x2x1
jax: 0.10.2.dev20260603
libtpu: 0.0.44.dev20260713+nightly
codegen_flags: <defaults>
</compile_context>

<pallas_src>
import functools

import jax
import jax.numpy as jnp
from jax import lax
from jax.experimental import pallas as pl
from jax.experimental.pallas import tpu as pltpu
from jax.experimental.pallas import tpu_sc as plsc

B, S, D, K = 4, 8192, 1024, 8
S_SC = 1024
S_TC = S - S_SC
CHUNK = 1024
NC, NS = 2, 16
NW = NC * NS
GROUPS = D // 16
TASKS = B * GROUPS
TPW = TASKS // NW
SB = S_SC

_SORT8 = ((0, 1), (2, 3), (4, 5), (6, 7), (0, 2), (1, 3), (4, 6), (5, 7),
          (1, 2), (5, 6), (0, 4), (1, 5), (2, 6), (3, 7), (2, 4), (3, 5),
          (1, 2), (3, 4), (5, 6))
_BITONIC8 = ((0, 4), (1, 5), (2, 6), (3, 7), (0, 2), (1, 3), (4, 6), (5, 7),
             (0, 1), (2, 3), (4, 5), (6, 7))


def _ce(items, pairs):
    for i, j in pairs:
        a, b = items[i], items[j]
        items[i] = jnp.maximum(a, b)
        items[j] = jnp.minimum(a, b)



def _tc_kernel(x_ref, o_ref, t_ref, *, n_chunks):
    c = pl.program_id(1)

    @pl.when(c == 0)
    def _init():
        t_ref[...] = jnp.full(t_ref.shape, -jnp.inf, jnp.float32)

    T = [t_ref[8 * k:8 * k + 8, :] for k in range(K)]

    def group_body(g, Ts):
        a = [x_ref[0, pl.ds(g * 128 + j * 8, 8), :] for j in range(8)]
        b = [x_ref[0, pl.ds(g * 128 + 64 + j * 8, 8), :] for j in range(8)]
        _ce(a, _SORT8)
        _ce(b, _SORT8)
        s = [jnp.maximum(a[i], b[7 - i]) for i in range(8)]
        _ce(s, _BITONIC8)
        merged = [jnp.maximum(Ts[i], s[7 - i]) for i in range(8)]
        _ce(merged, _BITONIC8)
        return tuple(merged)

    T = jax.lax.fori_loop(0, CHUNK // 128, group_body, tuple(T), unroll=4)
    for k in range(K):
        t_ref[8 * k:8 * k + 8, :] = T[k]

    @pl.when(c == n_chunks - 1)
    def _finalize():
        cand = t_ref[...]
        iota = jax.lax.broadcasted_iota(jnp.int32, cand.shape, 0)
        for j in range(K):
            m = jnp.max(cand, axis=0, keepdims=True)
            idx = jnp.min(jnp.where(cand == m, iota, cand.shape[0]), axis=0,
                          keepdims=True)
            cand = jnp.where(iota == idx, -jnp.inf, cand)
            o_ref[0, j, :] = m[0]


def _tc_call(inputs):
    n_chunks = S_TC // CHUNK
    return pl.pallas_call(
        functools.partial(_tc_kernel, n_chunks=n_chunks),
        grid=(B, n_chunks),
        in_specs=[pl.BlockSpec((1, CHUNK, D), lambda b, c: (b, c, 0))],
        out_specs=pl.BlockSpec((1, K, D), lambda b, c: (b, 0, 0)),
        out_shape=jax.ShapeDtypeStruct((B, K, D), jnp.float32),
        scratch_shapes=[pltpu.VMEM((8 * K, D), jnp.float32)],
    )(inputs)



def _sc_body(x_hbm, out_hbm, buf0, buf1, obuf, sem0, sem1):
    wid = lax.axis_index("s") * NC + lax.axis_index("c")
    bufs = (buf0, buf1)
    sems = (sem0, sem1)
    n_chunks = S_SC // SB

    def make_row_body(buf):
        def row_body(r, Ts):
            v = buf[r, :]
            new = []
            for k in range(K):
                tk = Ts[k]
                hi = jnp.maximum(tk, v)
                v = jnp.minimum(tk, v)
                new.append(hi)
            return tuple(new)
        return row_body

    for i in range(TPW):
        t = wid * TPW + i
        b = t // GROUPS
        col = (t % GROUPS) * 16

        def copy_chunk(c):
            return pltpu.async_copy(
                x_hbm.at[b, pl.ds(S_TC + c * SB, SB), pl.ds(col, 16)],
                bufs[c % 2], sems[c % 2])

        pending = copy_chunk(0)
        T = tuple(jnp.full((16,), -jnp.inf, jnp.float32) for _ in range(K))
        for c in range(n_chunks):
            pending.wait()
            if c + 1 < n_chunks:
                pending = copy_chunk(c + 1)
            T = lax.fori_loop(0, SB, make_row_body(bufs[c % 2]), T,
                              unroll=4)

        for j in range(K):
            obuf[j, :] = T[j]
        pltpu.sync_copy(obuf, out_hbm.at[b, :, pl.ds(col, 16)])


def _sc_call(inputs):
    return pl.kernel(
        _sc_body,
        mesh=plsc.VectorSubcoreMesh(core_axis_name="c", subcore_axis_name="s"),
        out_type=jax.ShapeDtypeStruct((B, K, D), jnp.float32),
        compiler_params=pltpu.CompilerParams(use_tc_tiling_on_sc=False),
        scratch_types=[
            pltpu.VMEM((SB, 16), jnp.float32),
            pltpu.VMEM((SB, 16), jnp.float32),
            pltpu.VMEM((K, 16), jnp.float32),
            pltpu.SemaphoreType.DMA,
            pltpu.SemaphoreType.DMA,
        ],
    )(inputs)



def _merge_kernel(a_ref, b_ref, o_ref):
    A = [a_ref[0, i, :] for i in range(K)]
    Bv = [b_ref[0, i, :] for i in range(K)]
    C = [jnp.maximum(A[i], Bv[7 - i]) for i in range(K)]
    _ce(C, _BITONIC8)
    for i in range(K):
        o_ref[0, i, :] = C[i]


def _merge_call(a, b):
    return pl.pallas_call(
        _merge_kernel,
        grid=(B,),
        in_specs=[pl.BlockSpec((1, K, D), lambda i: (i, 0, 0)),
                  pl.BlockSpec((1, K, D), lambda i: (i, 0, 0))],
        out_specs=pl.BlockSpec((1, K, D), lambda i: (i, 0, 0)),
        out_shape=jax.ShapeDtypeStruct((B, K, D), jnp.float32),
    )(a, b)


def kernel(inputs):
    tc = _tc_call(inputs)
    sc = _sc_call(inputs)
    out = _merge_call(tc, sc)
    return out.transpose(0, 2, 1).reshape(B, D * K)

# --- scband reference (transcript-rebuilt; emitter-appended) ---
"""Pipeline reference for scband-kmax-pooling-39986145526433 (READ-ONLY COPY).

The authoritative reference and input builder live on the scoring server;
editing this copy changes nothing except your own understanding.
"""

import jax, jax.numpy as jnp
import numpy as np

K = 8

def setup_inputs(seed: int = 0) -> dict:
    key = jax.random.key(seed)
    inputs = jax.random.normal(key, (4, 8192, 1024), dtype=jnp.float32)
    return {"inputs": inputs}

def reference(inputs):
    # KMaxPooling: transpose [B,S,D] -> [B,D,S], top_k over sequence dim, flatten
    shifted = jnp.transpose(inputs, (0, 2, 1))          # [B, D, S]
    top_k_vals = jax.lax.top_k(shifted, K)[0]           # [B, D, K], sorted descending
    out = top_k_vals.reshape(top_k_vals.shape[0], -1)   # [B, D*K]
    return out

if __name__ == "__main__":
    import jax
    _d = setup_inputs()
    print(jax.jit(kernel)(*tuple(_d.values())))

</pallas_src>

<mosaic_0001>
#map = affine_map<(d0, d1) -> (0, 0, 0)>
module attributes {stable_mosaic.version = 14 : i64} {
  func.func @_sc_body(%arg0: i32, %arg1: i32, %arg2: memref<4x8192x1024xf32, #tpu.memory_space<hbm>>, %arg3: memref<4x8x1024xf32, #tpu.memory_space<hbm>>, %arg4: memref<1024x16xf32, #tpu.memory_space<vmem>>, %arg5: memref<1024x16xf32, #tpu.memory_space<vmem>>, %arg6: memref<8x16xf32, #tpu.memory_space<vmem>>, %arg7: memref<!tpu.dma_semaphore, #tpu.memory_space<semaphore_mem>>, %arg8: memref<!tpu.dma_semaphore, #tpu.memory_space<semaphore_mem>>) attributes {dimension_semantics = [#tpu.dimension_semantics<core_parallel>, #tpu.dimension_semantics<subcore_parallel>], iteration_bounds = array<i64: 2, 16>, scalar_prefetch = 0 : i64, scratch_operands = 5 : i64, tpu.core_type = #tpu.core_type<sc_vector_subcore>, window_params = [{transform_indices = #map}, {transform_indices = #map}]} {
    %mul3A = arith.constant 2 : i32
    %mul3A_0 = arith.muli %arg1, %mul3A : i32
    %add3A = arith.addi %mul3A_0, %arg0 : i32
    %mul3A_1 = arith.constant 8 : i32
    %mul3A_2 = arith.muli %add3A, %mul3A_1 : i32
    %add3A_3 = arith.constant 0 : i32
    %add3A_4 = arith.addi %mul3A_2, %add3A_3 : i32
    %jit3A = arith.constant 64 : i32
    %div3A = arith.divsi %add3A_4, %jit3A : i32
    %sign3A = arith.constant 0 : i32
    %sign3A_5 = arith.cmpi sgt, %add3A_4, %sign3A : i32
    %sign3A_6 = arith.extui %sign3A_5 : i1 to i32
    %sign3A_7 = arith.constant 0 : i32
    %sign3A_8 = arith.cmpi slt, %add3A_4, %sign3A_7 : i32
    %sign3A_9 = arith.extui %sign3A_8 : i1 to i32
    %sign3A_10 = arith.subi %sign3A_6, %sign3A_9 : i32
    %sign3A_11 = arith.constant 0 : i32
    %sign3A_12 = arith.cmpi sgt, %jit3A, %sign3A_11 : i32
    %sign3A_13 = arith.extui %sign3A_12 : i1 to i32
    %sign3A_14 = arith.constant 0 : i32
    %sign3A_15 = arith.cmpi slt, %jit3A, %sign3A_14 : i32
    %sign3A_16 = arith.extui %sign3A_15 : i1 to i32
    %sign3A_17 = arith.subi %sign3A_13, %sign3A_16 : i32
    %ne3A = arith.cmpi ne, %sign3A_10, %sign3A_17 : i32
    %rem3A = arith.remsi %add3A_4, %jit3A : i32
    %ne3A_18 = arith.constant 0 : i32
    %ne3A_19 = arith.cmpi ne, %rem3A, %ne3A_18 : i32
    %and3A = arith.andi %ne3A, %ne3A_19 : i1
    %sub3A = arith.constant 1 : i32
    %sub3A_20 = arith.subi %div3A, %sub3A : i32
    %select_n3A = arith.select %and3A, %sub3A_20, %div3A : i32
    %jit3A_21 = arith.constant 64 : i32
    %eq3A = arith.constant 0 : i32
    %eq3A_22 = arith.cmpi eq, %jit3A_21, %eq3A : i32
    %jit3A_23 = arith.constant 1 : i32
    %select_n3A_24 = arith.select %eq3A_22, %jit3A_23, %jit3A_21 : i32
    %rem3A_25 = arith.remsi %add3A_4, %select_n3A_24 : i32
    %ne3A_26 = arith.constant 0 : i32
    %ne3A_27 = arith.cmpi ne, %rem3A_25, %ne3A_26 : i32
    %lt3A = arith.constant 0 : i32
    %lt3A_28 = arith.cmpi slt, %rem3A_25, %lt3A : i32
    %lt3A_29 = arith.constant 0 : i32
    %lt3A_30 = arith.cmpi slt, %select_n3A_24, %lt3A_29 : i32
    %ne3A_31 = arith.xori %lt3A_28, %lt3A_30 : i1
    %and3A_32 = arith.andi %ne3A_31, %ne3A_27 : i1
    %add3A_33 = arith.addi %rem3A_25, %select_n3A_24 : i32
    %select_n3A_34 = arith.select %and3A_32, %add3A_33, %rem3A_25 : i32
    %mul3A_35 = arith.constant 16 : i32
    %mul3A_36 = arith.muli %select_n3A_34, %mul3A_35 : i32
    %dma_start3A = arith.constant 7168 : i32
    %dma_start3A_37 = tpu.memref_slice %arg2[%select_n3A, %dma_start3A, %mul3A_36] : memref<4x8192x1024xf32, #tpu.memory_space<hbm>> -> memref<1x1024x16xf32, #tpu.memory_space<hbm>>
    %dma_start3A_38 = tpu.memref_squeeze %dma_start3A_37 : memref<1x1024x16xf32, #tpu.memory_space<hbm>> -> memref<1024x16xf32, #tpu.memory_space<hbm>>
    %dma_start3A_39 = arith.constant 7168 : i32
    %dma_start3A_40 = tpu.memref_slice %arg2[%select_n3A, %dma_start3A_39, %mul3A_36] : memref<4x8192x1024xf32, #tpu.memory_space<hbm>> -> memref<1x1024x16xf32, #tpu.memory_space<hbm>>
    %dma_start3A_41 = tpu.memref_squeeze %dma_start3A_40 : memref<1x1024x16xf32, #tpu.memory_space<hbm>> -> memref<1024x16xf32, #tpu.memory_space<hbm>>
    tpu.enqueue_dma source(%dma_start3A_41 : memref<1024x16xf32, #tpu.memory_space<hbm>>) target(%arg4 : memref<1024x16xf32, #tpu.memory_space<vmem>>) target_semaphore(%arg7 : memref<!tpu.dma_semaphore, #tpu.memory_space<semaphore_mem>>)
    %broadcast_in_dim3A = arith.constant 0xFF800000 : f32
    %broadcast_in_dim3A_42 = vector.broadcast %broadcast_in_dim3A : f32 to vector<16xf32>
    %broadcast_in_dim3A_43 = arith.constant 0xFF800000 : f32
    %broadcast_in_dim3A_44 = vector.broadcast %broadcast_in_dim3A_43 : f32 to vector<16xf32>
    %broadcast_in_dim3A_45 = arith.constant 0xFF800000 : f32
    %broadcast_in_dim3A_46 = vector.broadcast %broadcast_in_dim3A_45 : f32 to vector<16xf32>
    %broadcast_in_dim3A_47 = arith.constant 0xFF800000 : f32
    %broadcast_in_dim3A_48 = vector.broadcast %broadcast_in_dim3A_47 : f32 to vector<16xf32>
    %broadcast_in_dim3A_49 = arith.constant 0xFF800000 : f32
    %broadcast_in_dim3A_50 = vector.broadcast %broadcast_in_dim3A_49 : f32 to vector<16xf32>
    %broadcast_in_dim3A_51 = arith.constant 0xFF800000 : f32
    %broadcast_in_dim3A_52 = vector.broadcast %broadcast_in_dim3A_51 : f32 to vector<16xf32>
    %broadcast_in_dim3A_53 = arith.constant 0xFF800000 : f32
    %broadcast_in_dim3A_54 = vector.broadcast %broadcast_in_dim3A_53 : f32 to vector<16xf32>
    %broadcast_in_dim3A_55 = arith.constant 0xFF800000 : f32
    %broadcast_in_dim3A_56 = vector.broadcast %broadcast_in_dim3A_55 : f32 to vector<16xf32>
    %dma_wait3A = arith.constant 7168 : i32
    %dma_wait3A_57 = tpu.memref_slice %arg2[%select_n3A, %dma_wait3A, %mul3A_36] : memref<4x8192x1024xf32, #tpu.memory_space<hbm>> -> memref<1x1024x16xf32, #tpu.memory_space<hbm>>
    %dma_wait3A_58 = tpu.memref_squeeze %dma_wait3A_57 : memref<1x1024x16xf32, #tpu.memory_space<hbm>> -> memref<1024x16xf32, #tpu.memory_space<hbm>>
    %dma_wait3A_59 = arith.constant 7168 : i32
    %dma_wait3A_60 = tpu.memref_slice %arg2[%select_n3A, %dma_wait3A_59, %mul3A_36] : memref<4x8192x1024xf32, #tpu.memory_space<hbm>> -> memref<1x1024x16xf32, #tpu.memory_space<hbm>>
    %dma_wait3A_61 = tpu.memref_squeeze %dma_wait3A_60 : memref<1x1024x16xf32, #tpu.memory_space<hbm>> -> memref<1024x16xf32, #tpu.memory_space<hbm>>
    tpu.wait_dma2 semaphore(%arg7 : memref<!tpu.dma_semaphore, #tpu.memory_space<semaphore_mem>>) src(%dma_wait3A_61 : memref<1024x16xf32, #tpu.memory_space<hbm>>) dst(%arg4 : memref<1024x16xf32, #tpu.memory_space<vmem>>)
    %scan3A = arith.constant 0 : i32
    %scan3A_62 = arith.constant 1024 : i32
    %scan3A_63 = arith.addi %scan3A, %scan3A_62 : i32
    %scan3A_64 = arith.constant 4 : i32
    %scan3A_65:8 = scf.for %scan3A_1010 = %scan3A to %scan3A_63 step %scan3A_64 iter_args(%scan3A_1011 = %broadcast_in_dim3A_42, %scan3A_1012 = %broadcast_in_dim3A_44, %scan3A_1013 = %broadcast_in_dim3A_46, %scan3A_1014 = %broadcast_in_dim3A_48, %scan3A_1015 = %broadcast_in_dim3A_50, %scan3A_1016 = %broadcast_in_dim3A_52, %scan3A_1017 = %broadcast_in_dim3A_54, %scan3A_1018 = %broadcast_in_dim3A_56) -> (vector<16xf32>, vector<16xf32>, vector<16xf32>, vector<16xf32>, vector<16xf32>, vector<16xf32>, vector<16xf32>, vector<16xf32>)  : i32 {
      %get3A = arith.index_cast %scan3A_1010 : i32 to index
      %get3A_1019 = arith.constant 0 : index
      %get3A_1020 = tpu.vector_load %arg4[%get3A, %get3A_1019] {strides = array<i32>} : memref<1024x16xf32, #tpu.memory_space<vmem>>, vector<1x16xf32>,
      %get3A_1021 = vector.shape_cast %get3A_1020 : vector<1x16xf32> to vector<16xf32>
      %max3A = arith.maximumf %scan3A_1011, %get3A_1021 : vector<16xf32>
      %min3A = arith.minimumf %scan3A_1011, %get3A_1021 : vector<16xf32>
      %max3A_1022 = arith.maximumf %scan3A_1012, %min3A : vector<16xf32>
      %min3A_1023 = arith.minimumf %scan3A_1012, %min3A : vector<16xf32>
      %max3A_1024 = arith.maximumf %scan3A_1013, %min3A_1023 : vector<16xf32>
      %min3A_1025 = arith.minimumf %scan3A_1013, %min3A_1023 : vector<16xf32>
      %max3A_1026 = arith.maximumf %scan3A_1014, %min3A_1025 : vector<16xf32>
      %min3A_1027 = arith.minimumf %scan3A_1014, %min3A_1025 : vector<16xf32>
      %max3A_1028 = arith.maximumf %scan3A_1015, %min3A_1027 : vector<16xf32>
      %min3A_1029 = arith.minimumf %scan3A_1015, %min3A_1027 : vector<16xf32>
      %max3A_1030 = arith.maximumf %scan3A_1016, %min3A_1029 : vector<16xf32>
      %min3A_1031 = arith.minimumf %scan3A_1016, %min3A_1029 : vector<16xf32>
      %max3A_1032 = arith.maximumf %scan3A_1017, %min3A_1031 : vector<16xf32>
      %min3A_1033 = arith.minimumf %scan3A_1017, %min3A_1031 : vector<16xf32>
      %max3A_1034 = arith.maximumf %scan3A_1018, %min3A_1033 : vector<16xf32>
      %min3A_1035 = arith.minimumf %scan3A_1018, %min3A_1033 : vector<16xf32>
      %scan3A_1036 = arith.constant 1 : i32
      %scan3A_1037 = arith.addi %scan3A_1010, %scan3A_1036 : i32
      %get3A_1038 = arith.index_cast %scan3A_1037 : i32 to index
      %get3A_1039 = arith.constant 0 : index
      %get3A_1040 = tpu.vector_load %arg4[%get3A_1038, %get3A_1039] {strides = array<i32>} : memref<1024x16xf32, #tpu.memory_space<vmem>>, vector<1x16xf32>,
      %get3A_1041 = vector.shape_cast %get3A_1040 : vector<1x16xf32> to vector<16xf32>
      %max3A_1042 = arith.maximumf %max3A, %get3A_1041 : vector<16xf32>
      %min3A_1043 = arith.minimumf %max3A, %get3A_1041 : vector<16xf32>
      %max3A_1044 = arith.maximumf %max3A_1022, %min3A_1043 : vector<16xf32>
      %min3A_1045 = arith.minimumf %max3A_1022, %min3A_1043 : vector<16xf32>
      %max3A_1046 = arith.maximumf %max3A_1024, %min3A_1045 : vector<16xf32>
      %min3A_1047 = arith.minimumf %max3A_1024, %min3A_1045 : vector<16xf32>
      %max3A_1048 = arith.maximumf %max3A_1026, %min3A_1047 : vector<16xf32>
      %min3A_1049 = arith.minimumf %max3A_1026, %min3A_1047 : vector<16xf32>
      %max3A_1050 = arith.maximumf %max3A_1028, %min3A_1049 : vector<16xf32>
      %min3A_1051 = arith.minimumf %max3A_1028, %min3A_1049 : vector<16xf32>
      %max3A_1052 = arith.maximumf %max3A_1030, %min3A_1051 : vector<16xf32>
      %min3A_1053 = arith.minimumf %max3A_1030, %min3A_1051 : vector<16xf32>
      %max3A_1054 = arith.maximumf %max3A_1032, %min3A_1053 : vector<16xf32>
      %min3A_1055 = arith.minimumf %max3A_1032, %min3A_1053 : vector<16xf32>
      %max3A_1056 = arith.maximumf %max3A_1034, %min3A_1055 : vector<16xf32>
      %min3A_1057 = arith.minimumf %max3A_1034, %min3A_1055 : vector<16xf32>
      %scan3A_1058 = arith.constant 2 : i32
      %scan3A_1059 = arith.addi %scan3A_1010, %scan3A_1058 : i32
      %get3A_1060 = arith.index_cast %scan3A_1059 : i32 to index
      %get3A_1061 = arith.constant 0 : index
      %get3A_1062 = tpu.vector_load %arg4[%get3A_1060, %get3A_1061] {strides = array<i32>} : memref<1024x16xf32, #tpu.memory_space<vmem>>, vector<1x16xf32>,
      %get3A_1063 = vector.shape_cast %get3A_1062 : vector<1x16xf32> to vector<16xf32>
      %max3A_1064 = arith.maximumf %max3A_1042, %get3A_1063 : vector<16xf32>
      %min3A_1065 = arith.minimumf %max3A_1042, %get3A_1063 : vector<16xf32>
      %max3A_1066 = arith.maximumf %max3A_1044, %min3A_1065 : vector<16xf32>
      %min3A_1067 = arith.minimumf %max3A_1044, %min3A_1065 : vector<16xf32>
      %max3A_1068 = arith.maximumf %max3A_1046, %min3A_1067 : vector<16xf32>
      %min3A_1069 = arith.minimumf %max3A_1046, %min3A_1067 : vector<16xf32>
      %max3A_1070 = arith.maximumf %max3A_1048, %min3A_1069 : vector<16xf32>
      %min3A_1071 = arith.minimumf %max3A_1048, %min3A_1069 : vector<16xf32>
      %max3A_1072 = arith.maximumf %max3A_1050, %min3A_1071 : vector<16xf32>
      %min3A_1073 = arith.minimumf %max3A_1050, %min3A_1071 : vector<16xf32>
      %max3A_1074 = arith.maximumf %max3A_1052, %min3A_1073 : vector<16xf32>
      %min3A_1075 = arith.minimumf %max3A_1052, %min3A_1073 : vector<16xf32>
      %max3A_1076 = arith.maximumf %max3A_1054, %min3A_1075 : vector<16xf32>
      %min3A_1077 = arith.minimumf %max3A_1054, %min3A_1075 : vector<16xf32>
      %max3A_1078 = arith.maximumf %max3A_1056, %min3A_1077 : vector<16xf32>
      %min3A_1079 = arith.minimumf %max3A_1056, %min3A_1077 : vector<16xf32>
      %scan3A_1080 = arith.constant 3 : i32
      %scan3A_1081 = arith.addi %scan3A_1010, %scan3A_1080 : i32
      %get3A_1082 = arith.index_cast %scan3A_1081 : i32 to index
      %get3A_1083 = arith.constant 0 : index
      %get3A_1084 = tpu.vector_load %arg4[%get3A_1082, %get3A_1083] {strides = array<i32>} : memref<1024x16xf32, #tpu.memory_space<vmem>>, vector<1x16xf32>,
      %get3A_1085 = vector.shape_cast %get3A_1084 : vector<1x16xf32> to vector<16xf32>
      %max3A_1086 = arith.maximumf %max3A_1064, %get3A_1085 : vector<16xf32>
      %min3A_1087 = arith.minimumf %max3A_1064, %get3A_1085 : vector<16xf32>
      %max3A_1088 = arith.maximumf %max3A_1066, %min3A_1087 : vector<16xf32>
      %min3A_1089 = arith.minimumf %max3A_1066, %min3A_1087 : vector<16xf32>
      %max3A_1090 = arith.maximumf %max3A_1068, %min3A_1089 : vector<16xf32>
      %min3A_1091 = arith.minimumf %max3A_1068, %min3A_1089 : vector<16xf32>
      %max3A_1092 = arith.maximumf %max3A_1070, %min3A_1091 : vector<16xf32>
      %min3A_1093 = arith.minimumf %max3A_1070, %min3A_1091 : vector<16xf32>
      %max3A_1094 = arith.maximumf %max3A_1072, %min3A_1093 : vector<16xf32>
      %min3A_1095 = arith.minimumf %max3A_1072, %min3A_1093 : vector<16xf32>
      %max3A_1096 = arith.maximumf %max3A_1074, %min3A_1095 : vector<16xf32>
      %min3A_1097 = arith.minimumf %max3A_1074, %min3A_1095 : vector<16xf32>
      %max3A_1098 = arith.maximumf %max3A_1076, %min3A_1097 : vector<16xf32>
      %min3A_1099 = arith.minimumf %max3A_1076, %min3A_1097 : vector<16xf32>
      %max3A_1100 = arith.maximumf %max3A_1078, %min3A_1099 : vector<16xf32>
      %min3A_1101 = arith.minimumf %max3A_1078, %min3A_1099 : vector<16xf32>
      scf.yield %max3A_1086, %max3A_1088, %max3A_1090, %max3A_1092, %max3A_1094, %max3A_1096, %max3A_1098, %max3A_1100 : vector<16xf32>, vector<16xf32>, vector<16xf32>, vector<16xf32>, vector<16xf32>, vector<16xf32>, vector<16xf32>, vector<16xf32>
    }
    %scan3A_66 = arith.constant 1024 : i32
    %swap3A = arith.constant 0 : i32
    %swap3A_67 = arith.index_cast %swap3A : i32 to index
    %swap3A_68 = arith.constant 0 : index
    %swap3A_69 = tpu.vector_load %arg6[%swap3A_67, %swap3A_68] {strides = array<i32>} : memref<8x16xf32, #tpu.memory_space<vmem>>, vector<1x16xf32>,
    %swap3A_70 = vector.shape_cast %swap3A_69 : vector<1x16xf32> to vector<16xf32>
    %swap3A_71 = vector.shape_cast %scan3A_65#0 : vector<16xf32> to vector<1x16xf32>
    tpu.vector_store %arg6[%swap3A_67, %swap3A_68], %swap3A_71 {strides = array<i32>} : memref<8x16xf32, #tpu.memory_space<vmem>>, vector<1x16xf32>,
    %swap3A_72 = arith.constant 1 : i32
    %swap3A_73 = arith.index_cast %swap3A_72 : i32 to index
    %swap3A_74 = arith.constant 0 : index
    %swap3A_75 = tpu.vector_load %arg6[%swap3A_73, %swap3A_74] {strides = array<i32>} : memref<8x16xf32, #tpu.memory_space<vmem>>, vector<1x16xf32>,
    %swap3A_76 = vector.shape_cast %swap3A_75 : vector<1x16xf32> to vector<16xf32>
    %swap3A_77 = vector.shape_cast %scan3A_65#1 : vector<16xf32> to vector<1x16xf32>
    tpu.vector_store %arg6[%swap3A_73, %swap3A_74], %swap3A_77 {strides = array<i32>} : memref<8x16xf32, #tpu.memory_space<vmem>>, vector<1x16xf32>,
    %swap3A_78 = arith.constant 2 : i32
    %swap3A_79 = arith.index_cast %swap3A_78 : i32 to index
    %swap3A_80 = arith.constant 0 : index
    %swap3A_81 = tpu.vector_load %arg6[%swap3A_79, %swap3A_80] {strides = array<i32>} : memref<8x16xf32, #tpu.memory_space<vmem>>, vector<1x16xf32>,
    %swap3A_82 = vector.shape_cast %swap3A_81 : vector<1x16xf32> to vector<16xf32>
    %swap3A_83 = vector.shape_cast %scan3A_65#2 : vector<16xf32> to vector<1x16xf32>
    tpu.vector_store %arg6[%swap3A_79, %swap3A_80], %swap3A_83 {strides = array<i32>} : memref<8x16xf32, #tpu.memory_space<vmem>>, vector<1x16xf32>,
    %swap3A_84 = arith.constant 3 : i32
    %swap3A_85 = arith.index_cast %swap3A_84 : i32 to index
    %swap3A_86 = arith.constant 0 : index
    %swap3A_87 = tpu.vector_load %arg6[%swap3A_85, %swap3A_86] {strides = array<i32>} : memref<8x16xf32, #tpu.memory_space<vmem>>, vector<1x16xf32>,
    %swap3A_88 = vector.shape_cast %swap3A_87 : vector<1x16xf32> to vector<16xf32>
    %swap3A_89 = vector.shape_cast %scan3A_65#3 : vector<16xf32> to vector<1x16xf32>
    tpu.vector_store %arg6[%swap3A_85, %swap3A_86], %swap3A_89 {strides = array<i32>} : memref<8x16xf32, #tpu.memory_space<vmem>>, vector<1x16xf32>,
    %swap3A_90 = arith.constant 4 : i32
    %swap3A_91 = arith.index_cast %swap3A_90 : i32 to index
    %swap3A_92 = arith.constant 0 : index
    %swap3A_93 = tpu.vector_load %arg6[%swap3A_91, %swap3A_92] {strides = array<i32>} : memref<8x16xf32, #tpu.memory_space<vmem>>, vector<1x16xf32>,
    %swap3A_94 = vector.shape_cast %swap3A_93 : vector<1x16xf32> to vector<16xf32>
    %swap3A_95 = vector.shape_cast %scan3A_65#4 : vector<16xf32> to vector<1x16xf32>
    tpu.vector_store %arg6[%swap3A_91, %swap3A_92], %swap3A_95 {strides = array<i32>} : memref<8x16xf32, #tpu.memory_space<vmem>>, vector<1x16xf32>,
    %swap3A_96 = arith.constant 5 : i32
    %swap3A_97 = arith.index_cast %swap3A_96 : i32 to index
    %swap3A_98 = arith.constant 0 : index
    %swap3A_99 = tpu.vector_load %arg6[%swap3A_97, %swap3A_98] {strides = array<i32>} : memref<8x16xf32, #tpu.memory_space<vmem>>, vector<1x16xf32>,
    %swap3A_100 = vector.shape_cast %swap3A_99 : vector<1x16xf32> to vector<16xf32>
    %swap3A_101 = vector.shape_cast %scan3A_65#5 : vector<16xf32> to vector<1x16xf32>
    tpu.vector_store %arg6[%swap3A_97, %swap3A_98], %swap3A_101 {strides = array<i32>} : memref<8x16xf32, #tpu.memory_space<vmem>>, vector<1x16xf32>,
    %swap3A_102 = arith.constant 6 : i32
    %swap3A_103 = arith.index_cast %swap3A_102 : i32 to index
    %swap3A_104 = arith.constant 0 : index
    %swap3A_105 = tpu.vector_load %arg6[%swap3A_103, %swap3A_104] {strides = array<i32>} : memref<8x16xf32, #tpu.memory_space<vmem>>, vector<1x16xf32>,
    %swap3A_106 = vector.shape_cast %swap3A_105 : vector<1x16xf32> to vector<16xf32>
    %swap3A_107 = vector.shape_cast %scan3A_65#6 : vector<16xf32> to vector<1x16xf32>
    tpu.vector_store %arg6[%swap3A_103, %swap3A_104], %swap3A_107 {strides = array<i32>} : memref<8x16xf32, #tpu.memory_space<vmem>>, vector<1x16xf32>,
    %swap3A_108 = arith.constant 7 : i32
    %swap3A_109 = arith.index_cast %swap3A_108 : i32 to index
    %swap3A_110 = arith.constant 0 : index
    %swap3A_111 = tpu.vector_load %arg6[%swap3A_109, %swap3A_110] {strides = array<i32>} : memref<8x16xf32, #tpu.memory_space<vmem>>, vector<1x16xf32>,
    %swap3A_112 = vector.shape_cast %swap3A_111 : vector<1x16xf32> to vector<16xf32>
    %swap3A_113 = vector.shape_cast %scan3A_65#7 : vector<16xf32> to vector<1x16xf32>
    tpu.vector_store %arg6[%swap3A_109, %swap3A_110], %swap3A_113 {strides = array<i32>} : memref<8x16xf32, #tpu.memory_space<vmem>>, vector<1x16xf32>,
    "tpu.region"() ({
      %run_scoped3A = tpu.sem_alloc : memref<!tpu.dma_semaphore, #tpu.memory_space<semaphore_mem>>
      %dma_start3A_1010 = arith.constant 0 : i32
      %dma_start3A_1011 = tpu.memref_slice %arg3[%select_n3A, %dma_start3A_1010, %mul3A_36] : memref<4x8x1024xf32, #tpu.memory_space<hbm>> -> memref<1x8x16xf32, #tpu.memory_space<hbm>>
      %dma_start3A_1012 = tpu.memref_squeeze %dma_start3A_1011 : memref<1x8x16xf32, #tpu.memory_space<hbm>> -> memref<8x16xf32, #tpu.memory_space<hbm>>
      %dma_start3A_1013 = arith.constant 0 : i32
      %dma_start3A_1014 = tpu.memref_slice %arg3[%select_n3A, %dma_start3A_1013, %mul3A_36] : memref<4x8x1024xf32, #tpu.memory_space<hbm>> -> memref<1x8x16xf32, #tpu.memory_space<hbm>>
      %dma_start3A_1015 = tpu.memref_squeeze %dma_start3A_1014 : memref<1x8x16xf32, #tpu.memory_space<hbm>> -> memref<8x16xf32, #tpu.memory_space<hbm>>
      tpu.enqueue_dma source(%arg6 : memref<8x16xf32, #tpu.memory_space<vmem>>) target(%dma_start3A_1015 : memref<8x16xf32, #tpu.memory_space<hbm>>) target_semaphore(%run_scoped3A : memref<!tpu.dma_semaphore, #tpu.memory_space<semaphore_mem>>)
      %dma_wait3A_1016 = arith.constant 0 : i32
      %dma_wait3A_1017 = tpu.memref_slice %arg3[%select_n3A, %dma_wait3A_1016, %mul3A_36] : memref<4x8x1024xf32, #tpu.memory_space<hbm>> -> memref<1x8x16xf32, #tpu.memory_space<hbm>>
      %dma_wait3A_1018 = tpu.memref_squeeze %dma_wait3A_1017 : memref<1x8x16xf32, #tpu.memory_space<hbm>> -> memref<8x16xf32, #tpu.memory_space<hbm>>
      %dma_wait3A_1019 = arith.constant 0 : i32
      %dma_wait3A_1020 = tpu.memref_slice %arg3[%select_n3A, %dma_wait3A_1019, %mul3A_36] : memref<4x8x1024xf32, #tpu.memory_space<hbm>> -> memref<1x8x16xf32, #tpu.memory_space<hbm>>
      %dma_wait3A_1021 = tpu.memref_squeeze %dma_wait3A_1020 : memref<1x8x16xf32, #tpu.memory_space<hbm>> -> memref<8x16xf32, #tpu.memory_space<hbm>>
      tpu.wait_dma2 semaphore(%run_scoped3A : memref<!tpu.dma_semaphore, #tpu.memory_space<semaphore_mem>>) src(%arg6 : memref<8x16xf32, #tpu.memory_space<vmem>>) dst(%dma_wait3A_1021 : memref<8x16xf32, #tpu.memory_space<hbm>>)
      tpu.yield
    }) : () -> ()
    %mul3A_114 = arith.constant 8 : i32
    %mul3A_115 = arith.muli %add3A, %mul3A_114 : i32
    %add3A_116 = arith.constant 1 : i32
    %add3A_117 = arith.addi %mul3A_115, %add3A_116 : i32
    %jit3A_118 = arith.constant 64 : i32
    %div3A_119 = arith.divsi %add3A_117, %jit3A_118 : i32
    %sign3A_120 = arith.constant 0 : i32
    %sign3A_121 = arith.cmpi sgt, %add3A_117, %sign3A_120 : i32
    %sign3A_122 = arith.extui %sign3A_121 : i1 to i32
    %sign3A_123 = arith.constant 0 : i32
    %sign3A_124 = arith.cmpi slt, %add3A_117, %sign3A_123 : i32
    %sign3A_125 = arith.extui %sign3A_124 : i1 to i32
    %sign3A_126 = arith.subi %sign3A_122, %sign3A_125 : i32
    %sign3A_127 = arith.constant 0 : i32
    %sign3A_128 = arith.cmpi sgt, %jit3A_118, %sign3A_127 : i32
    %sign3A_129 = arith.extui %sign3A_128 : i1 to i32
    %sign3A_130 = arith.constant 0 : i32
    %sign3A_131 = arith.cmpi slt, %jit3A_118, %sign3A_130 : i32
    %sign3A_132 = arith.extui %sign3A_131 : i1 to i32
    %sign3A_133 = arith.subi %sign3A_129, %sign3A_132 : i32
    %ne3A_134 = arith.cmpi ne, %sign3A_126, %sign3A_133 : i32
    %rem3A_135 = arith.remsi %add3A_117, %jit3A_118 : i32
    %ne3A_136 = arith.constant 0 : i32
    %ne3A_137 = arith.cmpi ne, %rem3A_135, %ne3A_136 : i32
    %and3A_138 = arith.andi %ne3A_134, %ne3A_137 : i1
    %sub3A_139 = arith.constant 1 : i32
    %sub3A_140 = arith.subi %div3A_119, %sub3A_139 : i32
    %select_n3A_141 = arith.select %and3A_138, %sub3A_140, %div3A_119 : i32
    %jit3A_142 = arith.constant 64 : i32
    %eq3A_143 = arith.constant 0 : i32
    %eq3A_144 = arith.cmpi eq, %jit3A_142, %eq3A_143 : i32
    %jit3A_145 = arith.constant 1 : i32
    %select_n3A_146 = arith.select %eq3A_144, %jit3A_145, %jit3A_142 : i32
    %rem3A_147 = arith.remsi %add3A_117, %select_n3A_146 : i32
    %ne3A_148 = arith.constant 0 : i32
    %ne3A_149 = arith.cmpi ne, %rem3A_147, %ne3A_148 : i32
    %lt3A_150 = arith.constant 0 : i32
    %lt3A_151 = arith.cmpi slt, %rem3A_147, %lt3A_150 : i32
    %lt3A_152 = arith.constant 0 : i32
    %lt3A_153 = arith.cmpi slt, %select_n3A_146, %lt3A_152 : i32
    %ne3A_154 = arith.xori %lt3A_151, %lt3A_153 : i1
    %and3A_155 = arith.andi %ne3A_154, %ne3A_149 : i1
    %add3A_156 = arith.addi %rem3A_147, %select_n3A_146 : i32
    %select_n3A_157 = arith.select %and3A_155, %add3A_156, %rem3A_147 : i32
    %mul3A_158 = arith.constant 16 : i32
    %mul3A_159 = arith.muli %select_n3A_157, %mul3A_158 : i32
    %dma_start3A_160 = arith.constant 7168 : i32
    %dma_start3A_161 = tpu.memref_slice %arg2[%select_n3A_141, %dma_start3A_160, %mul3A_159] : memref<4x8192x1024xf32, #tpu.memory_space<hbm>> -> memref<1x1024x16xf32, #tpu.memory_space<hbm>>
    %dma_start3A_162 = tpu.memref_squeeze %dma_start3A_161 : memref<1x1024x16xf32, #tpu.memory_space<hbm>> -> memref<1024x16xf32, #tpu.memory_space<hbm>>
    %dma_start3A_163 = arith.constant 7168 : i32
    %dma_start3A_164 = tpu.memref_slice %arg2[%select_n3A_141, %dma_start3A_163, %mul3A_159] : memref<4x8192x1024xf32, #tpu.memory_space<hbm>> -> memref<1x1024x16xf32, #tpu.memory_space<hbm>>
    %dma_start3A_165 = tpu.memref_squeeze %dma_start3A_164 : memref<1x1024x16xf32, #tpu.memory_space<hbm>> -> memref<1024x16xf32, #tpu.memory_space<hbm>>
    tpu.enqueue_dma source(%dma_start3A_165 : memref<1024x16xf32, #tpu.memory_space<hbm>>) target(%arg4 : memref<1024x16xf32, #tpu.memory_space<vmem>>) target_semaphore(%arg7 : memref<!tpu.dma_semaphore, #tpu.memory_space<semaphore_mem>>)
    %broadcast_in_dim3A_166 = arith.constant 0xFF800000 : f32
    %broadcast_in_dim3A_167 = vector.broadcast %broadcast_in_dim3A_166 : f32 to vector<16xf32>
    %broadcast_in_dim3A_168 = arith.constant 0xFF800000 : f32
    %broadcast_in_dim3A_169 = vector.broadcast %broadcast_in_dim3A_168 : f32 to vector<16xf32>
    %broadcast_in_dim3A_170 = arith.constant 0xFF800000 : f32
    %broadcast_in_dim3A_171 = vector.broadcast %broadcast_in_dim3A_170 : f32 to vector<16xf32>
    %broadcast_in_dim3A_172 = arith.constant 0xFF800000 : f32
    %broadcast_in_dim3A_173 = vector.broadcast %broadcast_in_dim3A_172 : f32 to vector<16xf32>
    %broadcast_in_dim3A_174 = arith.constant 0xFF800000 : f32
    %broadcast_in_dim3A_175 = vector.broadcast %broadcast_in_dim3A_174 : f32 to vector<16xf32>
    %broadcast_in_dim3A_176 = arith.constant 0xFF800000 : f32
    %broadcast_in_dim3A_177 = vector.broadcast %broadcast_in_dim3A_176 : f32 to vector<16xf32>
    %broadcast_in_dim3A_178 = arith.constant 0xFF800000 : f32
    %broadcast_in_dim3A_179 = vector.broadcast %broadcast_in_dim3A_178 : f32 to vector<16xf32>
    %broadcast_in_dim3A_180 = arith.constant 0xFF800000 : f32
    %broadcast_in_dim3A_181 = vector.broadcast %broadcast_in_dim3A_180 : f32 to vector<16xf32>
    %dma_wait3A_182 = arith.constant 7168 : i32
    %dma_wait3A_183 = tpu.memref_slice %arg2[%select_n3A_141, %dma_wait3A_182, %mul3A_159] : memref<4x8192x1024xf32, #tpu.memory_space<hbm>> -> memref<1x1024x16xf32, #tpu.memory_space<hbm>>
    %dma_wait3A_184 = tpu.memref_squeeze %dma_wait3A_183 : memref<1x1024x16xf32, #tpu.memory_space<hbm>> -> memref<1024x16xf32, #tpu.memory_space<hbm>>
    %dma_wait3A_185 = arith.constant 7168 : i32
    %dma_wait3A_186 = tpu.memref_slice %arg2[%select_n3A_141, %dma_wait3A_185, %mul3A_159] : memref<4x8192x1024xf32, #tpu.memory_space<hbm>> -> memref<1x1024x16xf32, #tpu.memory_space<hbm>>
    %dma_wait3A_187 = tpu.memref_squeeze %dma_wait3A_186 : memref<1x1024x16xf32, #tpu.memory_space<hbm>> -> memref<1024x16xf32, #tpu.memory_space<hbm>>
    tpu.wait_dma2 semaphore(%arg7 : memref<!tpu.dma_semaphore, #tpu.memory_space<semaphore_mem>>) src(%dma_wait3A_187 : memref<1024x16xf32, #tpu.memory_space<hbm>>) dst(%arg4 : memref<1024x16xf32, #tpu.memory_space<vmem>>)
    %scan3A_188 = arith.constant 0 : i32
    %scan3A_189 = arith.constant 1024 : i32
    %scan3A_190 = arith.addi %scan3A_188, %scan3A_189 : i32
    %scan3A_191 = arith.constant 4 : i32
    %scan3A_192:8 = scf.for %scan3A_1010 = %scan3A_188 to %scan3A_190 step %scan3A_191 iter_args(%scan3A_1011 = %broadcast_in_dim3A_167, %scan3A_1012 = %broadcast_in_dim3A_169, %scan3A_1013 = %broadcast_in_dim3A_171, %scan3A_1014 = %broadcast_in_dim3A_173, %scan3A_1015 = %broadcast_in_dim3A_175, %scan3A_1016 = %broadcast_in_dim3A_177, %scan3A_1017 = %broadcast_in_dim3A_179, %scan3A_1018 = %broadcast_in_dim3A_181) -> (vector<16xf32>, vector<16xf32>, vector<16xf32>, vector<16xf32>, vector<16xf32>, vector<16xf32>, vector<16xf32>, vector<16xf32>)  : i32 {
      %get3A = arith.index_cast %scan3A_1010 : i32 to index
      %get3A_1019 = arith.constant 0 : index
      %get3A_1020 = tpu.vector_load %arg4[%get3A, %get3A_1019] {strides = array<i32>} : memref<1024x16xf32, #tpu.memory_space<vmem>>, vector<1x16xf32>,
      %get3A_1021 = vector.shape_cast %get3A_1020 : vector<1x16xf32> to vector<16xf32>
      %max3A = arith.maximumf %scan3A_1011, %get3A_1021 : vector<16xf32>
      %min3A = arith.minimumf %scan3A_1011, %get3A_1021 : vector<16xf32>
      %max3A_1022 = arith.maximumf %scan3A_1012, %min3A : vector<16xf32>
      %min3A_1023 = arith.minimumf %scan3A_1012, %min3A : vector<16xf32>
      %max3A_1024 = arith.maximumf %scan3A_1013, %min3A_1023 : vector<16xf32>
      %min3A_1025 = arith.minimumf %scan3A_1013, %min3A_1023 : vector<16xf32>
      %max3A_1026 = arith.maximumf %scan3A_1014, %min3A_1025 : vector<16xf32>
      %min3A_1027 = arith.minimumf %scan3A_1014, %min3A_1025 : vector<16xf32>
      %max3A_1028 = arith.maximumf %scan3A_1015, %min3A_1027 : vector<16xf32>
      %min3A_1029 = arith.minimumf %scan3A_1015, %min3A_1027 : vector<16xf32>
      %max3A_1030 = arith.maximumf %scan3A_1016, %min3A_1029 : vector<16xf32>
      %min3A_1031 = arith.minimumf %scan3A_1016, %min3A_1029 : vector<16xf32>
      %max3A_1032 = arith.maximumf %scan3A_1017, %min3A_1031 : vector<16xf32>
      %min3A_1033 = arith.minimumf %scan3A_1017, %min3A_1031 : vector<16xf32>
      %max3A_1034 = arith.maximumf %scan3A_1018, %min3A_1033 : vector<16xf32>
      %min3A_1035 = arith.minimumf %scan3A_1018, %min3A_1033 : vector<16xf32>
      %scan3A_1036 = arith.constant 1 : i32
      %scan3A_1037 = arith.addi %scan3A_1010, %scan3A_1036 : i32
      %get3A_1038 = arith.index_cast %scan3A_1037 : i32 to index
      %get3A_1039 = arith.constant 0 : index
      %get3A_1040 = tpu.vector_load %arg4[%get3A_1038, %get3A_1039] {strides = array<i32>} : memref<1024x16xf32, #tpu.memory_space<vmem>>, vector<1x16xf32>,
      %get3A_1041 = vector.shape_cast %get3A_1040 : vector<1x16xf32> to vector<16xf32>
      %max3A_1042 = arith.maximumf %max3A, %get3A_1041 : vector<16xf32>
      %min3A_1043 = arith.minimumf %max3A, %get3A_1041 : vector<16xf32>
      %max3A_1044 = arith.maximumf %max3A_1022, %min3A_1043 : vector<16xf32>
      %min3A_1045 = arith.minimumf %max3A_1022, %min3A_1043 : vector<16xf32>
      %max3A_1046 = arith.maximumf %max3A_1024, %min3A_1045 : vector<16xf32>
      %min3A_1047 = arith.minimumf %max3A_1024, %min3A_1045 : vector<16xf32>
      %max3A_1048 = arith.maximumf %max3A_1026, %min3A_1047 : vector<16xf32>
      %min3A_1049 = arith.minimumf %max3A_1026, %min3A_1047 : vector<16xf32>
      %max3A_1050 = arith.maximumf %max3A_1028, %min3A_1049 : vector<16xf32>
      %min3A_1051 = arith.minimumf %max3A_1028, %min3A_1049 : vector<16xf32>
      %max3A_1052 = arith.maximumf %max3A_1030, %min3A_1051 : vector<16xf32>
      %min3A_1053 = arith.minimumf %max3A_1030, %min3A_1051 : vector<16xf32>
      %max3A_1054 = arith.maximumf %max3A_1032, %min3A_1053 : vector<16xf32>
      %min3A_1055 = arith.minimumf %max3A_1032, %min3A_1053 : vector<16xf32>
      %max3A_1056 = arith.maximumf %max3A_1034, %min3A_1055 : vector<16xf32>
      %min3A_1057 = arith.minimumf %max3A_1034, %min3A_1055 : vector<16xf32>
      %scan3A_1058 = arith.constant 2 : i32
      %scan3A_1059 = arith.addi %scan3A_1010, %scan3A_1058 : i32
      %get3A_1060 = arith.index_cast %scan3A_1059 : i32 to index
      %get3A_1061 = arith.constant 0 : index
      %get3A_1062 = tpu.vector_load %arg4[%get3A_1060, %get3A_1061] {strides = array<i32>} : memref<1024x16xf32, #tpu.memory_space<vmem>>, vector<1x16xf32>,
      %get3A_1063 = vector.shape_cast %get3A_1062 : vector<1x16xf32> to vector<16xf32>
      %max3A_1064 = arith.maximumf %max3A_1042, %get3A_1063 : vector<16xf32>
      %min3A_1065 = arith.minimumf %max3A_1042, %get3A_1063 : vector<16xf32>
      %max3A_1066 = arith.maximumf %max3A_1044, %min3A_1065 : vector<16xf32>
      %min3A_1067 = arith.minimumf %max3A_1044, %min3A_1065 : vector<16xf32>
      %max3A_1068 = arith.maximumf %max3A_1046, %min3A_1067 : vector<16xf32>
      %min3A_1069 = arith.minimumf %max3A_1046, %min3A_1067 : vector<16xf32>
      %max3A_1070 = arith.maximumf %max3A_1048, %min3A_1069 : vector<16xf32>
      %min3A_1071 = arith.minimumf %max3A_1048, %min3A_1069 : vector<16xf32>
      %max3A_1072 = arith.maximumf %max3A_1050, %min3A_1071 : vector<16xf32>
      %min3A_1073 = arith.minimumf %max3A_1050, %min3A_1071 : vector<16xf32>
      %max3A_1074 = arith.maximumf %max3A_1052, %min3A_1073 : vector<16xf32>
      %min3A_1075 = arith.minimumf %max3A_1052, %min3A_1073 : vector<16xf32>
      %max3A_1076 = arith.maximumf %max3A_1054, %min3A_1075 : vector<16xf32>
      %min3A_1077 = arith.minimumf %max3A_1054, %min3A_1075 : vector<16xf32>
      %max3A_1078 = arith.maximumf %max3A_1056, %min3A_1077 : vector<16xf32>
      %min3A_1079 = arith.minimumf %max3A_1056, %min3A_1077 : vector<16xf32>
      %scan3A_1080 = arith.constant 3 : i32
      %scan3A_1081 = arith.addi %scan3A_1010, %scan3A_1080 : i32
      %get3A_1082 = arith.index_cast %scan3A_1081 : i32 to index
      %get3A_1083 = arith.constant 0 : index
      %get3A_1084 = tpu.vector_load %arg4[%get3A_1082, %get3A_1083] {strides = array<i32>} : memref<1024x16xf32, #tpu.memory_space<vmem>>, vector<1x16xf32>,
      %get3A_1085 = vector.shape_cast %get3A_1084 : vector<1x16xf32> to vector<16xf32>
      %max3A_1086 = arith.maximumf %max3A_1064, %get3A_1085 : vector<16xf32>
      %min3A_1087 = arith.minimumf %max3A_1064, %get3A_1085 : vector<16xf32>
      %max3A_1088 = arith.maximumf %max3A_1066, %min3A_1087 : vector<16xf32>
      %min3A_1089 = arith.minimumf %max3A_1066, %min3A_1087 : vector<16xf32>
      %max3A_1090 = arith.maximumf %max3A_1068, %min3A_1089 : vector<16xf32>
      %min3A_1091 = arith.minimumf %max3A_1068, %min3A_1089 : vector<16xf32>
      %max3A_1092 = arith.maximumf %max3A_1070, %min3A_1091 : vector<16xf32>
      %min3A_1093 = arith.minimumf %max3A_1070, %min3A_1091 : vector<16xf32>
      %max3A_1094 = arith.maximumf %max3A_1072, %min3A_1093 : vector<16xf32>
      %min3A_1095 = arith.minimumf %max3A_1072, %min3A_1093 : vector<16xf32>
      %max3A_1096 = arith.maximumf %max3A_1074, %min3A_1095 : vector<16xf32>
      %min3A_1097 = arith.minimumf %max3A_1074, %min3A_1095 : vector<16xf32>
      %max3A_1098 = arith.maximumf %max3A_1076, %min3A_1097 : vector<16xf32>
      %min3A_1099 = arith.minimumf %max3A_1076, %min3A_1097 : vector<16xf32>
      %max3A_1100 = arith.maximumf %max3A_1078, %min3A_1099 : vector<16xf32>
      %min3A_1101 = arith.minimumf %max3A_1078, %min3A_1099 : vector<16xf32>
      scf.yield %max3A_1086, %max3A_1088, %max3A_1090, %max3A_1092, %max3A_1094, %max3A_1096, %max3A_1098, %max3A_1100 : vector<16xf32>, vector<16xf32>, vector<16xf32>, vector<16xf32>, vector<16xf32>, vector<16xf32>, vector<16xf32>, vector<16xf32>
    }
    %scan3A_193 = arith.constant 1024 : i32
    %swap3A_194 = arith.constant 0 : i32
    %swap3A_195 = arith.index_cast %swap3A_194 : i32 to index
    %swap3A_196 = arith.constant 0 : index
    %swap3A_197 = tpu.vector_load %arg6[%swap3A_195, %swap3A_196] {strides = array<i32>} : memref<8x16xf32, #tpu.memory_space<vmem>>, vector<1x16xf32>,
    %swap3A_198 = vector.shape_cast %swap3A_197 : vector<1x16xf32> to vector<16xf32>
    %swap3A_199 = vector.shape_cast %scan3A_192#0 : vector<16xf32> to vector<1x16xf32>
    tpu.vector_store %arg6[%swap3A_195, %swap3A_196], %swap3A_199 {strides = array<i32>} : memref<8x16xf32, #tpu.memory_space<vmem>>, vector<1x16xf32>,
    %swap3A_200 = arith.constant 1 : i32
    %swap3A_201 = arith.index_cast %swap3A_200 : i32 to index
    %swap3A_202 = arith.constant 0 : index
    %swap3A_203 = tpu.vector_load %arg6[%swap3A_201, %swap3A_202] {strides = array<i32>} : memref<8x16xf32, #tpu.memory_space<vmem>>, vector<1x16xf32>,
    %swap3A_204 = vector.shape_cast %swap3A_203 : vector<1x16xf32> to vector<16xf32>
    %swap3A_205 = vector.shape_cast %scan3A_192#1 : vector<16xf32> to vector<1x16xf32>
    tpu.vector_store %arg6[%swap3A_201, %swap3A_202], %swap3A_205 {strides = array<i32>} : memref<8x16xf32, #tpu.memory_space<vmem>>, vector<1x16xf32>,
    %swap3A_206 = arith.constant 2 : i32
    %swap3A_207 = arith.index_cast %swap3A_206 : i32 to index
    %swap3A_208 = arith.constant 0 : index
    %swap3A_209 = tpu.vector_load %arg6[%swap3A_207, %swap3A_208] {strides = array<i32>} : memref<8x16xf32, #tpu.memory_space<vmem>>, vector<1x16xf32>,
    %swap3A_210 = vector.shape_cast %swap3A_209 : vector<1x16xf32> to vector<16xf32>
    %swap3A_211 = vector.shape_cast %scan3A_192#2 : vector<16xf32> to vector<1x16xf32>
    tpu.vector_store %arg6[%swap3A_207, %swap3A_208], %swap3A_211 {strides = array<i32>} : memref<8x16xf32, #tpu.memory_space<vmem>>, vector<1x16xf32>,
    %swap3A_212 = arith.constant 3 : i32
    %swap3A_213 = arith.index_cast %swap3A_212 : i32 to index
    %swap3A_214 = arith.constant 0 : index
    %swap3A_215 = tpu.vector_load %arg6[%swap3A_213, %swap3A_214] {strides = array<i32>} : memref<8x16xf32, #tpu.memory_space<vmem>>, vector<1x16xf32>,
    %swap3A_216 = vector.shape_cast %swap3A_215 : vector<1x16xf32> to vector<16xf32>
    %swap3A_217 = vector.shape_cast %scan3A_192#3 : vector<16xf32> to vector<1x16xf32>
    tpu.vector_store %arg6[%swap3A_213, %swap3A_214], %swap3A_217 {strides = array<i32>} : memref<8x16xf32, #tpu.memory_space<vmem>>, vector<1x16xf32>,
    %swap3A_218 = arith.constant 4 : i32
    %swap3A_219 = arith.index_cast %swap3A_218 : i32 to index
    %swap3A_220 = arith.constant 0 : index
    %swap3A_221 = tpu.vector_load %arg6[%swap3A_219, %swap3A_220] {strides = array<i32>} : memref<8x16xf32, #tpu.memory_space<vmem>>, vector<1x16xf32>,
    %swap3A_222 = vector.shape_cast %swap3A_221 : vector<1x16xf32> to vector<16xf32>
    %swap3A_223 = vector.shape_cast %scan3A_192#4 : vector<16xf32> to vector<1x16xf32>
    tpu.vector_store %arg6[%swap3A_219, %swap3A_220], %swap3A_223 {strides = array<i32>} : memref<8x16xf32, #tpu.memory_space<vmem>>, vector<1x16xf32>,
    %swap3A_224 = arith.constant 5 : i32
    %swap3A_225 = arith.index_cast %swap3A_224 : i32 to index
    %swap3A_226 = arith.constant 0 : index
    %swap3A_227 = tpu.vector_load %arg6[%swap3A_225, %swap3A_226] {strides = array<i32>} : memref<8x16xf32, #tpu.memory_space<vmem>>, vector<1x16xf32>,
    %swap3A_228 = vector.shape_cast %swap3A_227 : vector<1x16xf32> to vector<16xf32>
    %swap3A_229 = vector.shape_cast %scan3A_192#5 : vector<16xf32> to vector<1x16xf32>
    tpu.vector_store %arg6[%swap3A_225, %swap3A_226], %swap3A_229 {strides = array<i32>} : memref<8x16xf32, #tpu.memory_space<vmem>>, vector<1x16xf32>,
    %swap3A_230 = arith.constant 6 : i32
    %swap3A_231 = arith.index_cast %swap3A_230 : i32 to index
    %swap3A_232 = arith.constant 0 : index
    %swap3A_233 = tpu.vector_load %arg6[%swap3A_231, %swap3A_232] {strides = array<i32>} : memref<8x16xf32, #tpu.memory_space<vmem>>, vector<1x16xf32>,
    %swap3A_234 = vector.shape_cast %swap3A_233 : vector<1x16xf32> to vector<16xf32>
    %swap3A_235 = vector.shape_cast %scan3A_192#6 : vector<16xf32> to vector<1x16xf32>
    tpu.vector_store %arg6[%swap3A_231, %swap3A_232], %swap3A_235 {strides = array<i32>} : memref<8x16xf32, #tpu.memory_space<vmem>>, vector<1x16xf32>,
    %swap3A_236 = arith.constant 7 : i32
    %swap3A_237 = arith.index_cast %swap3A_236 : i32 to index
    %swap3A_238 = arith.constant 0 : index
    %swap3A_239 = tpu.vector_load %arg6[%swap3A_237, %swap3A_238] {strides = array<i32>} : memref<8x16xf32, #tpu.memory_space<vmem>>, vector<1x16xf32>,
    %swap3A_240 = vector.shape_cast %swap3A_239 : vector<1x16xf32> to vector<16xf32>
    %swap3A_241 = vector.shape_cast %scan3A_192#7 : vector<16xf32> to vector<1x16xf32>
    tpu.vector_store %arg6[%swap3A_237, %swap3A_238], %swap3A_241 {strides = array<i32>} : memref<8x16xf32, #tpu.memory_space<vmem>>, vector<1x16xf32>,
    "tpu.region"() ({
      %run_scoped3A = tpu.sem_alloc : memref<!tpu.dma_semaphore, #tpu.memory_space<semaphore_mem>>
      %dma_start3A_1010 = arith.constant 0 : i32
      %dma_start3A_1011 = tpu.memref_slice %arg3[%select_n3A_141, %dma_start3A_1010, %mul3A_159] : memref<4x8x1024xf32, #tpu.memory_space<hbm>> -> memref<1x8x16xf32, #tpu.memory_space<hbm>>
      %dma_start3A_1012 = tpu.memref_squeeze %dma_start3A_1011 : memref<1x8x16xf32, #tpu.memory_space<hbm>> -> memref<8x16xf32, #tpu.memory_space<hbm>>
      %dma_start3A_1013 = arith.constant 0 : i32
      %dma_start3A_1014 = tpu.memref_slice %arg3[%select_n3A_141, %dma_start3A_1013, %mul3A_159] : memref<4x8x1024xf32, #tpu.memory_space<hbm>> -> memref<1x8x16xf32, #tpu.memory_space<hbm>>
      %dma_start3A_1015 = tpu.memref_squeeze %dma_start3A_1014 : memref<1x8x16xf32, #tpu.memory_space<hbm>> -> memref<8x16xf32, #tpu.memory_space<hbm>>
      tpu.enqueue_dma source(%arg6 : memref<8x16xf32, #tpu.memory_space<vmem>>) target(%dma_start3A_1015 : memref<8x16xf32, #tpu.memory_space<hbm>>) target_semaphore(%run_scoped3A : memref<!tpu.dma_semaphore, #tpu.memory_space<semaphore_mem>>)
      %dma_wait3A_1016 = arith.constant 0 : i32
      %dma_wait3A_1017 = tpu.memref_slice %arg3[%select_n3A_141, %dma_wait3A_1016, %mul3A_159] : memref<4x8x1024xf32, #tpu.memory_space<hbm>> -> memref<1x8x16xf32, #tpu.memory_space<hbm>>
      %dma_wait3A_1018 = tpu.memref_squeeze %dma_wait3A_1017 : memref<1x8x16xf32, #tpu.memory_space<hbm>> -> memref<8x16xf32, #tpu.memory_space<hbm>>
      %dma_wait3A_1019 = arith.constant 0 : i32
      %dma_wait3A_1020 = tpu.memref_slice %arg3[%select_n3A_141, %dma_wait3A_1019, %mul3A_159] : memref<4x8x1024xf32, #tpu.memory_space<hbm>> -> memref<1x8x16xf32, #tpu.memory_space<hbm>>
      %dma_wait3A_1021 = tpu.memref_squeeze %dma_wait3A_1020 : memref<1x8x16xf32, #tpu.memory_space<hbm>> -> memref<8x16xf32, #tpu.memory_space<hbm>>
      tpu.wait_dma2 semaphore(%run_scoped3A : memref<!tpu.dma_semaphore, #tpu.memory_space<semaphore_mem>>) src(%arg6 : memref<8x16xf32, #tpu.memory_space<vmem>>) dst(%dma_wait3A_1021 : memref<8x16xf32, #tpu.memory_space<hbm>>)
      tpu.yield
    }) : () -> ()
    %mul3A_242 = arith.constant 8 : i32
    %mul3A_243 = arith.muli %add3A, %mul3A_242 : i32
    %add3A_244 = arith.constant 2 : i32
    %add3A_245 = arith.addi %mul3A_243, %add3A_244 : i32
    %jit3A_246 = arith.constant 64 : i32
    %div3A_247 = arith.divsi %add3A_245, %jit3A_246 : i32
    %sign3A_248 = arith.constant 0 : i32
    %sign3A_249 = arith.cmpi sgt, %add3A_245, %sign3A_248 : i32
    %sign3A_250 = arith.extui %sign3A_249 : i1 to i32
    %sign3A_251 = arith.constant 0 : i32
    %sign3A_252 = arith.cmpi slt, %add3A_245, %sign3A_251 : i32
    %sign3A_253 = arith.extui %sign3A_252 : i1 to i32
    %sign3A_254 = arith.subi %sign3A_250, %sign3A_253 : i32
    %sign3A_255 = arith.constant 0 : i32
    %sign3A_256 = arith.cmpi sgt, %jit3A_246, %sign3A_255 : i32
    %sign3A_257 = arith.extui %sign3A_256 : i1 to i32
    %sign3A_258 = arith.constant 0 : i32
    %sign3A_259 = arith.cmpi slt, %jit3A_246, %sign3A_258 : i32
    %sign3A_260 = arith.extui %sign3A_259 : i1 to i32
    %sign3A_261 = arith.subi %sign3A_257, %sign3A_260 : i32
    %ne3A_262 = arith.cmpi ne, %sign3A_254, %sign3A_261 : i32
    %rem3A_263 = arith.remsi %add3A_245, %jit3A_246 : i32
    %ne3A_264 = arith.constant 0 : i32
    %ne3A_265 = arith.cmpi ne, %rem3A_263, %ne3A_264 : i32
    %and3A_266 = arith.andi %ne3A_262, %ne3A_265 : i1
    %sub3A_267 = arith.constant 1 : i32
    %sub3A_268 = arith.subi %div3A_247, %sub3A_267 : i32
    %select_n3A_269 = arith.select %and3A_266, %sub3A_268, %div3A_247 : i32
    %jit3A_270 = arith.constant 64 : i32
    %eq3A_271 = arith.constant 0 : i32
    %eq3A_272 = arith.cmpi eq, %jit3A_270, %eq3A_271 : i32
    %jit3A_273 = arith.constant 1 : i32
    %select_n3A_274 = arith.select %eq3A_272, %jit3A_273, %jit3A_270 : i32
    %rem3A_275 = arith.remsi %add3A_245, %select_n3A_274 : i32
    %ne3A_276 = arith.constant 0 : i32
    %ne3A_277 = arith.cmpi ne, %rem3A_275, %ne3A_276 : i32
    %lt3A_278 = arith.constant 0 : i32
    %lt3A_279 = arith.cmpi slt, %rem3A_275, %lt3A_278 : i32
    %lt3A_280 = arith.constant 0 : i32
    %lt3A_281 = arith.cmpi slt, %select_n3A_274, %lt3A_280 : i32
    %ne3A_282 = arith.xori %lt3A_279, %lt3A_281 : i1
    %and3A_283 = arith.andi %ne3A_282, %ne3A_277 : i1
    %add3A_284 = arith.addi %rem3A_275, %select_n3A_274 : i32
    %select_n3A_285 = arith.select %and3A_283, %add3A_284, %rem3A_275 : i32
    %mul3A_286 = arith.constant 16 : i32
    %mul3A_287 = arith.muli %select_n3A_285, %mul3A_286 : i32
    %dma_start3A_288 = arith.constant 7168 : i32
    %dma_start3A_289 = tpu.memref_slice %arg2[%select_n3A_269, %dma_start3A_288, %mul3A_287] : memref<4x8192x1024xf32, #tpu.memory_space<hbm>> -> memref<1x1024x16xf32, #tpu.memory_space<hbm>>
    %dma_start3A_290 = tpu.memref_squeeze %dma_start3A_289 : memref<1x1024x16xf32, #tpu.memory_space<hbm>> -> memref<1024x16xf32, #tpu.memory_space<hbm>>
    %dma_start3A_291 = arith.constant 7168 : i32
    %dma_start3A_292 = tpu.memref_slice %arg2[%select_n3A_269, %dma_start3A_291, %mul3A_287] : memref<4x8192x1024xf32, #tpu.memory_space<hbm>> -> memref<1x1024x16xf32, #tpu.memory_space<hbm>>
    %dma_start3A_293 = tpu.memref_squeeze %dma_start3A_292 : memref<1x1024x16xf32, #tpu.memory_space<hbm>> -> memref<1024x16xf32, #tpu.memory_space<hbm>>
    tpu.enqueue_dma source(%dma_start3A_293 : memref<1024x16xf32, #tpu.memory_space<hbm>>) target(%arg4 : memref<1024x16xf32, #tpu.memory_space<vmem>>) target_semaphore(%arg7 : memref<!tpu.dma_semaphore, #tpu.memory_space<semaphore_mem>>)
    %broadcast_in_dim3A_294 = arith.constant 0xFF800000 : f32
    %broadcast_in_dim3A_295 = vector.broadcast %broadcast_in_dim3A_294 : f32 to vector<16xf32>
    %broadcast_in_dim3A_296 = arith.constant 0xFF800000 : f32
    %broadcast_in_dim3A_297 = vector.broadcast %broadcast_in_dim3A_296 : f32 to vector<16xf32>
    %broadcast_in_dim3A_298 = arith.constant 0xFF800000 : f32
    %broadcast_in_dim3A_299 = vector.broadcast %broadcast_in_dim3A_298 : f32 to vector<16xf32>
    %broadcast_in_dim3A_300 = arith.constant 0xFF800000 : f32
    %broadcast_in_dim3A_301 = vector.broadcast %broadcast_in_dim3A_300 : f32 to vector<16xf32>
    %broadcast_in_dim3A_302 = arith.constant 0xFF800000 : f32
    %broadcast_in_dim3A_303 = vector.broadcast %broadcast_in_dim3A_302 : f32 to vector<16xf32>
    %broadcast_in_dim3A_304 = arith.constant 0xFF800000 : f32
    %broadcast_in_dim3A_305 = vector.broadcast %broadcast_in_dim3A_304 : f32 to vector<16xf32>
    %broadcast_in_dim3A_306 = arith.constant 0xFF800000 : f32
    %broadcast_in_dim3A_307 = vector.broadcast %broadcast_in_dim3A_306 : f32 to vector<16xf32>
    %broadcast_in_dim3A_308 = arith.constant 0xFF800000 : f32
    %broadcast_in_dim3A_309 = vector.broadcast %broadcast_in_dim3A_308 : f32 to vector<16xf32>
    %dma_wait3A_310 = arith.constant 7168 : i32
    %dma_wait3A_311 = tpu.memref_slice %arg2[%select_n3A_269, %dma_wait3A_310, %mul3A_287] : memref<4x8192x1024xf32, #tpu.memory_space<hbm>> -> memref<1x1024x16xf32, #tpu.memory_space<hbm>>
    %dma_wait3A_312 = tpu.memref_squeeze %dma_wait3A_311 : memref<1x1024x16xf32, #tpu.memory_space<hbm>> -> memref<1024x16xf32, #tpu.memory_space<hbm>>
    %dma_wait3A_313 = arith.constant 7168 : i32
    %dma_wait3A_314 = tpu.memref_slice %arg2[%select_n3A_269, %dma_wait3A_313, %mul3A_287] : memref<4x8192x1024xf32, #tpu.memory_space<hbm>> -> memref<1x1024x16xf32, #tpu.memory_space<hbm>>
    %dma_wait3A_315 = tpu.memref_squeeze %dma_wait3A_314 : memref<1x1024x16xf32, #tpu.memory_space<hbm>> -> memref<1024x16xf32, #tpu.memory_space<hbm>>
    tpu.wait_dma2 semaphore(%arg7 : memref<!tpu.dma_semaphore, #tpu.memory_space<semaphore_mem>>) src(%dma_wait3A_315 : memref<1024x16xf32, #tpu.memory_space<hbm>>) dst(%arg4 : memref<1024x16xf32, #tpu.memory_space<vmem>>)
    %scan3A_316 = arith.constant 0 : i32
    %scan3A_317 = arith.constant 1024 : i32
    %scan3A_318 = arith.addi %scan3A_316, %scan3A_317 : i32
    %scan3A_319 = arith.constant 4 : i32
    %scan3A_320:8 = scf.for %scan3A_1010 = %scan3A_316 to %scan3A_318 step %scan3A_319 iter_args(%scan3A_1011 = %broadcast_in_dim3A_295, %scan3A_1012 = %broadcast_in_dim3A_297, %scan3A_1013 = %broadcast_in_dim3A_299, %scan3A_1014 = %broadcast_in_dim3A_301, %scan3A_1015 = %broadcast_in_dim3A_303, %scan3A_1016 = %broadcast_in_dim3A_305, %scan3A_1017 = %broadcast_in_dim3A_307, %scan3A_1018 = %broadcast_in_dim3A_309) -> (vector<16xf32>, vector<16xf32>, vector<16xf32>, vector<16xf32>, vector<16xf32>, vector<16xf32>, vector<16xf32>, vector<16xf32>)  : i32 {
      %get3A = arith.index_cast %scan3A_1010 : i32 to index
      %get3A_1019 = arith.constant 0 : index
      %get3A_1020 = tpu.vector_load %arg4[%get3A, %get3A_1019] {strides = array<i32>} : memref<1024x16xf32, #tpu.memory_space<vmem>>, vector<1x16xf32>,
      %get3A_1021 = vector.shape_cast %get3A_1020 : vector<1x16xf32> to vector<16xf32>
      %max3A = arith.maximumf %scan3A_1011, %get3A_1021 : vector<16xf32>
      %min3A = arith.minimumf %scan3A_1011, %get3A_1021 : vector<16xf32>
      %max3A_1022 = arith.maximumf %scan3A_1012, %min3A : vector<16xf32>
      %min3A_1023 = arith.minimumf %scan3A_1012, %min3A : vector<16xf32>
      %max3A_1024 = arith.maximumf %scan3A_1013, %min3A_1023 : vector<16xf32>
      %min3A_1025 = arith.minimumf %scan3A_1013, %min3A_1023 : vector<16xf32>
      %max3A_1026 = arith.maximumf %scan3A_1014, %min3A_1025 : vector<16xf32>
      %min3A_1027 = arith.minimumf %scan3A_1014, %min3A_1025 : vector<16xf32>
      %max3A_1028 = arith.maximumf %scan3A_1015, %min3A_1027 : vector<16xf32>
      %min3A_1029 = arith.minimumf %scan3A_1015, %min3A_1027 : vector<16xf32>
      %max3A_1030 = arith.maximumf %scan3A_1016, %min3A_1029 : vector<16xf32>
      %min3A_1031 = arith.minimumf %scan3A_1016, %min3A_1029 : vector<16xf32>
      %max3A_1032 = arith.maximumf %scan3A_1017, %min3A_1031 : vector<16xf32>
      %min3A_1033 = arith.minimumf %scan3A_1017, %min3A_1031 : vector<16xf32>
      %max3A_1034 = arith.maximumf %scan3A_1018, %min3A_1033 : vector<16xf32>
      %min3A_1035 = arith.minimumf %scan3A_1018, %min3A_1033 : vector<16xf32>
      %scan3A_1036 = arith.constant 1 : i32
      %scan3A_1037 = arith.addi %scan3A_1010, %scan3A_1036 : i32
      %get3A_1038 = arith.index_cast %scan3A_1037 : i32 to index
      %get3A_1039 = arith.constant 0 : index
      %get3A_1040 = tpu.vector_load %arg4[%get3A_1038, %get3A_1039] {strides = array<i32>} : memref<1024x16xf32, #tpu.memory_space<vmem>>, vector<1x16xf32>,
      %get3A_1041 = vector.shape_cast %get3A_1040 : vector<1x16xf32> to vector<16xf32>
      %max3A_1042 = arith.maximumf %max3A, %get3A_1041 : vector<16xf32>
      %min3A_1043 = arith.minimumf %max3A, %get3A_1041 : vector<16xf32>
      %max3A_1044 = arith.maximumf %max3A_1022, %min3A_1043 : vector<16xf32>
      %min3A_1045 = arith.minimumf %max3A_1022, %min3A_1043 : vector<16xf32>
      %max3A_1046 = arith.maximumf %max3A_1024, %min3A_1045 : vector<16xf32>
      %min3A_1047 = arith.minimumf %max3A_1024, %min3A_1045 : vector<16xf32>
      %max3A_1048 = arith.maximumf %max3A_1026, %min3A_1047 : vector<16xf32>
      %min3A_1049 = arith.minimumf %max3A_1026, %min3A_1047 : vector<16xf32>
      %max3A_1050 = arith.maximumf %max3A_1028, %min3A_1049 : vector<16xf32>
      %min3A_1051 = arith.minimumf %max3A_1028, %min3A_1049 : vector<16xf32>
      %max3A_1052 = arith.maximumf %max3A_1030, %min3A_1051 : vector<16xf32>
      %min3A_1053 = arith.minimumf %max3A_1030, %min3A_1051 : vector<16xf32>
      %max3A_1054 = arith.maximumf %max3A_1032, %min3A_1053 : vector<16xf32>
      %min3A_1055 = arith.minimumf %max3A_1032, %min3A_1053 : vector<16xf32>
      %max3A_1056 = arith.maximumf %max3A_1034, %min3A_1055 : vector<16xf32>
      %min3A_1057 = arith.minimumf %max3A_1034, %min3A_1055 : vector<16xf32>
      %scan3A_1058 = arith.constant 2 : i32
      %scan3A_1059 = arith.addi %scan3A_1010, %scan3A_1058 : i32
      %get3A_1060 = arith.index_cast %scan3A_1059 : i32 to index
      %get3A_1061 = arith.constant 0 : index
      %get3A_1062 = tpu.vector_load %arg4[%get3A_1060, %get3A_1061] {strides = array<i32>} : memref<1024x16xf32, #tpu.memory_space<vmem>>, vector<1x16xf32>,
      %get3A_1063 = vector.shape_cast %get3A_1062 : vector<1x16xf32> to vector<16xf32>
      %max3A_1064 = arith.maximumf %max3A_1042, %get3A_1063 : vector<16xf32>
      %min3A_1065 = arith.minimumf %max3A_1042, %get3A_1063 : vector<16xf32>
      %max3A_1066 = arith.maximumf %max3A_1044, %min3A_1065 : vector<16xf32>
      %min3A_1067 = arith.minimumf %max3A_1044, %min3A_1065 : vector<16xf32>
      %max3A_1068 = arith.maximumf %max3A_1046, %min3A_1067 : vector<16xf32>
      %min3A_1069 = arith.minimumf %max3A_1046, %min3A_1067 : vector<16xf32>
      %max3A_1070 = arith.maximumf %max3A_1048, %min3A_1069 : vector<16xf32>
      %min3A_1071 = arith.minimumf %max3A_1048, %min3A_1069 : vector<16xf32>
      %max3A_1072 = arith.maximumf %max3A_1050, %min3A_1071 : vector<16xf32>
      %min3A_1073 = arith.minimumf %max3A_1050, %min3A_1071 : vector<16xf32>
      %max3A_1074 = arith.maximumf %max3A_1052, %min3A_1073 : vector<16xf32>
      %min3A_1075 = arith.minimumf %max3A_1052, %min3A_1073 : vector<16xf32>
      %max3A_1076 = arith.maximumf %max3A_1054, %min3A_1075 : vector<16xf32>
      %min3A_1077 = arith.minimumf %max3A_1054, %min3A_1075 : vector<16xf32>
      %max3A_1078 = arith.maximumf %max3A_1056, %min3A_1077 : vector<16xf32>
      %min3A_1079 = arith.minimumf %max3A_1056, %min3A_1077 : vector<16xf32>
      %scan3A_1080 = arith.constant 3 : i32
      %scan3A_1081 = arith.addi %scan3A_1010, %scan3A_1080 : i32
      %get3A_1082 = arith.index_cast %scan3A_1081 : i32 to index
      %get3A_1083 = arith.constant 0 : index
      %get3A_1084 = tpu.vector_load %arg4[%get3A_1082, %get3A_1083] {strides = array<i32>} : memref<1024x16xf32, #tpu.memory_space<vmem>>, vector<1x16xf32>,
      %get3A_1085 = vector.shape_cast %get3A_1084 : vector<1x16xf32> to vector<16xf32>
      %max3A_1086 = arith.maximumf %max3A_1064, %get3A_1085 : vector<16xf32>
      %min3A_1087 = arith.minimumf %max3A_1064, %get3A_1085 : vector<16xf32>
      %max3A_1088 = arith.maximumf %max3A_1066, %min3A_1087 : vector<16xf32>
      %min3A_1089 = arith.minimumf %max3A_1066, %min3A_1087 : vector<16xf32>
      %max3A_1090 = arith.maximumf %max3A_1068, %min3A_1089 : vector<16xf32>
      %min3A_1091 = arith.minimumf %max3A_1068, %min3A_1089 : vector<16xf32>
      %max3A_1092 = arith.maximumf %max3A_1070, %min3A_1091 : vector<16xf32>
      %min3A_1093 = arith.minimumf %max3A_1070, %min3A_1091 : vector<16xf32>
      %max3A_1094 = arith.maximumf %max3A_1072, %min3A_1093 : vector<16xf32>
      %min3A_1095 = arith.minimumf %max3A_1072, %min3A_1093 : vector<16xf32>
      %max3A_1096 = arith.maximumf %max3A_1074, %min3A_1095 : vector<16xf32>
      %min3A_1097 = arith.minimumf %max3A_1074, %min3A_1095 : vector<16xf32>
      %max3A_1098 = arith.maximumf %max3A_1076, %min3A_1097 : vector<16xf32>
      %min3A_1099 = arith.minimumf %max3A_1076, %min3A_1097 : vector<16xf32>
      %max3A_1100 = arith.maximumf %max3A_1078, %min3A_1099 : vector<16xf32>
      %min3A_1101 = arith.minimumf %max3A_1078, %min3A_1099 : vector<16xf32>
      scf.yield %max3A_1086, %max3A_1088, %max3A_1090, %max3A_1092, %max3A_1094, %max3A_1096, %max3A_1098, %max3A_1100 : vector<16xf32>, vector<16xf32>, vector<16xf32>, vector<16xf32>, vector<16xf32>, vector<16xf32>, vector<16xf32>, vector<16xf32>
    }
    %scan3A_321 = arith.constant 1024 : i32
    %swap3A_322 = arith.constant 0 : i32
    %swap3A_323 = arith.index_cast %swap3A_322 : i32 to index
    %swap3A_324 = arith.constant 0 : index
    %swap3A_325 = tpu.vector_load %arg6[%swap3A_323, %swap3A_324] {strides = array<i32>} : memref<8x16xf32, #tpu.memory_space<vmem>>, vector<1x16xf32>,
    %swap3A_326 = vector.shape_cast %swap3A_325 : vector<1x16xf32> to vector<16xf32>
    %swap3A_327 = vector.shape_cast %scan3A_320#0 : vector<16xf32> to vector<1x16xf32>
    tpu.vector_store %arg6[%swap3A_323, %swap3A_324], %swap3A_327 {strides = array<i32>} : memref<8x16xf32, #tpu.memory_space<vmem>>, vector<1x16xf32>,
    %swap3A_328 = arith.constant 1 : i32
    %swap3A_329 = arith.index_cast %swap3A_328 : i32 to index
    %swap3A_330 = arith.constant 0 : index
    %swap3A_331 = tpu.vector_load %arg6[%swap3A_329, %swap3A_330] {strides = array<i32>} : memref<8x16xf32, #tpu.memory_space<vmem>>, vector<1x16xf32>,
    %swap3A_332 = vector.shape_cast %swap3A_331 : vector<1x16xf32> to vector<16xf32>
    %swap3A_333 = vector.shape_cast %scan3A_320#1 : vector<16xf32> to vector<1x16xf32>
    tpu.vector_store %arg6[%swap3A_329, %swap3A_330], %swap3A_333 {strides = array<i32>} : memref<8x16xf32, #tpu.memory_space<vmem>>, vector<1x16xf32>,
    %swap3A_334 = arith.constant 2 : i32
    %swap3A_335 = arith.index_cast %swap3A_334 : i32 to index
    %swap3A_336 = arith.constant 0 : index
    %swap3A_337 = tpu.vector_load %arg6[%swap3A_335, %swap3A_336] {strides = array<i32>} : memref<8x16xf32, #tpu.memory_space<vmem>>, vector<1x16xf32>,
    %swap3A_338 = vector.shape_cast %swap3A_337 : vector<1x16xf32> to vector<16xf32>
    %swap3A_339 = vector.shape_cast %scan3A_320#2 : vector<16xf32> to vector<1x16xf32>
    tpu.vector_store %arg6[%swap3A_335, %swap3A_336], %swap3A_339 {strides = array<i32>} : memref<8x16xf32, #tpu.memory_space<vmem>>, vector<1x16xf32>,
    %swap3A_340 = arith.constant 3 : i32
    %swap3A_341 = arith.index_cast %swap3A_340 : i32 to index
    %swap3A_342 = arith.constant 0 : index
    %swap3A_343 = tpu.vector_load %arg6[%swap3A_341, %swap3A_342] {strides = array<i32>} : memref<8x16xf32, #tpu.memory_space<vmem>>, vector<1x16xf32>,
    %swap3A_344 = vector.shape_cast %swap3A_343 : vector<1x16xf32> to vector<16xf32>
    %swap3A_345 = vector.shape_cast %scan3A_320#3 : vector<16xf32> to vector<1x16xf32>
    tpu.vector_store %arg6[%swap3A_341, %swap3A_342], %swap3A_345 {strides = array<i32>} : memref<8x16xf32, #tpu.memory_space<vmem>>, vector<1x16xf32>,
    %swap3A_346 = arith.constant 4 : i32
    %swap3A_347 = arith.index_cast %swap3A_346 : i32 to index
    %swap3A_348 = arith.constant 0 : index
    %swap3A_349 = tpu.vector_load %arg6[%swap3A_347, %swap3A_348] {strides = array<i32>} : memref<8x16xf32, #tpu.memory_space<vmem>>, vector<1x16xf32>,
    %swap3A_350 = vector.shape_cast %swap3A_349 : vector<1x16xf32> to vector<16xf32>
    %swap3A_351 = vector.shape_cast %scan3A_320#4 : vector<16xf32> to vector<1x16xf32>
    tpu.vector_store %arg6[%swap3A_347, %swap3A_348], %swap3A_351 {strides = array<i32>} : memref<8x16xf32, #tpu.memory_space<vmem>>, vector<1x16xf32>,
    %swap3A_352 = arith.constant 5 : i32
    %swap3A_353 = arith.index_cast %swap3A_352 : i32 to index
    %swap3A_354 = arith.constant 0 : index
    %swap3A_355 = tpu.vector_load %arg6[%swap3A_353, %swap3A_354] {strides = array<i32>} : memref<8x16xf32, #tpu.memory_space<vmem>>, vector<1x16xf32>,
    %swap3A_356 = vector.shape_cast %swap3A_355 : vector<1x16xf32> to vector<16xf32>
    %swap3A_357 = vector.shape_cast %scan3A_320#5 : vector<16xf32> to vector<1x16xf32>
    tpu.vector_store %arg6[%swap3A_353, %swap3A_354], %swap3A_357 {strides = array<i32>} : memref<8x16xf32, #tpu.memory_space<vmem>>, vector<1x16xf32>,
    %swap3A_358 = arith.constant 6 : i32
    %swap3A_359 = arith.index_cast %swap3A_358 : i32 to index
    %swap3A_360 = arith.constant 0 : index
    %swap3A_361 = tpu.vector_load %arg6[%swap3A_359, %swap3A_360] {strides = array<i32>} : memref<8x16xf32, #tpu.memory_space<vmem>>, vector<1x16xf32>,
    %swap3A_362 = vector.shape_cast %swap3A_361 : vector<1x16xf32> to vector<16xf32>
    %swap3A_363 = vector.shape_cast %scan3A_320#6 : vector<16xf32> to vector<1x16xf32>
    tpu.vector_store %arg6[%swap3A_359, %swap3A_360], %swap3A_363 {strides = array<i32>} : memref<8x16xf32, #tpu.memory_space<vmem>>, vector<1x16xf32>,
    %swap3A_364 = arith.constant 7 : i32
    %swap3A_365 = arith.index_cast %swap3A_364 : i32 to index
    %swap3A_366 = arith.constant 0 : index
    %swap3A_367 = tpu.vector_load %arg6[%swap3A_365, %swap3A_366] {strides = array<i32>} : memref<8x16xf32, #tpu.memory_space<vmem>>, vector<1x16xf32>,
    %swap3A_368 = vector.shape_cast %swap3A_367 : vector<1x16xf32> to vector<16xf32>
    %swap3A_369 = vector.shape_cast %scan3A_320#7 : vector<16xf32> to vector<1x16xf32>
    tpu.vector_store %arg6[%swap3A_365, %swap3A_366], %swap3A_369 {strides = array<i32>} : memref<8x16xf32, #tpu.memory_space<vmem>>, vector<1x16xf32>,
    "tpu.region"() ({
      %run_scoped3A = tpu.sem_alloc : memref<!tpu.dma_semaphore, #tpu.memory_space<semaphore_mem>>
      %dma_start3A_1010 = arith.constant 0 : i32
      %dma_start3A_1011 = tpu.memref_slice %arg3[%select_n3A_269, %dma_start3A_1010, %mul3A_287] : memref<4x8x1024xf32, #tpu.memory_space<hbm>> -> memref<1x8x16xf32, #tpu.memory_space<hbm>>
      %dma_start3A_1012 = tpu.memref_squeeze %dma_start3A_1011 : memref<1x8x16xf32, #tpu.memory_space<hbm>> -> memref<8x16xf32, #tpu.memory_space<hbm>>
      %dma_start3A_1013 = arith.constant 0 : i32
      %dma_start3A_1014 = tpu.memref_slice %arg3[%select_n3A_269, %dma_start3A_1013, %mul3A_287] : memref<4x8x1024xf32, #tpu.memory_space<hbm>> -> memref<1x8x16xf32, #tpu.memory_space<hbm>>
      %dma_start3A_1015 = tpu.memref_squeeze %dma_start3A_1014 : memref<1x8x16xf32, #tpu.memory_space<hbm>> -> memref<8x16xf32, #tpu.memory_space<hbm>>
      tpu.enqueue_dma source(%arg6 : memref<8x16xf32, #tpu.memory_space<vmem>>) target(%dma_start3A_1015 : memref<8x16xf32, #tpu.memory_space<hbm>>) target_semaphore(%run_scoped3A : memref<!tpu.dma_semaphore, #tpu.memory_space<semaphore_mem>>)
      %dma_wait3A_1016 = arith.constant 0 : i32
      %dma_wait3A_1017 = tpu.memref_slice %arg3[%select_n3A_269, %dma_wait3A_1016, %mul3A_287] : memref<4x8x1024xf32, #tpu.memory_space<hbm>> -> memref<1x8x16xf32, #tpu.memory_space<hbm>>
      %dma_wait3A_1018 = tpu.memref_squeeze %dma_wait3A_1017 : memref<1x8x16xf32, #tpu.memory_space<hbm>> -> memref<8x16xf32, #tpu.memory_space<hbm>>
      %dma_wait3A_1019 = arith.constant 0 : i32
      %dma_wait3A_1020 = tpu.memref_slice %arg3[%select_n3A_269, %dma_wait3A_1019, %mul3A_287] : memref<4x8x1024xf32, #tpu.memory_space<hbm>> -> memref<1x8x16xf32, #tpu.memory_space<hbm>>
      %dma_wait3A_1021 = tpu.memref_squeeze %dma_wait3A_1020 : memref<1x8x16xf32, #tpu.memory_space<hbm>> -> memref<8x16xf32, #tpu.memory_space<hbm>>
      tpu.wait_dma2 semaphore(%run_scoped3A : memref<!tpu.dma_semaphore, #tpu.memory_space<semaphore_mem>>) src(%arg6 : memref<8x16xf32, #tpu.memory_space<vmem>>) dst(%dma_wait3A_1021 : memref<8x16xf32, #tpu.memory_space<hbm>>)
      tpu.yield
    }) : () -> ()
    %mul3A_370 = arith.constant 8 : i32
    %mul3A_371 = arith.muli %add3A, %mul3A_370 : i32
    %add3A_372 = arith.constant 3 : i32
    %add3A_373 = arith.addi %mul3A_371, %add3A_372 : i32
    %jit3A_374 = arith.constant 64 : i32
    %div3A_375 = arith.divsi %add3A_373, %jit3A_374 : i32
    %sign3A_376 = arith.constant 0 : i32
    %sign3A_377 = arith.cmpi sgt, %add3A_373, %sign3A_376 : i32
    %sign3A_378 = arith.extui %sign3A_377 : i1 to i32
    %sign3A_379 = arith.constant 0 : i32
    %sign3A_380 = arith.cmpi slt, %add3A_373, %sign3A_379 : i32
    %sign3A_381 = arith.extui %sign3A_380 : i1 to i32
    %sign3A_382 = arith.subi %sign3A_378, %sign3A_381 : i32
    %sign3A_383 = arith.constant 0 : i32
    %sign3A_384 = arith.cmpi sgt, %jit3A_374, %sign3A_383 : i32
    %sign3A_385 = arith.extui %sign3A_384 : i1 to i32
    %sign3A_386 = arith.constant 0 : i32
    %sign3A_387 = arith.cmpi slt, %jit3A_374, %sign3A_386 : i32
    %sign3A_388 = arith.extui %sign3A_387 : i1 to i32
    %sign3A_389 = arith.subi %sign3A_385, %sign3A_388 : i32
    %ne3A_390 = arith.cmpi ne, %sign3A_382, %sign3A_389 : i32
    %rem3A_391 = arith.remsi %add3A_373, %jit3A_374 : i32
    %ne3A_392 = arith.constant 0 : i32
    %ne3A_393 = arith.cmpi ne, %rem3A_391, %ne3A_392 : i32
    %and3A_394 = arith.andi %ne3A_390, %ne3A_393 : i1
    %sub3A_395 = arith.constant 1 : i32
    %sub3A_396 = arith.subi %div3A_375, %sub3A_395 : i32
    %select_n3A_397 = arith.select %and3A_394, %sub3A_396, %div3A_375 : i32
    %jit3A_398 = arith.constant 64 : i32
    %eq3A_399 = arith.constant 0 : i32
    %eq3A_400 = arith.cmpi eq, %jit3A_398, %eq3A_399 : i32
    %jit3A_401 = arith.constant 1 : i32
    %select_n3A_402 = arith.select %eq3A_400, %jit3A_401, %jit3A_398 : i32
    %rem3A_403 = arith.remsi %add3A_373, %select_n3A_402 : i32
    %ne3A_404 = arith.constant 0 : i32
    %ne3A_405 = arith.cmpi ne, %rem3A_403, %ne3A_404 : i32
    %lt3A_406 = arith.constant 0 : i32
    %lt3A_407 = arith.cmpi slt, %rem3A_403, %lt3A_406 : i32
    %lt3A_408 = arith.constant 0 : i32
    %lt3A_409 = arith.cmpi slt, %select_n3A_402, %lt3A_408 : i32
    %ne3A_410 = arith.xori %lt3A_407, %lt3A_409 : i1
    %and3A_411 = arith.andi %ne3A_410, %ne3A_405 : i1
    %add3A_412 = arith.addi %rem3A_403, %select_n3A_402 : i32
    %select_n3A_413 = arith.select %and3A_411, %add3A_412, %rem3A_403 : i32
    %mul3A_414 = arith.constant 16 : i32
    %mul3A_415 = arith.muli %select_n3A_413, %mul3A_414 : i32
    %dma_start3A_416 = arith.constant 7168 : i32
    %dma_start3A_417 = tpu.memref_slice %arg2[%select_n3A_397, %dma_start3A_416, %mul3A_415] : memref<4x8192x1024xf32, #tpu.memory_space<hbm>> -> memref<1x1024x16xf32, #tpu.memory_space<hbm>>
    %dma_start3A_418 = tpu.memref_squeeze %dma_start3A_417 : memref<1x1024x16xf32, #tpu.memory_space<hbm>> -> memref<1024x16xf32, #tpu.memory_space<hbm>>
    %dma_start3A_419 = arith.constant 7168 : i32
    %dma_start3A_420 = tpu.memref_slice %arg2[%select_n3A_397, %dma_start3A_419, %mul3A_415] : memref<4x8192x1024xf32, #tpu.memory_space<hbm>> -> memref<1x1024x16xf32, #tpu.memory_space<hbm>>
    %dma_start3A_421 = tpu.memref_squeeze %dma_start3A_420 : memref<1x1024x16xf32, #tpu.memory_space<hbm>> -> memref<1024x16xf32, #tpu.memory_space<hbm>>
    tpu.enqueue_dma source(%dma_start3A_421 : memref<1024x16xf32, #tpu.memory_space<hbm>>) target(%arg4 : memref<1024x16xf32, #tpu.memory_space<vmem>>) target_semaphore(%arg7 : memref<!tpu.dma_semaphore, #tpu.memory_space<semaphore_mem>>)
    %broadcast_in_dim3A_422 = arith.constant 0xFF800000 : f32
    %broadcast_in_dim3A_423 = vector.broadcast %broadcast_in_dim3A_422 : f32 to vector<16xf32>
    %broadcast_in_dim3A_424 = arith.constant 0xFF800000 : f32
    %broadcast_in_dim3A_425 = vector.broadcast %broadcast_in_dim3A_424 : f32 to vector<16xf32>
    %broadcast_in_dim3A_426 = arith.constant 0xFF800000 : f32
    %broadcast_in_dim3A_427 = vector.broadcast %broadcast_in_dim3A_426 : f32 to vector<16xf32>
    %broadcast_in_dim3A_428 = arith.constant 0xFF800000 : f32
    %broadcast_in_dim3A_429 = vector.broadcast %broadcast_in_dim3A_428 : f32 to vector<16xf32>
    %broadcast_in_dim3A_430 = arith.constant 0xFF800000 : f32
    %broadcast_in_dim3A_431 = vector.broadcast %broadcast_in_dim3A_430 : f32 to vector<16xf32>
    %broadcast_in_dim3A_432 = arith.constant 0xFF800000 : f32
    %broadcast_in_dim3A_433 = vector.broadcast %broadcast_in_dim3A_432 : f32 to vector<16xf32>
    %broadcast_in_dim3A_434 = arith.constant 0xFF800000 : f32
    %broadcast_in_dim3A_435 = vector.broadcast %broadcast_in_dim3A_434 : f32 to vector<16xf32>
    %broadcast_in_dim3A_436 = arith.constant 0xFF800000 : f32
    %broadcast_in_dim3A_437 = vector.broadcast %broadcast_in_dim3A_436 : f32 to vector<16xf32>
    %dma_wait3A_438 = arith.constant 7168 : i32
    %dma_wait3A_439 = tpu.memref_slice %arg2[%select_n3A_397, %dma_wait3A_438, %mul3A_415] : memref<4x8192x1024xf32, #tpu.memory_space<hbm>> -> memref<1x1024x16xf32, #tpu.memory_space<hbm>>
    %dma_wait3A_440 = tpu.memref_squeeze %dma_wait3A_439 : memref<1x1024x16xf32, #tpu.memory_space<hbm>> -> memref<1024x16xf32, #tpu.memory_space<hbm>>
    %dma_wait3A_441 = arith.constant 7168 : i32
    %dma_wait3A_442 = tpu.memref_slice %arg2[%select_n3A_397, %dma_wait3A_441, %mul3A_415] : memref<4x8192x1024xf32, #tpu.memory_space<hbm>> -> memref<1x1024x16xf32, #tpu.memory_space<hbm>>
    %dma_wait3A_443 = tpu.memref_squeeze %dma_wait3A_442 : memref<1x1024x16xf32, #tpu.memory_space<hbm>> -> memref<1024x16xf32, #tpu.memory_space<hbm>>
    tpu.wait_dma2 semaphore(%arg7 : memref<!tpu.dma_semaphore, #tpu.memory_space<semaphore_mem>>) src(%dma_wait3A_443 : memref<1024x16xf32, #tpu.memory_space<hbm>>) dst(%arg4 : memref<1024x16xf32, #tpu.memory_space<vmem>>)
    %scan3A_444 = arith.constant 0 : i32
    %scan3A_445 = arith.constant 1024 : i32
    %scan3A_446 = arith.addi %scan3A_444, %scan3A_445 : i32
    %scan3A_447 = arith.constant 4 : i32
    %scan3A_448:8 = scf.for %scan3A_1010 = %scan3A_444 to %scan3A_446 step %scan3A_447 iter_args(%scan3A_1011 = %broadcast_in_dim3A_423, %scan3A_1012 = %broadcast_in_dim3A_425, %scan3A_1013 = %broadcast_in_dim3A_427, %scan3A_1014 = %broadcast_in_dim3A_429, %scan3A_1015 = %broadcast_in_dim3A_431, %scan3A_1016 = %broadcast_in_dim3A_433, %scan3A_1017 = %broadcast_in_dim3A_435, %scan3A_1018 = %broadcast_in_dim3A_437) -> (vector<16xf32>, vector<16xf32>, vector<16xf32>, vector<16xf32>, vector<16xf32>, vector<16xf32>, vector<16xf32>, vector<16xf32>)  : i32 {
      %get3A = arith.index_cast %scan3A_1010 : i32 to index
      %get3A_1019 = arith.constant 0 : index
      %get3A_1020 = tpu.vector_load %arg4[%get3A, %get3A_1019] {strides = array<i32>} : memref<1024x16xf32, #tpu.memory_space<vmem>>, vector<1x16xf32>,
      %get3A_1021 = vector.shape_cast %get3A_1020 : vector<1x16xf32> to vector<16xf32>
      %max3A = arith.maximumf %scan3A_1011, %get3A_1021 : vector<16xf32>
      %min3A = arith.minimumf %scan3A_1011, %get3A_1021 : vector<16xf32>
      %max3A_1022 = arith.maximumf %scan3A_1012, %min3A : vector<16xf32>
      %min3A_1023 = arith.minimumf %scan3A_1012, %min3A : vector<16xf32>
      %max3A_1024 = arith.maximumf %scan3A_1013, %min3A_1023 : vector<16xf32>
      %min3A_1025 = arith.minimumf %scan3A_1013, %min3A_1023 : vector<16xf32>
      %max3A_1026 = arith.maximumf %scan3A_1014, %min3A_1025 : vector<16xf32>
      %min3A_1027 = arith.minimumf %scan3A_1014, %min3A_1025 : vector<16xf32>
      %max3A_1028 = arith.maximumf %scan3A_1015, %min3A_1027 : vector<16xf32>
      %min3A_1029 = arith.minimumf %scan3A_1015, %min3A_1027 : vector<16xf32>
      %max3A_1030 = arith.maximumf %scan3A_1016, %min3A_1029 : vector<16xf32>
      %min3A_1031 = arith.minimumf %scan3A_1016, %min3A_1029 : vector<16xf32>
      %max3A_1032 = arith.maximumf %scan3A_1017, %min3A_1031 : vector<16xf32>
      %min3A_1033 = arith.minimumf %scan3A_1017, %min3A_1031 : vector<16xf32>
      %max3A_1034 = arith.maximumf %scan3A_1018, %min3A_1033 : vector<16xf32>
      %min3A_1035 = arith.minimumf %scan3A_1018, %min3A_1033 : vector<16xf32>
      %scan3A_1036 = arith.constant 1 : i32
      %scan3A_1037 = arith.addi %scan3A_1010, %scan3A_1036 : i32
      %get3A_1038 = arith.index_cast %scan3A_1037 : i32 to index
      %get3A_1039 = arith.constant 0 : index
      %get3A_1040 = tpu.vector_load %arg4[%get3A_1038, %get3A_1039] {strides = array<i32>} : memref<1024x16xf32, #tpu.memory_space<vmem>>, vector<1x16xf32>,
      %get3A_1041 = vector.shape_cast %get3A_1040 : vector<1x16xf32> to vector<16xf32>
      %max3A_1042 = arith.maximumf %max3A, %get3A_1041 : vector<16xf32>
      %min3A_1043 = arith.minimumf %max3A, %get3A_1041 : vector<16xf32>
      %max3A_1044 = arith.maximumf %max3A_1022, %min3A_1043 : vector<16xf32>
      %min3A_1045 = arith.minimumf %max3A_1022, %min3A_1043 : vector<16xf32>
      %max3A_1046 = arith.maximumf %max3A_1024, %min3A_1045 : vector<16xf32>
      %min3A_1047 = arith.minimumf %max3A_1024, %min3A_1045 : vector<16xf32>
      %max3A_1048 = arith.maximumf %max3A_1026, %min3A_1047 : vector<16xf32>
      %min3A_1049 = arith.minimumf %max3A_1026, %min3A_1047 : vector<16xf32>
      %max3A_1050 = arith.maximumf %max3A_1028, %min3A_1049 : vector<16xf32>
      %min3A_1051 = arith.minimumf %max3A_1028, %min3A_1049 : vector<16xf32>
      %max3A_1052 = arith.maximumf %max3A_1030, %min3A_1051 : vector<16xf32>
      %min3A_1053 = arith.minimumf %max3A_1030, %min3A_1051 : vector<16xf32>
      %max3A_1054 = arith.maximumf %max3A_1032, %min3A_1053 : vector<16xf32>
      %min3A_1055 = arith.minimumf %max3A_1032, %min3A_1053 : vector<16xf32>
      %max3A_1056 = arith.maximumf %max3A_1034, %min3A_1055 : vector<16xf32>
      %min3A_1057 = arith.minimumf %max3A_1034, %min3A_1055 : vector<16xf32>
      %scan3A_1058 = arith.constant 2 : i32
      %scan3A_1059 = arith.addi %scan3A_1010, %scan3A_1058 : i32
      %get3A_1060 = arith.index_cast %scan3A_1059 : i32 to index
      %get3A_1061 = arith.constant 0 : index
      %get3A_1062 = tpu.vector_load %arg4[%get3A_1060, %get3A_1061] {strides = array<i32>} : memref<1024x16xf32, #tpu.memory_space<vmem>>, vector<1x16xf32>,
      %get3A_1063 = vector.shape_cast %get3A_1062 : vector<1x16xf32> to vector<16xf32>
      %max3A_1064 = arith.maximumf %max3A_1042, %get3A_1063 : vector<16xf32>
      %min3A_1065 = arith.minimumf %max3A_1042, %get3A_1063 : vector<16xf32>
      %max3A_1066 = arith.maximumf %max3A_1044, %min3A_1065 : vector<16xf32>
      %min3A_1067 = arith.minimumf %max3A_1044, %min3A_1065 : vector<16xf32>
      %max3A_1068 = arith.maximumf %max3A_1046, %min3A_1067 : vector<16xf32>
      %min3A_1069 = arith.minimumf %max3A_1046, %min3A_1067 : vector<16xf32>
      %max3A_1070 = arith.maximumf %max3A_1048, %min3A_1069 : vector<16xf32>
      %min3A_1071 = arith.minimumf %max3A_1048, %min3A_1069 : vector<16xf32>
      %max3A_1072 = arith.maximumf %max3A_1050, %min3A_1071 : vector<16xf32>
      %min3A_1073 = arith.minimumf %max3A_1050, %min3A_1071 : vector<16xf32>
      %max3A_1074 = arith.maximumf %max3A_1052, %min3A_1073 : vector<16xf32>
      %min3A_1075 = arith.minimumf %max3A_1052, %min3A_1073 : vector<16xf32>
      %max3A_1076 = arith.maximumf %max3A_1054, %min3A_1075 : vector<16xf32>
      %min3A_1077 = arith.minimumf %max3A_1054, %min3A_1075 : vector<16xf32>
      %max3A_1078 = arith.maximumf %max3A_1056, %min3A_1077 : vector<16xf32>
      %min3A_1079 = arith.minimumf %max3A_1056, %min3A_1077 : vector<16xf32>
      %scan3A_1080 = arith.constant 3 : i32
      %scan3A_1081 = arith.addi %scan3A_1010, %scan3A_1080 : i32
      %get3A_1082 = arith.index_cast %scan3A_1081 : i32 to index
      %get3A_1083 = arith.constant 0 : index
      %get3A_1084 = tpu.vector_load %arg4[%get3A_1082, %get3A_1083] {strides = array<i32>} : memref<1024x16xf32, #tpu.memory_space<vmem>>, vector<1x16xf32>,
      %get3A_1085 = vector.shape_cast %get3A_1084 : vector<1x16xf32> to vector<16xf32>
      %max3A_1086 = arith.maximumf %max3A_1064, %get3A_1085 : vector<16xf32>
      %min3A_1087 = arith.minimumf %max3A_1064, %get3A_1085 : vector<16xf32>
      %max3A_1088 = arith.maximumf %max3A_1066, %min3A_1087 : vector<16xf32>
      %min3A_1089 = arith.minimumf %max3A_1066, %min3A_1087 : vector<16xf32>
      %max3A_1090 = arith.maximumf %max3A_1068, %min3A_1089 : vector<16xf32>
      %min3A_1091 = arith.minimumf %max3A_1068, %min3A_1089 : vector<16xf32>
      %max3A_1092 = arith.maximumf %max3A_1070, %min3A_1091 : vector<16xf32>
      %min3A_1093 = arith.minimumf %max3A_1070, %min3A_1091 : vector<16xf32>
      %max3A_1094 = arith.maximumf %max3A_1072, %min3A_1093 : vector<16xf32>
      %min3A_1095 = arith.minimumf %max3A_1072, %min3A_1093 : vector<16xf32>
      %max3A_1096 = arith.maximumf %max3A_1074, %min3A_1095 : vector<16xf32>
      %min3A_1097 = arith.minimumf %max3A_1074, %min3A_1095 : vector<16xf32>
      %max3A_1098 = arith.maximumf %max3A_1076, %min3A_1097 : vector<16xf32>
      %min3A_1099 = arith.minimumf %max3A_1076, %min3A_1097 : vector<16xf32>
      %max3A_1100 = arith.maximumf %max3A_1078, %min3A_1099 : vector<16xf32>
      %min3A_1101 = arith.minimumf %max3A_1078, %min3A_1099 : vector<16xf32>
      scf.yield %max3A_1086, %max3A_1088, %max3A_1090, %max3A_1092, %max3A_1094, %max3A_1096, %max3A_1098, %max3A_1100 : vector<16xf32>, vector<16xf32>, vector<16xf32>, vector<16xf32>, vector<16xf32>, vector<16xf32>, vector<16xf32>, vector<16xf32>
    }
    %scan3A_449 = arith.constant 1024 : i32
    %swap3A_450 = arith.constant 0 : i32
    %swap3A_451 = arith.index_cast %swap3A_450 : i32 to index
    %swap3A_452 = arith.constant 0 : index
    %swap3A_453 = tpu.vector_load %arg6[%swap3A_451, %swap3A_452] {strides = array<i32>} : memref<8x16xf32, #tpu.memory_space<vmem>>, vector<1x16xf32>,
    %swap3A_454 = vector.shape_cast %swap3A_453 : vector<1x16xf32> to vector<16xf32>
    %swap3A_455 = vector.shape_cast %scan3A_448#0 : vector<16xf32> to vector<1x16xf32>
    tpu.vector_store %arg6[%swap3A_451, %swap3A_452], %swap3A_455 {strides = array<i32>} : memref<8x16xf32, #tpu.memory_space<vmem>>, vector<1x16xf32>,
    %swap3A_456 = arith.constant 1 : i32
    %swap3A_457 = arith.index_cast %swap3A_456 : i32 to index
    %swap3A_458 = arith.constant 0 : index
    %swap3A_459 = tpu.vector_load %arg6[%swap3A_457, %swap3A_458] {strides = array<i32>} : memref<8x16xf32, #tpu.memory_space<vmem>>, vector<1x16xf32>,
    %swap3A_460 = vector.shape_cast %swap3A_459 : vector<1x16xf32> to vector<16xf32>
    %swap3A_461 = vector.shape_cast %scan3A_448#1 : vector<16xf32> to vector<1x16xf32>
    tpu.vector_store %arg6[%swap3A_457, %swap3A_458], %swap3A_461 {strides = array<i32>} : memref<8x16xf32, #tpu.memory_space<vmem>>, vector<1x16xf32>,
    %swap3A_462 = arith.constant 2 : i32
    %swap3A_463 = arith.index_cast %swap3A_462 : i32 to index
    %swap3A_464 = arith.constant 0 : index
    %swap3A_465 = tpu.vector_load %arg6[%swap3A_463, %swap3A_464] {strides = array<i32>} : memref<8x16xf32, #tpu.memory_space<vmem>>, vector<1x16xf32>,
    %swap3A_466 = vector.shape_cast %swap3A_465 : vector<1x16xf32> to vector<16xf32>
    %swap3A_467 = vector.shape_cast %scan3A_448#2 : vector<16xf32> to vector<1x16xf32>
    tpu.vector_store %arg6[%swap3A_463, %swap3A_464], %swap3A_467 {strides = array<i32>} : memref<8x16xf32, #tpu.memory_space<vmem>>, vector<1x16xf32>,
    %swap3A_468 = arith.constant 3 : i32
    %swap3A_469 = arith.index_cast %swap3A_468 : i32 to index
    %swap3A_470 = arith.constant 0 : index
    %swap3A_471 = tpu.vector_load %arg6[%swap3A_469, %swap3A_470] {strides = array<i32>} : memref<8x16xf32, #tpu.memory_space<vmem>>, vector<1x16xf32>,
    %swap3A_472 = vector.shape_cast %swap3A_471 : vector<1x16xf32> to vector<16xf32>
    %swap3A_473 = vector.shape_cast %scan3A_448#3 : vector<16xf32> to vector<1x16xf32>
    tpu.vector_store %arg6[%swap3A_469, %swap3A_470], %swap3A_473 {strides = array<i32>} : memref<8x16xf32, #tpu.memory_space<vmem>>, vector<1x16xf32>,
    %swap3A_474 = arith.constant 4 : i32
    %swap3A_475 = arith.index_cast %swap3A_474 : i32 to index
    %swap3A_476 = arith.constant 0 : index
    %swap3A_477 = tpu.vector_load %arg6[%swap3A_475, %swap3A_476] {strides = array<i32>} : memref<8x16xf32, #tpu.memory_space<vmem>>, vector<1x16xf32>,
    %swap3A_478 = vector.shape_cast %swap3A_477 : vector<1x16xf32> to vector<16xf32>
    %swap3A_479 = vector.shape_cast %scan3A_448#4 : vector<16xf32> to vector<1x16xf32>
    tpu.vector_store %arg6[%swap3A_475, %swap3A_476], %swap3A_479 {strides = array<i32>} : memref<8x16xf32, #tpu.memory_space<vmem>>, vector<1x16xf32>,
    %swap3A_480 = arith.constant 5 : i32
    %swap3A_481 = arith.index_cast %swap3A_480 : i32 to index
    %swap3A_482 = arith.constant 0 : index
    %swap3A_483 = tpu.vector_load %arg6[%swap3A_481, %swap3A_482] {strides = array<i32>} : memref<8x16xf32, #tpu.memory_space<vmem>>, vector<1x16xf32>,
    %swap3A_484 = vector.shape_cast %swap3A_483 : vector<1x16xf32> to vector<16xf32>
    %swap3A_485 = vector.shape_cast %scan3A_448#5 : vector<16xf32> to vector<1x16xf32>
    tpu.vector_store %arg6[%swap3A_481, %swap3A_482], %swap3A_485 {strides = array<i32>} : memref<8x16xf32, #tpu.memory_space<vmem>>, vector<1x16xf32>,
    %swap3A_486 = arith.constant 6 : i32
    %swap3A_487 = arith.index_cast %swap3A_486 : i32 to index
    %swap3A_488 = arith.constant 0 : index
    %swap3A_489 = tpu.vector_load %arg6[%swap3A_487, %swap3A_488] {strides = array<i32>} : memref<8x16xf32, #tpu.memory_space<vmem>>, vector<1x16xf32>,
    %swap3A_490 = vector.shape_cast %swap3A_489 : vector<1x16xf32> to vector<16xf32>
    %swap3A_491 = vector.shape_cast %scan3A_448#6 : vector<16xf32> to vector<1x16xf32>
    tpu.vector_store %arg6[%swap3A_487, %swap3A_488], %swap3A_491 {strides = array<i32>} : memref<8x16xf32, #tpu.memory_space<vmem>>, vector<1x16xf32>,
    %swap3A_492 = arith.constant 7 : i32
    %swap3A_493 = arith.index_cast %swap3A_492 : i32 to index
    %swap3A_494 = arith.constant 0 : index
    %swap3A_495 = tpu.vector_load %arg6[%swap3A_493, %swap3A_494] {strides = array<i32>} : memref<8x16xf32, #tpu.memory_space<vmem>>, vector<1x16xf32>,
    %swap3A_496 = vector.shape_cast %swap3A_495 : vector<1x16xf32> to vector<16xf32>
    %swap3A_497 = vector.shape_cast %scan3A_448#7 : vector<16xf32> to vector<1x16xf32>
    tpu.vector_store %arg6[%swap3A_493, %swap3A_494], %swap3A_497 {strides = array<i32>} : memref<8x16xf32, #tpu.memory_space<vmem>>, vector<1x16xf32>,
    "tpu.region"() ({
      %run_scoped3A = tpu.sem_alloc : memref<!tpu.dma_semaphore, #tpu.memory_space<semaphore_mem>>
      %dma_start3A_1010 = arith.constant 0 : i32
      %dma_start3A_1011 = tpu.memref_slice %arg3[%select_n3A_397, %dma_start3A_1010, %mul3A_415] : memref<4x8x1024xf32, #tpu.memory_space<hbm>> -> memref<1x8x16xf32, #tpu.memory_space<hbm>>
      %dma_start3A_1012 = tpu.memref_squeeze %dma_start3A_1011 : memref<1x8x16xf32, #tpu.memory_space<hbm>> -> memref<8x16xf32, #tpu.memory_space<hbm>>
      %dma_start3A_1013 = arith.constant 0 : i32
      %dma_start3A_1014 = tpu.memref_slice %arg3[%select_n3A_397, %dma_start3A_1013, %mul3A_415] : memref<4x8x1024xf32, #tpu.memory_space<hbm>> -> memref<1x8x16xf32, #tpu.memory_space<hbm>>
      %dma_start3A_1015 = tpu.memref_squeeze %dma_start3A_1014 : memref<1x8x16xf32, #tpu.memory_space<hbm>> -> memref<8x16xf32, #tpu.memory_space<hbm>>
      tpu.enqueue_dma source(%arg6 : memref<8x16xf32, #tpu.memory_space<vmem>>) target(%dma_start3A_1015 : memref<8x16xf32, #tpu.memory_space<hbm>>) target_semaphore(%run_scoped3A : memref<!tpu.dma_semaphore, #tpu.memory_space<semaphore_mem>>)
      %dma_wait3A_1016 = arith.constant 0 : i32
      %dma_wait3A_1017 = tpu.memref_slice %arg3[%select_n3A_397, %dma_wait3A_1016, %mul3A_415] : memref<4x8x1024xf32, #tpu.memory_space<hbm>> -> memref<1x8x16xf32, #tpu.memory_space<hbm>>
      %dma_wait3A_1018 = tpu.memref_squeeze %dma_wait3A_1017 : memref<1x8x16xf32, #tpu.memory_space<hbm>> -> memref<8x16xf32, #tpu.memory_space<hbm>>
      %dma_wait3A_1019 = arith.constant 0 : i32
      %dma_wait3A_1020 = tpu.memref_slice %arg3[%select_n3A_397, %dma_wait3A_1019, %mul3A_415] : memref<4x8x1024xf32, #tpu.memory_space<hbm>> -> memref<1x8x16xf32, #tpu.memory_space<hbm>>
      %dma_wait3A_1021 = tpu.memref_squeeze %dma_wait3A_1020 : memref<1x8x16xf32, #tpu.memory_space<hbm>> -> memref<8x16xf32, #tpu.memory_space<hbm>>
      tpu.wait_dma2 semaphore(%run_scoped3A : memref<!tpu.dma_semaphore, #tpu.memory_space<semaphore_mem>>) src(%arg6 : memref<8x16xf32, #tpu.memory_space<vmem>>) dst(%dma_wait3A_1021 : memref<8x16xf32, #tpu.memory_space<hbm>>)
      tpu.yield
    }) : () -> ()
    %mul3A_498 = arith.constant 8 : i32
    %mul3A_499 = arith.muli %add3A, %mul3A_498 : i32
    %add3A_500 = arith.constant 4 : i32
    %add3A_501 = arith.addi %mul3A_499, %add3A_500 : i32
    %jit3A_502 = arith.constant 64 : i32
    %div3A_503 = arith.divsi %add3A_501, %jit3A_502 : i32
    %sign3A_504 = arith.constant 0 : i32
    %sign3A_505 = arith.cmpi sgt, %add3A_501, %sign3A_504 : i32
    %sign3A_506 = arith.extui %sign3A_505 : i1 to i32
    %sign3A_507 = arith.constant 0 : i32
    %sign3A_508 = arith.cmpi slt, %add3A_501, %sign3A_507 : i32
    %sign3A_509 = arith.extui %sign3A_508 : i1 to i32
    %sign3A_510 = arith.subi %sign3A_506, %sign3A_509 : i32
    %sign3A_511 = arith.constant 0 : i32
    %sign3A_512 = arith.cmpi sgt, %jit3A_502, %sign3A_511 : i32
    %sign3A_513 = arith.extui %sign3A_512 : i1 to i32
    %sign3A_514 = arith.constant 0 : i32
    %sign3A_515 = arith.cmpi slt, %jit3A_502, %sign3A_514 : i32
    %sign3A_516 = arith.extui %sign3A_515 : i1 to i32
    %sign3A_517 = arith.subi %sign3A_513, %sign3A_516 : i32
    %ne3A_518 = arith.cmpi ne, %sign3A_510, %sign3A_517 : i32
    %rem3A_519 = arith.remsi %add3A_501, %jit3A_502 : i32
    %ne3A_520 = arith.constant 0 : i32
    %ne3A_521 = arith.cmpi ne, %rem3A_519, %ne3A_520 : i32
    %and3A_522 = arith.andi %ne3A_518, %ne3A_521 : i1
    %sub3A_523 = arith.constant 1 : i32
    %sub3A_524 = arith.subi %div3A_503, %sub3A_523 : i32
    %select_n3A_525 = arith.select %and3A_522, %sub3A_524, %div3A_503 : i32
    %jit3A_526 = arith.constant 64 : i32
    %eq3A_527 = arith.constant 0 : i32
    %eq3A_528 = arith.cmpi eq, %jit3A_526, %eq3A_527 : i32
    %jit3A_529 = arith.constant 1 : i32
    %select_n3A_530 = arith.select %eq3A_528, %jit3A_529, %jit3A_526 : i32
    %rem3A_531 = arith.remsi %add3A_501, %select_n3A_530 : i32
    %ne3A_532 = arith.constant 0 : i32
    %ne3A_533 = arith.cmpi ne, %rem3A_531, %ne3A_532 : i32
    %lt3A_534 = arith.constant 0 : i32
    %lt3A_535 = arith.cmpi slt, %rem3A_531, %lt3A_534 : i32
    %lt3A_536 = arith.constant 0 : i32
    %lt3A_537 = arith.cmpi slt, %select_n3A_530, %lt3A_536 : i32
    %ne3A_538 = arith.xori %lt3A_535, %lt3A_537 : i1
    %and3A_539 = arith.andi %ne3A_538, %ne3A_533 : i1
    %add3A_540 = arith.addi %rem3A_531, %select_n3A_530 : i32
    %select_n3A_541 = arith.select %and3A_539, %add3A_540, %rem3A_531 : i32
    %mul3A_542 = arith.constant 16 : i32
    %mul3A_543 = arith.muli %select_n3A_541, %mul3A_542 : i32
    %dma_start3A_544 = arith.constant 7168 : i32
    %dma_start3A_545 = tpu.memref_slice %arg2[%select_n3A_525, %dma_start3A_544, %mul3A_543] : memref<4x8192x1024xf32, #tpu.memory_space<hbm>> -> memref<1x1024x16xf32, #tpu.memory_space<hbm>>
    %dma_start3A_546 = tpu.memref_squeeze %dma_start3A_545 : memref<1x1024x16xf32, #tpu.memory_space<hbm>> -> memref<1024x16xf32, #tpu.memory_space<hbm>>
    %dma_start3A_547 = arith.constant 7168 : i32
    %dma_start3A_548 = tpu.memref_slice %arg2[%select_n3A_525, %dma_start3A_547, %mul3A_543] : memref<4x8192x1024xf32, #tpu.memory_space<hbm>> -> memref<1x1024x16xf32, #tpu.memory_space<hbm>>
    %dma_start3A_549 = tpu.memref_squeeze %dma_start3A_548 : memref<1x1024x16xf32, #tpu.memory_space<hbm>> -> memref<1024x16xf32, #tpu.memory_space<hbm>>
    tpu.enqueue_dma source(%dma_start3A_549 : memref<1024x16xf32, #tpu.memory_space<hbm>>) target(%arg4 : memref<1024x16xf32, #tpu.memory_space<vmem>>) target_semaphore(%arg7 : memref<!tpu.dma_semaphore, #tpu.memory_space<semaphore_mem>>)
    %broadcast_in_dim3A_550 = arith.constant 0xFF800000 : f32
    %broadcast_in_dim3A_551 = vector.broadcast %broadcast_in_dim3A_550 : f32 to vector<16xf32>
    %broadcast_in_dim3A_552 = arith.constant 0xFF800000 : f32
    %broadcast_in_dim3A_553 = vector.broadcast %broadcast_in_dim3A_552 : f32 to vector<16xf32>
    %broadcast_in_dim3A_554 = arith.constant 0xFF800000 : f32
    %broadcast_in_dim3A_555 = vector.broadcast %broadcast_in_dim3A_554 : f32 to vector<16xf32>
    %broadcast_in_dim3A_556 = arith.constant 0xFF800000 : f32
    %broadcast_in_dim3A_557 = vector.broadcast %broadcast_in_dim3A_556 : f32 to vector<16xf32>
    %broadcast_in_dim3A_558 = arith.constant 0xFF800000 : f32
    %broadcast_in_dim3A_559 = vector.broadcast %broadcast_in_dim3A_558 : f32 to vector<16xf32>
    %broadcast_in_dim3A_560 = arith.constant 0xFF800000 : f32
    %broadcast_in_dim3A_561 = vector.broadcast %broadcast_in_dim3A_560 : f32 to vector<16xf32>
    %broadcast_in_dim3A_562 = arith.constant 0xFF800000 : f32
    %broadcast_in_dim3A_563 = vector.broadcast %broadcast_in_dim3A_562 : f32 to vector<16xf32>
    %broadcast_in_dim3A_564 = arith.constant 0xFF800000 : f32
    %broadcast_in_dim3A_565 = vector.broadcast %broadcast_in_dim3A_564 : f32 to vector<16xf32>
    %dma_wait3A_566 = arith.constant 7168 : i32
    %dma_wait3A_567 = tpu.memref_slice %arg2[%select_n3A_525, %dma_wait3A_566, %mul3A_543] : memref<4x8192x1024xf32, #tpu.memory_space<hbm>> -> memref<1x1024x16xf32, #tpu.memory_space<hbm>>
    %dma_wait3A_568 = tpu.memref_squeeze %dma_wait3A_567 : memref<1x1024x16xf32, #tpu.memory_space<hbm>> -> memref<1024x16xf32, #tpu.memory_space<hbm>>
    %dma_wait3A_569 = arith.constant 7168 : i32
    %dma_wait3A_570 = tpu.memref_slice %arg2[%select_n3A_525, %dma_wait3A_569, %mul3A_543] : memref<4x8192x1024xf32, #tpu.memory_space<hbm>> -> memref<1x1024x16xf32, #tpu.memory_space<hbm>>
    %dma_wait3A_571 = tpu.memref_squeeze %dma_wait3A_570 : memref<1x1024x16xf32, #tpu.memory_space<hbm>> -> memref<1024x16xf32, #tpu.memory_space<hbm>>
    tpu.wait_dma2 semaphore(%arg7 : memref<!tpu.dma_semaphore, #tpu.memory_space<semaphore_mem>>) src(%dma_wait3A_571 : memref<1024x16xf32, #tpu.memory_space<hbm>>) dst(%arg4 : memref<1024x16xf32, #tpu.memory_space<vmem>>)
    %scan3A_572 = arith.constant 0 : i32
    %scan3A_573 = arith.constant 1024 : i32
    %scan3A_574 = arith.addi %scan3A_572, %scan3A_573 : i32
    %scan3A_575 = arith.constant 4 : i32
    %scan3A_576:8 = scf.for %scan3A_1010 = %scan3A_572 to %scan3A_574 step %scan3A_575 iter_args(%scan3A_1011 = %broadcast_in_dim3A_551, %scan3A_1012 = %broadcast_in_dim3A_553, %scan3A_1013 = %broadcast_in_dim3A_555, %scan3A_1014 = %broadcast_in_dim3A_557, %scan3A_1015 = %broadcast_in_dim3A_559, %scan3A_1016 = %broadcast_in_dim3A_561, %scan3A_1017 = %broadcast_in_dim3A_563, %scan3A_1018 = %broadcast_in_dim3A_565) -> (vector<16xf32>, vector<16xf32>, vector<16xf32>, vector<16xf32>, vector<16xf32>, vector<16xf32>, vector<16xf32>, vector<16xf32>)  : i32 {
      %get3A = arith.index_cast %scan3A_1010 : i32 to index
      %get3A_1019 = arith.constant 0 : index
      %get3A_1020 = tpu.vector_load %arg4[%get3A, %get3A_1019] {strides = array<i32>} : memref<1024x16xf32, #tpu.memory_space<vmem>>, vector<1x16xf32>,
      %get3A_1021 = vector.shape_cast %get3A_1020 : vector<1x16xf32> to vector<16xf32>
      %max3A = arith.maximumf %scan3A_1011, %get3A_1021 : vector<16xf32>
      %min3A = arith.minimumf %scan3A_1011, %get3A_1021 : vector<16xf32>
      %max3A_1022 = arith.maximumf %scan3A_1012, %min3A : vector<16xf32>
      %min3A_1023 = arith.minimumf %scan3A_1012, %min3A : vector<16xf32>
      %max3A_1024 = arith.maximumf %scan3A_1013, %min3A_1023 : vector<16xf32>
      %min3A_1025 = arith.minimumf %scan3A_1013, %min3A_1023 : vector<16xf32>
      %max3A_1026 = arith.maximumf %scan3A_1014, %min3A_1025 : vector<16xf32>
      %min3A_1027 = arith.minimumf %scan3A_1014, %min3A_1025 : vector<16xf32>
      %max3A_1028 = arith.maximumf %scan3A_1015, %min3A_1027 : vector<16xf32>
      %min3A_1029 = arith.minimumf %scan3A_1015, %min3A_1027 : vector<16xf32>
      %max3A_1030 = arith.maximumf %scan3A_1016, %min3A_1029 : vector<16xf32>
      %min3A_1031 = arith.minimumf %scan3A_1016, %min3A_1029 : vector<16xf32>
      %max3A_1032 = arith.maximumf %scan3A_1017, %min3A_1031 : vector<16xf32>
      %min3A_1033 = arith.minimumf %scan3A_1017, %min3A_1031 : vector<16xf32>
      %max3A_1034 = arith.maximumf %scan3A_1018, %min3A_1033 : vector<16xf32>
      %min3A_1035 = arith.minimumf %scan3A_1018, %min3A_1033 : vector<16xf32>
      %scan3A_1036 = arith.constant 1 : i32
      %scan3A_1037 = arith.addi %scan3A_1010, %scan3A_1036 : i32
      %get3A_1038 = arith.index_cast %scan3A_1037 : i32 to index
      %get3A_1039 = arith.constant 0 : index
      %get3A_1040 = tpu.vector_load %arg4[%get3A_1038, %get3A_1039] {strides = array<i32>} : memref<1024x16xf32, #tpu.memory_space<vmem>>, vector<1x16xf32>,
      %get3A_1041 = vector.shape_cast %get3A_1040 : vector<1x16xf32> to vector<16xf32>
      %max3A_1042 = arith.maximumf %max3A, %get3A_1041 : vector<16xf32>
      %min3A_1043 = arith.minimumf %max3A, %get3A_1041 : vector<16xf32>
      %max3A_1044 = arith.maximumf %max3A_1022, %min3A_1043 : vector<16xf32>
      %min3A_1045 = arith.minimumf %max3A_1022, %min3A_1043 : vector<16xf32>
      %max3A_1046 = arith.maximumf %max3A_1024, %min3A_1045 : vector<16xf32>
      %min3A_1047 = arith.minimumf %max3A_1024, %min3A_1045 : vector<16xf32>
      %max3A_1048 = arith.maximumf %max3A_1026, %min3A_1047 : vector<16xf32>
      %min3A_1049 = arith.minimumf %max3A_1026, %min3A_1047 : vector<16xf32>
      %max3A_1050 = arith.maximumf %max3A_1028, %min3A_1049 : vector<16xf32>
      %min3A_1051 = arith.minimumf %max3A_1028, %min3A_1049 : vector<16xf32>
      %max3A_1052 = arith.maximumf %max3A_1030, %min3A_1051 : vector<16xf32>
      %min3A_1053 = arith.minimumf %max3A_1030, %min3A_1051 : vector<16xf32>
      %max3A_1054 = arith.maximumf %max3A_1032, %min3A_1053 : vector<16xf32>
      %min3A_1055 = arith.minimumf %max3A_1032, %min3A_1053 : vector<16xf32>
      %max3A_1056 = arith.maximumf %max3A_1034, %min3A_1055 : vector<16xf32>
      %min3A_1057 = arith.minimumf %max3A_1034, %min3A_1055 : vector<16xf32>
      %scan3A_1058 = arith.constant 2 : i32
      %scan3A_1059 = arith.addi %scan3A_1010, %scan3A_1058 : i32
      %get3A_1060 = arith.index_cast %scan3A_1059 : i32 to index
      %get3A_1061 = arith.constant 0 : index
      %get3A_1062 = tpu.vector_load %arg4[%get3A_1060, %get3A_1061] {strides = array<i32>} : memref<1024x16xf32, #tpu.memory_space<vmem>>, vector<1x16xf32>,
      %get3A_1063 = vector.shape_cast %get3A_1062 : vector<1x16xf32> to vector<16xf32>
      %max3A_1064 = arith.maximumf %max3A_1042, %get3A_1063 : vector<16xf32>
      %min3A_1065 = arith.minimumf %max3A_1042, %get3A_1063 : vector<16xf32>
      %max3A_1066 = arith.maximumf %max3A_1044, %min3A_1065 : vector<16xf32>
      %min3A_1067 = arith.minimumf %max3A_1044, %min3A_1065 : vector<16xf32>
      %max3A_1068 = arith.maximumf %max3A_1046, %min3A_1067 : vector<16xf32>
      %min3A_1069 = arith.minimumf %max3A_1046, %min3A_1067 : vector<16xf32>
      %max3A_1070 = arith.maximumf %max3A_1048, %min3A_1069 : vector<16xf32>
      %min3A_1071 = arith.minimumf %max3A_1048, %min3A_1069 : vector<16xf32>
      %max3A_1072 = arith.maximumf %max3A_1050, %min3A_1071 : vector<16xf32>
      %min3A_1073 = arith.minimumf %max3A_1050, %min3A_1071 : vector<16xf32>
      %max3A_1074 = arith.maximumf %max3A_1052, %min3A_1073 : vector<16xf32>
      %min3A_1075 = arith.minimumf %max3A_1052, %min3A_1073 : vector<16xf32>
      %max3A_1076 = arith.maximumf %max3A_1054, %min3A_1075 : vector<16xf32>
      %min3A_1077 = arith.minimumf %max3A_1054, %min3A_1075 : vector<16xf32>
      %max3A_1078 = arith.maximumf %max3A_1056, %min3A_1077 : vector<16xf32>
      %min3A_1079 = arith.minimumf %max3A_1056, %min3A_1077 : vector<16xf32>
      %scan3A_1080 = arith.constant 3 : i32
      %scan3A_1081 = arith.addi %scan3A_1010, %scan3A_1080 : i32
      %get3A_1082 = arith.index_cast %scan3A_1081 : i32 to index
      %get3A_1083 = arith.constant 0 : index
      %get3A_1084 = tpu.vector_load %arg4[%get3A_1082, %get3A_1083] {strides = array<i32>} : memref<1024x16xf32, #tpu.memory_space<vmem>>, vector<1x16xf32>,
      %get3A_1085 = vector.shape_cast %get3A_1084 : vector<1x16xf32> to vector<16xf32>
      %max3A_1086 = arith.maximumf %max3A_1064, %get3A_1085 : vector<16xf32>
      %min3A_1087 = arith.minimumf %max3A_1064, %get3A_1085 : vector<16xf32>
      %max3A_1088 = arith.maximumf %max3A_1066, %min3A_1087 : vector<16xf32>
      %min3A_1089 = arith.minimumf %max3A_1066, %min3A_1087 : vector<16xf32>
      %max3A_1090 = arith.maximumf %max3A_1068, %min3A_1089 : vector<16xf32>
      %min3A_1091 = arith.minimumf %max3A_1068, %min3A_1089 : vector<16xf32>
      %max3A_1092 = arith.maximumf %max3A_1070, %min3A_1091 : vector<16xf32>
      %min3A_1093 = arith.minimumf %max3A_1070, %min3A_1091 : vector<16xf32>
      %max3A_1094 = arith.maximumf %max3A_1072, %min3A_1093 : vector<16xf32>
      %min3A_1095 = arith.minimumf %max3A_1072, %min3A_1093 : vector<16xf32>
      %max3A_1096 = arith.maximumf %max3A_1074, %min3A_1095 : vector<16xf32>
      %min3A_1097 = arith.minimumf %max3A_1074, %min3A_1095 : vector<16xf32>
      %max3A_1098 = arith.maximumf %max3A_1076, %min3A_1097 : vector<16xf32>
      %min3A_1099 = arith.minimumf %max3A_1076, %min3A_1097 : vector<16xf32>
      %max3A_1100 = arith.maximumf %max3A_1078, %min3A_1099 : vector<16xf32>
      %min3A_1101 = arith.minimumf %max3A_1078, %min3A_1099 : vector<16xf32>
      scf.yield %max3A_1086, %max3A_1088, %max3A_1090, %max3A_1092, %max3A_1094, %max3A_1096, %max3A_1098, %max3A_1100 : vector<16xf32>, vector<16xf32>, vector<16xf32>, vector<16xf32>, vector<16xf32>, vector<16xf32>, vector<16xf32>, vector<16xf32>
    }
    %scan3A_577 = arith.constant 1024 : i32
    %swap3A_578 = arith.constant 0 : i32
    %swap3A_579 = arith.index_cast %swap3A_578 : i32 to index
    %swap3A_580 = arith.constant 0 : index
    %swap3A_581 = tpu.vector_load %arg6[%swap3A_579, %swap3A_580] {strides = array<i32>} : memref<8x16xf32, #tpu.memory_space<vmem>>, vector<1x16xf32>,
    %swap3A_582 = vector.shape_cast %swap3A_581 : vector<1x16xf32> to vector<16xf32>
    %swap3A_583 = vector.shape_cast %scan3A_576#0 : vector<16xf32> to vector<1x16xf32>
    tpu.vector_store %arg6[%swap3A_579, %swap3A_580], %swap3A_583 {strides = array<i32>} : memref<8x16xf32, #tpu.memory_space<vmem>>, vector<1x16xf32>,
    %swap3A_584 = arith.constant 1 : i32
    %swap3A_585 = arith.index_cast %swap3A_584 : i32 to index
    %swap3A_586 = arith.constant 0 : index
    %swap3A_587 = tpu.vector_load %arg6[%swap3A_585, %swap3A_586] {strides = array<i32>} : memref<8x16xf32, #tpu.memory_space<vmem>>, vector<1x16xf32>,
    %swap3A_588 = vector.shape_cast %swap3A_587 : vector<1x16xf32> to vector<16xf32>
    %swap3A_589 = vector.shape_cast %scan3A_576#1 : vector<16xf32> to vector<1x16xf32>
    tpu.vector_store %arg6[%swap3A_585, %swap3A_586], %swap3A_589 {strides = array<i32>} : memref<8x16xf32, #tpu.memory_space<vmem>>, vector<1x16xf32>,
    %swap3A_590 = arith.constant 2 : i32
    %swap3A_591 = arith.index_cast %swap3A_590 : i32 to index
    %swap3A_592 = arith.constant 0 : index
    %swap3A_593 = tpu.vector_load %arg6[%swap3A_591, %swap3A_592] {strides = array<i32>} : memref<8x16xf32, #tpu.memory_space<vmem>>, vector<1x16xf32>,
    %swap3A_594 = vector.shape_cast %swap3A_593 : vector<1x16xf32> to vector<16xf32>
    %swap3A_595 = vector.shape_cast %scan3A_576#2 : vector<16xf32> to vector<1x16xf32>
    tpu.vector_store %arg6[%swap3A_591, %swap3A_592], %swap3A_595 {strides = array<i32>} : memref<8x16xf32, #tpu.memory_space<vmem>>, vector<1x16xf32>,
    %swap3A_596 = arith.constant 3 : i32
    %swap3A_597 = arith.index_cast %swap3A_596 : i32 to index
    %swap3A_598 = arith.constant 0 : index
    %swap3A_599 = tpu.vector_load %arg6[%swap3A_597, %swap3A_598] {strides = array<i32>} : memref<8x16xf32, #tpu.memory_space<vmem>>, vector<1x16xf32>,
    %swap3A_600 = vector.shape_cast %swap3A_599 : vector<1x16xf32> to vector<16xf32>
    %swap3A_601 = vector.shape_cast %scan3A_576#3 : vector<16xf32> to vector<1x16xf32>
    tpu.vector_store %arg6[%swap3A_597, %swap3A_598], %swap3A_601 {strides = array<i32>} : memref<8x16xf32, #tpu.memory_space<vmem>>, vector<1x16xf32>,
    %swap3A_602 = arith.constant 4 : i32
    %swap3A_603 = arith.index_cast %swap3A_602 : i32 to index
    %swap3A_604 = arith.constant 0 : index
    %swap3A_605 = tpu.vector_load %arg6[%swap3A_603, %swap3A_604] {strides = array<i32>} : memref<8x16xf32, #tpu.memory_space<vmem>>, vector<1x16xf32>,
    %swap3A_606 = vector.shape_cast %swap3A_605 : vector<1x16xf32> to vector<16xf32>
    %swap3A_607 = vector.shape_cast %scan3A_576#4 : vector<16xf32> to vector<1x16xf32>
    tpu.vector_store %arg6[%swap3A_603, %swap3A_604], %swap3A_607 {strides = array<i32>} : memref<8x16xf32, #tpu.memory_space<vmem>>, vector<1x16xf32>,
    %swap3A_608 = arith.constant 5 : i32
    %swap3A_609 = arith.index_cast %swap3A_608 : i32 to index
    %swap3A_610 = arith.constant 0 : index
    %swap3A_611 = tpu.vector_load %arg6[%swap3A_609, %swap3A_610] {strides = array<i32>} : memref<8x16xf32, #tpu.memory_space<vmem>>, vector<1x16xf32>,
    %swap3A_612 = vector.shape_cast %swap3A_611 : vector<1x16xf32> to vector<16xf32>
    %swap3A_613 = vector.shape_cast %scan3A_576#5 : vector<16xf32> to vector<1x16xf32>
    tpu.vector_store %arg6[%swap3A_609, %swap3A_610], %swap3A_613 {strides = array<i32>} : memref<8x16xf32, #tpu.memory_space<vmem>>, vector<1x16xf32>,
    %swap3A_614 = arith.constant 6 : i32
    %swap3A_615 = arith.index_cast %swap3A_614 : i32 to index
    %swap3A_616 = arith.constant 0 : index
    %swap3A_617 = tpu.vector_load %arg6[%swap3A_615, %swap3A_616] {strides = array<i32>} : memref<8x16xf32, #tpu.memory_space<vmem>>, vector<1x16xf32>,
    %swap3A_618 = vector.shape_cast %swap3A_617 : vector<1x16xf32> to vector<16xf32>
    %swap3A_619 = vector.shape_cast %scan3A_576#6 : vector<16xf32> to vector<1x16xf32>
    tpu.vector_store %arg6[%swap3A_615, %swap3A_616], %swap3A_619 {strides = array<i32>} : memref<8x16xf32, #tpu.memory_space<vmem>>, vector<1x16xf32>,
    %swap3A_620 = arith.constant 7 : i32
    %swap3A_621 = arith.index_cast %swap3A_620 : i32 to index
    %swap3A_622 = arith.constant 0 : index
    %swap3A_623 = tpu.vector_load %arg6[%swap3A_621, %swap3A_622] {strides = array<i32>} : memref<8x16xf32, #tpu.memory_space<vmem>>, vector<1x16xf32>,
    %swap3A_624 = vector.shape_cast %swap3A_623 : vector<1x16xf32> to vector<16xf32>
    %swap3A_625 = vector.shape_cast %scan3A_576#7 : vector<16xf32> to vector<1x16xf32>
    tpu.vector_store %arg6[%swap3A_621, %swap3A_622], %swap3A_625 {strides = array<i32>} : memref<8x16xf32, #tpu.memory_space<vmem>>, vector<1x16xf32>,
    "tpu.region"() ({
      %run_scoped3A = tpu.sem_alloc : memref<!tpu.dma_semaphore, #tpu.memory_space<semaphore_mem>>
      %dma_start3A_1010 = arith.constant 0 : i32
      %dma_start3A_1011 = tpu.memref_slice %arg3[%select_n3A_525, %dma_start3A_1010, %mul3A_543] : memref<4x8x1024xf32, #tpu.memory_space<hbm>> -> memref<1x8x16xf32, #tpu.memory_space<hbm>>
      %dma_start3A_1012 = tpu.memref_squeeze %dma_start3A_1011 : memref<1x8x16xf32, #tpu.memory_space<hbm>> -> memref<8x16xf32, #tpu.memory_space<hbm>>
      %dma_start3A_1013 = arith.constant 0 : i32
      %dma_start3A_1014 = tpu.memref_slice %arg3[%select_n3A_525, %dma_start3A_1013, %mul3A_543] : memref<4x8x1024xf32, #tpu.memory_space<hbm>> -> memref<1x8x16xf32, #tpu.memory_space<hbm>>
      %dma_start3A_1015 = tpu.memref_squeeze %dma_start3A_1014 : memref<1x8x16xf32, #tpu.memory_space<hbm>> -> memref<8x16xf32, #tpu.memory_space<hbm>>
      tpu.enqueue_dma source(%arg6 : memref<8x16xf32, #tpu.memory_space<vmem>>) target(%dma_start3A_1015 : memref<8x16xf32, #tpu.memory_space<hbm>>) target_semaphore(%run_scoped3A : memref<!tpu.dma_semaphore, #tpu.memory_space<semaphore_mem>>)
      %dma_wait3A_1016 = arith.constant 0 : i32
      %dma_wait3A_1017 = tpu.memref_slice %arg3[%select_n3A_525, %dma_wait3A_1016, %mul3A_543] : memref<4x8x1024xf32, #tpu.memory_space<hbm>> -> memref<1x8x16xf32, #tpu.memory_space<hbm>>
      %dma_wait3A_1018 = tpu.memref_squeeze %dma_wait3A_1017 : memref<1x8x16xf32, #tpu.memory_space<hbm>> -> memref<8x16xf32, #tpu.memory_space<hbm>>
      %dma_wait3A_1019 = arith.constant 0 : i32
      %dma_wait3A_1020 = tpu.memref_slice %arg3[%select_n3A_525, %dma_wait3A_1019, %mul3A_543] : memref<4x8x1024xf32, #tpu.memory_space<hbm>> -> memref<1x8x16xf32, #tpu.memory_space<hbm>>
      %dma_wait3A_1021 = tpu.memref_squeeze %dma_wait3A_1020 : memref<1x8x16xf32, #tpu.memory_space<hbm>> -> memref<8x16xf32, #tpu.memory_space<hbm>>
      tpu.wait_dma2 semaphore(%run_scoped3A : memref<!tpu.dma_semaphore, #tpu.memory_space<semaphore_mem>>) src(%arg6 : memref<8x16xf32, #tpu.memory_space<vmem>>) dst(%dma_wait3A_1021 : memref<8x16xf32, #tpu.memory_space<hbm>>)
      tpu.yield
    }) : () -> ()
    %mul3A_626 = arith.constant 8 : i32
    %mul3A_627 = arith.muli %add3A, %mul3A_626 : i32
    %add3A_628 = arith.constant 5 : i32
    %add3A_629 = arith.addi %mul3A_627, %add3A_628 : i32
    %jit3A_630 = arith.constant 64 : i32
    %div3A_631 = arith.divsi %add3A_629, %jit3A_630 : i32
    %sign3A_632 = arith.constant 0 : i32
    %sign3A_633 = arith.cmpi sgt, %add3A_629, %sign3A_632 : i32
    %sign3A_634 = arith.extui %sign3A_633 : i1 to i32
    %sign3A_635 = arith.constant 0 : i32
    %sign3A_636 = arith.cmpi slt, %add3A_629, %sign3A_635 : i32
    %sign3A_637 = arith.extui %sign3A_636 : i1 to i32
    %sign3A_638 = arith.subi %sign3A_634, %sign3A_637 : i32
    %sign3A_639 = arith.constant 0 : i32
    %sign3A_640 = arith.cmpi sgt, %jit3A_630, %sign3A_639 : i32
    %sign3A_641 = arith.extui %sign3A_640 : i1 to i32
    %sign3A_642 = arith.constant 0 : i32
    %sign3A_643 = arith.cmpi slt, %jit3A_630, %sign3A_642 : i32
    %sign3A_644 = arith.extui %sign3A_643 : i1 to i32
    %sign3A_645 = arith.subi %sign3A_641, %sign3A_644 : i32
    %ne3A_646 = arith.cmpi ne, %sign3A_638, %sign3A_645 : i32
    %rem3A_647 = arith.remsi %add3A_629, %jit3A_630 : i32
    %ne3A_648 = arith.constant 0 : i32
    %ne3A_649 = arith.cmpi ne, %rem3A_647, %ne3A_648 : i32
    %and3A_650 = arith.andi %ne3A_646, %ne3A_649 : i1
    %sub3A_651 = arith.constant 1 : i32
    %sub3A_652 = arith.subi %div3A_631, %sub3A_651 : i32
    %select_n3A_653 = arith.select %and3A_650, %sub3A_652, %div3A_631 : i32
    %jit3A_654 = arith.constant 64 : i32
    %eq3A_655 = arith.constant 0 : i32
    %eq3A_656 = arith.cmpi eq, %jit3A_654, %eq3A_655 : i32
    %jit3A_657 = arith.constant 1 : i32
    %select_n3A_658 = arith.select %eq3A_656, %jit3A_657, %jit3A_654 : i32
    %rem3A_659 = arith.remsi %add3A_629, %select_n3A_658 : i32
    %ne3A_660 = arith.constant 0 : i32
    %ne3A_661 = arith.cmpi ne, %rem3A_659, %ne3A_660 : i32
    %lt3A_662 = arith.constant 0 : i32
    %lt3A_663 = arith.cmpi slt, %rem3A_659, %lt3A_662 : i32
    %lt3A_664 = arith.constant 0 : i32
    %lt3A_665 = arith.cmpi slt, %select_n3A_658, %lt3A_664 : i32
    %ne3A_666 = arith.xori %lt3A_663, %lt3A_665 : i1
    %and3A_667 = arith.andi %ne3A_666, %ne3A_661 : i1
    %add3A_668 = arith.addi %rem3A_659, %select_n3A_658 : i32
    %select_n3A_669 = arith.select %and3A_667, %add3A_668, %rem3A_659 : i32
    %mul3A_670 = arith.constant 16 : i32
    %mul3A_671 = arith.muli %select_n3A_669, %mul3A_670 : i32
    %dma_start3A_672 = arith.constant 7168 : i32
    %dma_start3A_673 = tpu.memref_slice %arg2[%select_n3A_653, %dma_start3A_672, %mul3A_671] : memref<4x8192x1024xf32, #tpu.memory_space<hbm>> -> memref<1x1024x16xf32, #tpu.memory_space<hbm>>
    %dma_start3A_674 = tpu.memref_squeeze %dma_start3A_673 : memref<1x1024x16xf32, #tpu.memory_space<hbm>> -> memref<1024x16xf32, #tpu.memory_space<hbm>>
    %dma_start3A_675 = arith.constant 7168 : i32
    %dma_start3A_676 = tpu.memref_slice %arg2[%select_n3A_653, %dma_start3A_675, %mul3A_671] : memref<4x8192x1024xf32, #tpu.memory_space<hbm>> -> memref<1x1024x16xf32, #tpu.memory_space<hbm>>
    %dma_start3A_677 = tpu.memref_squeeze %dma_start3A_676 : memref<1x1024x16xf32, #tpu.memory_space<hbm>> -> memref<1024x16xf32, #tpu.memory_space<hbm>>
    tpu.enqueue_dma source(%dma_start3A_677 : memref<1024x16xf32, #tpu.memory_space<hbm>>) target(%arg4 : memref<1024x16xf32, #tpu.memory_space<vmem>>) target_semaphore(%arg7 : memref<!tpu.dma_semaphore, #tpu.memory_space<semaphore_mem>>)
    %broadcast_in_dim3A_678 = arith.constant 0xFF800000 : f32
    %broadcast_in_dim3A_679 = vector.broadcast %broadcast_in_dim3A_678 : f32 to vector<16xf32>
    %broadcast_in_dim3A_680 = arith.constant 0xFF800000 : f32
    %broadcast_in_dim3A_681 = vector.broadcast %broadcast_in_dim3A_680 : f32 to vector<16xf32>
    %broadcast_in_dim3A_682 = arith.constant 0xFF800000 : f32
    %broadcast_in_dim3A_683 = vector.broadcast %broadcast_in_dim3A_682 : f32 to vector<16xf32>
    %broadcast_in_dim3A_684 = arith.constant 0xFF800000 : f32
    %broadcast_in_dim3A_685 = vector.broadcast %broadcast_in_dim3A_684 : f32 to vector<16xf32>
    %broadcast_in_dim3A_686 = arith.constant 0xFF800000 : f32
    %broadcast_in_dim3A_687 = vector.broadcast %broadcast_in_dim3A_686 : f32 to vector<16xf32>
    %broadcast_in_dim3A_688 = arith.constant 0xFF800000 : f32
    %broadcast_in_dim3A_689 = vector.broadcast %broadcast_in_dim3A_688 : f32 to vector<16xf32>
    %broadcast_in_dim3A_690 = arith.constant 0xFF800000 : f32
    %broadcast_in_dim3A_691 = vector.broadcast %broadcast_in_dim3A_690 : f32 to vector<16xf32>
    %broadcast_in_dim3A_692 = arith.constant 0xFF800000 : f32
    %broadcast_in_dim3A_693 = vector.broadcast %broadcast_in_dim3A_692 : f32 to vector<16xf32>
    %dma_wait3A_694 = arith.constant 7168 : i32
    %dma_wait3A_695 = tpu.memref_slice %arg2[%select_n3A_653, %dma_wait3A_694, %mul3A_671] : memref<4x8192x1024xf32, #tpu.memory_space<hbm>> -> memref<1x1024x16xf32, #tpu.memory_space<hbm>>
    %dma_wait3A_696 = tpu.memref_squeeze %dma_wait3A_695 : memref<1x1024x16xf32, #tpu.memory_space<hbm>> -> memref<1024x16xf32, #tpu.memory_space<hbm>>
    %dma_wait3A_697 = arith.constant 7168 : i32
    %dma_wait3A_698 = tpu.memref_slice %arg2[%select_n3A_653, %dma_wait3A_697, %mul3A_671] : memref<4x8192x1024xf32, #tpu.memory_space<hbm>> -> memref<1x1024x16xf32, #tpu.memory_space<hbm>>
    %dma_wait3A_699 = tpu.memref_squeeze %dma_wait3A_698 : memref<1x1024x16xf32, #tpu.memory_space<hbm>> -> memref<1024x16xf32, #tpu.memory_space<hbm>>
    tpu.wait_dma2 semaphore(%arg7 : memref<!tpu.dma_semaphore, #tpu.memory_space<semaphore_mem>>) src(%dma_wait3A_699 : memref<1024x16xf32, #tpu.memory_space<hbm>>) dst(%arg4 : memref<1024x16xf32, #tpu.memory_space<vmem>>)
    %scan3A_700 = arith.constant 0 : i32
    %scan3A_701 = arith.constant 1024 : i32
    %scan3A_702 = arith.addi %scan3A_700, %scan3A_701 : i32
    %scan3A_703 = arith.constant 4 : i32
    %scan3A_704:8 = scf.for %scan3A_1010 = %scan3A_700 to %scan3A_702 step %scan3A_703 iter_args(%scan3A_1011 = %broadcast_in_dim3A_679, %scan3A_1012 = %broadcast_in_dim3A_681, %scan3A_1013 = %broadcast_in_dim3A_683, %scan3A_1014 = %broadcast_in_dim3A_685, %scan3A_1015 = %broadcast_in_dim3A_687, %scan3A_1016 = %broadcast_in_dim3A_689, %scan3A_1017 = %broadcast_in_dim3A_691, %scan3A_1018 = %broadcast_in_dim3A_693) -> (vector<16xf32>, vector<16xf32>, vector<16xf32>, vector<16xf32>, vector<16xf32>, vector<16xf32>, vector<16xf32>, vector<16xf32>)  : i32 {
      %get3A = arith.index_cast %scan3A_1010 : i32 to index
      %get3A_1019 = arith.constant 0 : index
      %get3A_1020 = tpu.vector_load %arg4[%get3A, %get3A_1019] {strides = array<i32>} : memref<1024x16xf32, #tpu.memory_space<vmem>>, vector<1x16xf32>,
      %get3A_1021 = vector.shape_cast %get3A_1020 : vector<1x16xf32> to vector<16xf32>
      %max3A = arith.maximumf %scan3A_1011, %get3A_1021 : vector<16xf32>
      %min3A = arith.minimumf %scan3A_1011, %get3A_1021 : vector<16xf32>
      %max3A_1022 = arith.maximumf %scan3A_1012, %min3A : vector<16xf32>
      %min3A_1023 = arith.minimumf %scan3A_1012, %min3A : vector<16xf32>
      %max3A_1024 = arith.maximumf %scan3A_1013, %min3A_1023 : vector<16xf32>
      %min3A_1025 = arith.minimumf %scan3A_1013, %min3A_1023 : vector<16xf32>
      %max3A_1026 = arith.maximumf %scan3A_1014, %min3A_1025 : vector<16xf32>
      %min3A_1027 = arith.minimumf %scan3A_1014, %min3A_1025 : vector<16xf32>
      %max3A_1028 = arith.maximumf %scan3A_1015, %min3A_1027 : vector<16xf32>
      %min3A_1029 = arith.minimumf %scan3A_1015, %min3A_1027 : vector<16xf32>
      %max3A_1030 = arith.maximumf %scan3A_1016, %min3A_1029 : vector<16xf32>
      %min3A_1031 = arith.minimumf %scan3A_1016, %min3A_1029 : vector<16xf32>
      %max3A_1032 = arith.maximumf %scan3A_1017, %min3A_1031 : vector<16xf32>
      %min3A_1033 = arith.minimumf %scan3A_1017, %min3A_1031 : vector<16xf32>
      %max3A_1034 = arith.maximumf %scan3A_1018, %min3A_1033 : vector<16xf32>
      %min3A_1035 = arith.minimumf %scan3A_1018, %min3A_1033 : vector<16xf32>
      %scan3A_1036 = arith.constant 1 : i32
      %scan3A_1037 = arith.addi %scan3A_1010, %scan3A_1036 : i32
      %get3A_1038 = arith.index_cast %scan3A_1037 : i32 to index
      %get3A_1039 = arith.constant 0 : index
      %get3A_1040 = tpu.vector_load %arg4[%get3A_1038, %get3A_1039] {strides = array<i32>} : memref<1024x16xf32, #tpu.memory_space<vmem>>, vector<1x16xf32>,
      %get3A_1041 = vector.shape_cast %get3A_1040 : vector<1x16xf32> to vector<16xf32>
      %max3A_1042 = arith.maximumf %max3A, %get3A_1041 : vector<16xf32>
      %min3A_1043 = arith.minimumf %max3A, %get3A_1041 : vector<16xf32>
      %max3A_1044 = arith.maximumf %max3A_1022, %min3A_1043 : vector<16xf32>
      %min3A_1045 = arith.minimumf %max3A_1022, %min3A_1043 : vector<16xf32>
      %max3A_1046 = arith.maximumf %max3A_1024, %min3A_1045 : vector<16xf32>
      %min3A_1047 = arith.minimumf %max3A_1024, %min3A_1045 : vector<16xf32>
      %max3A_1048 = arith.maximumf %max3A_1026, %min3A_1047 : vector<16xf32>
      %min3A_1049 = arith.minimumf %max3A_1026, %min3A_1047 : vector<16xf32>
      %max3A_1050 = arith.maximumf %max3A_1028, %min3A_1049 : vector<16xf32>
      %min3A_1051 = arith.minimumf %max3A_1028, %min3A_1049 : vector<16xf32>
      %max3A_1052 = arith.maximumf %max3A_1030, %min3A_1051 : vector<16xf32>
      %min3A_1053 = arith.minimumf %max3A_1030, %min3A_1051 : vector<16xf32>
      %max3A_1054 = arith.maximumf %max3A_1032, %min3A_1053 : vector<16xf32>
      %min3A_1055 = arith.minimumf %max3A_1032, %min3A_1053 : vector<16xf32>
      %max3A_1056 = arith.maximumf %max3A_1034, %min3A_1055 : vector<16xf32>
      %min3A_1057 = arith.minimumf %max3A_1034, %min3A_1055 : vector<16xf32>
      %scan3A_1058 = arith.constant 2 : i32
      %scan3A_1059 = arith.addi %scan3A_1010, %scan3A_1058 : i32
      %get3A_1060 = arith.index_cast %scan3A_1059 : i32 to index
      %get3A_1061 = arith.constant 0 : index
      %get3A_1062 = tpu.vector_load %arg4[%get3A_1060, %get3A_1061] {strides = array<i32>} : memref<1024x16xf32, #tpu.memory_space<vmem>>, vector<1x16xf32>,
      %get3A_1063 = vector.shape_cast %get3A_1062 : vector<1x16xf32> to vector<16xf32>
      %max3A_1064 = arith.maximumf %max3A_1042, %get3A_1063 : vector<16xf32>
      %min3A_1065 = arith.minimumf %max3A_1042, %get3A_1063 : vector<16xf32>
      %max3A_1066 = arith.maximumf %max3A_1044, %min3A_1065 : vector<16xf32>
      %min3A_1067 = arith.minimumf %max3A_1044, %min3A_1065 : vector<16xf32>
      %max3A_1068 = arith.maximumf %max3A_1046, %min3A_1067 : vector<16xf32>
      %min3A_1069 = arith.minimumf %max3A_1046, %min3A_1067 : vector<16xf32>
      %max3A_1070 = arith.maximumf %max3A_1048, %min3A_1069 : vector<16xf32>
      %min3A_1071 = arith.minimumf %max3A_1048, %min3A_1069 : vector<16xf32>
      %max3A_1072 = arith.maximumf %max3A_1050, %min3A_1071 : vector<16xf32>
      %min3A_1073 = arith.minimumf %max3A_1050, %min3A_1071 : vector<16xf32>
      %max3A_1074 = arith.maximumf %max3A_1052, %min3A_1073 : vector<16xf32>
      %min3A_1075 = arith.minimumf %max3A_1052, %min3A_1073 : vector<16xf32>
      %max3A_1076 = arith.maximumf %max3A_1054, %min3A_1075 : vector<16xf32>
      %min3A_1077 = arith.minimumf %max3A_1054, %min3A_1075 : vector<16xf32>
      %max3A_1078 = arith.maximumf %max3A_1056, %min3A_1077 : vector<16xf32>
      %min3A_1079 = arith.minimumf %max3A_1056, %min3A_1077 : vector<16xf32>
      %scan3A_1080 = arith.constant 3 : i32
      %scan3A_1081 = arith.addi %scan3A_1010, %scan3A_1080 : i32
      %get3A_1082 = arith.index_cast %scan3A_1081 : i32 to index
      %get3A_1083 = arith.constant 0 : index
      %get3A_1084 = tpu.vector_load %arg4[%get3A_1082, %get3A_1083] {strides = array<i32>} : memref<1024x16xf32, #tpu.memory_space<vmem>>, vector<1x16xf32>,
      %get3A_1085 = vector.shape_cast %get3A_1084 : vector<1x16xf32> to vector<16xf32>
      %max3A_1086 = arith.maximumf %max3A_1064, %get3A_1085 : vector<16xf32>
      %min3A_1087 = arith.minimumf %max3A_1064, %get3A_1085 : vector<16xf32>
      %max3A_1088 = arith.maximumf %max3A_1066, %min3A_1087 : vector<16xf32>
      %min3A_1089 = arith.minimumf %max3A_1066, %min3A_1087 : vector<16xf32>
      %max3A_1090 = arith.maximumf %max3A_1068, %min3A_1089 : vector<16xf32>
      %min3A_1091 = arith.minimumf %max3A_1068, %min3A_1089 : vector<16xf32>
      %max3A_1092 = arith.maximumf %max3A_1070, %min3A_1091 : vector<16xf32>
      %min3A_1093 = arith.minimumf %max3A_1070, %min3A_1091 : vector<16xf32>
      %max3A_1094 = arith.maximumf %max3A_1072, %min3A_1093 : vector<16xf32>
      %min3A_1095 = arith.minimumf %max3A_1072, %min3A_1093 : vector<16xf32>
      %max3A_1096 = arith.maximumf %max3A_1074, %min3A_1095 : vector<16xf32>
      %min3A_1097 = arith.minimumf %max3A_1074, %min3A_1095 : vector<16xf32>
      %max3A_1098 = arith.maximumf %max3A_1076, %min3A_1097 : vector<16xf32>
      %min3A_1099 = arith.minimumf %max3A_1076, %min3A_1097 : vector<16xf32>
      %max3A_1100 = arith.maximumf %max3A_1078, %min3A_1099 : vector<16xf32>
      %min3A_1101 = arith.minimumf %max3A_1078, %min3A_1099 : vector<16xf32>
      scf.yield %max3A_1086, %max3A_1088, %max3A_1090, %max3A_1092, %max3A_1094, %max3A_1096, %max3A_1098, %max3A_1100 : vector<16xf32>, vector<16xf32>, vector<16xf32>, vector<16xf32>, vector<16xf32>, vector<16xf32>, vector<16xf32>, vector<16xf32>
    }
    %scan3A_705 = arith.constant 1024 : i32
    %swap3A_706 = arith.constant 0 : i32
    %swap3A_707 = arith.index_cast %swap3A_706 : i32 to index
    %swap3A_708 = arith.constant 0 : index
    %swap3A_709 = tpu.vector_load %arg6[%swap3A_707, %swap3A_708] {strides = array<i32>} : memref<8x16xf32, #tpu.memory_space<vmem>>, vector<1x16xf32>,
    %swap3A_710 = vector.shape_cast %swap3A_709 : vector<1x16xf32> to vector<16xf32>
    %swap3A_711 = vector.shape_cast %scan3A_704#0 : vector<16xf32> to vector<1x16xf32>
    tpu.vector_store %arg6[%swap3A_707, %swap3A_708], %swap3A_711 {strides = array<i32>} : memref<8x16xf32, #tpu.memory_space<vmem>>, vector<1x16xf32>,
    %swap3A_712 = arith.constant 1 : i32
    %swap3A_713 = arith.index_cast %swap3A_712 : i32 to index
    %swap3A_714 = arith.constant 0 : index
    %swap3A_715 = tpu.vector_load %arg6[%swap3A_713, %swap3A_714] {strides = array<i32>} : memref<8x16xf32, #tpu.memory_space<vmem>>, vector<1x16xf32>,
    %swap3A_716 = vector.shape_cast %swap3A_715 : vector<1x16xf32> to vector<16xf32>
    %swap3A_717 = vector.shape_cast %scan3A_704#1 : vector<16xf32> to vector<1x16xf32>
    tpu.vector_store %arg6[%swap3A_713, %swap3A_714], %swap3A_717 {strides = array<i32>} : memref<8x16xf32, #tpu.memory_space<vmem>>, vector<1x16xf32>,
    %swap3A_718 = arith.constant 2 : i32
    %swap3A_719 = arith.index_cast %swap3A_718 : i32 to index
    %swap3A_720 = arith.constant 0 : index
    %swap3A_721 = tpu.vector_load %arg6[%swap3A_719, %swap3A_720] {strides = array<i32>} : memref<8x16xf32, #tpu.memory_space<vmem>>, vector<1x16xf32>,
    %swap3A_722 = vector.shape_cast %swap3A_721 : vector<1x16xf32> to vector<16xf32>
    %swap3A_723 = vector.shape_cast %scan3A_704#2 : vector<16xf32> to vector<1x16xf32>
    tpu.vector_store %arg6[%swap3A_719, %swap3A_720], %swap3A_723 {strides = array<i32>} : memref<8x16xf32, #tpu.memory_space<vmem>>, vector<1x16xf32>,
    %swap3A_724 = arith.constant 3 : i32
    %swap3A_725 = arith.index_cast %swap3A_724 : i32 to index
    %swap3A_726 = arith.constant 0 : index
    %swap3A_727 = tpu.vector_load %arg6[%swap3A_725, %swap3A_726] {strides = array<i32>} : memref<8x16xf32, #tpu.memory_space<vmem>>, vector<1x16xf32>,
    %swap3A_728 = vector.shape_cast %swap3A_727 : vector<1x16xf32> to vector<16xf32>
    %swap3A_729 = vector.shape_cast %scan3A_704#3 : vector<16xf32> to vector<1x16xf32>
    tpu.vector_store %arg6[%swap3A_725, %swap3A_726], %swap3A_729 {strides = array<i32>} : memref<8x16xf32, #tpu.memory_space<vmem>>, vector<1x16xf32>,
    %swap3A_730 = arith.constant 4 : i32
    %swap3A_731 = arith.index_cast %swap3A_730 : i32 to index
    %swap3A_732 = arith.constant 0 : index
    %swap3A_733 = tpu.vector_load %arg6[%swap3A_731, %swap3A_732] {strides = array<i32>} : memref<8x16xf32, #tpu.memory_space<vmem>>, vector<1x16xf32>,
    %swap3A_734 = vector.shape_cast %swap3A_733 : vector<1x16xf32> to vector<16xf32>
    %swap3A_735 = vector.shape_cast %scan3A_704#4 : vector<16xf32> to vector<1x16xf32>
    tpu.vector_store %arg6[%swap3A_731, %swap3A_732], %swap3A_735 {strides = array<i32>} : memref<8x16xf32, #tpu.memory_space<vmem>>, vector<1x16xf32>,
    %swap3A_736 = arith.constant 5 : i32
    %swap3A_737 = arith.index_cast %swap3A_736 : i32 to index
    %swap3A_738 = arith.constant 0 : index
    %swap3A_739 = tpu.vector_load %arg6[%swap3A_737, %swap3A_738] {strides = array<i32>} : memref<8x16xf32, #tpu.memory_space<vmem>>, vector<1x16xf32>,
    %swap3A_740 = vector.shape_cast %swap3A_739 : vector<1x16xf32> to vector<16xf32>
    %swap3A_741 = vector.shape_cast %scan3A_704#5 : vector<16xf32> to vector<1x16xf32>
    tpu.vector_store %arg6[%swap3A_737, %swap3A_738], %swap3A_741 {strides = array<i32>} : memref<8x16xf32, #tpu.memory_space<vmem>>, vector<1x16xf32>,
    %swap3A_742 = arith.constant 6 : i32
    %swap3A_743 = arith.index_cast %swap3A_742 : i32 to index
    %swap3A_744 = arith.constant 0 : index
    %swap3A_745 = tpu.vector_load %arg6[%swap3A_743, %swap3A_744] {strides = array<i32>} : memref<8x16xf32, #tpu.memory_space<vmem>>, vector<1x16xf32>,
    %swap3A_746 = vector.shape_cast %swap3A_745 : vector<1x16xf32> to vector<16xf32>
    %swap3A_747 = vector.shape_cast %scan3A_704#6 : vector<16xf32> to vector<1x16xf32>
    tpu.vector_store %arg6[%swap3A_743, %swap3A_744], %swap3A_747 {strides = array<i32>} : memref<8x16xf32, #tpu.memory_space<vmem>>, vector<1x16xf32>,
    %swap3A_748 = arith.constant 7 : i32
    %swap3A_749 = arith.index_cast %swap3A_748 : i32 to index
    %swap3A_750 = arith.constant 0 : index
    %swap3A_751 = tpu.vector_load %arg6[%swap3A_749, %swap3A_750] {strides = array<i32>} : memref<8x16xf32, #tpu.memory_space<vmem>>, vector<1x16xf32>,
    %swap3A_752 = vector.shape_cast %swap3A_751 : vector<1x16xf32> to vector<16xf32>
    %swap3A_753 = vector.shape_cast %scan3A_704#7 : vector<16xf32> to vector<1x16xf32>
    tpu.vector_store %arg6[%swap3A_749, %swap3A_750], %swap3A_753 {strides = array<i32>} : memref<8x16xf32, #tpu.memory_space<vmem>>, vector<1x16xf32>,
    "tpu.region"() ({
      %run_scoped3A = tpu.sem_alloc : memref<!tpu.dma_semaphore, #tpu.memory_space<semaphore_mem>>
      %dma_start3A_1010 = arith.constant 0 : i32
      %dma_start3A_1011 = tpu.memref_slice %arg3[%select_n3A_653, %dma_start3A_1010, %mul3A_671] : memref<4x8x1024xf32, #tpu.memory_space<hbm>> -> memref<1x8x16xf32, #tpu.memory_space<hbm>>
      %dma_start3A_1012 = tpu.memref_squeeze %dma_start3A_1011 : memref<1x8x16xf32, #tpu.memory_space<hbm>> -> memref<8x16xf32, #tpu.memory_space<hbm>>
      %dma_start3A_1013 = arith.constant 0 : i32
      %dma_start3A_1014 = tpu.memref_slice %arg3[%select_n3A_653, %dma_start3A_1013, %mul3A_671] : memref<4x8x1024xf32, #tpu.memory_space<hbm>> -> memref<1x8x16xf32, #tpu.memory_space<hbm>>
      %dma_start3A_1015 = tpu.memref_squeeze %dma_start3A_1014 : memref<1x8x16xf32, #tpu.memory_space<hbm>> -> memref<8x16xf32, #tpu.memory_space<hbm>>
      tpu.enqueue_dma source(%arg6 : memref<8x16xf32, #tpu.memory_space<vmem>>) target(%dma_start3A_1015 : memref<8x16xf32, #tpu.memory_space<hbm>>) target_semaphore(%run_scoped3A : memref<!tpu.dma_semaphore, #tpu.memory_space<semaphore_mem>>)
      %dma_wait3A_1016 = arith.constant 0 : i32
      %dma_wait3A_1017 = tpu.memref_slice %arg3[%select_n3A_653, %dma_wait3A_1016, %mul3A_671] : memref<4x8x1024xf32, #tpu.memory_space<hbm>> -> memref<1x8x16xf32, #tpu.memory_space<hbm>>
      %dma_wait3A_1018 = tpu.memref_squeeze %dma_wait3A_1017 : memref<1x8x16xf32, #tpu.memory_space<hbm>> -> memref<8x16xf32, #tpu.memory_space<hbm>>
      %dma_wait3A_1019 = arith.constant 0 : i32
      %dma_wait3A_1020 = tpu.memref_slice %arg3[%select_n3A_653, %dma_wait3A_1019, %mul3A_671] : memref<4x8x1024xf32, #tpu.memory_space<hbm>> -> memref<1x8x16xf32, #tpu.memory_space<hbm>>
      %dma_wait3A_1021 = tpu.memref_squeeze %dma_wait3A_1020 : memref<1x8x16xf32, #tpu.memory_space<hbm>> -> memref<8x16xf32, #tpu.memory_space<hbm>>
      tpu.wait_dma2 semaphore(%run_scoped3A : memref<!tpu.dma_semaphore, #tpu.memory_space<semaphore_mem>>) src(%arg6 : memref<8x16xf32, #tpu.memory_space<vmem>>) dst(%dma_wait3A_1021 : memref<8x16xf32, #tpu.memory_space<hbm>>)
      tpu.yield
    }) : () -> ()
    %mul3A_754 = arith.constant 8 : i32
    %mul3A_755 = arith.muli %add3A, %mul3A_754 : i32
    %add3A_756 = arith.constant 6 : i32
    %add3A_757 = arith.addi %mul3A_755, %add3A_756 : i32
    %jit3A_758 = arith.constant 64 : i32
    %div3A_759 = arith.divsi %add3A_757, %jit3A_758 : i32
    %sign3A_760 = arith.constant 0 : i32
    %sign3A_761 = arith.cmpi sgt, %add3A_757, %sign3A_760 : i32
    %sign3A_762 = arith.extui %sign3A_761 : i1 to i32
    %sign3A_763 = arith.constant 0 : i32
    %sign3A_764 = arith.cmpi slt, %add3A_757, %sign3A_763 : i32
    %sign3A_765 = arith.extui %sign3A_764 : i1 to i32
    %sign3A_766 = arith.subi %sign3A_762, %sign3A_765 : i32
    %sign3A_767 = arith.constant 0 : i32
    %sign3A_768 = arith.cmpi sgt, %jit3A_758, %sign3A_767 : i32
    %sign3A_769 = arith.extui %sign3A_768 : i1 to i32
    %sign3A_770 = arith.constant 0 : i32
    %sign3A_771 = arith.cmpi slt, %jit3A_758, %sign3A_770 : i32
    %sign3A_772 = arith.extui %sign3A_771 : i1 to i32
    %sign3A_773 = arith.subi %sign3A_769, %sign3A_772 : i32
    %ne3A_774 = arith.cmpi ne, %sign3A_766, %sign3A_773 : i32
    %rem3A_775 = arith.remsi %add3A_757, %jit3A_758 : i32
    %ne3A_776 = arith.constant 0 : i32
    %ne3A_777 = arith.cmpi ne, %rem3A_775, %ne3A_776 : i32
    %and3A_778 = arith.andi %ne3A_774, %ne3A_777 : i1
    %sub3A_779 = arith.constant 1 : i32
    %sub3A_780 = arith.subi %div3A_759, %sub3A_779 : i32
    %select_n3A_781 = arith.select %and3A_778, %sub3A_780, %div3A_759 : i32
    %jit3A_782 = arith.constant 64 : i32
    %eq3A_783 = arith.constant 0 : i32
    %eq3A_784 = arith.cmpi eq, %jit3A_782, %eq3A_783 : i32
    %jit3A_785 = arith.constant 1 : i32
    %select_n3A_786 = arith.select %eq3A_784, %jit3A_785, %jit3A_782 : i32
    %rem3A_787 = arith.remsi %add3A_757, %select_n3A_786 : i32
    %ne3A_788 = arith.constant 0 : i32
    %ne3A_789 = arith.cmpi ne, %rem3A_787, %ne3A_788 : i32
    %lt3A_790 = arith.constant 0 : i32
    %lt3A_791 = arith.cmpi slt, %rem3A_787, %lt3A_790 : i32
    %lt3A_792 = arith.constant 0 : i32
    %lt3A_793 = arith.cmpi slt, %select_n3A_786, %lt3A_792 : i32
    %ne3A_794 = arith.xori %lt3A_791, %lt3A_793 : i1
    %and3A_795 = arith.andi %ne3A_794, %ne3A_789 : i1
    %add3A_796 = arith.addi %rem3A_787, %select_n3A_786 : i32
    %select_n3A_797 = arith.select %and3A_795, %add3A_796, %rem3A_787 : i32
    %mul3A_798 = arith.constant 16 : i32
    %mul3A_799 = arith.muli %select_n3A_797, %mul3A_798 : i32
    %dma_start3A_800 = arith.constant 7168 : i32
    %dma_start3A_801 = tpu.memref_slice %arg2[%select_n3A_781, %dma_start3A_800, %mul3A_799] : memref<4x8192x1024xf32, #tpu.memory_space<hbm>> -> memref<1x1024x16xf32, #tpu.memory_space<hbm>>
    %dma_start3A_802 = tpu.memref_squeeze %dma_start3A_801 : memref<1x1024x16xf32, #tpu.memory_space<hbm>> -> memref<1024x16xf32, #tpu.memory_space<hbm>>
    %dma_start3A_803 = arith.constant 7168 : i32
    %dma_start3A_804 = tpu.memref_slice %arg2[%select_n3A_781, %dma_start3A_803, %mul3A_799] : memref<4x8192x1024xf32, #tpu.memory_space<hbm>> -> memref<1x1024x16xf32, #tpu.memory_space<hbm>>
    %dma_start3A_805 = tpu.memref_squeeze %dma_start3A_804 : memref<1x1024x16xf32, #tpu.memory_space<hbm>> -> memref<1024x16xf32, #tpu.memory_space<hbm>>
    tpu.enqueue_dma source(%dma_start3A_805 : memref<1024x16xf32, #tpu.memory_space<hbm>>) target(%arg4 : memref<1024x16xf32, #tpu.memory_space<vmem>>) target_semaphore(%arg7 : memref<!tpu.dma_semaphore, #tpu.memory_space<semaphore_mem>>)
    %broadcast_in_dim3A_806 = arith.constant 0xFF800000 : f32
    %broadcast_in_dim3A_807 = vector.broadcast %broadcast_in_dim3A_806 : f32 to vector<16xf32>
    %broadcast_in_dim3A_808 = arith.constant 0xFF800000 : f32
    %broadcast_in_dim3A_809 = vector.broadcast %broadcast_in_dim3A_808 : f32 to vector<16xf32>
    %broadcast_in_dim3A_810 = arith.constant 0xFF800000 : f32
    %broadcast_in_dim3A_811 = vector.broadcast %broadcast_in_dim3A_810 : f32 to vector<16xf32>
    %broadcast_in_dim3A_812 = arith.constant 0xFF800000 : f32
    %broadcast_in_dim3A_813 = vector.broadcast %broadcast_in_dim3A_812 : f32 to vector<16xf32>
    %broadcast_in_dim3A_814 = arith.constant 0xFF800000 : f32
    %broadcast_in_dim3A_815 = vector.broadcast %broadcast_in_dim3A_814 : f32 to vector<16xf32>
    %broadcast_in_dim3A_816 = arith.constant 0xFF800000 : f32
    %broadcast_in_dim3A_817 = vector.broadcast %broadcast_in_dim3A_816 : f32 to vector<16xf32>
    %broadcast_in_dim3A_818 = arith.constant 0xFF800000 : f32
    %broadcast_in_dim3A_819 = vector.broadcast %broadcast_in_dim3A_818 : f32 to vector<16xf32>
    %broadcast_in_dim3A_820 = arith.constant 0xFF800000 : f32
    %broadcast_in_dim3A_821 = vector.broadcast %broadcast_in_dim3A_820 : f32 to vector<16xf32>
    %dma_wait3A_822 = arith.constant 7168 : i32
    %dma_wait3A_823 = tpu.memref_slice %arg2[%select_n3A_781, %dma_wait3A_822, %mul3A_799] : memref<4x8192x1024xf32, #tpu.memory_space<hbm>> -> memref<1x1024x16xf32, #tpu.memory_space<hbm>>
    %dma_wait3A_824 = tpu.memref_squeeze %dma_wait3A_823 : memref<1x1024x16xf32, #tpu.memory_space<hbm>> -> memref<1024x16xf32, #tpu.memory_space<hbm>>
    %dma_wait3A_825 = arith.constant 7168 : i32
    %dma_wait3A_826 = tpu.memref_slice %arg2[%select_n3A_781, %dma_wait3A_825, %mul3A_799] : memref<4x8192x1024xf32, #tpu.memory_space<hbm>> -> memref<1x1024x16xf32, #tpu.memory_space<hbm>>
    %dma_wait3A_827 = tpu.memref_squeeze %dma_wait3A_826 : memref<1x1024x16xf32, #tpu.memory_space<hbm>> -> memref<1024x16xf32, #tpu.memory_space<hbm>>
    tpu.wait_dma2 semaphore(%arg7 : memref<!tpu.dma_semaphore, #tpu.memory_space<semaphore_mem>>) src(%dma_wait3A_827 : memref<1024x16xf32, #tpu.memory_space<hbm>>) dst(%arg4 : memref<1024x16xf32, #tpu.memory_space<vmem>>)
    %scan3A_828 = arith.constant 0 : i32
    %scan3A_829 = arith.constant 1024 : i32
    %scan3A_830 = arith.addi %scan3A_828, %scan3A_829 : i32
    %scan3A_831 = arith.constant 4 : i32
    %scan3A_832:8 = scf.for %scan3A_1010 = %scan3A_828 to %scan3A_830 step %scan3A_831 iter_args(%scan3A_1011 = %broadcast_in_dim3A_807, %scan3A_1012 = %broadcast_in_dim3A_809, %scan3A_1013 = %broadcast_in_dim3A_811, %scan3A_1014 = %broadcast_in_dim3A_813, %scan3A_1015 = %broadcast_in_dim3A_815, %scan3A_1016 = %broadcast_in_dim3A_817, %scan3A_1017 = %broadcast_in_dim3A_819, %scan3A_1018 = %broadcast_in_dim3A_821) -> (vector<16xf32>, vector<16xf32>, vector<16xf32>, vector<16xf32>, vector<16xf32>, vector<16xf32>, vector<16xf32>, vector<16xf32>)  : i32 {
      %get3A = arith.index_cast %scan3A_1010 : i32 to index
      %get3A_1019 = arith.constant 0 : index
      %get3A_1020 = tpu.vector_load %arg4[%get3A, %get3A_1019] {strides = array<i32>} : memref<1024x16xf32, #tpu.memory_space<vmem>>, vector<1x16xf32>,
      %get3A_1021 = vector.shape_cast %get3A_1020 : vector<1x16xf32> to vector<16xf32>
      %max3A = arith.maximumf %scan3A_1011, %get3A_1021 : vector<16xf32>
      %min3A = arith.minimumf %scan3A_1011, %get3A_1021 : vector<16xf32>
      %max3A_1022 = arith.maximumf %scan3A_1012, %min3A : vector<16xf32>
      %min3A_1023 = arith.minimumf %scan3A_1012, %min3A : vector<16xf32>
      %max3A_1024 = arith.maximumf %scan3A_1013, %min3A_1023 : vector<16xf32>
      %min3A_1025 = arith.minimumf %scan3A_1013, %min3A_1023 : vector<16xf32>
      %max3A_1026 = arith.maximumf %scan3A_1014, %min3A_1025 : vector<16xf32>
      %min3A_1027 = arith.minimumf %scan3A_1014, %min3A_1025 : vector<16xf32>
      %max3A_1028 = arith.maximumf %scan3A_1015, %min3A_1027 : vector<16xf32>
      %min3A_1029 = arith.minimumf %scan3A_1015, %min3A_1027 : vector<16xf32>
      %max3A_1030 = arith.maximumf %scan3A_1016, %min3A_1029 : vector<16xf32>
      %min3A_1031 = arith.minimumf %scan3A_1016, %min3A_1029 : vector<16xf32>
      %max3A_1032 = arith.maximumf %scan3A_1017, %min3A_1031 : vector<16xf32>
      %min3A_1033 = arith.minimumf %scan3A_1017, %min3A_1031 : vector<16xf32>
      %max3A_1034 = arith.maximumf %scan3A_1018, %min3A_1033 : vector<16xf32>
      %min3A_1035 = arith.minimumf %scan3A_1018, %min3A_1033 : vector<16xf32>
      %scan3A_1036 = arith.constant 1 : i32
      %scan3A_1037 = arith.addi %scan3A_1010, %scan3A_1036 : i32
      %get3A_1038 = arith.index_cast %scan3A_1037 : i32 to index
      %get3A_1039 = arith.constant 0 : index
      %get3A_1040 = tpu.vector_load %arg4[%get3A_1038, %get3A_1039] {strides = array<i32>} : memref<1024x16xf32, #tpu.memory_space<vmem>>, vector<1x16xf32>,
      %get3A_1041 = vector.shape_cast %get3A_1040 : vector<1x16xf32> to vector<16xf32>
      %max3A_1042 = arith.maximumf %max3A, %get3A_1041 : vector<16xf32>
      %min3A_1043 = arith.minimumf %max3A, %get3A_1041 : vector<16xf32>
      %max3A_1044 = arith.maximumf %max3A_1022, %min3A_1043 : vector<16xf32>
      %min3A_1045 = arith.minimumf %max3A_1022, %min3A_1043 : vector<16xf32>
      %max3A_1046 = arith.maximumf %max3A_1024, %min3A_1045 : vector<16xf32>
      %min3A_1047 = arith.minimumf %max3A_1024, %min3A_1045 : vector<16xf32>
      %max3A_1048 = arith.maximumf %max3A_1026, %min3A_1047 : vector<16xf32>
      %min3A_1049 = arith.minimumf %max3A_1026, %min3A_1047 : vector<16xf32>
      %max3A_1050 = arith.maximumf %max3A_1028, %min3A_1049 : vector<16xf32>
      %min3A_1051 = arith.minimumf %max3A_1028, %min3A_1049 : vector<16xf32>
      %max3A_1052 = arith.maximumf %max3A_1030, %min3A_1051 : vector<16xf32>
      %min3A_1053 = arith.minimumf %max3A_1030, %min3A_1051 : vector<16xf32>
      %max3A_1054 = arith.maximumf %max3A_1032, %min3A_1053 : vector<16xf32>
      %min3A_1055 = arith.minimumf %max3A_1032, %min3A_1053 : vector<16xf32>
      %max3A_1056 = arith.maximumf %max3A_1034, %min3A_1055 : vector<16xf32>
      %min3A_1057 = arith.minimumf %max3A_1034, %min3A_1055 : vector<16xf32>
      %scan3A_1058 = arith.constant 2 : i32
      %scan3A_1059 = arith.addi %scan3A_1010, %scan3A_1058 : i32
      %get3A_1060 = arith.index_cast %scan3A_1059 : i32 to index
      %get3A_1061 = arith.constant 0 : index
      %get3A_1062 = tpu.vector_load %arg4[%get3A_1060, %get3A_1061] {strides = array<i32>} : memref<1024x16xf32, #tpu.memory_space<vmem>>, vector<1x16xf32>,
      %get3A_1063 = vector.shape_cast %get3A_1062 : vector<1x16xf32> to vector<16xf32>
      %max3A_1064 = arith.maximumf %max3A_1042, %get3A_1063 : vector<16xf32>
      %min3A_1065 = arith.minimumf %max3A_1042, %get3A_1063 : vector<16xf32>
      %max3A_1066 = arith.maximumf %max3A_1044, %min3A_1065 : vector<16xf32>
      %min3A_1067 = arith.minimumf %max3A_1044, %min3A_1065 : vector<16xf32>
      %max3A_1068 = arith.maximumf %max3A_1046, %min3A_1067 : vector<16xf32>
      %min3A_1069 = arith.minimumf %max3A_1046, %min3A_1067 : vector<16xf32>
      %max3A_1070 = arith.maximumf %max3A_1048, %min3A_1069 : vector<16xf32>
      %min3A_1071 = arith.minimumf %max3A_1048, %min3A_1069 : vector<16xf32>
      %max3A_1072 = arith.maximumf %max3A_1050, %min3A_1071 : vector<16xf32>
      %min3A_1073 = arith.minimumf %max3A_1050, %min3A_1071 : vector<16xf32>
      %max3A_1074 = arith.maximumf %max3A_1052, %min3A_1073 : vector<16xf32>
      %min3A_1075 = arith.minimumf %max3A_1052, %min3A_1073 : vector<16xf32>
      %max3A_1076 = arith.maximumf %max3A_1054, %min3A_1075 : vector<16xf32>
      %min3A_1077 = arith.minimumf %max3A_1054, %min3A_1075 : vector<16xf32>
      %max3A_1078 = arith.maximumf %max3A_1056, %min3A_1077 : vector<16xf32>
      %min3A_1079 = arith.minimumf %max3A_1056, %min3A_1077 : vector<16xf32>
      %scan3A_1080 = arith.constant 3 : i32
      %scan3A_1081 = arith.addi %scan3A_1010, %scan3A_1080 : i32
      %get3A_1082 = arith.index_cast %scan3A_1081 : i32 to index
      %get3A_1083 = arith.constant 0 : index
      %get3A_1084 = tpu.vector_load %arg4[%get3A_1082, %get3A_1083] {strides = array<i32>} : memref<1024x16xf32, #tpu.memory_space<vmem>>, vector<1x16xf32>,
      %get3A_1085 = vector.shape_cast %get3A_1084 : vector<1x16xf32> to vector<16xf32>
      %max3A_1086 = arith.maximumf %max3A_1064, %get3A_1085 : vector<16xf32>
      %min3A_1087 = arith.minimumf %max3A_1064, %get3A_1085 : vector<16xf32>
      %max3A_1088 = arith.maximumf %max3A_1066, %min3A_1087 : vector<16xf32>
      %min3A_1089 = arith.minimumf %max3A_1066, %min3A_1087 : vector<16xf32>
      %max3A_1090 = arith.maximumf %max3A_1068, %min3A_1089 : vector<16xf32>
      %min3A_1091 = arith.minimumf %max3A_1068, %min3A_1089 : vector<16xf32>
      %max3A_1092 = arith.maximumf %max3A_1070, %min3A_1091 : vector<16xf32>
      %min3A_1093 = arith.minimumf %max3A_1070, %min3A_1091 : vector<16xf32>
      %max3A_1094 = arith.maximumf %max3A_1072, %min3A_1093 : vector<16xf32>
      %min3A_1095 = arith.minimumf %max3A_1072, %min3A_1093 : vector<16xf32>
      %max3A_1096 = arith.maximumf %max3A_1074, %min3A_1095 : vector<16xf32>
      %min3A_1097 = arith.minimumf %max3A_1074, %min3A_1095 : vector<16xf32>
      %max3A_1098 = arith.maximumf %max3A_1076, %min3A_1097 : vector<16xf32>
      %min3A_1099 = arith.minimumf %max3A_1076, %min3A_1097 : vector<16xf32>
      %max3A_1100 = arith.maximumf %max3A_1078, %min3A_1099 : vector<16xf32>
      %min3A_1101 = arith.minimumf %max3A_1078, %min3A_1099 : vector<16xf32>
      scf.yield %max3A_1086, %max3A_1088, %max3A_1090, %max3A_1092, %max3A_1094, %max3A_1096, %max3A_1098, %max3A_1100 : vector<16xf32>, vector<16xf32>, vector<16xf32>, vector<16xf32>, vector<16xf32>, vector<16xf32>, vector<16xf32>, vector<16xf32>
    }
    %scan3A_833 = arith.constant 1024 : i32
    %swap3A_834 = arith.constant 0 : i32
    %swap3A_835 = arith.index_cast %swap3A_834 : i32 to index
    %swap3A_836 = arith.constant 0 : index
    %swap3A_837 = tpu.vector_load %arg6[%swap3A_835, %swap3A_836] {strides = array<i32>} : memref<8x16xf32, #tpu.memory_space<vmem>>, vector<1x16xf32>,
    %swap3A_838 = vector.shape_cast %swap3A_837 : vector<1x16xf32> to vector<16xf32>
    %swap3A_839 = vector.shape_cast %scan3A_832#0 : vector<16xf32> to vector<1x16xf32>
    tpu.vector_store %arg6[%swap3A_835, %swap3A_836], %swap3A_839 {strides = array<i32>} : memref<8x16xf32, #tpu.memory_space<vmem>>, vector<1x16xf32>,
    %swap3A_840 = arith.constant 1 : i32
    %swap3A_841 = arith.index_cast %swap3A_840 : i32 to index
    %swap3A_842 = arith.constant 0 : index
    %swap3A_843 = tpu.vector_load %arg6[%swap3A_841, %swap3A_842] {strides = array<i32>} : memref<8x16xf32, #tpu.memory_space<vmem>>, vector<1x16xf32>,
    %swap3A_844 = vector.shape_cast %swap3A_843 : vector<1x16xf32> to vector<16xf32>
    %swap3A_845 = vector.shape_cast %scan3A_832#1 : vector<16xf32> to vector<1x16xf32>
    tpu.vector_store %arg6[%swap3A_841, %swap3A_842], %swap3A_845 {strides = array<i32>} : memref<8x16xf32, #tpu.memory_space<vmem>>, vector<1x16xf32>,
    %swap3A_846 = arith.constant 2 : i32
    %swap3A_847 = arith.index_cast %swap3A_846 : i32 to index
    %swap3A_848 = arith.constant 0 : index
    %swap3A_849 = tpu.vector_load %arg6[%swap3A_847, %swap3A_848] {strides = array<i32>} : memref<8x16xf32, #tpu.memory_space<vmem>>, vector<1x16xf32>,
    %swap3A_850 = vector.shape_cast %swap3A_849 : vector<1x16xf32> to vector<16xf32>
    %swap3A_851 = vector.shape_cast %scan3A_832#2 : vector<16xf32> to vector<1x16xf32>
    tpu.vector_store %arg6[%swap3A_847, %swap3A_848], %swap3A_851 {strides = array<i32>} : memref<8x16xf32, #tpu.memory_space<vmem>>, vector<1x16xf32>,
    %swap3A_852 = arith.constant 3 : i32
    %swap3A_853 = arith.index_cast %swap3A_852 : i32 to index
    %swap3A_854 = arith.constant 0 : index
    %swap3A_855 = tpu.vector_load %arg6[%swap3A_853, %swap3A_854] {strides = array<i32>} : memref<8x16xf32, #tpu.memory_space<vmem>>, vector<1x16xf32>,
    %swap3A_856 = vector.shape_cast %swap3A_855 : vector<1x16xf32> to vector<16xf32>
    %swap3A_857 = vector.shape_cast %scan3A_832#3 : vector<16xf32> to vector<1x16xf32>
    tpu.vector_store %arg6[%swap3A_853, %swap3A_854], %swap3A_857 {strides = array<i32>} : memref<8x16xf32, #tpu.memory_space<vmem>>, vector<1x16xf32>,
    %swap3A_858 = arith.constant 4 : i32
    %swap3A_859 = arith.index_cast %swap3A_858 : i32 to index
    %swap3A_860 = arith.constant 0 : index
    %swap3A_861 = tpu.vector_load %arg6[%swap3A_859, %swap3A_860] {strides = array<i32>} : memref<8x16xf32, #tpu.memory_space<vmem>>, vector<1x16xf32>,
    %swap3A_862 = vector.shape_cast %swap3A_861 : vector<1x16xf32> to vector<16xf32>
    %swap3A_863 = vector.shape_cast %scan3A_832#4 : vector<16xf32> to vector<1x16xf32>
    tpu.vector_store %arg6[%swap3A_859, %swap3A_860], %swap3A_863 {strides = array<i32>} : memref<8x16xf32, #tpu.memory_space<vmem>>, vector<1x16xf32>,
    %swap3A_864 = arith.constant 5 : i32
    %swap3A_865 = arith.index_cast %swap3A_864 : i32 to index
    %swap3A_866 = arith.constant 0 : index
    %swap3A_867 = tpu.vector_load %arg6[%swap3A_865, %swap3A_866] {strides = array<i32>} : memref<8x16xf32, #tpu.memory_space<vmem>>, vector<1x16xf32>,
    %swap3A_868 = vector.shape_cast %swap3A_867 : vector<1x16xf32> to vector<16xf32>
    %swap3A_869 = vector.shape_cast %scan3A_832#5 : vector<16xf32> to vector<1x16xf32>
    tpu.vector_store %arg6[%swap3A_865, %swap3A_866], %swap3A_869 {strides = array<i32>} : memref<8x16xf32, #tpu.memory_space<vmem>>, vector<1x16xf32>,
    %swap3A_870 = arith.constant 6 : i32
    %swap3A_871 = arith.index_cast %swap3A_870 : i32 to index
    %swap3A_872 = arith.constant 0 : index
    %swap3A_873 = tpu.vector_load %arg6[%swap3A_871, %swap3A_872] {strides = array<i32>} : memref<8x16xf32, #tpu.memory_space<vmem>>, vector<1x16xf32>,
    %swap3A_874 = vector.shape_cast %swap3A_873 : vector<1x16xf32> to vector<16xf32>
    %swap3A_875 = vector.shape_cast %scan3A_832#6 : vector<16xf32> to vector<1x16xf32>
    tpu.vector_store %arg6[%swap3A_871, %swap3A_872], %swap3A_875 {strides = array<i32>} : memref<8x16xf32, #tpu.memory_space<vmem>>, vector<1x16xf32>,
    %swap3A_876 = arith.constant 7 : i32
    %swap3A_877 = arith.index_cast %swap3A_876 : i32 to index
    %swap3A_878 = arith.constant 0 : index
    %swap3A_879 = tpu.vector_load %arg6[%swap3A_877, %swap3A_878] {strides = array<i32>} : memref<8x16xf32, #tpu.memory_space<vmem>>, vector<1x16xf32>,
    %swap3A_880 = vector.shape_cast %swap3A_879 : vector<1x16xf32> to vector<16xf32>
    %swap3A_881 = vector.shape_cast %scan3A_832#7 : vector<16xf32> to vector<1x16xf32>
    tpu.vector_store %arg6[%swap3A_877, %swap3A_878], %swap3A_881 {strides = array<i32>} : memref<8x16xf32, #tpu.memory_space<vmem>>, vector<1x16xf32>,
    "tpu.region"() ({
      %run_scoped3A = tpu.sem_alloc : memref<!tpu.dma_semaphore, #tpu.memory_space<semaphore_mem>>
      %dma_start3A_1010 = arith.constant 0 : i32
      %dma_start3A_1011 = tpu.memref_slice %arg3[%select_n3A_781, %dma_start3A_1010, %mul3A_799] : memref<4x8x1024xf32, #tpu.memory_space<hbm>> -> memref<1x8x16xf32, #tpu.memory_space<hbm>>
      %dma_start3A_1012 = tpu.memref_squeeze %dma_start3A_1011 : memref<1x8x16xf32, #tpu.memory_space<hbm>> -> memref<8x16xf32, #tpu.memory_space<hbm>>
      %dma_start3A_1013 = arith.constant 0 : i32
      %dma_start3A_1014 = tpu.memref_slice %arg3[%select_n3A_781, %dma_start3A_1013, %mul3A_799] : memref<4x8x1024xf32, #tpu.memory_space<hbm>> -> memref<1x8x16xf32, #tpu.memory_space<hbm>>
      %dma_start3A_1015 = tpu.memref_squeeze %dma_start3A_1014 : memref<1x8x16xf32, #tpu.memory_space<hbm>> -> memref<8x16xf32, #tpu.memory_space<hbm>>
      tpu.enqueue_dma source(%arg6 : memref<8x16xf32, #tpu.memory_space<vmem>>) target(%dma_start3A_1015 : memref<8x16xf32, #tpu.memory_space<hbm>>) target_semaphore(%run_scoped3A : memref<!tpu.dma_semaphore, #tpu.memory_space<semaphore_mem>>)
      %dma_wait3A_1016 = arith.constant 0 : i32
      %dma_wait3A_1017 = tpu.memref_slice %arg3[%select_n3A_781, %dma_wait3A_1016, %mul3A_799] : memref<4x8x1024xf32, #tpu.memory_space<hbm>> -> memref<1x8x16xf32, #tpu.memory_space<hbm>>
      %dma_wait3A_1018 = tpu.memref_squeeze %dma_wait3A_1017 : memref<1x8x16xf32, #tpu.memory_space<hbm>> -> memref<8x16xf32, #tpu.memory_space<hbm>>
      %dma_wait3A_1019 = arith.constant 0 : i32
      %dma_wait3A_1020 = tpu.memref_slice %arg3[%select_n3A_781, %dma_wait3A_1019, %mul3A_799] : memref<4x8x1024xf32, #tpu.memory_space<hbm>> -> memref<1x8x16xf32, #tpu.memory_space<hbm>>
      %dma_wait3A_1021 = tpu.memref_squeeze %dma_wait3A_1020 : memref<1x8x16xf32, #tpu.memory_space<hbm>> -> memref<8x16xf32, #tpu.memory_space<hbm>>
      tpu.wait_dma2 semaphore(%run_scoped3A : memref<!tpu.dma_semaphore, #tpu.memory_space<semaphore_mem>>) src(%arg6 : memref<8x16xf32, #tpu.memory_space<vmem>>) dst(%dma_wait3A_1021 : memref<8x16xf32, #tpu.memory_space<hbm>>)
      tpu.yield
    }) : () -> ()
    %mul3A_882 = arith.constant 8 : i32
    %mul3A_883 = arith.muli %add3A, %mul3A_882 : i32
    %add3A_884 = arith.constant 7 : i32
    %add3A_885 = arith.addi %mul3A_883, %add3A_884 : i32
    %jit3A_886 = arith.constant 64 : i32
    %div3A_887 = arith.divsi %add3A_885, %jit3A_886 : i32
    %sign3A_888 = arith.constant 0 : i32
    %sign3A_889 = arith.cmpi sgt, %add3A_885, %sign3A_888 : i32
    %sign3A_890 = arith.extui %sign3A_889 : i1 to i32
    %sign3A_891 = arith.constant 0 : i32
    %sign3A_892 = arith.cmpi slt, %add3A_885, %sign3A_891 : i32
    %sign3A_893 = arith.extui %sign3A_892 : i1 to i32
    %sign3A_894 = arith.subi %sign3A_890, %sign3A_893 : i32
    %sign3A_895 = arith.constant 0 : i32
    %sign3A_896 = arith.cmpi sgt, %jit3A_886, %sign3A_895 : i32
    %sign3A_897 = arith.extui %sign3A_896 : i1 to i32
    %sign3A_898 = arith.constant 0 : i32
    %sign3A_899 = arith.cmpi slt, %jit3A_886, %sign3A_898 : i32
    %sign3A_900 = arith.extui %sign3A_899 : i1 to i32
    %sign3A_901 = arith.subi %sign3A_897, %sign3A_900 : i32
    %ne3A_902 = arith.cmpi ne, %sign3A_894, %sign3A_901 : i32
    %rem3A_903 = arith.remsi %add3A_885, %jit3A_886 : i32
    %ne3A_904 = arith.constant 0 : i32
    %ne3A_905 = arith.cmpi ne, %rem3A_903, %ne3A_904 : i32
    %and3A_906 = arith.andi %ne3A_902, %ne3A_905 : i1
    %sub3A_907 = arith.constant 1 : i32
    %sub3A_908 = arith.subi %div3A_887, %sub3A_907 : i32
    %select_n3A_909 = arith.select %and3A_906, %sub3A_908, %div3A_887 : i32
    %jit3A_910 = arith.constant 64 : i32
    %eq3A_911 = arith.constant 0 : i32
    %eq3A_912 = arith.cmpi eq, %jit3A_910, %eq3A_911 : i32
    %jit3A_913 = arith.constant 1 : i32
    %select_n3A_914 = arith.select %eq3A_912, %jit3A_913, %jit3A_910 : i32
    %rem3A_915 = arith.remsi %add3A_885, %select_n3A_914 : i32
    %ne3A_916 = arith.constant 0 : i32
    %ne3A_917 = arith.cmpi ne, %rem3A_915, %ne3A_916 : i32
    %lt3A_918 = arith.constant 0 : i32
    %lt3A_919 = arith.cmpi slt, %rem3A_915, %lt3A_918 : i32
    %lt3A_920 = arith.constant 0 : i32
    %lt3A_921 = arith.cmpi slt, %select_n3A_914, %lt3A_920 : i32
    %ne3A_922 = arith.xori %lt3A_919, %lt3A_921 : i1
    %and3A_923 = arith.andi %ne3A_922, %ne3A_917 : i1
    %add3A_924 = arith.addi %rem3A_915, %select_n3A_914 : i32
    %select_n3A_925 = arith.select %and3A_923, %add3A_924, %rem3A_915 : i32
    %mul3A_926 = arith.constant 16 : i32
    %mul3A_927 = arith.muli %select_n3A_925, %mul3A_926 : i32
    %dma_start3A_928 = arith.constant 7168 : i32
    %dma_start3A_929 = tpu.memref_slice %arg2[%select_n3A_909, %dma_start3A_928, %mul3A_927] : memref<4x8192x1024xf32, #tpu.memory_space<hbm>> -> memref<1x1024x16xf32, #tpu.memory_space<hbm>>
    %dma_start3A_930 = tpu.memref_squeeze %dma_start3A_929 : memref<1x1024x16xf32, #tpu.memory_space<hbm>> -> memref<1024x16xf32, #tpu.memory_space<hbm>>
    %dma_start3A_931 = arith.constant 7168 : i32
    %dma_start3A_932 = tpu.memref_slice %arg2[%select_n3A_909, %dma_start3A_931, %mul3A_927] : memref<4x8192x1024xf32, #tpu.memory_space<hbm>> -> memref<1x1024x16xf32, #tpu.memory_space<hbm>>
    %dma_start3A_933 = tpu.memref_squeeze %dma_start3A_932 : memref<1x1024x16xf32, #tpu.memory_space<hbm>> -> memref<1024x16xf32, #tpu.memory_space<hbm>>
    tpu.enqueue_dma source(%dma_start3A_933 : memref<1024x16xf32, #tpu.memory_space<hbm>>) target(%arg4 : memref<1024x16xf32, #tpu.memory_space<vmem>>) target_semaphore(%arg7 : memref<!tpu.dma_semaphore, #tpu.memory_space<semaphore_mem>>)
    %broadcast_in_dim3A_934 = arith.constant 0xFF800000 : f32
    %broadcast_in_dim3A_935 = vector.broadcast %broadcast_in_dim3A_934 : f32 to vector<16xf32>
    %broadcast_in_dim3A_936 = arith.constant 0xFF800000 : f32
    %broadcast_in_dim3A_937 = vector.broadcast %broadcast_in_dim3A_936 : f32 to vector<16xf32>
    %broadcast_in_dim3A_938 = arith.constant 0xFF800000 : f32
    %broadcast_in_dim3A_939 = vector.broadcast %broadcast_in_dim3A_938 : f32 to vector<16xf32>
    %broadcast_in_dim3A_940 = arith.constant 0xFF800000 : f32
    %broadcast_in_dim3A_941 = vector.broadcast %broadcast_in_dim3A_940 : f32 to vector<16xf32>
    %broadcast_in_dim3A_942 = arith.constant 0xFF800000 : f32
    %broadcast_in_dim3A_943 = vector.broadcast %broadcast_in_dim3A_942 : f32 to vector<16xf32>
    %broadcast_in_dim3A_944 = arith.constant 0xFF800000 : f32
    %broadcast_in_dim3A_945 = vector.broadcast %broadcast_in_dim3A_944 : f32 to vector<16xf32>
    %broadcast_in_dim3A_946 = arith.constant 0xFF800000 : f32
    %broadcast_in_dim3A_947 = vector.broadcast %broadcast_in_dim3A_946 : f32 to vector<16xf32>
    %broadcast_in_dim3A_948 = arith.constant 0xFF800000 : f32
    %broadcast_in_dim3A_949 = vector.broadcast %broadcast_in_dim3A_948 : f32 to vector<16xf32>
    %dma_wait3A_950 = arith.constant 7168 : i32
    %dma_wait3A_951 = tpu.memref_slice %arg2[%select_n3A_909, %dma_wait3A_950, %mul3A_927] : memref<4x8192x1024xf32, #tpu.memory_space<hbm>> -> memref<1x1024x16xf32, #tpu.memory_space<hbm>>
    %dma_wait3A_952 = tpu.memref_squeeze %dma_wait3A_951 : memref<1x1024x16xf32, #tpu.memory_space<hbm>> -> memref<1024x16xf32, #tpu.memory_space<hbm>>
    %dma_wait3A_953 = arith.constant 7168 : i32
    %dma_wait3A_954 = tpu.memref_slice %arg2[%select_n3A_909, %dma_wait3A_953, %mul3A_927] : memref<4x8192x1024xf32, #tpu.memory_space<hbm>> -> memref<1x1024x16xf32, #tpu.memory_space<hbm>>
    %dma_wait3A_955 = tpu.memref_squeeze %dma_wait3A_954 : memref<1x1024x16xf32, #tpu.memory_space<hbm>> -> memref<1024x16xf32, #tpu.memory_space<hbm>>
    tpu.wait_dma2 semaphore(%arg7 : memref<!tpu.dma_semaphore, #tpu.memory_space<semaphore_mem>>) src(%dma_wait3A_955 : memref<1024x16xf32, #tpu.memory_space<hbm>>) dst(%arg4 : memref<1024x16xf32, #tpu.memory_space<vmem>>)
    %scan3A_956 = arith.constant 0 : i32
    %scan3A_957 = arith.constant 1024 : i32
    %scan3A_958 = arith.addi %scan3A_956, %scan3A_957 : i32
    %scan3A_959 = arith.constant 4 : i32
    %scan3A_960:8 = scf.for %scan3A_1010 = %scan3A_956 to %scan3A_958 step %scan3A_959 iter_args(%scan3A_1011 = %broadcast_in_dim3A_935, %scan3A_1012 = %broadcast_in_dim3A_937, %scan3A_1013 = %broadcast_in_dim3A_939, %scan3A_1014 = %broadcast_in_dim3A_941, %scan3A_1015 = %broadcast_in_dim3A_943, %scan3A_1016 = %broadcast_in_dim3A_945, %scan3A_1017 = %broadcast_in_dim3A_947, %scan3A_1018 = %broadcast_in_dim3A_949) -> (vector<16xf32>, vector<16xf32>, vector<16xf32>, vector<16xf32>, vector<16xf32>, vector<16xf32>, vector<16xf32>, vector<16xf32>)  : i32 {
      %get3A = arith.index_cast %scan3A_1010 : i32 to index
      %get3A_1019 = arith.constant 0 : index
      %get3A_1020 = tpu.vector_load %arg4[%get3A, %get3A_1019] {strides = array<i32>} : memref<1024x16xf32, #tpu.memory_space<vmem>>, vector<1x16xf32>,
      %get3A_1021 = vector.shape_cast %get3A_1020 : vector<1x16xf32> to vector<16xf32>
      %max3A = arith.maximumf %scan3A_1011, %get3A_1021 : vector<16xf32>
      %min3A = arith.minimumf %scan3A_1011, %get3A_1021 : vector<16xf32>
      %max3A_1022 = arith.maximumf %scan3A_1012, %min3A : vector<16xf32>
      %min3A_1023 = arith.minimumf %scan3A_1012, %min3A : vector<16xf32>
      %max3A_1024 = arith.maximumf %scan3A_1013, %min3A_1023 : vector<16xf32>
      %min3A_1025 = arith.minimumf %scan3A_1013, %min3A_1023 : vector<16xf32>
      %max3A_1026 = arith.maximumf %scan3A_1014, %min3A_1025 : vector<16xf32>
      %min3A_1027 = arith.minimumf %scan3A_1014, %min3A_1025 : vector<16xf32>
      %max3A_1028 = arith.maximumf %scan3A_1015, %min3A_1027 : vector<16xf32>
      %min3A_1029 = arith.minimumf %scan3A_1015, %min3A_1027 : vector<16xf32>
      %max3A_1030 = arith.maximumf %scan3A_1016, %min3A_1029 : vector<16xf32>
      %min3A_1031 = arith.minimumf %scan3A_1016, %min3A_1029 : vector<16xf32>
      %max3A_1032 = arith.maximumf %scan3A_1017, %min3A_1031 : vector<16xf32>
      %min3A_1033 = arith.minimumf %scan3A_1017, %min3A_1031 : vector<16xf32>
      %max3A_1034 = arith.maximumf %scan3A_1018, %min3A_1033 : vector<16xf32>
      %min3A_1035 = arith.minimumf %scan3A_1018, %min3A_1033 : vector<16xf32>
      %scan3A_1036 = arith.constant 1 : i32
      %scan3A_1037 = arith.addi %scan3A_1010, %scan3A_1036 : i32
      %get3A_1038 = arith.index_cast %scan3A_1037 : i32 to index
      %get3A_1039 = arith.constant 0 : index
      %get3A_1040 = tpu.vector_load %arg4[%get3A_1038, %get3A_1039] {strides = array<i32>} : memref<1024x16xf32, #tpu.memory_space<vmem>>, vector<1x16xf32>,
      %get3A_1041 = vector.shape_cast %get3A_1040 : vector<1x16xf32> to vector<16xf32>
      %max3A_1042 = arith.maximumf %max3A, %get3A_1041 : vector<16xf32>
      %min3A_1043 = arith.minimumf %max3A, %get3A_1041 : vector<16xf32>
      %max3A_1044 = arith.maximumf %max3A_1022, %min3A_1043 : vector<16xf32>
      %min3A_1045 = arith.minimumf %max3A_1022, %min3A_1043 : vector<16xf32>
      %max3A_1046 = arith.maximumf %max3A_1024, %min3A_1045 : vector<16xf32>
      %min3A_1047 = arith.minimumf %max3A_1024, %min3A_1045 : vector<16xf32>
      %max3A_1048 = arith.maximumf %max3A_1026, %min3A_1047 : vector<16xf32>
      %min3A_1049 = arith.minimumf %max3A_1026, %min3A_1047 : vector<16xf32>
      %max3A_1050 = arith.maximumf %max3A_1028, %min3A_1049 : vector<16xf32>
      %min3A_1051 = arith.minimumf %max3A_1028, %min3A_1049 : vector<16xf32>
      %max3A_1052 = arith.maximumf %max3A_1030, %min3A_1051 : vector<16xf32>
      %min3A_1053 = arith.minimumf %max3A_1030, %min3A_1051 : vector<16xf32>
      %max3A_1054 = arith.maximumf %max3A_1032, %min3A_1053 : vector<16xf32>
      %min3A_1055 = arith.minimumf %max3A_1032, %min3A_1053 : vector<16xf32>
      %max3A_1056 = arith.maximumf %max3A_1034, %min3A_1055 : vector<16xf32>
      %min3A_1057 = arith.minimumf %max3A_1034, %min3A_1055 : vector<16xf32>
      %scan3A_1058 = arith.constant 2 : i32
      %scan3A_1059 = arith.addi %scan3A_1010, %scan3A_1058 : i32
      %get3A_1060 = arith.index_cast %scan3A_1059 : i32 to index
      %get3A_1061 = arith.constant 0 : index
      %get3A_1062 = tpu.vector_load %arg4[%get3A_1060, %get3A_1061] {strides = array<i32>} : memref<1024x16xf32, #tpu.memory_space<vmem>>, vector<1x16xf32>,
      %get3A_1063 = vector.shape_cast %get3A_1062 : vector<1x16xf32> to vector<16xf32>
      %max3A_1064 = arith.maximumf %max3A_1042, %get3A_1063 : vector<16xf32>
      %min3A_1065 = arith.minimumf %max3A_1042, %get3A_1063 : vector<16xf32>
      %max3A_1066 = arith.maximumf %max3A_1044, %min3A_1065 : vector<16xf32>
      %min3A_1067 = arith.minimumf %max3A_1044, %min3A_1065 : vector<16xf32>
      %max3A_1068 = arith.maximumf %max3A_1046, %min3A_1067 : vector<16xf32>
      %min3A_1069 = arith.minimumf %max3A_1046, %min3A_1067 : vector<16xf32>
      %max3A_1070 = arith.maximumf %max3A_1048, %min3A_1069 : vector<16xf32>
      %min3A_1071 = arith.minimumf %max3A_1048, %min3A_1069 : vector<16xf32>
      %max3A_1072 = arith.maximumf %max3A_1050, %min3A_1071 : vector<16xf32>
      %min3A_1073 = arith.minimumf %max3A_1050, %min3A_1071 : vector<16xf32>
      %max3A_1074 = arith.maximumf %max3A_1052, %min3A_1073 : vector<16xf32>
      %min3A_1075 = arith.minimumf %max3A_1052, %min3A_1073 : vector<16xf32>
      %max3A_1076 = arith.maximumf %max3A_1054, %min3A_1075 : vector<16xf32>
      %min3A_1077 = arith.minimumf %max3A_1054, %min3A_1075 : vector<16xf32>
      %max3A_1078 = arith.maximumf %max3A_1056, %min3A_1077 : vector<16xf32>
      %min3A_1079 = arith.minimumf %max3A_1056, %min3A_1077 : vector<16xf32>
      %scan3A_1080 = arith.constant 3 : i32
      %scan3A_1081 = arith.addi %scan3A_1010, %scan3A_1080 : i32
      %get3A_1082 = arith.index_cast %scan3A_1081 : i32 to index
      %get3A_1083 = arith.constant 0 : index
      %get3A_1084 = tpu.vector_load %arg4[%get3A_1082, %get3A_1083] {strides = array<i32>} : memref<1024x16xf32, #tpu.memory_space<vmem>>, vector<1x16xf32>,
      %get3A_1085 = vector.shape_cast %get3A_1084 : vector<1x16xf32> to vector<16xf32>
      %max3A_1086 = arith.maximumf %max3A_1064, %get3A_1085 : vector<16xf32>
      %min3A_1087 = arith.minimumf %max3A_1064, %get3A_1085 : vector<16xf32>
      %max3A_1088 = arith.maximumf %max3A_1066, %min3A_1087 : vector<16xf32>
      %min3A_1089 = arith.minimumf %max3A_1066, %min3A_1087 : vector<16xf32>
      %max3A_1090 = arith.maximumf %max3A_1068, %min3A_1089 : vector<16xf32>
      %min3A_1091 = arith.minimumf %max3A_1068, %min3A_1089 : vector<16xf32>
      %max3A_1092 = arith.maximumf %max3A_1070, %min3A_1091 : vector<16xf32>
      %min3A_1093 = arith.minimumf %max3A_1070, %min3A_1091 : vector<16xf32>
      %max3A_1094 = arith.maximumf %max3A_1072, %min3A_1093 : vector<16xf32>
      %min3A_1095 = arith.minimumf %max3A_1072, %min3A_1093 : vector<16xf32>
      %max3A_1096 = arith.maximumf %max3A_1074, %min3A_1095 : vector<16xf32>
      %min3A_1097 = arith.minimumf %max3A_1074, %min3A_1095 : vector<16xf32>
      %max3A_1098 = arith.maximumf %max3A_1076, %min3A_1097 : vector<16xf32>
      %min3A_1099 = arith.minimumf %max3A_1076, %min3A_1097 : vector<16xf32>
      %max3A_1100 = arith.maximumf %max3A_1078, %min3A_1099 : vector<16xf32>
      %min3A_1101 = arith.minimumf %max3A_1078, %min3A_1099 : vector<16xf32>
      scf.yield %max3A_1086, %max3A_1088, %max3A_1090, %max3A_1092, %max3A_1094, %max3A_1096, %max3A_1098, %max3A_1100 : vector<16xf32>, vector<16xf32>, vector<16xf32>, vector<16xf32>, vector<16xf32>, vector<16xf32>, vector<16xf32>, vector<16xf32>
    }
    %scan3A_961 = arith.constant 1024 : i32
    %swap3A_962 = arith.constant 0 : i32
    %swap3A_963 = arith.index_cast %swap3A_962 : i32 to index
    %swap3A_964 = arith.constant 0 : index
    %swap3A_965 = tpu.vector_load %arg6[%swap3A_963, %swap3A_964] {strides = array<i32>} : memref<8x16xf32, #tpu.memory_space<vmem>>, vector<1x16xf32>,
    %swap3A_966 = vector.shape_cast %swap3A_965 : vector<1x16xf32> to vector<16xf32>
    %swap3A_967 = vector.shape_cast %scan3A_960#0 : vector<16xf32> to vector<1x16xf32>
    tpu.vector_store %arg6[%swap3A_963, %swap3A_964], %swap3A_967 {strides = array<i32>} : memref<8x16xf32, #tpu.memory_space<vmem>>, vector<1x16xf32>,
    %swap3A_968 = arith.constant 1 : i32
    %swap3A_969 = arith.index_cast %swap3A_968 : i32 to index
    %swap3A_970 = arith.constant 0 : index
    %swap3A_971 = tpu.vector_load %arg6[%swap3A_969, %swap3A_970] {strides = array<i32>} : memref<8x16xf32, #tpu.memory_space<vmem>>, vector<1x16xf32>,
    %swap3A_972 = vector.shape_cast %swap3A_971 : vector<1x16xf32> to vector<16xf32>
    %swap3A_973 = vector.shape_cast %scan3A_960#1 : vector<16xf32> to vector<1x16xf32>
    tpu.vector_store %arg6[%swap3A_969, %swap3A_970], %swap3A_973 {strides = array<i32>} : memref<8x16xf32, #tpu.memory_space<vmem>>, vector<1x16xf32>,
    %swap3A_974 = arith.constant 2 : i32
    %swap3A_975 = arith.index_cast %swap3A_974 : i32 to index
    %swap3A_976 = arith.constant 0 : index
    %swap3A_977 = tpu.vector_load %arg6[%swap3A_975, %swap3A_976] {strides = array<i32>} : memref<8x16xf32, #tpu.memory_space<vmem>>, vector<1x16xf32>,
    %swap3A_978 = vector.shape_cast %swap3A_977 : vector<1x16xf32> to vector<16xf32>
    %swap3A_979 = vector.shape_cast %scan3A_960#2 : vector<16xf32> to vector<1x16xf32>
    tpu.vector_store %arg6[%swap3A_975, %swap3A_976], %swap3A_979 {strides = array<i32>} : memref<8x16xf32, #tpu.memory_space<vmem>>, vector<1x16xf32>,
    %swap3A_980 = arith.constant 3 : i32
    %swap3A_981 = arith.index_cast %swap3A_980 : i32 to index
    %swap3A_982 = arith.constant 0 : index
    %swap3A_983 = tpu.vector_load %arg6[%swap3A_981, %swap3A_982] {strides = array<i32>} : memref<8x16xf32, #tpu.memory_space<vmem>>, vector<1x16xf32>,
    %swap3A_984 = vector.shape_cast %swap3A_983 : vector<1x16xf32> to vector<16xf32>
    %swap3A_985 = vector.shape_cast %scan3A_960#3 : vector<16xf32> to vector<1x16xf32>
    tpu.vector_store %arg6[%swap3A_981, %swap3A_982], %swap3A_985 {strides = array<i32>} : memref<8x16xf32, #tpu.memory_space<vmem>>, vector<1x16xf32>,
    %swap3A_986 = arith.constant 4 : i32
    %swap3A_987 = arith.index_cast %swap3A_986 : i32 to index
    %swap3A_988 = arith.constant 0 : index
    %swap3A_989 = tpu.vector_load %arg6[%swap3A_987, %swap3A_988] {strides = array<i32>} : memref<8x16xf32, #tpu.memory_space<vmem>>, vector<1x16xf32>,
    %swap3A_990 = vector.shape_cast %swap3A_989 : vector<1x16xf32> to vector<16xf32>
    %swap3A_991 = vector.shape_cast %scan3A_960#4 : vector<16xf32> to vector<1x16xf32>
    tpu.vector_store %arg6[%swap3A_987, %swap3A_988], %swap3A_991 {strides = array<i32>} : memref<8x16xf32, #tpu.memory_space<vmem>>, vector<1x16xf32>,
    %swap3A_992 = arith.constant 5 : i32
    %swap3A_993 = arith.index_cast %swap3A_992 : i32 to index
    %swap3A_994 = arith.constant 0 : index
    %swap3A_995 = tpu.vector_load %arg6[%swap3A_993, %swap3A_994] {strides = array<i32>} : memref<8x16xf32, #tpu.memory_space<vmem>>, vector<1x16xf32>,
    %swap3A_996 = vector.shape_cast %swap3A_995 : vector<1x16xf32> to vector<16xf32>
    %swap3A_997 = vector.shape_cast %scan3A_960#5 : vector<16xf32> to vector<1x16xf32>
    tpu.vector_store %arg6[%swap3A_993, %swap3A_994], %swap3A_997 {strides = array<i32>} : memref<8x16xf32, #tpu.memory_space<vmem>>, vector<1x16xf32>,
    %swap3A_998 = arith.constant 6 : i32
    %swap3A_999 = arith.index_cast %swap3A_998 : i32 to index
    %swap3A_1000 = arith.constant 0 : index
    %swap3A_1001 = tpu.vector_load %arg6[%swap3A_999, %swap3A_1000] {strides = array<i32>} : memref<8x16xf32, #tpu.memory_space<vmem>>, vector<1x16xf32>,
    %swap3A_1002 = vector.shape_cast %swap3A_1001 : vector<1x16xf32> to vector<16xf32>
    %swap3A_1003 = vector.shape_cast %scan3A_960#6 : vector<16xf32> to vector<1x16xf32>
    tpu.vector_store %arg6[%swap3A_999, %swap3A_1000], %swap3A_1003 {strides = array<i32>} : memref<8x16xf32, #tpu.memory_space<vmem>>, vector<1x16xf32>,
    %swap3A_1004 = arith.constant 7 : i32
    %swap3A_1005 = arith.index_cast %swap3A_1004 : i32 to index
    %swap3A_1006 = arith.constant 0 : index
    %swap3A_1007 = tpu.vector_load %arg6[%swap3A_1005, %swap3A_1006] {strides = array<i32>} : memref<8x16xf32, #tpu.memory_space<vmem>>, vector<1x16xf32>,
    %swap3A_1008 = vector.shape_cast %swap3A_1007 : vector<1x16xf32> to vector<16xf32>
    %swap3A_1009 = vector.shape_cast %scan3A_960#7 : vector<16xf32> to vector<1x16xf32>
    tpu.vector_store %arg6[%swap3A_1005, %swap3A_1006], %swap3A_1009 {strides = array<i32>} : memref<8x16xf32, #tpu.memory_space<vmem>>, vector<1x16xf32>,
    "tpu.region"() ({
      %run_scoped3A = tpu.sem_alloc : memref<!tpu.dma_semaphore, #tpu.memory_space<semaphore_mem>>
      %dma_start3A_1010 = arith.constant 0 : i32
      %dma_start3A_1011 = tpu.memref_slice %arg3[%select_n3A_909, %dma_start3A_1010, %mul3A_927] : memref<4x8x1024xf32, #tpu.memory_space<hbm>> -> memref<1x8x16xf32, #tpu.memory_space<hbm>>
      %dma_start3A_1012 = tpu.memref_squeeze %dma_start3A_1011 : memref<1x8x16xf32, #tpu.memory_space<hbm>> -> memref<8x16xf32, #tpu.memory_space<hbm>>
      %dma_start3A_1013 = arith.constant 0 : i32
      %dma_start3A_1014 = tpu.memref_slice %arg3[%select_n3A_909, %dma_start3A_1013, %mul3A_927] : memref<4x8x1024xf32, #tpu.memory_space<hbm>> -> memref<1x8x16xf32, #tpu.memory_space<hbm>>
      %dma_start3A_1015 = tpu.memref_squeeze %dma_start3A_1014 : memref<1x8x16xf32, #tpu.memory_space<hbm>> -> memref<8x16xf32, #tpu.memory_space<hbm>>
      tpu.enqueue_dma source(%arg6 : memref<8x16xf32, #tpu.memory_space<vmem>>) target(%dma_start3A_1015 : memref<8x16xf32, #tpu.memory_space<hbm>>) target_semaphore(%run_scoped3A : memref<!tpu.dma_semaphore, #tpu.memory_space<semaphore_mem>>)
      %dma_wait3A_1016 = arith.constant 0 : i32
      %dma_wait3A_1017 = tpu.memref_slice %arg3[%select_n3A_909, %dma_wait3A_1016, %mul3A_927] : memref<4x8x1024xf32, #tpu.memory_space<hbm>> -> memref<1x8x16xf32, #tpu.memory_space<hbm>>
      %dma_wait3A_1018 = tpu.memref_squeeze %dma_wait3A_1017 : memref<1x8x16xf32, #tpu.memory_space<hbm>> -> memref<8x16xf32, #tpu.memory_space<hbm>>
      %dma_wait3A_1019 = arith.constant 0 : i32
      %dma_wait3A_1020 = tpu.memref_slice %arg3[%select_n3A_909, %dma_wait3A_1019, %mul3A_927] : memref<4x8x1024xf32, #tpu.memory_space<hbm>> -> memref<1x8x16xf32, #tpu.memory_space<hbm>>
      %dma_wait3A_1021 = tpu.memref_squeeze %dma_wait3A_1020 : memref<1x8x16xf32, #tpu.memory_space<hbm>> -> memref<8x16xf32, #tpu.memory_space<hbm>>
      tpu.wait_dma2 semaphore(%run_scoped3A : memref<!tpu.dma_semaphore, #tpu.memory_space<semaphore_mem>>) src(%arg6 : memref<8x16xf32, #tpu.memory_space<vmem>>) dst(%dma_wait3A_1021 : memref<8x16xf32, #tpu.memory_space<hbm>>)
      tpu.yield
    }) : () -> ()
    return
  }
}

module attributes {stable_mosaic.version = 14 : i64} {
  func.func @_tc_kernel(%arg0: i32, %arg1: i32, %arg2: memref<1x1024x1024xf32, #tpu.memory_space<vmem>>, %arg3: memref<1x8x1024xf32, #tpu.memory_space<vmem>>, %arg4: memref<64x1024xf32, #tpu.memory_space<vmem>>) attributes {dimension_semantics = [#tpu.dimension_semantics<arbitrary>, #tpu.dimension_semantics<arbitrary>], iteration_bounds = array<i64: 4, 7>, scalar_prefetch = 0 : i64, scratch_operands = 1 : i64, tpu.core_type = #tpu.core_type<tc>, window_params = [{transform_indices = @transform_0, window_bounds = array<i64: 1, 1024, 1024>}, {transform_indices = @transform_1, window_bounds = array<i64: 1, 8, 1024>}]} {
    %eq3A = arith.constant 0 : i32
    %eq3A_0 = arith.cmpi eq, %arg1, %eq3A : i32
    %convert_element_type3A = arith.extui %eq3A_0 : i1 to i32
    %cond3A = arith.constant 0 : i32
    %cond3A_1 = arith.cmpi ne, %convert_element_type3A, %cond3A : i32
    scf.if %cond3A_1 {
      %broadcast_in_dim3A = arith.constant 0xFF800000 : f32
      %broadcast_in_dim3A_58 = vector.broadcast %broadcast_in_dim3A : f32 to vector<64x1024xf32>
      %swap3A_59 = arith.constant 0 : index
      %swap3A_60 = arith.constant 0 : index
      %swap3A_61 = vector.load %arg4[%swap3A_59, %swap3A_60] : memref<64x1024xf32, #tpu.memory_space<vmem>>, vector<64x1024xf32>
      tpu.vector_store %arg4[%swap3A_59, %swap3A_60], %broadcast_in_dim3A_58 {strides = array<i32>} : memref<64x1024xf32, #tpu.memory_space<vmem>>, vector<64x1024xf32>,
    } else {
    }
    %get3A = arith.constant 0 : index
    %get3A_2 = arith.constant 0 : index
    %get3A_3 = vector.load %arg4[%get3A, %get3A_2] : memref<64x1024xf32, #tpu.memory_space<vmem>>, vector<8x1024xf32>
    %get3A_4 = arith.constant 8 : index
    %get3A_5 = arith.constant 0 : index
    %get3A_6 = vector.load %arg4[%get3A_4, %get3A_5] : memref<64x1024xf32, #tpu.memory_space<vmem>>, vector<8x1024xf32>
    %get3A_7 = arith.constant 16 : index
    %get3A_8 = arith.constant 0 : index
    %get3A_9 = vector.load %arg4[%get3A_7, %get3A_8] : memref<64x1024xf32, #tpu.memory_space<vmem>>, vector<8x1024xf32>
    %get3A_10 = arith.constant 24 : index
    %get3A_11 = arith.constant 0 : index
    %get3A_12 = vector.load %arg4[%get3A_10, %get3A_11] : memref<64x1024xf32, #tpu.memory_space<vmem>>, vector<8x1024xf32>
    %get3A_13 = arith.constant 32 : index
    %get3A_14 = arith.constant 0 : index
    %get3A_15 = vector.load %arg4[%get3A_13, %get3A_14] : memref<64x1024xf32, #tpu.memory_space<vmem>>, vector<8x1024xf32>
    %get3A_16 = arith.constant 40 : index
    %get3A_17 = arith.constant 0 : index
    %get3A_18 = vector.load %arg4[%get3A_16, %get3A_17] : memref<64x1024xf32, #tpu.memory_space<vmem>>, vector<8x1024xf32>
    %get3A_19 = arith.constant 48 : index
    %get3A_20 = arith.constant 0 : index
    %get3A_21 = vector.load %arg4[%get3A_19, %get3A_20] : memref<64x1024xf32, #tpu.memory_space<vmem>>, vector<8x1024xf32>
    %get3A_22 = arith.constant 56 : index
    %get3A_23 = arith.constant 0 : index
    %get3A_24 = vector.load %arg4[%get3A_22, %get3A_23] : memref<64x1024xf32, #tpu.memory_space<vmem>>, vector<8x1024xf32>
    %scan3A = arith.constant 0 : i32
    %scan3A_25 = arith.constant 8 : i32
    %scan3A_26 = arith.addi %scan3A, %scan3A_25 : i32
    %scan3A_27 = arith.constant 4 : i32
    %scan3A_28:8 = scf.for %scan3A_58 = %scan3A to %scan3A_26 step %scan3A_27 iter_args(%scan3A_59 = %get3A_3, %scan3A_60 = %get3A_6, %scan3A_61 = %get3A_9, %scan3A_62 = %get3A_12, %scan3A_63 = %get3A_15, %scan3A_64 = %get3A_18, %scan3A_65 = %get3A_21, %scan3A_66 = %get3A_24) -> (vector<8x1024xf32>, vector<8x1024xf32>, vector<8x1024xf32>, vector<8x1024xf32>, vector<8x1024xf32>, vector<8x1024xf32>, vector<8x1024xf32>, vector<8x1024xf32>)  : i32 {
      %mul3A = arith.constant 128 : i32
      %mul3A_67 = arith.muli %scan3A_58, %mul3A : i32
      %add3A = arith.constant 0 : i32
      %add3A_68 = arith.addi %mul3A_67, %add3A : i32
      %get3A_69 = arith.constant 0 : index
      %get3A_70 = arith.index_cast %add3A_68 : i32 to index
      %get3A_71 = arith.constant 0 : index
      %get3A_72 = vector.load %arg2[%get3A_69, %get3A_70, %get3A_71] : memref<1x1024x1024xf32, #tpu.memory_space<vmem>>, vector<1x8x1024xf32>
      %get3A_73 = vector.shape_cast %get3A_72 : vector<1x8x1024xf32> to vector<8x1024xf32>
      %mul3A_74 = arith.constant 128 : i32
      %mul3A_75 = arith.muli %scan3A_58, %mul3A_74 : i32
      %add3A_76 = arith.constant 8 : i32
      %add3A_77 = arith.addi %mul3A_75, %add3A_76 : i32
      %get3A_78 = arith.constant 0 : index
      %get3A_79 = arith.index_cast %add3A_77 : i32 to index
      %get3A_80 = arith.constant 0 : index
      %get3A_81 = vector.load %arg2[%get3A_78, %get3A_79, %get3A_80] : memref<1x1024x1024xf32, #tpu.memory_space<vmem>>, vector<1x8x1024xf32>
      %get3A_82 = vector.shape_cast %get3A_81 : vector<1x8x1024xf32> to vector<8x1024xf32>
      %mul3A_83 = arith.constant 128 : i32
      %mul3A_84 = arith.muli %scan3A_58, %mul3A_83 : i32
      %add3A_85 = arith.constant 16 : i32
      %add3A_86 = arith.addi %mul3A_84, %add3A_85 : i32
      %get3A_87 = arith.constant 0 : index
      %get3A_88 = arith.index_cast %add3A_86 : i32 to index
      %get3A_89 = arith.constant 0 : index
      %get3A_90 = vector.load %arg2[%get3A_87, %get3A_88, %get3A_89] : memref<1x1024x1024xf32, #tpu.memory_space<vmem>>, vector<1x8x1024xf32>
      %get3A_91 = vector.shape_cast %get3A_90 : vector<1x8x1024xf32> to vector<8x1024xf32>
      %mul3A_92 = arith.constant 128 : i32
      %mul3A_93 = arith.muli %scan3A_58, %mul3A_92 : i32
      %add3A_94 = arith.constant 24 : i32
      %add3A_95 = arith.addi %mul3A_93, %add3A_94 : i32
      %get3A_96 = arith.constant 0 : index
      %get3A_97 = arith.index_cast %add3A_95 : i32 to index
      %get3A_98 = arith.constant 0 : index
      %get3A_99 = vector.load %arg2[%get3A_96, %get3A_97, %get3A_98] : memref<1x1024x1024xf32, #tpu.memory_space<vmem>>, vector<1x8x1024xf32>
      %get3A_100 = vector.shape_cast %get3A_99 : vector<1x8x1024xf32> to vector<8x1024xf32>
      %mul3A_101 = arith.constant 128 : i32
      %mul3A_102 = arith.muli %scan3A_58, %mul3A_101 : i32
      %add3A_103 = arith.constant 32 : i32
      %add3A_104 = arith.addi %mul3A_102, %add3A_103 : i32
      %get3A_105 = arith.constant 0 : index
      %get3A_106 = arith.index_cast %add3A_104 : i32 to index
      %get3A_107 = arith.constant 0 : index
      %get3A_108 = vector.load %arg2[%get3A_105, %get3A_106, %get3A_107] : memref<1x1024x1024xf32, #tpu.memory_space<vmem>>, vector<1x8x1024xf32>
      %get3A_109 = vector.shape_cast %get3A_108 : vector<1x8x1024xf32> to vector<8x1024xf32>
      %mul3A_110 = arith.constant 128 : i32
      %mul3A_111 = arith.muli %scan3A_58, %mul3A_110 : i32
      %add3A_112 = arith.constant 40 : i32
      %add3A_113 = arith.addi %mul3A_111, %add3A_112 : i32
      %get3A_114 = arith.constant 0 : index
      %get3A_115 = arith.index_cast %add3A_113 : i32 to index
      %get3A_116 = arith.constant 0 : index
      %get3A_117 = vector.load %arg2[%get3A_114, %get3A_115, %get3A_116] : memref<1x1024x1024xf32, #tpu.memory_space<vmem>>, vector<1x8x1024xf32>
      %get3A_118 = vector.shape_cast %get3A_117 : vector<1x8x1024xf32> to vector<8x1024xf32>
      %mul3A_119 = arith.constant 128 : i32
      %mul3A_120 = arith.muli %scan3A_58, %mul3A_119 : i32
      %add3A_121 = arith.constant 48 : i32
      %add3A_122 = arith.addi %mul3A_120, %add3A_121 : i32
      %get3A_123 = arith.constant 0 : index
      %get3A_124 = arith.index_cast %add3A_122 : i32 to index
      %get3A_125 = arith.constant 0 : index
      %get3A_126 = vector.load %arg2[%get3A_123, %get3A_124, %get3A_125] : memref<1x1024x1024xf32, #tpu.memory_space<vmem>>, vector<1x8x1024xf32>
      %get3A_127 = vector.shape_cast %get3A_126 : vector<1x8x1024xf32> to vector<8x1024xf32>
      %mul3A_128 = arith.constant 128 : i32
      %mul3A_129 = arith.muli %scan3A_58, %mul3A_128 : i32
      %add3A_130 = arith.constant 56 : i32
      %add3A_131 = arith.addi %mul3A_129, %add3A_130 : i32
      %get3A_132 = arith.constant 0 : index
      %get3A_133 = arith.index_cast %add3A_131 : i32 to index
      %get3A_134 = arith.constant 0 : index
      %get3A_135 = vector.load %arg2[%get3A_132, %get3A_133, %get3A_134] : memref<1x1024x1024xf32, #tpu.memory_space<vmem>>, vector<1x8x1024xf32>
      %get3A_136 = vector.shape_cast %get3A_135 : vector<1x8x1024xf32> to vector<8x1024xf32>
      %mul3A_137 = arith.constant 128 : i32
      %mul3A_138 = arith.muli %scan3A_58, %mul3A_137 : i32
      %add3A_139 = arith.constant 64 : i32
      %add3A_140 = arith.addi %mul3A_138, %add3A_139 : i32
      %add3A_141 = arith.constant 0 : i32
      %add3A_142 = arith.addi %add3A_140, %add3A_141 : i32
      %get3A_143 = arith.constant 0 : index
      %get3A_144 = arith.index_cast %add3A_142 : i32 to index
      %get3A_145 = arith.constant 0 : index
      %get3A_146 = vector.load %arg2[%get3A_143, %get3A_144, %get3A_145] : memref<1x1024x1024xf32, #tpu.memory_space<vmem>>, vector<1x8x1024xf32>
      %get3A_147 = vector.shape_cast %get3A_146 : vector<1x8x1024xf32> to vector<8x1024xf32>
      %mul3A_148 = arith.constant 128 : i32
      %mul3A_149 = arith.muli %scan3A_58, %mul3A_148 : i32
      %add3A_150 = arith.constant 64 : i32
      %add3A_151 = arith.addi %mul3A_149, %add3A_150 : i32
      %add3A_152 = arith.constant 8 : i32
      %add3A_153 = arith.addi %add3A_151, %add3A_152 : i32
      %get3A_154 = arith.constant 0 : index
      %get3A_155 = arith.index_cast %add3A_153 : i32 to index
      %get3A_156 = arith.constant 0 : index
      %get3A_157 = vector.load %arg2[%get3A_154, %get3A_155, %get3A_156] : memref<1x1024x1024xf32, #tpu.memory_space<vmem>>, vector<1x8x1024xf32>
      %get3A_158 = vector.shape_cast %get3A_157 : vector<1x8x1024xf32> to vector<8x1024xf32>
      %mul3A_159 = arith.constant 128 : i32
      %mul3A_160 = arith.muli %scan3A_58, %mul3A_159 : i32
      %add3A_161 = arith.constant 64 : i32
      %add3A_162 = arith.addi %mul3A_160, %add3A_161 : i32
      %add3A_163 = arith.constant 16 : i32
      %add3A_164 = arith.addi %add3A_162, %add3A_163 : i32
      %get3A_165 = arith.constant 0 : index
      %get3A_166 = arith.index_cast %add3A_164 : i32 to index
      %get3A_167 = arith.constant 0 : index
      %get3A_168 = vector.load %arg2[%get3A_165, %get3A_166, %get3A_167] : memref<1x1024x1024xf32, #tpu.memory_space<vmem>>, vector<1x8x1024xf32>
      %get3A_169 = vector.shape_cast %get3A_168 : vector<1x8x1024xf32> to vector<8x1024xf32>
      %mul3A_170 = arith.constant 128 : i32
      %mul3A_171 = arith.muli %scan3A_58, %mul3A_170 : i32
      %add3A_172 = arith.constant 64 : i32
      %add3A_173 = arith.addi %mul3A_171, %add3A_172 : i32
      %add3A_174 = arith.constant 24 : i32
      %add3A_175 = arith.addi %add3A_173, %add3A_174 : i32
      %get3A_176 = arith.constant 0 : index
      %get3A_177 = arith.index_cast %add3A_175 : i32 to index
      %get3A_178 = arith.constant 0 : index
      %get3A_179 = vector.load %arg2[%get3A_176, %get3A_177, %get3A_178] : memref<1x1024x1024xf32, #tpu.memory_space<vmem>>, vector<1x8x1024xf32>
      %get3A_180 = vector.shape_cast %get3A_179 : vector<1x8x1024xf32> to vector<8x1024xf32>
      %mul3A_181 = arith.constant 128 : i32
      %mul3A_182 = arith.muli %scan3A_58, %mul3A_181 : i32
      %add3A_183 = arith.constant 64 : i32
      %add3A_184 = arith.addi %mul3A_182, %add3A_183 : i32
      %add3A_185 = arith.constant 32 : i32
      %add3A_186 = arith.addi %add3A_184, %add3A_185 : i32
      %get3A_187 = arith.constant 0 : index
      %get3A_188 = arith.index_cast %add3A_186 : i32 to index
      %get3A_189 = arith.constant 0 : index
      %get3A_190 = vector.load %arg2[%get3A_187, %get3A_188, %get3A_189] : memref<1x1024x1024xf32, #tpu.memory_space<vmem>>, vector<1x8x1024xf32>
      %get3A_191 = vector.shape_cast %get3A_190 : vector<1x8x1024xf32> to vector<8x1024xf32>
      %mul3A_192 = arith.constant 128 : i32
      %mul3A_193 = arith.muli %scan3A_58, %mul3A_192 : i32
      %add3A_194 = arith.constant 64 : i32
      %add3A_195 = arith.addi %mul3A_193, %add3A_194 : i32
      %add3A_196 = arith.constant 40 : i32
      %add3A_197 = arith.addi %add3A_195, %add3A_196 : i32
      %get3A_198 = arith.constant 0 : index
      %get3A_199 = arith.index_cast %add3A_197 : i32 to index
      %get3A_200 = arith.constant 0 : index
      %get3A_201 = vector.load %arg2[%get3A_198, %get3A_199, %get3A_200] : memref<1x1024x1024xf32, #tpu.memory_space<vmem>>, vector<1x8x1024xf32>
      %get3A_202 = vector.shape_cast %get3A_201 : vector<1x8x1024xf32> to vector<8x1024xf32>
      %mul3A_203 = arith.constant 128 : i32
      %mul3A_204 = arith.muli %scan3A_58, %mul3A_203 : i32
      %add3A_205 = arith.constant 64 : i32
      %add3A_206 = arith.addi %mul3A_204, %add3A_205 : i32
      %add3A_207 = arith.constant 48 : i32
      %add3A_208 = arith.addi %add3A_206, %add3A_207 : i32
      %get3A_209 = arith.constant 0 : index
      %get3A_210 = arith.index_cast %add3A_208 : i32 to index
      %get3A_211 = arith.constant 0 : index
      %get3A_212 = vector.load %arg2[%get3A_209, %get3A_210, %get3A_211] : memref<1x1024x1024xf32, #tpu.memory_space<vmem>>, vector<1x8x1024xf32>
      %get3A_213 = vector.shape_cast %get3A_212 : vector<1x8x1024xf32> to vector<8x1024xf32>
      %mul3A_214 = arith.constant 128 : i32
      %mul3A_215 = arith.muli %scan3A_58, %mul3A_214 : i32
      %add3A_216 = arith.constant 64 : i32
      %add3A_217 = arith.addi %mul3A_215, %add3A_216 : i32
      %add3A_218 = arith.constant 56 : i32
      %add3A_219 = arith.addi %add3A_217, %add3A_218 : i32
      %get3A_220 = arith.constant 0 : index
      %get3A_221 = arith.index_cast %add3A_219 : i32 to index
      %get3A_222 = arith.constant 0 : index
      %get3A_223 = vector.load %arg2[%get3A_220, %get3A_221, %get3A_222] : memref<1x1024x1024xf32, #tpu.memory_space<vmem>>, vector<1x8x1024xf32>
      %get3A_224 = vector.shape_cast %get3A_223 : vector<1x8x1024xf32> to vector<8x1024xf32>
      %max3A = arith.maximumf %get3A_73, %get3A_82 : vector<8x1024xf32>
      %min3A = arith.minimumf %get3A_73, %get3A_82 : vector<8x1024xf32>
      %max3A_225 = arith.maximumf %get3A_91, %get3A_100 : vector<8x1024xf32>
      %min3A_226 = arith.minimumf %get3A_91, %get3A_100 : vector<8x1024xf32>
      %max3A_227 = arith.maximumf %get3A_109, %get3A_118 : vector<8x1024xf32>
      %min3A_228 = arith.minimumf %get3A_109, %get3A_118 : vector<8x1024xf32>
      %max3A_229 = arith.maximumf %get3A_127, %get3A_136 : vector<8x1024xf32>
      %min3A_230 = arith.minimumf %get3A_127, %get3A_136 : vector<8x1024xf32>
      %max3A_231 = arith.maximumf %max3A, %max3A_225 : vector<8x1024xf32>
      %min3A_232 = arith.minimumf %max3A, %max3A_225 : vector<8x1024xf32>
      %max3A_233 = arith.maximumf %min3A, %min3A_226 : vector<8x1024xf32>
      %min3A_234 = arith.minimumf %min3A, %min3A_226 : vector<8x1024xf32>
      %max3A_235 = arith.maximumf %max3A_227, %max3A_229 : vector<8x1024xf32>
      %min3A_236 = arith.minimumf %max3A_227, %max3A_229 : vector<8x1024xf32>
      %max3A_237 = arith.maximumf %min3A_228, %min3A_230 : vector<8x1024xf32>
      %min3A_238 = arith.minimumf %min3A_228, %min3A_230 : vector<8x1024xf32>
      %max3A_239 = arith.maximumf %max3A_233, %min3A_232 : vector<8x1024xf32>
      %min3A_240 = arith.minimumf %max3A_233, %min3A_232 : vector<8x1024xf32>
      %max3A_241 = arith.maximumf %max3A_237, %min3A_236 : vector<8x1024xf32>
      %min3A_242 = arith.minimumf %max3A_237, %min3A_236 : vector<8x1024xf32>
      %max3A_243 = arith.maximumf %max3A_231, %max3A_235 : vector<8x1024xf32>
      %min3A_244 = arith.minimumf %max3A_231, %max3A_235 : vector<8x1024xf32>
      %max3A_245 = arith.maximumf %max3A_239, %max3A_241 : vector<8x1024xf32>
      %min3A_246 = arith.minimumf %max3A_239, %max3A_241 : vector<8x1024xf32>
      %max3A_247 = arith.maximumf %min3A_240, %min3A_242 : vector<8x1024xf32>
      %min3A_248 = arith.minimumf %min3A_240, %min3A_242 : vector<8x1024xf32>
      %max3A_249 = arith.maximumf %min3A_234, %min3A_238 : vector<8x1024xf32>
      %min3A_250 = arith.minimumf %min3A_234, %min3A_238 : vector<8x1024xf32>
      %max3A_251 = arith.maximumf %max3A_247, %min3A_244 : vector<8x1024xf32>
      %min3A_252 = arith.minimumf %max3A_247, %min3A_244 : vector<8x1024xf32>
      %max3A_253 = arith.maximumf %max3A_249, %min3A_246 : vector<8x1024xf32>
      %min3A_254 = arith.minimumf %max3A_249, %min3A_246 : vector<8x1024xf32>
      %max3A_255 = arith.maximumf %max3A_245, %max3A_251 : vector<8x1024xf32>
      %min3A_256 = arith.minimumf %max3A_245, %max3A_251 : vector<8x1024xf32>
      %max3A_257 = arith.maximumf %max3A_253, %min3A_252 : vector<8x1024xf32>
      %min3A_258 = arith.minimumf %max3A_253, %min3A_252 : vector<8x1024xf32>
      %max3A_259 = arith.maximumf %min3A_254, %min3A_248 : vector<8x1024xf32>
      %min3A_260 = arith.minimumf %min3A_254, %min3A_248 : vector<8x1024xf32>
      %max3A_261 = arith.maximumf %get3A_147, %get3A_158 : vector<8x1024xf32>
      %min3A_262 = arith.minimumf %get3A_147, %get3A_158 : vector<8x1024xf32>
      %max3A_263 = arith.maximumf %get3A_169, %get3A_180 : vector<8x1024xf32>
      %min3A_264 = arith.minimumf %get3A_169, %get3A_180 : vector<8x1024xf32>
      %max3A_265 = arith.maximumf %get3A_191, %get3A_202 : vector<8x1024xf32>
      %min3A_266 = arith.minimumf %get3A_191, %get3A_202 : vector<8x1024xf32>
      %max3A_267 = arith.maximumf %get3A_213, %get3A_224 : vector<8x1024xf32>
      %min3A_268 = arith.minimumf %get3A_213, %get3A_224 : vector<8x1024xf32>
      %max3A_269 = arith.maximumf %max3A_261, %max3A_263 : vector<8x1024xf32>
      %min3A_270 = arith.minimumf %max3A_261, %max3A_263 : vector<8x1024xf32>
      %max3A_271 = arith.maximumf %min3A_262, %min3A_264 : vector<8x1024xf32>
      %min3A_272 = arith.minimumf %min3A_262, %min3A_264 : vector<8x1024xf32>
      %max3A_273 = arith.maximumf %max3A_265, %max3A_267 : vector<8x1024xf32>
      %min3A_274 = arith.minimumf %max3A_265, %max3A_267 : vector<8x1024xf32>
      %max3A_275 = arith.maximumf %min3A_266, %min3A_268 : vector<8x1024xf32>
      %min3A_276 = arith.minimumf %min3A_266, %min3A_268 : vector<8x1024xf32>
      %max3A_277 = arith.maximumf %max3A_271, %min3A_270 : vector<8x1024xf32>
      %min3A_278 = arith.minimumf %max3A_271, %min3A_270 : vector<8x1024xf32>
      %max3A_279 = arith.maximumf %max3A_275, %min3A_274 : vector<8x1024xf32>
      %min3A_280 = arith.minimumf %max3A_275, %min3A_274 : vector<8x1024xf32>
      %max3A_281 = arith.maximumf %max3A_269, %max3A_273 : vector<8x1024xf32>
      %min3A_282 = arith.minimumf %max3A_269, %max3A_273 : vector<8x1024xf32>
      %max3A_283 = arith.maximumf %max3A_277, %max3A_279 : vector<8x1024xf32>
      %min3A_284 = arith.minimumf %max3A_277, %max3A_279 : vector<8x1024xf32>
      %max3A_285 = arith.maximumf %min3A_278, %min3A_280 : vector<8x1024xf32>
      %min3A_286 = arith.minimumf %min3A_278, %min3A_280 : vector<8x1024xf32>
      %max3A_287 = arith.maximumf %min3A_272, %min3A_276 : vector<8x1024xf32>
      %min3A_288 = arith.minimumf %min3A_272, %min3A_276 : vector<8x1024xf32>
      %max3A_289 = arith.maximumf %max3A_285, %min3A_282 : vector<8x1024xf32>
      %min3A_290 = arith.minimumf %max3A_285, %min3A_282 : vector<8x1024xf32>
      %max3A_291 = arith.maximumf %max3A_287, %min3A_284 : vector<8x1024xf32>
      %min3A_292 = arith.minimumf %max3A_287, %min3A_284 : vector<8x1024xf32>
      %max3A_293 = arith.maximumf %max3A_283, %max3A_289 : vector<8x1024xf32>
      %min3A_294 = arith.minimumf %max3A_283, %max3A_289 : vector<8x1024xf32>
      %max3A_295 = arith.maximumf %max3A_291, %min3A_290 : vector<8x1024xf32>
      %min3A_296 = arith.minimumf %max3A_291, %min3A_290 : vector<8x1024xf32>
      %max3A_297 = arith.maximumf %min3A_292, %min3A_286 : vector<8x1024xf32>
      %min3A_298 = arith.minimumf %min3A_292, %min3A_286 : vector<8x1024xf32>
      %max3A_299 = arith.maximumf %max3A_243, %min3A_288 : vector<8x1024xf32>
      %max3A_300 = arith.maximumf %max3A_255, %min3A_298 : vector<8x1024xf32>
      %max3A_301 = arith.maximumf %min3A_256, %max3A_297 : vector<8x1024xf32>
      %max3A_302 = arith.maximumf %max3A_257, %min3A_296 : vector<8x1024xf32>
      %max3A_303 = arith.maximumf %min3A_258, %max3A_295 : vector<8x1024xf32>
      %max3A_304 = arith.maximumf %max3A_259, %min3A_294 : vector<8x1024xf32>
      %max3A_305 = arith.maximumf %min3A_260, %max3A_293 : vector<8x1024xf32>
      %max3A_306 = arith.maximumf %min3A_250, %max3A_281 : vector<8x1024xf32>
      %max3A_307 = arith.maximumf %max3A_299, %max3A_303 : vector<8x1024xf32>
      %min3A_308 = arith.minimumf %max3A_299, %max3A_303 : vector<8x1024xf32>
      %max3A_309 = arith.maximumf %max3A_300, %max3A_304 : vector<8x1024xf32>
      %min3A_310 = arith.minimumf %max3A_300, %max3A_304 : vector<8x1024xf32>
      %max3A_311 = arith.maximumf %max3A_301, %max3A_305 : vector<8x1024xf32>
      %min3A_312 = arith.minimumf %max3A_301, %max3A_305 : vector<8x1024xf32>
      %max3A_313 = arith.maximumf %max3A_302, %max3A_306 : vector<8x1024xf32>
      %min3A_314 = arith.minimumf %max3A_302, %max3A_306 : vector<8x1024xf32>
      %max3A_315 = arith.maximumf %max3A_307, %max3A_311 : vector<8x1024xf32>
      %min3A_316 = arith.minimumf %max3A_307, %max3A_311 : vector<8x1024xf32>
      %max3A_317 = arith.maximumf %max3A_309, %max3A_313 : vector<8x1024xf32>
      %min3A_318 = arith.minimumf %max3A_309, %max3A_313 : vector<8x1024xf32>
      %max3A_319 = arith.maximumf %min3A_308, %min3A_312 : vector<8x1024xf32>
      %min3A_320 = arith.minimumf %min3A_308, %min3A_312 : vector<8x1024xf32>
      %max3A_321 = arith.maximumf %min3A_310, %min3A_314 : vector<8x1024xf32>
      %min3A_322 = arith.minimumf %min3A_310, %min3A_314 : vector<8x1024xf32>
      %max3A_323 = arith.maximumf %max3A_315, %max3A_317 : vector<8x1024xf32>
      %min3A_324 = arith.minimumf %max3A_315, %max3A_317 : vector<8x1024xf32>
      %max3A_325 = arith.maximumf %min3A_316, %min3A_318 : vector<8x1024xf32>
      %min3A_326 = arith.minimumf %min3A_316, %min3A_318 : vector<8x1024xf32>
      %max3A_327 = arith.maximumf %max3A_319, %max3A_321 : vector<8x1024xf32>
      %min3A_328 = arith.minimumf %max3A_319, %max3A_321 : vector<8x1024xf32>
      %max3A_329 = arith.maximumf %min3A_320, %min3A_322 : vector<8x1024xf32>
      %min3A_330 = arith.minimumf %min3A_320, %min3A_322 : vector<8x1024xf32>
      %max3A_331 = arith.maximumf %scan3A_59, %min3A_330 : vector<8x1024xf32>
      %max3A_332 = arith.maximumf %scan3A_60, %max3A_329 : vector<8x1024xf32>
      %max3A_333 = arith.maximumf %scan3A_61, %min3A_328 : vector<8x1024xf32>
      %max3A_334 = arith.maximumf %scan3A_62, %max3A_327 : vector<8x1024xf32>
      %max3A_335 = arith.maximumf %scan3A_63, %min3A_326 : vector<8x1024xf32>
      %max3A_336 = arith.maximumf %scan3A_64, %max3A_325 : vector<8x1024xf32>
      %max3A_337 = arith.maximumf %scan3A_65, %min3A_324 : vector<8x1024xf32>
      %max3A_338 = arith.maximumf %scan3A_66, %max3A_323 : vector<8x1024xf32>
      %max3A_339 = arith.maximumf %max3A_331, %max3A_335 : vector<8x1024xf32>
      %min3A_340 = arith.minimumf %max3A_331, %max3A_335 : vector<8x1024xf32>
      %max3A_341 = arith.maximumf %max3A_332, %max3A_336 : vector<8x1024xf32>
      %min3A_342 = arith.minimumf %max3A_332, %max3A_336 : vector<8x1024xf32>
      %max3A_343 = arith.maximumf %max3A_333, %max3A_337 : vector<8x1024xf32>
      %min3A_344 = arith.minimumf %max3A_333, %max3A_337 : vector<8x1024xf32>
      %max3A_345 = arith.maximumf %max3A_334, %max3A_338 : vector<8x1024xf32>
      %min3A_346 = arith.minimumf %max3A_334, %max3A_338 : vector<8x1024xf32>
      %max3A_347 = arith.maximumf %max3A_339, %max3A_343 : vector<8x1024xf32>
      %min3A_348 = arith.minimumf %max3A_339, %max3A_343 : vector<8x1024xf32>
      %max3A_349 = arith.maximumf %max3A_341, %max3A_345 : vector<8x1024xf32>
      %min3A_350 = arith.minimumf %max3A_341, %max3A_345 : vector<8x1024xf32>
      %max3A_351 = arith.maximumf %min3A_340, %min3A_344 : vector<8x1024xf32>
      %min3A_352 = arith.minimumf %min3A_340, %min3A_344 : vector<8x1024xf32>
      %max3A_353 = arith.maximumf %min3A_342, %min3A_346 : vector<8x1024xf32>
      %min3A_354 = arith.minimumf %min3A_342, %min3A_346 : vector<8x1024xf32>
      %max3A_355 = arith.maximumf %max3A_347, %max3A_349 : vector<8x1024xf32>
      %min3A_356 = arith.minimumf %max3A_347, %max3A_349 : vector<8x1024xf32>
      %max3A_357 = arith.maximumf %min3A_348, %min3A_350 : vector<8x1024xf32>
      %min3A_358 = arith.minimumf %min3A_348, %min3A_350 : vector<8x1024xf32>
      %max3A_359 = arith.maximumf %max3A_351, %max3A_353 : vector<8x1024xf32>
      %min3A_360 = arith.minimumf %max3A_351, %max3A_353 : vector<8x1024xf32>
      %max3A_361 = arith.maximumf %min3A_352, %min3A_354 : vector<8x1024xf32>
      %min3A_362 = arith.minimumf %min3A_352, %min3A_354 : vector<8x1024xf32>
      %scan3A_363 = arith.constant 1 : i32
      %scan3A_364 = arith.addi %scan3A_58, %scan3A_363 : i32
      %mul3A_365 = arith.constant 128 : i32
      %mul3A_366 = arith.muli %scan3A_364, %mul3A_365 : i32
      %add3A_367 = arith.constant 0 : i32
      %add3A_368 = arith.addi %mul3A_366, %add3A_367 : i32
      %get3A_369 = arith.constant 0 : index
      %get3A_370 = arith.index_cast %add3A_368 : i32 to index
      %get3A_371 = arith.constant 0 : index
      %get3A_372 = vector.load %arg2[%get3A_369, %get3A_370, %get3A_371] : memref<1x1024x1024xf32, #tpu.memory_space<vmem>>, vector<1x8x1024xf32>
      %get3A_373 = vector.shape_cast %get3A_372 : vector<1x8x1024xf32> to vector<8x1024xf32>
      %mul3A_374 = arith.constant 128 : i32
      %mul3A_375 = arith.muli %scan3A_364, %mul3A_374 : i32
      %add3A_376 = arith.constant 8 : i32
      %add3A_377 = arith.addi %mul3A_375, %add3A_376 : i32
      %get3A_378 = arith.constant 0 : index
      %get3A_379 = arith.index_cast %add3A_377 : i32 to index
      %get3A_380 = arith.constant 0 : index
      %get3A_381 = vector.load %arg2[%get3A_378, %get3A_379, %get3A_380] : memref<1x1024x1024xf32, #tpu.memory_space<vmem>>, vector<1x8x1024xf32>
      %get3A_382 = vector.shape_cast %get3A_381 : vector<1x8x1024xf32> to vector<8x1024xf32>
      %mul3A_383 = arith.constant 128 : i32
      %mul3A_384 = arith.muli %scan3A_364, %mul3A_383 : i32
      %add3A_385 = arith.constant 16 : i32
      %add3A_386 = arith.addi %mul3A_384, %add3A_385 : i32
      %get3A_387 = arith.constant 0 : index
      %get3A_388 = arith.index_cast %add3A_386 : i32 to index
      %get3A_389 = arith.constant 0 : index
      %get3A_390 = vector.load %arg2[%get3A_387, %get3A_388, %get3A_389] : memref<1x1024x1024xf32, #tpu.memory_space<vmem>>, vector<1x8x1024xf32>
      %get3A_391 = vector.shape_cast %get3A_390 : vector<1x8x1024xf32> to vector<8x1024xf32>
      %mul3A_392 = arith.constant 128 : i32
      %mul3A_393 = arith.muli %scan3A_364, %mul3A_392 : i32
      %add3A_394 = arith.constant 24 : i32
      %add3A_395 = arith.addi %mul3A_393, %add3A_394 : i32
      %get3A_396 = arith.constant 0 : index
      %get3A_397 = arith.index_cast %add3A_395 : i32 to index
      %get3A_398 = arith.constant 0 : index
      %get3A_399 = vector.load %arg2[%get3A_396, %get3A_397, %get3A_398] : memref<1x1024x1024xf32, #tpu.memory_space<vmem>>, vector<1x8x1024xf32>
      %get3A_400 = vector.shape_cast %get3A_399 : vector<1x8x1024xf32> to vector<8x1024xf32>
      %mul3A_401 = arith.constant 128 : i32
      %mul3A_402 = arith.muli %scan3A_364, %mul3A_401 : i32
      %add3A_403 = arith.constant 32 : i32
      %add3A_404 = arith.addi %mul3A_402, %add3A_403 : i32
      %get3A_405 = arith.constant 0 : index
      %get3A_406 = arith.index_cast %add3A_404 : i32 to index
      %get3A_407 = arith.constant 0 : index
      %get3A_408 = vector.load %arg2[%get3A_405, %get3A_406, %get3A_407] : memref<1x1024x1024xf32, #tpu.memory_space<vmem>>, vector<1x8x1024xf32>
      %get3A_409 = vector.shape_cast %get3A_408 : vector<1x8x1024xf32> to vector<8x1024xf32>
      %mul3A_410 = arith.constant 128 : i32
      %mul3A_411 = arith.muli %scan3A_364, %mul3A_410 : i32
      %add3A_412 = arith.constant 40 : i32
      %add3A_413 = arith.addi %mul3A_411, %add3A_412 : i32
      %get3A_414 = arith.constant 0 : index
      %get3A_415 = arith.index_cast %add3A_413 : i32 to index
      %get3A_416 = arith.constant 0 : index
      %get3A_417 = vector.load %arg2[%get3A_414, %get3A_415, %get3A_416] : memref<1x1024x1024xf32, #tpu.memory_space<vmem>>, vector<1x8x1024xf32>
      %get3A_418 = vector.shape_cast %get3A_417 : vector<1x8x1024xf32> to vector<8x1024xf32>
      %mul3A_419 = arith.constant 128 : i32
      %mul3A_420 = arith.muli %scan3A_364, %mul3A_419 : i32
      %add3A_421 = arith.constant 48 : i32
      %add3A_422 = arith.addi %mul3A_420, %add3A_421 : i32
      %get3A_423 = arith.constant 0 : index
      %get3A_424 = arith.index_cast %add3A_422 : i32 to index
      %get3A_425 = arith.constant 0 : index
      %get3A_426 = vector.load %arg2[%get3A_423, %get3A_424, %get3A_425] : memref<1x1024x1024xf32, #tpu.memory_space<vmem>>, vector<1x8x1024xf32>
      %get3A_427 = vector.shape_cast %get3A_426 : vector<1x8x1024xf32> to vector<8x1024xf32>
      %mul3A_428 = arith.constant 128 : i32
      %mul3A_429 = arith.muli %scan3A_364, %mul3A_428 : i32
      %add3A_430 = arith.constant 56 : i32
      %add3A_431 = arith.addi %mul3A_429, %add3A_430 : i32
      %get3A_432 = arith.constant 0 : index
      %get3A_433 = arith.index_cast %add3A_431 : i32 to index
      %get3A_434 = arith.constant 0 : index
      %get3A_435 = vector.load %arg2[%get3A_432, %get3A_433, %get3A_434] : memref<1x1024x1024xf32, #tpu.memory_space<vmem>>, vector<1x8x1024xf32>
      %get3A_436 = vector.shape_cast %get3A_435 : vector<1x8x1024xf32> to vector<8x1024xf32>
      %mul3A_437 = arith.constant 128 : i32
      %mul3A_438 = arith.muli %scan3A_364, %mul3A_437 : i32
      %add3A_439 = arith.constant 64 : i32
      %add3A_440 = arith.addi %mul3A_438, %add3A_439 : i32
      %add3A_441 = arith.constant 0 : i32
      %add3A_442 = arith.addi %add3A_440, %add3A_441 : i32
      %get3A_443 = arith.constant 0 : index
      %get3A_444 = arith.index_cast %add3A_442 : i32 to index
      %get3A_445 = arith.constant 0 : index
      %get3A_446 = vector.load %arg2[%get3A_443, %get3A_444, %get3A_445] : memref<1x1024x1024xf32, #tpu.memory_space<vmem>>, vector<1x8x1024xf32>
      %get3A_447 = vector.shape_cast %get3A_446 : vector<1x8x1024xf32> to vector<8x1024xf32>
      %mul3A_448 = arith.constant 128 : i32
      %mul3A_449 = arith.muli %scan3A_364, %mul3A_448 : i32
      %add3A_450 = arith.constant 64 : i32
      %add3A_451 = arith.addi %mul3A_449, %add3A_450 : i32
      %add3A_452 = arith.constant 8 : i32
      %add3A_453 = arith.addi %add3A_451, %add3A_452 : i32
      %get3A_454 = arith.constant 0 : index
      %get3A_455 = arith.index_cast %add3A_453 : i32 to index
      %get3A_456 = arith.constant 0 : index
      %get3A_457 = vector.load %arg2[%get3A_454, %get3A_455, %get3A_456] : memref<1x1024x1024xf32, #tpu.memory_space<vmem>>, vector<1x8x1024xf32>
      %get3A_458 = vector.shape_cast %get3A_457 : vector<1x8x1024xf32> to vector<8x1024xf32>
      %mul3A_459 = arith.constant 128 : i32
      %mul3A_460 = arith.muli %scan3A_364, %mul3A_459 : i32
      %add3A_461 = arith.constant 64 : i32
      %add3A_462 = arith.addi %mul3A_460, %add3A_461 : i32
      %add3A_463 = arith.constant 16 : i32
      %add3A_464 = arith.addi %add3A_462, %add3A_463 : i32
      %get3A_465 = arith.constant 0 : index
      %get3A_466 = arith.index_cast %add3A_464 : i32 to index
      %get3A_467 = arith.constant 0 : index
      %get3A_468 = vector.load %arg2[%get3A_465, %get3A_466, %get3A_467] : memref<1x1024x1024xf32, #tpu.memory_space<vmem>>, vector<1x8x1024xf32>
      %get3A_469 = vector.shape_cast %get3A_468 : vector<1x8x1024xf32> to vector<8x1024xf32>
      %mul3A_470 = arith.constant 128 : i32
      %mul3A_471 = arith.muli %scan3A_364, %mul3A_470 : i32
      %add3A_472 = arith.constant 64 : i32
      %add3A_473 = arith.addi %mul3A_471, %add3A_472 : i32
      %add3A_474 = arith.constant 24 : i32
      %add3A_475 = arith.addi %add3A_473, %add3A_474 : i32
      %get3A_476 = arith.constant 0 : index
      %get3A_477 = arith.index_cast %add3A_475 : i32 to index
      %get3A_478 = arith.constant 0 : index
      %get3A_479 = vector.load %arg2[%get3A_476, %get3A_477, %get3A_478] : memref<1x1024x1024xf32, #tpu.memory_space<vmem>>, vector<1x8x1024xf32>
      %get3A_480 = vector.shape_cast %get3A_479 : vector<1x8x1024xf32> to vector<8x1024xf32>
      %mul3A_481 = arith.constant 128 : i32
      %mul3A_482 = arith.muli %scan3A_364, %mul3A_481 : i32
      %add3A_483 = arith.constant 64 : i32
      %add3A_484 = arith.addi %mul3A_482, %add3A_483 : i32
      %add3A_485 = arith.constant 32 : i32
      %add3A_486 = arith.addi %add3A_484, %add3A_485 : i32
      %get3A_487 = arith.constant 0 : index
      %get3A_488 = arith.index_cast %add3A_486 : i32 to index
      %get3A_489 = arith.constant 0 : index
      %get3A_490 = vector.load %arg2[%get3A_487, %get3A_488, %get3A_489] : memref<1x1024x1024xf32, #tpu.memory_space<vmem>>, vector<1x8x1024xf32>
      %get3A_491 = vector.shape_cast %get3A_490 : vector<1x8x1024xf32> to vector<8x1024xf32>
      %mul3A_492 = arith.constant 128 : i32
      %mul3A_493 = arith.muli %scan3A_364, %mul3A_492 : i32
      %add3A_494 = arith.constant 64 : i32
      %add3A_495 = arith.addi %mul3A_493, %add3A_494 : i32
      %add3A_496 = arith.constant 40 : i32
      %add3A_497 = arith.addi %add3A_495, %add3A_496 : i32
      %get3A_498 = arith.constant 0 : index
      %get3A_499 = arith.index_cast %add3A_497 : i32 to index
      %get3A_500 = arith.constant 0 : index
      %get3A_501 = vector.load %arg2[%get3A_498, %get3A_499, %get3A_500] : memref<1x1024x1024xf32, #tpu.memory_space<vmem>>, vector<1x8x1024xf32>
      %get3A_502 = vector.shape_cast %get3A_501 : vector<1x8x1024xf32> to vector<8x1024xf32>
      %mul3A_503 = arith.constant 128 : i32
      %mul3A_504 = arith.muli %scan3A_364, %mul3A_503 : i32
      %add3A_505 = arith.constant 64 : i32
      %add3A_506 = arith.addi %mul3A_504, %add3A_505 : i32
      %add3A_507 = arith.constant 48 : i32
      %add3A_508 = arith.addi %add3A_506, %add3A_507 : i32
      %get3A_509 = arith.constant 0 : index
      %get3A_510 = arith.index_cast %add3A_508 : i32 to index
      %get3A_511 = arith.constant 0 : index
      %get3A_512 = vector.load %arg2[%get3A_509, %get3A_510, %get3A_511] : memref<1x1024x1024xf32, #tpu.memory_space<vmem>>, vector<1x8x1024xf32>
      %get3A_513 = vector.shape_cast %get3A_512 : vector<1x8x1024xf32> to vector<8x1024xf32>
      %mul3A_514 = arith.constant 128 : i32
      %mul3A_515 = arith.muli %scan3A_364, %mul3A_514 : i32
      %add3A_516 = arith.constant 64 : i32
      %add3A_517 = arith.addi %mul3A_515, %add3A_516 : i32
      %add3A_518 = arith.constant 56 : i32
      %add3A_519 = arith.addi %add3A_517, %add3A_518 : i32
      %get3A_520 = arith.constant 0 : index
      %get3A_521 = arith.index_cast %add3A_519 : i32 to index
      %get3A_522 = arith.constant 0 : index
      %get3A_523 = vector.load %arg2[%get3A_520, %get3A_521, %get3A_522] : memref<1x1024x1024xf32, #tpu.memory_space<vmem>>, vector<1x8x1024xf32>
      %get3A_524 = vector.shape_cast %get3A_523 : vector<1x8x1024xf32> to vector<8x1024xf32>
      %max3A_525 = arith.maximumf %get3A_373, %get3A_382 : vector<8x1024xf32>
      %min3A_526 = arith.minimumf %get3A_373, %get3A_382 : vector<8x1024xf32>
      %max3A_527 = arith.maximumf %get3A_391, %get3A_400 : vector<8x1024xf32>
      %min3A_528 = arith.minimumf %get3A_391, %get3A_400 : vector<8x1024xf32>
      %max3A_529 = arith.maximumf %get3A_409, %get3A_418 : vector<8x1024xf32>
      %min3A_530 = arith.minimumf %get3A_409, %get3A_418 : vector<8x1024xf32>
      %max3A_531 = arith.maximumf %get3A_427, %get3A_436 : vector<8x1024xf32>
      %min3A_532 = arith.minimumf %get3A_427, %get3A_436 : vector<8x1024xf32>
      %max3A_533 = arith.maximumf %max3A_525, %max3A_527 : vector<8x1024xf32>
      %min3A_534 = arith.minimumf %max3A_525, %max3A_527 : vector<8x1024xf32>
      %max3A_535 = arith.maximumf %min3A_526, %min3A_528 : vector<8x1024xf32>
      %min3A_536 = arith.minimumf %min3A_526, %min3A_528 : vector<8x1024xf32>
      %max3A_537 = arith.maximumf %max3A_529, %max3A_531 : vector<8x1024xf32>
      %min3A_538 = arith.minimumf %max3A_529, %max3A_531 : vector<8x1024xf32>
      %max3A_539 = arith.maximumf %min3A_530, %min3A_532 : vector<8x1024xf32>
      %min3A_540 = arith.minimumf %min3A_530, %min3A_532 : vector<8x1024xf32>
      %max3A_541 = arith.maximumf %max3A_535, %min3A_534 : vector<8x1024xf32>
      %min3A_542 = arith.minimumf %max3A_535, %min3A_534 : vector<8x1024xf32>
      %max3A_543 = arith.maximumf %max3A_539, %min3A_538 : vector<8x1024xf32>
      %min3A_544 = arith.minimumf %max3A_539, %min3A_538 : vector<8x1024xf32>
      %max3A_545 = arith.maximumf %max3A_533, %max3A_537 : vector<8x1024xf32>
      %min3A_546 = arith.minimumf %max3A_533, %max3A_537 : vector<8x1024xf32>
      %max3A_547 = arith.maximumf %max3A_541, %max3A_543 : vector<8x1024xf32>
      %min3A_548 = arith.minimumf %max3A_541, %max3A_543 : vector<8x1024xf32>
      %max3A_549 = arith.maximumf %min3A_542, %min3A_544 : vector<8x1024xf32>
      %min3A_550 = arith.minimumf %min3A_542, %min3A_544 : vector<8x1024xf32>
      %max3A_551 = arith.maximumf %min3A_536, %min3A_540 : vector<8x1024xf32>
      %min3A_552 = arith.minimumf %min3A_536, %min3A_540 : vector<8x1024xf32>
      %max3A_553 = arith.maximumf %max3A_549, %min3A_546 : vector<8x1024xf32>
      %min3A_554 = arith.minimumf %max3A_549, %min3A_546 : vector<8x1024xf32>
      %max3A_555 = arith.maximumf %max3A_551, %min3A_548 : vector<8x1024xf32>
      %min3A_556 = arith.minimumf %max3A_551, %min3A_548 : vector<8x1024xf32>
      %max3A_557 = arith.maximumf %max3A_547, %max3A_553 : vector<8x1024xf32>
      %min3A_558 = arith.minimumf %max3A_547, %max3A_553 : vector<8x1024xf32>
      %max3A_559 = arith.maximumf %max3A_555, %min3A_554 : vector<8x1024xf32>
      %min3A_560 = arith.minimumf %max3A_555, %min3A_554 : vector<8x1024xf32>
      %max3A_561 = arith.maximumf %min3A_556, %min3A_550 : vector<8x1024xf32>
      %min3A_562 = arith.minimumf %min3A_556, %min3A_550 : vector<8x1024xf32>
      %max3A_563 = arith.maximumf %get3A_447, %get3A_458 : vector<8x1024xf32>
      %min3A_564 = arith.minimumf %get3A_447, %get3A_458 : vector<8x1024xf32>
      %max3A_565 = arith.maximumf %get3A_469, %get3A_480 : vector<8x1024xf32>
      %min3A_566 = arith.minimumf %get3A_469, %get3A_480 : vector<8x1024xf32>
      %max3A_567 = arith.maximumf %get3A_491, %get3A_502 : vector<8x1024xf32>
      %min3A_568 = arith.minimumf %get3A_491, %get3A_502 : vector<8x1024xf32>
      %max3A_569 = arith.maximumf %get3A_513, %get3A_524 : vector<8x1024xf32>
      %min3A_570 = arith.minimumf %get3A_513, %get3A_524 : vector<8x1024xf32>
      %max3A_571 = arith.maximumf %max3A_563, %max3A_565 : vector<8x1024xf32>
      %min3A_572 = arith.minimumf %max3A_563, %max3A_565 : vector<8x1024xf32>
      %max3A_573 = arith.maximumf %min3A_564, %min3A_566 : vector<8x1024xf32>
      %min3A_574 = arith.minimumf %min3A_564, %min3A_566 : vector<8x1024xf32>
      %max3A_575 = arith.maximumf %max3A_567, %max3A_569 : vector<8x1024xf32>
      %min3A_576 = arith.minimumf %max3A_567, %max3A_569 : vector<8x1024xf32>
      %max3A_577 = arith.maximumf %min3A_568, %min3A_570 : vector<8x1024xf32>
      %min3A_578 = arith.minimumf %min3A_568, %min3A_570 : vector<8x1024xf32>
      %max3A_579 = arith.maximumf %max3A_573, %min3A_572 : vector<8x1024xf32>
      %min3A_580 = arith.minimumf %max3A_573, %min3A_572 : vector<8x1024xf32>
      %max3A_581 = arith.maximumf %max3A_577, %min3A_576 : vector<8x1024xf32>
      %min3A_582 = arith.minimumf %max3A_577, %min3A_576 : vector<8x1024xf32>
      %max3A_583 = arith.maximumf %max3A_571, %max3A_575 : vector<8x1024xf32>
      %min3A_584 = arith.minimumf %max3A_571, %max3A_575 : vector<8x1024xf32>
      %max3A_585 = arith.maximumf %max3A_579, %max3A_581 : vector<8x1024xf32>
      %min3A_586 = arith.minimumf %max3A_579, %max3A_581 : vector<8x1024xf32>
      %max3A_587 = arith.maximumf %min3A_580, %min3A_582 : vector<8x1024xf32>
      %min3A_588 = arith.minimumf %min3A_580, %min3A_582 : vector<8x1024xf32>
      %max3A_589 = arith.maximumf %min3A_574, %min3A_578 : vector<8x1024xf32>
      %min3A_590 = arith.minimumf %min3A_574, %min3A_578 : vector<8x1024xf32>
      %max3A_591 = arith.maximumf %max3A_587, %min3A_584 : vector<8x1024xf32>
      %min3A_592 = arith.minimumf %max3A_587, %min3A_584 : vector<8x1024xf32>
      %max3A_593 = arith.maximumf %max3A_589, %min3A_586 : vector<8x1024xf32>
      %min3A_594 = arith.minimumf %max3A_589, %min3A_586 : vector<8x1024xf32>
      %max3A_595 = arith.maximumf %max3A_585, %max3A_591 : vector<8x1024xf32>
      %min3A_596 = arith.minimumf %max3A_585, %max3A_591 : vector<8x1024xf32>
      %max3A_597 = arith.maximumf %max3A_593, %min3A_592 : vector<8x1024xf32>
      %min3A_598 = arith.minimumf %max3A_593, %min3A_592 : vector<8x1024xf32>
      %max3A_599 = arith.maximumf %min3A_594, %min3A_588 : vector<8x1024xf32>
      %min3A_600 = arith.minimumf %min3A_594, %min3A_588 : vector<8x1024xf32>
      %max3A_601 = arith.maximumf %max3A_545, %min3A_590 : vector<8x1024xf32>
      %max3A_602 = arith.maximumf %max3A_557, %min3A_600 : vector<8x1024xf32>
      %max3A_603 = arith.maximumf %min3A_558, %max3A_599 : vector<8x1024xf32>
      %max3A_604 = arith.maximumf %max3A_559, %min3A_598 : vector<8x1024xf32>
      %max3A_605 = arith.maximumf %min3A_560, %max3A_597 : vector<8x1024xf32>
      %max3A_606 = arith.maximumf %max3A_561, %min3A_596 : vector<8x1024xf32>
      %max3A_607 = arith.maximumf %min3A_562, %max3A_595 : vector<8x1024xf32>
      %max3A_608 = arith.maximumf %min3A_552, %max3A_583 : vector<8x1024xf32>
      %max3A_609 = arith.maximumf %max3A_601, %max3A_605 : vector<8x1024xf32>
      %min3A_610 = arith.minimumf %max3A_601, %max3A_605 : vector<8x1024xf32>
      %max3A_611 = arith.maximumf %max3A_602, %max3A_606 : vector<8x1024xf32>
      %min3A_612 = arith.minimumf %max3A_602, %max3A_606 : vector<8x1024xf32>
      %max3A_613 = arith.maximumf %max3A_603, %max3A_607 : vector<8x1024xf32>
      %min3A_614 = arith.minimumf %max3A_603, %max3A_607 : vector<8x1024xf32>
      %max3A_615 = arith.maximumf %max3A_604, %max3A_608 : vector<8x1024xf32>
      %min3A_616 = arith.minimumf %max3A_604, %max3A_608 : vector<8x1024xf32>
      %max3A_617 = arith.maximumf %max3A_609, %max3A_613 : vector<8x1024xf32>
      %min3A_618 = arith.minimumf %max3A_609, %max3A_613 : vector<8x1024xf32>
      %max3A_619 = arith.maximumf %max3A_611, %max3A_615 : vector<8x1024xf32>
      %min3A_620 = arith.minimumf %max3A_611, %max3A_615 : vector<8x1024xf32>
      %max3A_621 = arith.maximumf %min3A_610, %min3A_614 : vector<8x1024xf32>
      %min3A_622 = arith.minimumf %min3A_610, %min3A_614 : vector<8x1024xf32>
      %max3A_623 = arith.maximumf %min3A_612, %min3A_616 : vector<8x1024xf32>
      %min3A_624 = arith.minimumf %min3A_612, %min3A_616 : vector<8x1024xf32>
      %max3A_625 = arith.maximumf %max3A_617, %max3A_619 : vector<8x1024xf32>
      %min3A_626 = arith.minimumf %max3A_617, %max3A_619 : vector<8x1024xf32>
      %max3A_627 = arith.maximumf %min3A_618, %min3A_620 : vector<8x1024xf32>
      %min3A_628 = arith.minimumf %min3A_618, %min3A_620 : vector<8x1024xf32>
      %max3A_629 = arith.maximumf %max3A_621, %max3A_623 : vector<8x1024xf32>
      %min3A_630 = arith.minimumf %max3A_621, %max3A_623 : vector<8x1024xf32>
      %max3A_631 = arith.maximumf %min3A_622, %min3A_624 : vector<8x1024xf32>
      %min3A_632 = arith.minimumf %min3A_622, %min3A_624 : vector<8x1024xf32>
      %max3A_633 = arith.maximumf %max3A_355, %min3A_632 : vector<8x1024xf32>
      %max3A_634 = arith.maximumf %min3A_356, %max3A_631 : vector<8x1024xf32>
      %max3A_635 = arith.maximumf %max3A_357, %min3A_630 : vector<8x1024xf32>
      %max3A_636 = arith.maximumf %min3A_358, %max3A_629 : vector<8x1024xf32>
      %max3A_637 = arith.maximumf %max3A_359, %min3A_628 : vector<8x1024xf32>
      %max3A_638 = arith.maximumf %min3A_360, %max3A_627 : vector<8x1024xf32>
      %max3A_639 = arith.maximumf %max3A_361, %min3A_626 : vector<8x1024xf32>
      %max3A_640 = arith.maximumf %min3A_362, %max3A_625 : vector<8x1024xf32>
      %max3A_641 = arith.maximumf %max3A_633, %max3A_637 : vector<8x1024xf32>
      %min3A_642 = arith.minimumf %max3A_633, %max3A_637 : vector<8x1024xf32>
      %max3A_643 = arith.maximumf %max3A_634, %max3A_638 : vector<8x1024xf32>
      %min3A_644 = arith.minimumf %max3A_634, %max3A_638 : vector<8x1024xf32>
      %max3A_645 = arith.maximumf %max3A_635, %max3A_639 : vector<8x1024xf32>
      %min3A_646 = arith.minimumf %max3A_635, %max3A_639 : vector<8x1024xf32>
      %max3A_647 = arith.maximumf %max3A_636, %max3A_640 : vector<8x1024xf32>
      %min3A_648 = arith.minimumf %max3A_636, %max3A_640 : vector<8x1024xf32>
      %max3A_649 = arith.maximumf %max3A_641, %max3A_645 : vector<8x1024xf32>
      %min3A_650 = arith.minimumf %max3A_641, %max3A_645 : vector<8x1024xf32>
      %max3A_651 = arith.maximumf %max3A_643, %max3A_647 : vector<8x1024xf32>
      %min3A_652 = arith.minimumf %max3A_643, %max3A_647 : vector<8x1024xf32>
      %max3A_653 = arith.maximumf %min3A_642, %min3A_646 : vector<8x1024xf32>
      %min3A_654 = arith.minimumf %min3A_642, %min3A_646 : vector<8x1024xf32>
      %max3A_655 = arith.maximumf %min3A_644, %min3A_648 : vector<8x1024xf32>
      %min3A_656 = arith.minimumf %min3A_644, %min3A_648 : vector<8x1024xf32>
      %max3A_657 = arith.maximumf %max3A_649, %max3A_651 : vector<8x1024xf32>
      %min3A_658 = arith.minimumf %max3A_649, %max3A_651 : vector<8x1024xf32>
      %max3A_659 = arith.maximumf %min3A_650, %min3A_652 : vector<8x1024xf32>
      %min3A_660 = arith.minimumf %min3A_650, %min3A_652 : vector<8x1024xf32>
      %max3A_661 = arith.maximumf %max3A_653, %max3A_655 : vector<8x1024xf32>
      %min3A_662 = arith.minimumf %max3A_653, %max3A_655 : vector<8x1024xf32>
      %max3A_663 = arith.maximumf %min3A_654, %min3A_656 : vector<8x1024xf32>
      %min3A_664 = arith.minimumf %min3A_654, %min3A_656 : vector<8x1024xf32>
      %scan3A_665 = arith.constant 2 : i32
      %scan3A_666 = arith.addi %scan3A_58, %scan3A_665 : i32
      %mul3A_667 = arith.constant 128 : i32
      %mul3A_668 = arith.muli %scan3A_666, %mul3A_667 : i32
      %add3A_669 = arith.constant 0 : i32
      %add3A_670 = arith.addi %mul3A_668, %add3A_669 : i32
      %get3A_671 = arith.constant 0 : index
      %get3A_672 = arith.index_cast %add3A_670 : i32 to index
      %get3A_673 = arith.constant 0 : index
      %get3A_674 = vector.load %arg2[%get3A_671, %get3A_672, %get3A_673] : memref<1x1024x1024xf32, #tpu.memory_space<vmem>>, vector<1x8x1024xf32>
      %get3A_675 = vector.shape_cast %get3A_674 : vector<1x8x1024xf32> to vector<8x1024xf32>
      %mul3A_676 = arith.constant 128 : i32
      %mul3A_677 = arith.muli %scan3A_666, %mul3A_676 : i32
      %add3A_678 = arith.constant 8 : i32
      %add3A_679 = arith.addi %mul3A_677, %add3A_678 : i32
      %get3A_680 = arith.constant 0 : index
      %get3A_681 = arith.index_cast %add3A_679 : i32 to index
      %get3A_682 = arith.constant 0 : index
      %get3A_683 = vector.load %arg2[%get3A_680, %get3A_681, %get3A_682] : memref<1x1024x1024xf32, #tpu.memory_space<vmem>>, vector<1x8x1024xf32>
      %get3A_684 = vector.shape_cast %get3A_683 : vector<1x8x1024xf32> to vector<8x1024xf32>
      %mul3A_685 = arith.constant 128 : i32
      %mul3A_686 = arith.muli %scan3A_666, %mul3A_685 : i32
      %add3A_687 = arith.constant 16 : i32
      %add3A_688 = arith.addi %mul3A_686, %add3A_687 : i32
      %get3A_689 = arith.constant 0 : index
      %get3A_690 = arith.index_cast %add3A_688 : i32 to index
      %get3A_691 = arith.constant 0 : index
      %get3A_692 = vector.load %arg2[%get3A_689, %get3A_690, %get3A_691] : memref<1x1024x1024xf32, #tpu.memory_space<vmem>>, vector<1x8x1024xf32>
      %get3A_693 = vector.shape_cast %get3A_692 : vector<1x8x1024xf32> to vector<8x1024xf32>
      %mul3A_694 = arith.constant 128 : i32
      %mul3A_695 = arith.muli %scan3A_666, %mul3A_694 : i32
      %add3A_696 = arith.constant 24 : i32
      %add3A_697 = arith.addi %mul3A_695, %add3A_696 : i32
      %get3A_698 = arith.constant 0 : index
      %get3A_699 = arith.index_cast %add3A_697 : i32 to index
      %get3A_700 = arith.constant 0 : index
      %get3A_701 = vector.load %arg2[%get3A_698, %get3A_699, %get3A_700] : memref<1x1024x1024xf32, #tpu.memory_space<vmem>>, vector<1x8x1024xf32>
      %get3A_702 = vector.shape_cast %get3A_701 : vector<1x8x1024xf32> to vector<8x1024xf32>
      %mul3A_703 = arith.constant 128 : i32
      %mul3A_704 = arith.muli %scan3A_666, %mul3A_703 : i32
      %add3A_705 = arith.constant 32 : i32
      %add3A_706 = arith.addi %mul3A_704, %add3A_705 : i32
      %get3A_707 = arith.constant 0 : index
      %get3A_708 = arith.index_cast %add3A_706 : i32 to index
      %get3A_709 = arith.constant 0 : index
      %get3A_710 = vector.load %arg2[%get3A_707, %get3A_708, %get3A_709] : memref<1x1024x1024xf32, #tpu.memory_space<vmem>>, vector<1x8x1024xf32>
      %get3A_711 = vector.shape_cast %get3A_710 : vector<1x8x1024xf32> to vector<8x1024xf32>
      %mul3A_712 = arith.constant 128 : i32
      %mul3A_713 = arith.muli %scan3A_666, %mul3A_712 : i32
      %add3A_714 = arith.constant 40 : i32
      %add3A_715 = arith.addi %mul3A_713, %add3A_714 : i32
      %get3A_716 = arith.constant 0 : index
      %get3A_717 = arith.index_cast %add3A_715 : i32 to index
      %get3A_718 = arith.constant 0 : index
      %get3A_719 = vector.load %arg2[%get3A_716, %get3A_717, %get3A_718] : memref<1x1024x1024xf32, #tpu.memory_space<vmem>>, vector<1x8x1024xf32>
      %get3A_720 = vector.shape_cast %get3A_719 : vector<1x8x1024xf32> to vector<8x1024xf32>
      %mul3A_721 = arith.constant 128 : i32
      %mul3A_722 = arith.muli %scan3A_666, %mul3A_721 : i32
      %add3A_723 = arith.constant 48 : i32
      %add3A_724 = arith.addi %mul3A_722, %add3A_723 : i32
      %get3A_725 = arith.constant 0 : index
      %get3A_726 = arith.index_cast %add3A_724 : i32 to index
      %get3A_727 = arith.constant 0 : index
      %get3A_728 = vector.load %arg2[%get3A_725, %get3A_726, %get3A_727] : memref<1x1024x1024xf32, #tpu.memory_space<vmem>>, vector<1x8x1024xf32>
      %get3A_729 = vector.shape_cast %get3A_728 : vector<1x8x1024xf32> to vector<8x1024xf32>
      %mul3A_730 = arith.constant 128 : i32
      %mul3A_731 = arith.muli %scan3A_666, %mul3A_730 : i32
      %add3A_732 = arith.constant 56 : i32
      %add3A_733 = arith.addi %mul3A_731, %add3A_732 : i32
      %get3A_734 = arith.constant 0 : index
      %get3A_735 = arith.index_cast %add3A_733 : i32 to index
      %get3A_736 = arith.constant 0 : index
      %get3A_737 = vector.load %arg2[%get3A_734, %get3A_735, %get3A_736] : memref<1x1024x1024xf32, #tpu.memory_space<vmem>>, vector<1x8x1024xf32>
      %get3A_738 = vector.shape_cast %get3A_737 : vector<1x8x1024xf32> to vector<8x1024xf32>
      %mul3A_739 = arith.constant 128 : i32
      %mul3A_740 = arith.muli %scan3A_666, %mul3A_739 : i32
      %add3A_741 = arith.constant 64 : i32
      %add3A_742 = arith.addi %mul3A_740, %add3A_741 : i32
      %add3A_743 = arith.constant 0 : i32
      %add3A_744 = arith.addi %add3A_742, %add3A_743 : i32
      %get3A_745 = arith.constant 0 : index
      %get3A_746 = arith.index_cast %add3A_744 : i32 to index
      %get3A_747 = arith.constant 0 : index
      %get3A_748 = vector.load %arg2[%get3A_745, %get3A_746, %get3A_747] : memref<1x1024x1024xf32, #tpu.memory_space<vmem>>, vector<1x8x1024xf32>
      %get3A_749 = vector.shape_cast %get3A_748 : vector<1x8x1024xf32> to vector<8x1024xf32>
      %mul3A_750 = arith.constant 128 : i32
      %mul3A_751 = arith.muli %scan3A_666, %mul3A_750 : i32
      %add3A_752 = arith.constant 64 : i32
      %add3A_753 = arith.addi %mul3A_751, %add3A_752 : i32
      %add3A_754 = arith.constant 8 : i32
      %add3A_755 = arith.addi %add3A_753, %add3A_754 : i32
      %get3A_756 = arith.constant 0 : index
      %get3A_757 = arith.index_cast %add3A_755 : i32 to index
      %get3A_758 = arith.constant 0 : index
      %get3A_759 = vector.load %arg2[%get3A_756, %get3A_757, %get3A_758] : memref<1x1024x1024xf32, #tpu.memory_space<vmem>>, vector<1x8x1024xf32>
      %get3A_760 = vector.shape_cast %get3A_759 : vector<1x8x1024xf32> to vector<8x1024xf32>
      %mul3A_761 = arith.constant 128 : i32
      %mul3A_762 = arith.muli %scan3A_666, %mul3A_761 : i32
      %add3A_763 = arith.constant 64 : i32
      %add3A_764 = arith.addi %mul3A_762, %add3A_763 : i32
      %add3A_765 = arith.constant 16 : i32
      %add3A_766 = arith.addi %add3A_764, %add3A_765 : i32
      %get3A_767 = arith.constant 0 : index
      %get3A_768 = arith.index_cast %add3A_766 : i32 to index
      %get3A_769 = arith.constant 0 : index
      %get3A_770 = vector.load %arg2[%get3A_767, %get3A_768, %get3A_769] : memref<1x1024x1024xf32, #tpu.memory_space<vmem>>, vector<1x8x1024xf32>
      %get3A_771 = vector.shape_cast %get3A_770 : vector<1x8x1024xf32> to vector<8x1024xf32>
      %mul3A_772 = arith.constant 128 : i32
      %mul3A_773 = arith.muli %scan3A_666, %mul3A_772 : i32
      %add3A_774 = arith.constant 64 : i32
      %add3A_775 = arith.addi %mul3A_773, %add3A_774 : i32
      %add3A_776 = arith.constant 24 : i32
      %add3A_777 = arith.addi %add3A_775, %add3A_776 : i32
      %get3A_778 = arith.constant 0 : index
      %get3A_779 = arith.index_cast %add3A_777 : i32 to index
      %get3A_780 = arith.constant 0 : index
      %get3A_781 = vector.load %arg2[%get3A_778, %get3A_779, %get3A_780] : memref<1x1024x1024xf32, #tpu.memory_space<vmem>>, vector<1x8x1024xf32>
      %get3A_782 = vector.shape_cast %get3A_781 : vector<1x8x1024xf32> to vector<8x1024xf32>
      %mul3A_783 = arith.constant 128 : i32
      %mul3A_784 = arith.muli %scan3A_666, %mul3A_783 : i32
      %add3A_785 = arith.constant 64 : i32
      %add3A_786 = arith.addi %mul3A_784, %add3A_785 : i32
      %add3A_787 = arith.constant 32 : i32
      %add3A_788 = arith.addi %add3A_786, %add3A_787 : i32
      %get3A_789 = arith.constant 0 : index
      %get3A_790 = arith.index_cast %add3A_788 : i32 to index
      %get3A_791 = arith.constant 0 : index
      %get3A_792 = vector.load %arg2[%get3A_789, %get3A_790, %get3A_791] : memref<1x1024x1024xf32, #tpu.memory_space<vmem>>, vector<1x8x1024xf32>
      %get3A_793 = vector.shape_cast %get3A_792 : vector<1x8x1024xf32> to vector<8x1024xf32>
      %mul3A_794 = arith.constant 128 : i32
      %mul3A_795 = arith.muli %scan3A_666, %mul3A_794 : i32
      %add3A_796 = arith.constant 64 : i32
      %add3A_797 = arith.addi %mul3A_795, %add3A_796 : i32
      %add3A_798 = arith.constant 40 : i32
      %add3A_799 = arith.addi %add3A_797, %add3A_798 : i32
      %get3A_800 = arith.constant 0 : index
      %get3A_801 = arith.index_cast %add3A_799 : i32 to index
      %get3A_802 = arith.constant 0 : index
      %get3A_803 = vector.load %arg2[%get3A_800, %get3A_801, %get3A_802] : memref<1x1024x1024xf32, #tpu.memory_space<vmem>>, vector<1x8x1024xf32>
      %get3A_804 = vector.shape_cast %get3A_803 : vector<1x8x1024xf32> to vector<8x1024xf32>
      %mul3A_805 = arith.constant 128 : i32
      %mul3A_806 = arith.muli %scan3A_666, %mul3A_805 : i32
      %add3A_807 = arith.constant 64 : i32
      %add3A_808 = arith.addi %mul3A_806, %add3A_807 : i32
      %add3A_809 = arith.constant 48 : i32
      %add3A_810 = arith.addi %add3A_808, %add3A_809 : i32
      %get3A_811 = arith.constant 0 : index
      %get3A_812 = arith.index_cast %add3A_810 : i32 to index
      %get3A_813 = arith.constant 0 : index
      %get3A_814 = vector.load %arg2[%get3A_811, %get3A_812, %get3A_813] : memref<1x1024x1024xf32, #tpu.memory_space<vmem>>, vector<1x8x1024xf32>
      %get3A_815 = vector.shape_cast %get3A_814 : vector<1x8x1024xf32> to vector<8x1024xf32>
      %mul3A_816 = arith.constant 128 : i32
      %mul3A_817 = arith.muli %scan3A_666, %mul3A_816 : i32
      %add3A_818 = arith.constant 64 : i32
      %add3A_819 = arith.addi %mul3A_817, %add3A_818 : i32
      %add3A_820 = arith.constant 56 : i32
      %add3A_821 = arith.addi %add3A_819, %add3A_820 : i32
      %get3A_822 = arith.constant 0 : index
      %get3A_823 = arith.index_cast %add3A_821 : i32 to index
      %get3A_824 = arith.constant 0 : index
      %get3A_825 = vector.load %arg2[%get3A_822, %get3A_823, %get3A_824] : memref<1x1024x1024xf32, #tpu.memory_space<vmem>>, vector<1x8x1024xf32>
      %get3A_826 = vector.shape_cast %get3A_825 : vector<1x8x1024xf32> to vector<8x1024xf32>
      %max3A_827 = arith.maximumf %get3A_675, %get3A_684 : vector<8x1024xf32>
      %min3A_828 = arith.minimumf %get3A_675, %get3A_684 : vector<8x1024xf32>
      %max3A_829 = arith.maximumf %get3A_693, %get3A_702 : vector<8x1024xf32>
      %min3A_830 = arith.minimumf %get3A_693, %get3A_702 : vector<8x1024xf32>
      %max3A_831 = arith.maximumf %get3A_711, %get3A_720 : vector<8x1024xf32>
      %min3A_832 = arith.minimumf %get3A_711, %get3A_720 : vector<8x1024xf32>
      %max3A_833 = arith.maximumf %get3A_729, %get3A_738 : vector<8x1024xf32>
      %min3A_834 = arith.minimumf %get3A_729, %get3A_738 : vector<8x1024xf32>
      %max3A_835 = arith.maximumf %max3A_827, %max3A_829 : vector<8x1024xf32>
      %min3A_836 = arith.minimumf %max3A_827, %max3A_829 : vector<8x1024xf32>
      %max3A_837 = arith.maximumf %min3A_828, %min3A_830 : vector<8x1024xf32>
      %min3A_838 = arith.minimumf %min3A_828, %min3A_830 : vector<8x1024xf32>
      %max3A_839 = arith.maximumf %max3A_831, %max3A_833 : vector<8x1024xf32>
      %min3A_840 = arith.minimumf %max3A_831, %max3A_833 : vector<8x1024xf32>
      %max3A_841 = arith.maximumf %min3A_832, %min3A_834 : vector<8x1024xf32>
      %min3A_842 = arith.minimumf %min3A_832, %min3A_834 : vector<8x1024xf32>
      %max3A_843 = arith.maximumf %max3A_837, %min3A_836 : vector<8x1024xf32>
      %min3A_844 = arith.minimumf %max3A_837, %min3A_836 : vector<8x1024xf32>
      %max3A_845 = arith.maximumf %max3A_841, %min3A_840 : vector<8x1024xf32>
      %min3A_846 = arith.minimumf %max3A_841, %min3A_840 : vector<8x1024xf32>
      %max3A_847 = arith.maximumf %max3A_835, %max3A_839 : vector<8x1024xf32>
      %min3A_848 = arith.minimumf %max3A_835, %max3A_839 : vector<8x1024xf32>
      %max3A_849 = arith.maximumf %max3A_843, %max3A_845 : vector<8x1024xf32>
      %min3A_850 = arith.minimumf %max3A_843, %max3A_845 : vector<8x1024xf32>
      %max3A_851 = arith.maximumf %min3A_844, %min3A_846 : vector<8x1024xf32>
      %min3A_852 = arith.minimumf %min3A_844, %min3A_846 : vector<8x1024xf32>
      %max3A_853 = arith.maximumf %min3A_838, %min3A_842 : vector<8x1024xf32>
      %min3A_854 = arith.minimumf %min3A_838, %min3A_842 : vector<8x1024xf32>
      %max3A_855 = arith.maximumf %max3A_851, %min3A_848 : vector<8x1024xf32>
      %min3A_856 = arith.minimumf %max3A_851, %min3A_848 : vector<8x1024xf32>
      %max3A_857 = arith.maximumf %max3A_853, %min3A_850 : vector<8x1024xf32>
      %min3A_858 = arith.minimumf %max3A_853, %min3A_850 : vector<8x1024xf32>
      %max3A_859 = arith.maximumf %max3A_849, %max3A_855 : vector<8x1024xf32>
      %min3A_860 = arith.minimumf %max3A_849, %max3A_855 : vector<8x1024xf32>
      %max3A_861 = arith.maximumf %max3A_857, %min3A_856 : vector<8x1024xf32>
      %min3A_862 = arith.minimumf %max3A_857, %min3A_856 : vector<8x1024xf32>
      %max3A_863 = arith.maximumf %min3A_858, %min3A_852 : vector<8x1024xf32>
      %min3A_864 = arith.minimumf %min3A_858, %min3A_852 : vector<8x1024xf32>
      %max3A_865 = arith.maximumf %get3A_749, %get3A_760 : vector<8x1024xf32>
      %min3A_866 = arith.minimumf %get3A_749, %get3A_760 : vector<8x1024xf32>
      %max3A_867 = arith.maximumf %get3A_771, %get3A_782 : vector<8x1024xf32>
      %min3A_868 = arith.minimumf %get3A_771, %get3A_782 : vector<8x1024xf32>
      %max3A_869 = arith.maximumf %get3A_793, %get3A_804 : vector<8x1024xf32>
      %min3A_870 = arith.minimumf %get3A_793, %get3A_804 : vector<8x1024xf32>
      %max3A_871 = arith.maximumf %get3A_815, %get3A_826 : vector<8x1024xf32>
      %min3A_872 = arith.minimumf %get3A_815, %get3A_826 : vector<8x1024xf32>
      %max3A_873 = arith.maximumf %max3A_865, %max3A_867 : vector<8x1024xf32>
      %min3A_874 = arith.minimumf %max3A_865, %max3A_867 : vector<8x1024xf32>
      %max3A_875 = arith.maximumf %min3A_866, %min3A_868 : vector<8x1024xf32>
      %min3A_876 = arith.minimumf %min3A_866, %min3A_868 : vector<8x1024xf32>
      %max3A_877 = arith.maximumf %max3A_869, %max3A_871 : vector<8x1024xf32>
      %min3A_878 = arith.minimumf %max3A_869, %max3A_871 : vector<8x1024xf32>
      %max3A_879 = arith.maximumf %min3A_870, %min3A_872 : vector<8x1024xf32>
      %min3A_880 = arith.minimumf %min3A_870, %min3A_872 : vector<8x1024xf32>
      %max3A_881 = arith.maximumf %max3A_875, %min3A_874 : vector<8x1024xf32>
      %min3A_882 = arith.minimumf %max3A_875, %min3A_874 : vector<8x1024xf32>
      %max3A_883 = arith.maximumf %max3A_879, %min3A_878 : vector<8x1024xf32>
      %min3A_884 = arith.minimumf %max3A_879, %min3A_878 : vector<8x1024xf32>
      %max3A_885 = arith.maximumf %max3A_873, %max3A_877 : vector<8x1024xf32>
      %min3A_886 = arith.minimumf %max3A_873, %max3A_877 : vector<8x1024xf32>
      %max3A_887 = arith.maximumf %max3A_881, %max3A_883 : vector<8x1024xf32>
      %min3A_888 = arith.minimumf %max3A_881, %max3A_883 : vector<8x1024xf32>
      %max3A_889 = arith.maximumf %min3A_882, %min3A_884 : vector<8x1024xf32>
      %min3A_890 = arith.minimumf %min3A_882, %min3A_884 : vector<8x1024xf32>
      %max3A_891 = arith.maximumf %min3A_876, %min3A_880 : vector<8x1024xf32>
      %min3A_892 = arith.minimumf %min3A_876, %min3A_880 : vector<8x1024xf32>
      %max3A_893 = arith.maximumf %max3A_889, %min3A_886 : vector<8x1024xf32>
      %min3A_894 = arith.minimumf %max3A_889, %min3A_886 : vector<8x1024xf32>
      %max3A_895 = arith.maximumf %max3A_891, %min3A_888 : vector<8x1024xf32>
      %min3A_896 = arith.minimumf %max3A_891, %min3A_888 : vector<8x1024xf32>
      %max3A_897 = arith.maximumf %max3A_887, %max3A_893 : vector<8x1024xf32>
      %min3A_898 = arith.minimumf %max3A_887, %max3A_893 : vector<8x1024xf32>
      %max3A_899 = arith.maximumf %max3A_895, %min3A_894 : vector<8x1024xf32>
      %min3A_900 = arith.minimumf %max3A_895, %min3A_894 : vector<8x1024xf32>
      %max3A_901 = arith.maximumf %min3A_896, %min3A_890 : vector<8x1024xf32>
      %min3A_902 = arith.minimumf %min3A_896, %min3A_890 : vector<8x1024xf32>
      %max3A_903 = arith.maximumf %max3A_847, %min3A_892 : vector<8x1024xf32>
      %max3A_904 = arith.maximumf %max3A_859, %min3A_902 : vector<8x1024xf32>
      %max3A_905 = arith.maximumf %min3A_860, %max3A_901 : vector<8x1024xf32>
      %max3A_906 = arith.maximumf %max3A_861, %min3A_900 : vector<8x1024xf32>
      %max3A_907 = arith.maximumf %min3A_862, %max3A_899 : vector<8x1024xf32>
      %max3A_908 = arith.maximumf %max3A_863, %min3A_898 : vector<8x1024xf32>
      %max3A_909 = arith.maximumf %min3A_864, %max3A_897 : vector<8x1024xf32>
      %max3A_910 = arith.maximumf %min3A_854, %max3A_885 : vector<8x1024xf32>
      %max3A_911 = arith.maximumf %max3A_903, %max3A_907 : vector<8x1024xf32>
      %min3A_912 = arith.minimumf %max3A_903, %max3A_907 : vector<8x1024xf32>
      %max3A_913 = arith.maximumf %max3A_904, %max3A_908 : vector<8x1024xf32>
      %min3A_914 = arith.minimumf %max3A_904, %max3A_908 : vector<8x1024xf32>
      %max3A_915 = arith.maximumf %max3A_905, %max3A_909 : vector<8x1024xf32>
      %min3A_916 = arith.minimumf %max3A_905, %max3A_909 : vector<8x1024xf32>
      %max3A_917 = arith.maximumf %max3A_906, %max3A_910 : vector<8x1024xf32>
      %min3A_918 = arith.minimumf %max3A_906, %max3A_910 : vector<8x1024xf32>
      %max3A_919 = arith.maximumf %max3A_911, %max3A_915 : vector<8x1024xf32>
      %min3A_920 = arith.minimumf %max3A_911, %max3A_915 : vector<8x1024xf32>
      %max3A_921 = arith.maximumf %max3A_913, %max3A_917 : vector<8x1024xf32>
      %min3A_922 = arith.minimumf %max3A_913, %max3A_917 : vector<8x1024xf32>
      %max3A_923 = arith.maximumf %min3A_912, %min3A_916 : vector<8x1024xf32>
      %min3A_924 = arith.minimumf %min3A_912, %min3A_916 : vector<8x1024xf32>
      %max3A_925 = arith.maximumf %min3A_914, %min3A_918 : vector<8x1024xf32>
      %min3A_926 = arith.minimumf %min3A_914, %min3A_918 : vector<8x1024xf32>
      %max3A_927 = arith.maximumf %max3A_919, %max3A_921 : vector<8x1024xf32>
      %min3A_928 = arith.minimumf %max3A_919, %max3A_921 : vector<8x1024xf32>
      %max3A_929 = arith.maximumf %min3A_920, %min3A_922 : vector<8x1024xf32>
      %min3A_930 = arith.minimumf %min3A_920, %min3A_922 : vector<8x1024xf32>
      %max3A_931 = arith.maximumf %max3A_923, %max3A_925 : vector<8x1024xf32>
      %min3A_932 = arith.minimumf %max3A_923, %max3A_925 : vector<8x1024xf32>
      %max3A_933 = arith.maximumf %min3A_924, %min3A_926 : vector<8x1024xf32>
      %min3A_934 = arith.minimumf %min3A_924, %min3A_926 : vector<8x1024xf32>
      %max3A_935 = arith.maximumf %max3A_657, %min3A_934 : vector<8x1024xf32>
      %max3A_936 = arith.maximumf %min3A_658, %max3A_933 : vector<8x1024xf32>
      %max3A_937 = arith.maximumf %max3A_659, %min3A_932 : vector<8x1024xf32>
      %max3A_938 = arith.maximumf %min3A_660, %max3A_931 : vector<8x1024xf32>
      %max3A_939 = arith.maximumf %max3A_661, %min3A_930 : vector<8x1024xf32>
      %max3A_940 = arith.maximumf %min3A_662, %max3A_929 : vector<8x1024xf32>
      %max3A_941 = arith.maximumf %max3A_663, %min3A_928 : vector<8x1024xf32>
      %max3A_942 = arith.maximumf %min3A_664, %max3A_927 : vector<8x1024xf32>
      %max3A_943 = arith.maximumf %max3A_935, %max3A_939 : vector<8x1024xf32>
      %min3A_944 = arith.minimumf %max3A_935, %max3A_939 : vector<8x1024xf32>
      %max3A_945 = arith.maximumf %max3A_936, %max3A_940 : vector<8x1024xf32>
      %min3A_946 = arith.minimumf %max3A_936, %max3A_940 : vector<8x1024xf32>
      %max3A_947 = arith.maximumf %max3A_937, %max3A_941 : vector<8x1024xf32>
      %min3A_948 = arith.minimumf %max3A_937, %max3A_941 : vector<8x1024xf32>
      %max3A_949 = arith.maximumf %max3A_938, %max3A_942 : vector<8x1024xf32>
      %min3A_950 = arith.minimumf %max3A_938, %max3A_942 : vector<8x1024xf32>
      %max3A_951 = arith.maximumf %max3A_943, %max3A_947 : vector<8x1024xf32>
      %min3A_952 = arith.minimumf %max3A_943, %max3A_947 : vector<8x1024xf32>
      %max3A_953 = arith.maximumf %max3A_945, %max3A_949 : vector<8x1024xf32>
      %min3A_954 = arith.minimumf %max3A_945, %max3A_949 : vector<8x1024xf32>
      %max3A_955 = arith.maximumf %min3A_944, %min3A_948 : vector<8x1024xf32>
      %min3A_956 = arith.minimumf %min3A_944, %min3A_948 : vector<8x1024xf32>
      %max3A_957 = arith.maximumf %min3A_946, %min3A_950 : vector<8x1024xf32>
      %min3A_958 = arith.minimumf %min3A_946, %min3A_950 : vector<8x1024xf32>
      %max3A_959 = arith.maximumf %max3A_951, %max3A_953 : vector<8x1024xf32>
      %min3A_960 = arith.minimumf %max3A_951, %max3A_953 : vector<8x1024xf32>
      %max3A_961 = arith.maximumf %min3A_952, %min3A_954 : vector<8x1024xf32>
      %min3A_962 = arith.minimumf %min3A_952, %min3A_954 : vector<8x1024xf32>
      %max3A_963 = arith.maximumf %max3A_955, %max3A_957 : vector<8x1024xf32>
      %min3A_964 = arith.minimumf %max3A_955, %max3A_957 : vector<8x1024xf32>
      %max3A_965 = arith.maximumf %min3A_956, %min3A_958 : vector<8x1024xf32>
      %min3A_966 = arith.minimumf %min3A_956, %min3A_958 : vector<8x1024xf32>
      %scan3A_967 = arith.constant 3 : i32
      %scan3A_968 = arith.addi %scan3A_58, %scan3A_967 : i32
      %mul3A_969 = arith.constant 128 : i32
      %mul3A_970 = arith.muli %scan3A_968, %mul3A_969 : i32
      %add3A_971 = arith.constant 0 : i32
      %add3A_972 = arith.addi %mul3A_970, %add3A_971 : i32
      %get3A_973 = arith.constant 0 : index
      %get3A_974 = arith.index_cast %add3A_972 : i32 to index
      %get3A_975 = arith.constant 0 : index
      %get3A_976 = vector.load %arg2[%get3A_973, %get3A_974, %get3A_975] : memref<1x1024x1024xf32, #tpu.memory_space<vmem>>, vector<1x8x1024xf32>
      %get3A_977 = vector.shape_cast %get3A_976 : vector<1x8x1024xf32> to vector<8x1024xf32>
      %mul3A_978 = arith.constant 128 : i32
      %mul3A_979 = arith.muli %scan3A_968, %mul3A_978 : i32
      %add3A_980 = arith.constant 8 : i32
      %add3A_981 = arith.addi %mul3A_979, %add3A_980 : i32
      %get3A_982 = arith.constant 0 : index
      %get3A_983 = arith.index_cast %add3A_981 : i32 to index
      %get3A_984 = arith.constant 0 : index
      %get3A_985 = vector.load %arg2[%get3A_982, %get3A_983, %get3A_984] : memref<1x1024x1024xf32, #tpu.memory_space<vmem>>, vector<1x8x1024xf32>
      %get3A_986 = vector.shape_cast %get3A_985 : vector<1x8x1024xf32> to vector<8x1024xf32>
      %mul3A_987 = arith.constant 128 : i32
      %mul3A_988 = arith.muli %scan3A_968, %mul3A_987 : i32
      %add3A_989 = arith.constant 16 : i32
      %add3A_990 = arith.addi %mul3A_988, %add3A_989 : i32
      %get3A_991 = arith.constant 0 : index
      %get3A_992 = arith.index_cast %add3A_990 : i32 to index
      %get3A_993 = arith.constant 0 : index
      %get3A_994 = vector.load %arg2[%get3A_991, %get3A_992, %get3A_993] : memref<1x1024x1024xf32, #tpu.memory_space<vmem>>, vector<1x8x1024xf32>
      %get3A_995 = vector.shape_cast %get3A_994 : vector<1x8x1024xf32> to vector<8x1024xf32>
      %mul3A_996 = arith.constant 128 : i32
      %mul3A_997 = arith.muli %scan3A_968, %mul3A_996 : i32
      %add3A_998 = arith.constant 24 : i32
      %add3A_999 = arith.addi %mul3A_997, %add3A_998 : i32
      %get3A_1000 = arith.constant 0 : index
      %get3A_1001 = arith.index_cast %add3A_999 : i32 to index
      %get3A_1002 = arith.constant 0 : index
      %get3A_1003 = vector.load %arg2[%get3A_1000, %get3A_1001, %get3A_1002] : memref<1x1024x1024xf32, #tpu.memory_space<vmem>>, vector<1x8x1024xf32>
      %get3A_1004 = vector.shape_cast %get3A_1003 : vector<1x8x1024xf32> to vector<8x1024xf32>
      %mul3A_1005 = arith.constant 128 : i32
      %mul3A_1006 = arith.muli %scan3A_968, %mul3A_1005 : i32
      %add3A_1007 = arith.constant 32 : i32
      %add3A_1008 = arith.addi %mul3A_1006, %add3A_1007 : i32
      %get3A_1009 = arith.constant 0 : index
      %get3A_1010 = arith.index_cast %add3A_1008 : i32 to index
      %get3A_1011 = arith.constant 0 : index
      %get3A_1012 = vector.load %arg2[%get3A_1009, %get3A_1010, %get3A_1011] : memref<1x1024x1024xf32, #tpu.memory_space<vmem>>, vector<1x8x1024xf32>
      %get3A_1013 = vector.shape_cast %get3A_1012 : vector<1x8x1024xf32> to vector<8x1024xf32>
      %mul3A_1014 = arith.constant 128 : i32
      %mul3A_1015 = arith.muli %scan3A_968, %mul3A_1014 : i32
      %add3A_1016 = arith.constant 40 : i32
      %add3A_1017 = arith.addi %mul3A_1015, %add3A_1016 : i32
      %get3A_1018 = arith.constant 0 : index
      %get3A_1019 = arith.index_cast %add3A_1017 : i32 to index
      %get3A_1020 = arith.constant 0 : index
      %get3A_1021 = vector.load %arg2[%get3A_1018, %get3A_1019, %get3A_1020] : memref<1x1024x1024xf32, #tpu.memory_space<vmem>>, vector<1x8x1024xf32>
      %get3A_1022 = vector.shape_cast %get3A_1021 : vector<1x8x1024xf32> to vector<8x1024xf32>
      %mul3A_1023 = arith.constant 128 : i32
      %mul3A_1024 = arith.muli %scan3A_968, %mul3A_1023 : i32
      %add3A_1025 = arith.constant 48 : i32
      %add3A_1026 = arith.addi %mul3A_1024, %add3A_1025 : i32
      %get3A_1027 = arith.constant 0 : index
      %get3A_1028 = arith.index_cast %add3A_1026 : i32 to index
      %get3A_1029 = arith.constant 0 : index
      %get3A_1030 = vector.load %arg2[%get3A_1027, %get3A_1028, %get3A_1029] : memref<1x1024x1024xf32, #tpu.memory_space<vmem>>, vector<1x8x1024xf32>
      %get3A_1031 = vector.shape_cast %get3A_1030 : vector<1x8x1024xf32> to vector<8x1024xf32>
      %mul3A_1032 = arith.constant 128 : i32
      %mul3A_1033 = arith.muli %scan3A_968, %mul3A_1032 : i32
      %add3A_1034 = arith.constant 56 : i32
      %add3A_1035 = arith.addi %mul3A_1033, %add3A_1034 : i32
      %get3A_1036 = arith.constant 0 : index
      %get3A_1037 = arith.index_cast %add3A_1035 : i32 to index
      %get3A_1038 = arith.constant 0 : index
      %get3A_1039 = vector.load %arg2[%get3A_1036, %get3A_1037, %get3A_1038] : memref<1x1024x1024xf32, #tpu.memory_space<vmem>>, vector<1x8x1024xf32>
      %get3A_1040 = vector.shape_cast %get3A_1039 : vector<1x8x1024xf32> to vector<8x1024xf32>
      %mul3A_1041 = arith.constant 128 : i32
      %mul3A_1042 = arith.muli %scan3A_968, %mul3A_1041 : i32
      %add3A_1043 = arith.constant 64 : i32
      %add3A_1044 = arith.addi %mul3A_1042, %add3A_1043 : i32
      %add3A_1045 = arith.constant 0 : i32
      %add3A_1046 = arith.addi %add3A_1044, %add3A_1045 : i32
      %get3A_1047 = arith.constant 0 : index
      %get3A_1048 = arith.index_cast %add3A_1046 : i32 to index
      %get3A_1049 = arith.constant 0 : index
      %get3A_1050 = vector.load %arg2[%get3A_1047, %get3A_1048, %get3A_1049] : memref<1x1024x1024xf32, #tpu.memory_space<vmem>>, vector<1x8x1024xf32>
      %get3A_1051 = vector.shape_cast %get3A_1050 : vector<1x8x1024xf32> to vector<8x1024xf32>
      %mul3A_1052 = arith.constant 128 : i32
      %mul3A_1053 = arith.muli %scan3A_968, %mul3A_1052 : i32
      %add3A_1054 = arith.constant 64 : i32
      %add3A_1055 = arith.addi %mul3A_1053, %add3A_1054 : i32
      %add3A_1056 = arith.constant 8 : i32
      %add3A_1057 = arith.addi %add3A_1055, %add3A_1056 : i32
      %get3A_1058 = arith.constant 0 : index
      %get3A_1059 = arith.index_cast %add3A_1057 : i32 to index
      %get3A_1060 = arith.constant 0 : index
      %get3A_1061 = vector.load %arg2[%get3A_1058, %get3A_1059, %get3A_1060] : memref<1x1024x1024xf32, #tpu.memory_space<vmem>>, vector<1x8x1024xf32>
      %get3A_1062 = vector.shape_cast %get3A_1061 : vector<1x8x1024xf32> to vector<8x1024xf32>
      %mul3A_1063 = arith.constant 128 : i32
      %mul3A_1064 = arith.muli %scan3A_968, %mul3A_1063 : i32
      %add3A_1065 = arith.constant 64 : i32
      %add3A_1066 = arith.addi %mul3A_1064, %add3A_1065 : i32
      %add3A_1067 = arith.constant 16 : i32
      %add3A_1068 = arith.addi %add3A_1066, %add3A_1067 : i32
      %get3A_1069 = arith.constant 0 : index
      %get3A_1070 = arith.index_cast %add3A_1068 : i32 to index
      %get3A_1071 = arith.constant 0 : index
      %get3A_1072 = vector.load %arg2[%get3A_1069, %get3A_1070, %get3A_1071] : memref<1x1024x1024xf32, #tpu.memory_space<vmem>>, vector<1x8x1024xf32>
      %get3A_1073 = vector.shape_cast %get3A_1072 : vector<1x8x1024xf32> to vector<8x1024xf32>
      %mul3A_1074 = arith.constant 128 : i32
      %mul3A_1075 = arith.muli %scan3A_968, %mul3A_1074 : i32
      %add3A_1076 = arith.constant 64 : i32
      %add3A_1077 = arith.addi %mul3A_1075, %add3A_1076 : i32
      %add3A_1078 = arith.constant 24 : i32
      %add3A_1079 = arith.addi %add3A_1077, %add3A_1078 : i32
      %get3A_1080 = arith.constant 0 : index
      %get3A_1081 = arith.index_cast %add3A_1079 : i32 to index
      %get3A_1082 = arith.constant 0 : index
      %get3A_1083 = vector.load %arg2[%get3A_1080, %get3A_1081, %get3A_1082] : memref<1x1024x1024xf32, #tpu.memory_space<vmem>>, vector<1x8x1024xf32>
      %get3A_1084 = vector.shape_cast %get3A_1083 : vector<1x8x1024xf32> to vector<8x1024xf32>
      %mul3A_1085 = arith.constant 128 : i32
      %mul3A_1086 = arith.muli %scan3A_968, %mul3A_1085 : i32
      %add3A_1087 = arith.constant 64 : i32
      %add3A_1088 = arith.addi %mul3A_1086, %add3A_1087 : i32
      %add3A_1089 = arith.constant 32 : i32
      %add3A_1090 = arith.addi %add3A_1088, %add3A_1089 : i32
      %get3A_1091 = arith.constant 0 : index
      %get3A_1092 = arith.index_cast %add3A_1090 : i32 to index
      %get3A_1093 = arith.constant 0 : index
      %get3A_1094 = vector.load %arg2[%get3A_1091, %get3A_1092, %get3A_1093] : memref<1x1024x1024xf32, #tpu.memory_space<vmem>>, vector<1x8x1024xf32>
      %get3A_1095 = vector.shape_cast %get3A_1094 : vector<1x8x1024xf32> to vector<8x1024xf32>
      %mul3A_1096 = arith.constant 128 : i32
      %mul3A_1097 = arith.muli %scan3A_968, %mul3A_1096 : i32
      %add3A_1098 = arith.constant 64 : i32
      %add3A_1099 = arith.addi %mul3A_1097, %add3A_1098 : i32
      %add3A_1100 = arith.constant 40 : i32
      %add3A_1101 = arith.addi %add3A_1099, %add3A_1100 : i32
      %get3A_1102 = arith.constant 0 : index
      %get3A_1103 = arith.index_cast %add3A_1101 : i32 to index
      %get3A_1104 = arith.constant 0 : index
      %get3A_1105 = vector.load %arg2[%get3A_1102, %get3A_1103, %get3A_1104] : memref<1x1024x1024xf32, #tpu.memory_space<vmem>>, vector<1x8x1024xf32>
      %get3A_1106 = vector.shape_cast %get3A_1105 : vector<1x8x1024xf32> to vector<8x1024xf32>
      %mul3A_1107 = arith.constant 128 : i32
      %mul3A_1108 = arith.muli %scan3A_968, %mul3A_1107 : i32
      %add3A_1109 = arith.constant 64 : i32
      %add3A_1110 = arith.addi %mul3A_1108, %add3A_1109 : i32
      %add3A_1111 = arith.constant 48 : i32
      %add3A_1112 = arith.addi %add3A_1110, %add3A_1111 : i32
      %get3A_1113 = arith.constant 0 : index
      %get3A_1114 = arith.index_cast %add3A_1112 : i32 to index
      %get3A_1115 = arith.constant 0 : index
      %get3A_1116 = vector.load %arg2[%get3A_1113, %get3A_1114, %get3A_1115] : memref<1x1024x1024xf32, #tpu.memory_space<vmem>>, vector<1x8x1024xf32>
      %get3A_1117 = vector.shape_cast %get3A_1116 : vector<1x8x1024xf32> to vector<8x1024xf32>
      %mul3A_1118 = arith.constant 128 : i32
      %mul3A_1119 = arith.muli %scan3A_968, %mul3A_1118 : i32
      %add3A_1120 = arith.constant 64 : i32
      %add3A_1121 = arith.addi %mul3A_1119, %add3A_1120 : i32
      %add3A_1122 = arith.constant 56 : i32
      %add3A_1123 = arith.addi %add3A_1121, %add3A_1122 : i32
      %get3A_1124 = arith.constant 0 : index
      %get3A_1125 = arith.index_cast %add3A_1123 : i32 to index
      %get3A_1126 = arith.constant 0 : index
      %get3A_1127 = vector.load %arg2[%get3A_1124, %get3A_1125, %get3A_1126] : memref<1x1024x1024xf32, #tpu.memory_space<vmem>>, vector<1x8x1024xf32>
      %get3A_1128 = vector.shape_cast %get3A_1127 : vector<1x8x1024xf32> to vector<8x1024xf32>
      %max3A_1129 = arith.maximumf %get3A_977, %get3A_986 : vector<8x1024xf32>
      %min3A_1130 = arith.minimumf %get3A_977, %get3A_986 : vector<8x1024xf32>
      %max3A_1131 = arith.maximumf %get3A_995, %get3A_1004 : vector<8x1024xf32>
      %min3A_1132 = arith.minimumf %get3A_995, %get3A_1004 : vector<8x1024xf32>
      %max3A_1133 = arith.maximumf %get3A_1013, %get3A_1022 : vector<8x1024xf32>
      %min3A_1134 = arith.minimumf %get3A_1013, %get3A_1022 : vector<8x1024xf32>
      %max3A_1135 = arith.maximumf %get3A_1031, %get3A_1040 : vector<8x1024xf32>
      %min3A_1136 = arith.minimumf %get3A_1031, %get3A_1040 : vector<8x1024xf32>
      %max3A_1137 = arith.maximumf %max3A_1129, %max3A_1131 : vector<8x1024xf32>
      %min3A_1138 = arith.minimumf %max3A_1129, %max3A_1131 : vector<8x1024xf32>
      %max3A_1139 = arith.maximumf %min3A_1130, %min3A_1132 : vector<8x1024xf32>
      %min3A_1140 = arith.minimumf %min3A_1130, %min3A_1132 : vector<8x1024xf32>
      %max3A_1141 = arith.maximumf %max3A_1133, %max3A_1135 : vector<8x1024xf32>
      %min3A_1142 = arith.minimumf %max3A_1133, %max3A_1135 : vector<8x1024xf32>
      %max3A_1143 = arith.maximumf %min3A_1134, %min3A_1136 : vector<8x1024xf32>
      %min3A_1144 = arith.minimumf %min3A_1134, %min3A_1136 : vector<8x1024xf32>
      %max3A_1145 = arith.maximumf %max3A_1139, %min3A_1138 : vector<8x1024xf32>
      %min3A_1146 = arith.minimumf %max3A_1139, %min3A_1138 : vector<8x1024xf32>
      %max3A_1147 = arith.maximumf %max3A_1143, %min3A_1142 : vector<8x1024xf32>
      %min3A_1148 = arith.minimumf %max3A_1143, %min3A_1142 : vector<8x1024xf32>
      %max3A_1149 = arith.maximumf %max3A_1137, %max3A_1141 : vector<8x1024xf32>
      %min3A_1150 = arith.minimumf %max3A_1137, %max3A_1141 : vector<8x1024xf32>
      %max3A_1151 = arith.maximumf %max3A_1145, %max3A_1147 : vector<8x1024xf32>
      %min3A_1152 = arith.minimumf %max3A_1145, %max3A_1147 : vector<8x1024xf32>
      %max3A_1153 = arith.maximumf %min3A_1146, %min3A_1148 : vector<8x1024xf32>
      %min3A_1154 = arith.minimumf %min3A_1146, %min3A_1148 : vector<8x1024xf32>
      %max3A_1155 = arith.maximumf %min3A_1140, %min3A_1144 : vector<8x1024xf32>
      %min3A_1156 = arith.minimumf %min3A_1140, %min3A_1144 : vector<8x1024xf32>
      %max3A_1157 = arith.maximumf %max3A_1153, %min3A_1150 : vector<8x1024xf32>
      %min3A_1158 = arith.minimumf %max3A_1153, %min3A_1150 : vector<8x1024xf32>
      %max3A_1159 = arith.maximumf %max3A_1155, %min3A_1152 : vector<8x1024xf32>
      %min3A_1160 = arith.minimumf %max3A_1155, %min3A_1152 : vector<8x1024xf32>
      %max3A_1161 = arith.maximumf %max3A_1151, %max3A_1157 : vector<8x1024xf32>
      %min3A_1162 = arith.minimumf %max3A_1151, %max3A_1157 : vector<8x1024xf32>
      %max3A_1163 = arith.maximumf %max3A_1159, %min3A_1158 : vector<8x1024xf32>
      %min3A_1164 = arith.minimumf %max3A_1159, %min3A_1158 : vector<8x1024xf32>
      %max3A_1165 = arith.maximumf %min3A_1160, %min3A_1154 : vector<8x1024xf32>
      %min3A_1166 = arith.minimumf %min3A_1160, %min3A_1154 : vector<8x1024xf32>
      %max3A_1167 = arith.maximumf %get3A_1051, %get3A_1062 : vector<8x1024xf32>
      %min3A_1168 = arith.minimumf %get3A_1051, %get3A_1062 : vector<8x1024xf32>
      %max3A_1169 = arith.maximumf %get3A_1073, %get3A_1084 : vector<8x1024xf32>
      %min3A_1170 = arith.minimumf %get3A_1073, %get3A_1084 : vector<8x1024xf32>
      %max3A_1171 = arith.maximumf %get3A_1095, %get3A_1106 : vector<8x1024xf32>
      %min3A_1172 = arith.minimumf %get3A_1095, %get3A_1106 : vector<8x1024xf32>
      %max3A_1173 = arith.maximumf %get3A_1117, %get3A_1128 : vector<8x1024xf32>
      %min3A_1174 = arith.minimumf %get3A_1117, %get3A_1128 : vector<8x1024xf32>
      %max3A_1175 = arith.maximumf %max3A_1167, %max3A_1169 : vector<8x1024xf32>
      %min3A_1176 = arith.minimumf %max3A_1167, %max3A_1169 : vector<8x1024xf32>
      %max3A_1177 = arith.maximumf %min3A_1168, %min3A_1170 : vector<8x1024xf32>
      %min3A_1178 = arith.minimumf %min3A_1168, %min3A_1170 : vector<8x1024xf32>
      %max3A_1179 = arith.maximumf %max3A_1171, %max3A_1173 : vector<8x1024xf32>
      %min3A_1180 = arith.minimumf %max3A_1171, %max3A_1173 : vector<8x1024xf32>
      %max3A_1181 = arith.maximumf %min3A_1172, %min3A_1174 : vector<8x1024xf32>
      %min3A_1182 = arith.minimumf %min3A_1172, %min3A_1174 : vector<8x1024xf32>
      %max3A_1183 = arith.maximumf %max3A_1177, %min3A_1176 : vector<8x1024xf32>
      %min3A_1184 = arith.minimumf %max3A_1177, %min3A_1176 : vector<8x1024xf32>
      %max3A_1185 = arith.maximumf %max3A_1181, %min3A_1180 : vector<8x1024xf32>
      %min3A_1186 = arith.minimumf %max3A_1181, %min3A_1180 : vector<8x1024xf32>
      %max3A_1187 = arith.maximumf %max3A_1175, %max3A_1179 : vector<8x1024xf32>
      %min3A_1188 = arith.minimumf %max3A_1175, %max3A_1179 : vector<8x1024xf32>
      %max3A_1189 = arith.maximumf %max3A_1183, %max3A_1185 : vector<8x1024xf32>
      %min3A_1190 = arith.minimumf %max3A_1183, %max3A_1185 : vector<8x1024xf32>
      %max3A_1191 = arith.maximumf %min3A_1184, %min3A_1186 : vector<8x1024xf32>
      %min3A_1192 = arith.minimumf %min3A_1184, %min3A_1186 : vector<8x1024xf32>
      %max3A_1193 = arith.maximumf %min3A_1178, %min3A_1182 : vector<8x1024xf32>
      %min3A_1194 = arith.minimumf %min3A_1178, %min3A_1182 : vector<8x1024xf32>
      %max3A_1195 = arith.maximumf %max3A_1191, %min3A_1188 : vector<8x1024xf32>
      %min3A_1196 = arith.minimumf %max3A_1191, %min3A_1188 : vector<8x1024xf32>
      %max3A_1197 = arith.maximumf %max3A_1193, %min3A_1190 : vector<8x1024xf32>
      %min3A_1198 = arith.minimumf %max3A_1193, %min3A_1190 : vector<8x1024xf32>
      %max3A_1199 = arith.maximumf %max3A_1189, %max3A_1195 : vector<8x1024xf32>
      %min3A_1200 = arith.minimumf %max3A_1189, %max3A_1195 : vector<8x1024xf32>
      %max3A_1201 = arith.maximumf %max3A_1197, %min3A_1196 : vector<8x1024xf32>
      %min3A_1202 = arith.minimumf %max3A_1197, %min3A_1196 : vector<8x1024xf32>
      %max3A_1203 = arith.maximumf %min3A_1198, %min3A_1192 : vector<8x1024xf32>
      %min3A_1204 = arith.minimumf %min3A_1198, %min3A_1192 : vector<8x1024xf32>
      %max3A_1205 = arith.maximumf %max3A_1149, %min3A_1194 : vector<8x1024xf32>
      %max3A_1206 = arith.maximumf %max3A_1161, %min3A_1204 : vector<8x1024xf32>
      %max3A_1207 = arith.maximumf %min3A_1162, %max3A_1203 : vector<8x1024xf32>
      %max3A_1208 = arith.maximumf %max3A_1163, %min3A_1202 : vector<8x1024xf32>
      %max3A_1209 = arith.maximumf %min3A_1164, %max3A_1201 : vector<8x1024xf32>
      %max3A_1210 = arith.maximumf %max3A_1165, %min3A_1200 : vector<8x1024xf32>
      %max3A_1211 = arith.maximumf %min3A_1166, %max3A_1199 : vector<8x1024xf32>
      %max3A_1212 = arith.maximumf %min3A_1156, %max3A_1187 : vector<8x1024xf32>
      %max3A_1213 = arith.maximumf %max3A_1205, %max3A_1209 : vector<8x1024xf32>
      %min3A_1214 = arith.minimumf %max3A_1205, %max3A_1209 : vector<8x1024xf32>
      %max3A_1215 = arith.maximumf %max3A_1206, %max3A_1210 : vector<8x1024xf32>
      %min3A_1216 = arith.minimumf %max3A_1206, %max3A_1210 : vector<8x1024xf32>
      %max3A_1217 = arith.maximumf %max3A_1207, %max3A_1211 : vector<8x1024xf32>
      %min3A_1218 = arith.minimumf %max3A_1207, %max3A_1211 : vector<8x1024xf32>
      %max3A_1219 = arith.maximumf %max3A_1208, %max3A_1212 : vector<8x1024xf32>
      %min3A_1220 = arith.minimumf %max3A_1208, %max3A_1212 : vector<8x1024xf32>
      %max3A_1221 = arith.maximumf %max3A_1213, %max3A_1217 : vector<8x1024xf32>
      %min3A_1222 = arith.minimumf %max3A_1213, %max3A_1217 : vector<8x1024xf32>
      %max3A_1223 = arith.maximumf %max3A_1215, %max3A_1219 : vector<8x1024xf32>
      %min3A_1224 = arith.minimumf %max3A_1215, %max3A_1219 : vector<8x1024xf32>
      %max3A_1225 = arith.maximumf %min3A_1214, %min3A_1218 : vector<8x1024xf32>
      %min3A_1226 = arith.minimumf %min3A_1214, %min3A_1218 : vector<8x1024xf32>
      %max3A_1227 = arith.maximumf %min3A_1216, %min3A_1220 : vector<8x1024xf32>
      %min3A_1228 = arith.minimumf %min3A_1216, %min3A_1220 : vector<8x1024xf32>
      %max3A_1229 = arith.maximumf %max3A_1221, %max3A_1223 : vector<8x1024xf32>
      %min3A_1230 = arith.minimumf %max3A_1221, %max3A_1223 : vector<8x1024xf32>
      %max3A_1231 = arith.maximumf %min3A_1222, %min3A_1224 : vector<8x1024xf32>
      %min3A_1232 = arith.minimumf %min3A_1222, %min3A_1224 : vector<8x1024xf32>
      %max3A_1233 = arith.maximumf %max3A_1225, %max3A_1227 : vector<8x1024xf32>
      %min3A_1234 = arith.minimumf %max3A_1225, %max3A_1227 : vector<8x1024xf32>
      %max3A_1235 = arith.maximumf %min3A_1226, %min3A_1228 : vector<8x1024xf32>
      %min3A_1236 = arith.minimumf %min3A_1226, %min3A_1228 : vector<8x1024xf32>
      %max3A_1237 = arith.maximumf %max3A_959, %min3A_1236 : vector<8x1024xf32>
      %max3A_1238 = arith.maximumf %min3A_960, %max3A_1235 : vector<8x1024xf32>
      %max3A_1239 = arith.maximumf %max3A_961, %min3A_1234 : vector<8x1024xf32>
      %max3A_1240 = arith.maximumf %min3A_962, %max3A_1233 : vector<8x1024xf32>
      %max3A_1241 = arith.maximumf %max3A_963, %min3A_1232 : vector<8x1024xf32>
      %max3A_1242 = arith.maximumf %min3A_964, %max3A_1231 : vector<8x1024xf32>
      %max3A_1243 = arith.maximumf %max3A_965, %min3A_1230 : vector<8x1024xf32>
      %max3A_1244 = arith.maximumf %min3A_966, %max3A_1229 : vector<8x1024xf32>
      %max3A_1245 = arith.maximumf %max3A_1237, %max3A_1241 : vector<8x1024xf32>
      %min3A_1246 = arith.minimumf %max3A_1237, %max3A_1241 : vector<8x1024xf32>
      %max3A_1247 = arith.maximumf %max3A_1238, %max3A_1242 : vector<8x1024xf32>
      %min3A_1248 = arith.minimumf %max3A_1238, %max3A_1242 : vector<8x1024xf32>
      %max3A_1249 = arith.maximumf %max3A_1239, %max3A_1243 : vector<8x1024xf32>
      %min3A_1250 = arith.minimumf %max3A_1239, %max3A_1243 : vector<8x1024xf32>
      %max3A_1251 = arith.maximumf %max3A_1240, %max3A_1244 : vector<8x1024xf32>
      %min3A_1252 = arith.minimumf %max3A_1240, %max3A_1244 : vector<8x1024xf32>
      %max3A_1253 = arith.maximumf %max3A_1245, %max3A_1249 : vector<8x1024xf32>
      %min3A_1254 = arith.minimumf %max3A_1245, %max3A_1249 : vector<8x1024xf32>
      %max3A_1255 = arith.maximumf %max3A_1247, %max3A_1251 : vector<8x1024xf32>
      %min3A_1256 = arith.minimumf %max3A_1247, %max3A_1251 : vector<8x1024xf32>
      %max3A_1257 = arith.maximumf %min3A_1246, %min3A_1250 : vector<8x1024xf32>
      %min3A_1258 = arith.minimumf %min3A_1246, %min3A_1250 : vector<8x1024xf32>
      %max3A_1259 = arith.maximumf %min3A_1248, %min3A_1252 : vector<8x1024xf32>
      %min3A_1260 = arith.minimumf %min3A_1248, %min3A_1252 : vector<8x1024xf32>
      %max3A_1261 = arith.maximumf %max3A_1253, %max3A_1255 : vector<8x1024xf32>
      %min3A_1262 = arith.minimumf %max3A_1253, %max3A_1255 : vector<8x1024xf32>
      %max3A_1263 = arith.maximumf %min3A_1254, %min3A_1256 : vector<8x1024xf32>
      %min3A_1264 = arith.minimumf %min3A_1254, %min3A_1256 : vector<8x1024xf32>
      %max3A_1265 = arith.maximumf %max3A_1257, %max3A_1259 : vector<8x1024xf32>
      %min3A_1266 = arith.minimumf %max3A_1257, %max3A_1259 : vector<8x1024xf32>
      %max3A_1267 = arith.maximumf %min3A_1258, %min3A_1260 : vector<8x1024xf32>
      %min3A_1268 = arith.minimumf %min3A_1258, %min3A_1260 : vector<8x1024xf32>
      scf.yield %max3A_1261, %min3A_1262, %max3A_1263, %min3A_1264, %max3A_1265, %min3A_1266, %max3A_1267, %min3A_1268 : vector<8x1024xf32>, vector<8x1024xf32>, vector<8x1024xf32>, vector<8x1024xf32>, vector<8x1024xf32>, vector<8x1024xf32>, vector<8x1024xf32>, vector<8x1024xf32>
    }
    %scan3A_29 = arith.constant 8 : i32
    %swap3A = arith.constant 0 : index
    %swap3A_30 = arith.constant 0 : index
    %swap3A_31 = vector.load %arg4[%swap3A, %swap3A_30] : memref<64x1024xf32, #tpu.memory_space<vmem>>, vector<8x1024xf32>
    tpu.vector_store %arg4[%swap3A, %swap3A_30], %scan3A_28#0 {strides = array<i32>} : memref<64x1024xf32, #tpu.memory_space<vmem>>, vector<8x1024xf32>,
    %swap3A_32 = arith.constant 8 : index
    %swap3A_33 = arith.constant 0 : index
    %swap3A_34 = vector.load %arg4[%swap3A_32, %swap3A_33] : memref<64x1024xf32, #tpu.memory_space<vmem>>, vector<8x1024xf32>
    tpu.vector_store %arg4[%swap3A_32, %swap3A_33], %scan3A_28#1 {strides = array<i32>} : memref<64x1024xf32, #tpu.memory_space<vmem>>, vector<8x1024xf32>,
    %swap3A_35 = arith.constant 16 : index
    %swap3A_36 = arith.constant 0 : index
    %swap3A_37 = vector.load %arg4[%swap3A_35, %swap3A_36] : memref<64x1024xf32, #tpu.memory_space<vmem>>, vector<8x1024xf32>
    tpu.vector_store %arg4[%swap3A_35, %swap3A_36], %scan3A_28#2 {strides = array<i32>} : memref<64x1024xf32, #tpu.memory_space<vmem>>, vector<8x1024xf32>,
    %swap3A_38 = arith.constant 24 : index
    %swap3A_39 = arith.constant 0 : index
    %swap3A_40 = vector.load %arg4[%swap3A_38, %swap3A_39] : memref<64x1024xf32, #tpu.memory_space<vmem>>, vector<8x1024xf32>
    tpu.vector_store %arg4[%swap3A_38, %swap3A_39], %scan3A_28#3 {strides = array<i32>} : memref<64x1024xf32, #tpu.memory_space<vmem>>, vector<8x1024xf32>,
    %swap3A_41 = arith.constant 32 : index
    %swap3A_42 = arith.constant 0 : index
    %swap3A_43 = vector.load %arg4[%swap3A_41, %swap3A_42] : memref<64x1024xf32, #tpu.memory_space<vmem>>, vector<8x1024xf32>
    tpu.vector_store %arg4[%swap3A_41, %swap3A_42], %scan3A_28#4 {strides = array<i32>} : memref<64x1024xf32, #tpu.memory_space<vmem>>, vector<8x1024xf32>,
    %swap3A_44 = arith.constant 40 : index
    %swap3A_45 = arith.constant 0 : index
    %swap3A_46 = vector.load %arg4[%swap3A_44, %swap3A_45] : memref<64x1024xf32, #tpu.memory_space<vmem>>, vector<8x1024xf32>
    tpu.vector_store %arg4[%swap3A_44, %swap3A_45], %scan3A_28#5 {strides = array<i32>} : memref<64x1024xf32, #tpu.memory_space<vmem>>, vector<8x1024xf32>,
    %swap3A_47 = arith.constant 48 : index
    %swap3A_48 = arith.constant 0 : index
    %swap3A_49 = vector.load %arg4[%swap3A_47, %swap3A_48] : memref<64x1024xf32, #tpu.memory_space<vmem>>, vector<8x1024xf32>
    tpu.vector_store %arg4[%swap3A_47, %swap3A_48], %scan3A_28#6 {strides = array<i32>} : memref<64x1024xf32, #tpu.memory_space<vmem>>, vector<8x1024xf32>,
    %swap3A_50 = arith.constant 56 : index
    %swap3A_51 = arith.constant 0 : index
    %swap3A_52 = vector.load %arg4[%swap3A_50, %swap3A_51] : memref<64x1024xf32, #tpu.memory_space<vmem>>, vector<8x1024xf32>
    tpu.vector_store %arg4[%swap3A_50, %swap3A_51], %scan3A_28#7 {strides = array<i32>} : memref<64x1024xf32, #tpu.memory_space<vmem>>, vector<8x1024xf32>,
    %eq3A_53 = arith.constant 6 : i32
    %eq3A_54 = arith.cmpi eq, %arg1, %eq3A_53 : i32
    %convert_element_type3A_55 = arith.extui %eq3A_54 : i1 to i32
    %cond3A_56 = arith.constant 0 : i32
    %cond3A_57 = arith.cmpi ne, %convert_element_type3A_55, %cond3A_56 : i32
    scf.if %cond3A_57 {
      %get3A_58 = arith.constant 0 : index
      %get3A_59 = arith.constant 0 : index
      %get3A_60 = vector.load %arg4[%get3A_58, %get3A_59] : memref<64x1024xf32, #tpu.memory_space<vmem>>, vector<64x1024xf32>
      %iota3A = tpu.iota {dimensions = array<i32: 0>} : vector<64x1024xi32>
      %reduce_max3A = arith.constant dense<0xFF800000> : vector<1024xf32>
      %reduce_max3A_61 = vector.multi_reduction <maximumf>, %get3A_60, %reduce_max3A [0] : vector<64x1024xf32> to vector<1024xf32>
      %broadcast_in_dim3A = vector.shape_cast %reduce_max3A_61 : vector<1024xf32> to vector<1x1024xf32>
      %eq3A_62 = vector.broadcast %broadcast_in_dim3A : vector<1x1024xf32> to vector<64x1024xf32>
      %eq3A_63 = arith.cmpf oeq, %get3A_60, %eq3A_62 : vector<64x1024xf32>
      %jit3A = arith.constant 64 : i32
      %broadcast_in_dim3A_64 = vector.broadcast %jit3A : i32 to vector<64x1024xi32>
      %select_n3A = arith.select %eq3A_63, %iota3A, %broadcast_in_dim3A_64 : vector<64x1024xi1>, vector<64x1024xi32>
      %reduce_min3A = arith.constant dense<2147483647> : vector<1024xi32>
      %reduce_min3A_65 = vector.multi_reduction <minsi>, %select_n3A, %reduce_min3A [0] : vector<64x1024xi32> to vector<1024xi32>
      %broadcast_in_dim3A_66 = vector.shape_cast %reduce_min3A_65 : vector<1024xi32> to vector<1x1024xi32>
      %eq3A_67 = vector.broadcast %broadcast_in_dim3A_66 : vector<1x1024xi32> to vector<64x1024xi32>
      %eq3A_68 = arith.cmpi eq, %iota3A, %eq3A_67 : vector<64x1024xi32>
      %jit3A_69 = arith.constant 0xFF800000 : f32
      %broadcast_in_dim3A_70 = vector.broadcast %jit3A_69 : f32 to vector<64x1024xf32>
      %select_n3A_71 = arith.select %eq3A_68, %broadcast_in_dim3A_70, %get3A_60 : vector<64x1024xi1>, vector<64x1024xf32>
      %squeeze3A = vector.shape_cast %broadcast_in_dim3A : vector<1x1024xf32> to vector<1024xf32>
      %swap3A_72 = arith.constant 0 : index
      %swap3A_73 = arith.constant 0 : index
      %swap3A_74 = arith.constant 0 : index
      %swap3A_75 = vector.load %arg3[%swap3A_72, %swap3A_73, %swap3A_74] : memref<1x8x1024xf32, #tpu.memory_space<vmem>>, vector<1x1x1024xf32>
      %swap3A_76 = vector.shape_cast %swap3A_75 : vector<1x1x1024xf32> to vector<1024xf32>
      %swap3A_77 = vector.shape_cast %squeeze3A : vector<1024xf32> to vector<1x1x1024xf32>
      tpu.vector_store %arg3[%swap3A_72, %swap3A_73, %swap3A_74], %swap3A_77 {strides = array<i32>} : memref<1x8x1024xf32, #tpu.memory_space<vmem>>, vector<1x1x1024xf32>,
      %reduce_max3A_78 = arith.constant dense<0xFF800000> : vector<1024xf32>
      %reduce_max3A_79 = vector.multi_reduction <maximumf>, %select_n3A_71, %reduce_max3A_78 [0] : vector<64x1024xf32> to vector<1024xf32>
      %broadcast_in_dim3A_80 = vector.shape_cast %reduce_max3A_79 : vector<1024xf32> to vector<1x1024xf32>
      %eq3A_81 = vector.broadcast %broadcast_in_dim3A_80 : vector<1x1024xf32> to vector<64x1024xf32>
      %eq3A_82 = arith.cmpf oeq, %select_n3A_71, %eq3A_81 : vector<64x1024xf32>
      %jit3A_83 = arith.constant 64 : i32
      %broadcast_in_dim3A_84 = vector.broadcast %jit3A_83 : i32 to vector<64x1024xi32>
      %select_n3A_85 = arith.select %eq3A_82, %iota3A, %broadcast_in_dim3A_84 : vector<64x1024xi1>, vector<64x1024xi32>
      %reduce_min3A_86 = arith.constant dense<2147483647> : vector<1024xi32>
      %reduce_min3A_87 = vector.multi_reduction <minsi>, %select_n3A_85, %reduce_min3A_86 [0] : vector<64x1024xi32> to vector<1024xi32>
      %broadcast_in_dim3A_88 = vector.shape_cast %reduce_min3A_87 : vector<1024xi32> to vector<1x1024xi32>
      %eq3A_89 = vector.broadcast %broadcast_in_dim3A_88 : vector<1x1024xi32> to vector<64x1024xi32>
      %eq3A_90 = arith.cmpi eq, %iota3A, %eq3A_89 : vector<64x1024xi32>
      %jit3A_91 = arith.constant 0xFF800000 : f32
      %broadcast_in_dim3A_92 = vector.broadcast %jit3A_91 : f32 to vector<64x1024xf32>
      %select_n3A_93 = arith.select %eq3A_90, %broadcast_in_dim3A_92, %select_n3A_71 : vector<64x1024xi1>, vector<64x1024xf32>
      %squeeze3A_94 = vector.shape_cast %broadcast_in_dim3A_80 : vector<1x1024xf32> to vector<1024xf32>
      %swap3A_95 = arith.constant 0 : index
      %swap3A_96 = arith.constant 1 : index
      %swap3A_97 = arith.constant 0 : index
      %swap3A_98 = vector.load %arg3[%swap3A_95, %swap3A_96, %swap3A_97] : memref<1x8x1024xf32, #tpu.memory_space<vmem>>, vector<1x1x1024xf32>
      %swap3A_99 = vector.shape_cast %swap3A_98 : vector<1x1x1024xf32> to vector<1024xf32>
      %swap3A_100 = vector.shape_cast %squeeze3A_94 : vector<1024xf32> to vector<1x1x1024xf32>
      tpu.vector_store %arg3[%swap3A_95, %swap3A_96, %swap3A_97], %swap3A_100 {strides = array<i32>} : memref<1x8x1024xf32, #tpu.memory_space<vmem>>, vector<1x1x1024xf32>,
      %reduce_max3A_101 = arith.constant dense<0xFF800000> : vector<1024xf32>
      %reduce_max3A_102 = vector.multi_reduction <maximumf>, %select_n3A_93, %reduce_max3A_101 [0] : vector<64x1024xf32> to vector<1024xf32>
      %broadcast_in_dim3A_103 = vector.shape_cast %reduce_max3A_102 : vector<1024xf32> to vector<1x1024xf32>
      %eq3A_104 = vector.broadcast %broadcast_in_dim3A_103 : vector<1x1024xf32> to vector<64x1024xf32>
      %eq3A_105 = arith.cmpf oeq, %select_n3A_93, %eq3A_104 : vector<64x1024xf32>
      %jit3A_106 = arith.constant 64 : i32
      %broadcast_in_dim3A_107 = vector.broadcast %jit3A_106 : i32 to vector<64x1024xi32>
      %select_n3A_108 = arith.select %eq3A_105, %iota3A, %broadcast_in_dim3A_107 : vector<64x1024xi1>, vector<64x1024xi32>
      %reduce_min3A_109 = arith.constant dense<2147483647> : vector<1024xi32>
      %reduce_min3A_110 = vector.multi_reduction <minsi>, %select_n3A_108, %reduce_min3A_109 [0] : vector<64x1024xi32> to vector<1024xi32>
      %broadcast_in_dim3A_111 = vector.shape_cast %reduce_min3A_110 : vector<1024xi32> to vector<1x1024xi32>
      %eq3A_112 = vector.broadcast %broadcast_in_dim3A_111 : vector<1x1024xi32> to vector<64x1024xi32>
      %eq3A_113 = arith.cmpi eq, %iota3A, %eq3A_112 : vector<64x1024xi32>
      %jit3A_114 = arith.constant 0xFF800000 : f32
      %broadcast_in_dim3A_115 = vector.broadcast %jit3A_114 : f32 to vector<64x1024xf32>
      %select_n3A_116 = arith.select %eq3A_113, %broadcast_in_dim3A_115, %select_n3A_93 : vector<64x1024xi1>, vector<64x1024xf32>
      %squeeze3A_117 = vector.shape_cast %broadcast_in_dim3A_103 : vector<1x1024xf32> to vector<1024xf32>
      %swap3A_118 = arith.constant 0 : index
      %swap3A_119 = arith.constant 2 : index
      %swap3A_120 = arith.constant 0 : index
      %swap3A_121 = vector.load %arg3[%swap3A_118, %swap3A_119, %swap3A_120] : memref<1x8x1024xf32, #tpu.memory_space<vmem>>, vector<1x1x1024xf32>
      %swap3A_122 = vector.shape_cast %swap3A_121 : vector<1x1x1024xf32> to vector<1024xf32>
      %swap3A_123 = vector.shape_cast %squeeze3A_117 : vector<1024xf32> to vector<1x1x1024xf32>
      tpu.vector_store %arg3[%swap3A_118, %swap3A_119, %swap3A_120], %swap3A_123 {strides = array<i32>} : memref<1x8x1024xf32, #tpu.memory_space<vmem>>, vector<1x1x1024xf32>,
      %reduce_max3A_124 = arith.constant dense<0xFF800000> : vector<1024xf32>
      %reduce_max3A_125 = vector.multi_reduction <maximumf>, %select_n3A_116, %reduce_max3A_124 [0] : vector<64x1024xf32> to vector<1024xf32>
      %broadcast_in_dim3A_126 = vector.shape_cast %reduce_max3A_125 : vector<1024xf32> to vector<1x1024xf32>
      %eq3A_127 = vector.broadcast %broadcast_in_dim3A_126 : vector<1x1024xf32> to vector<64x1024xf32>
      %eq3A_128 = arith.cmpf oeq, %select_n3A_116, %eq3A_127 : vector<64x1024xf32>
      %jit3A_129 = arith.constant 64 : i32
      %broadcast_in_dim3A_130 = vector.broadcast %jit3A_129 : i32 to vector<64x1024xi32>
      %select_n3A_131 = arith.select %eq3A_128, %iota3A, %broadcast_in_dim3A_130 : vector<64x1024xi1>, vector<64x1024xi32>
      %reduce_min3A_132 = arith.constant dense<2147483647> : vector<1024xi32>
      %reduce_min3A_133 = vector.multi_reduction <minsi>, %select_n3A_131, %reduce_min3A_132 [0] : vector<64x1024xi32> to vector<1024xi32>
      %broadcast_in_dim3A_134 = vector.shape_cast %reduce_min3A_133 : vector<1024xi32> to vector<1x1024xi32>
      %eq3A_135 = vector.broadcast %broadcast_in_dim3A_134 : vector<1x1024xi32> to vector<64x1024xi32>
      %eq3A_136 = arith.cmpi eq, %iota3A, %eq3A_135 : vector<64x1024xi32>
      %jit3A_137 = arith.constant 0xFF800000 : f32
      %broadcast_in_dim3A_138 = vector.broadcast %jit3A_137 : f32 to vector<64x1024xf32>
      %select_n3A_139 = arith.select %eq3A_136, %broadcast_in_dim3A_138, %select_n3A_116 : vector<64x1024xi1>, vector<64x1024xf32>
      %squeeze3A_140 = vector.shape_cast %broadcast_in_dim3A_126 : vector<1x1024xf32> to vector<1024xf32>
      %swap3A_141 = arith.constant 0 : index
      %swap3A_142 = arith.constant 3 : index
      %swap3A_143 = arith.constant 0 : index
      %swap3A_144 = vector.load %arg3[%swap3A_141, %swap3A_142, %swap3A_143] : memref<1x8x1024xf32, #tpu.memory_space<vmem>>, vector<1x1x1024xf32>
      %swap3A_145 = vector.shape_cast %swap3A_144 : vector<1x1x1024xf32> to vector<1024xf32>
      %swap3A_146 = vector.shape_cast %squeeze3A_140 : vector<1024xf32> to vector<1x1x1024xf32>
      tpu.vector_store %arg3[%swap3A_141, %swap3A_142, %swap3A_143], %swap3A_146 {strides = array<i32>} : memref<1x8x1024xf32, #tpu.memory_space<vmem>>, vector<1x1x1024xf32>,
      %reduce_max3A_147 = arith.constant dense<0xFF800000> : vector<1024xf32>
      %reduce_max3A_148 = vector.multi_reduction <maximumf>, %select_n3A_139, %reduce_max3A_147 [0] : vector<64x1024xf32> to vector<1024xf32>
      %broadcast_in_dim3A_149 = vector.shape_cast %reduce_max3A_148 : vector<1024xf32> to vector<1x1024xf32>
      %eq3A_150 = vector.broadcast %broadcast_in_dim3A_149 : vector<1x1024xf32> to vector<64x1024xf32>
      %eq3A_151 = arith.cmpf oeq, %select_n3A_139, %eq3A_150 : vector<64x1024xf32>
      %jit3A_152 = arith.constant 64 : i32
      %broadcast_in_dim3A_153 = vector.broadcast %jit3A_152 : i32 to vector<64x1024xi32>
      %select_n3A_154 = arith.select %eq3A_151, %iota3A, %broadcast_in_dim3A_153 : vector<64x1024xi1>, vector<64x1024xi32>
      %reduce_min3A_155 = arith.constant dense<2147483647> : vector<1024xi32>
      %reduce_min3A_156 = vector.multi_reduction <minsi>, %select_n3A_154, %reduce_min3A_155 [0] : vector<64x1024xi32> to vector<1024xi32>
      %broadcast_in_dim3A_157 = vector.shape_cast %reduce_min3A_156 : vector<1024xi32> to vector<1x1024xi32>
      %eq3A_158 = vector.broadcast %broadcast_in_dim3A_157 : vector<1x1024xi32> to vector<64x1024xi32>
      %eq3A_159 = arith.cmpi eq, %iota3A, %eq3A_158 : vector<64x1024xi32>
      %jit3A_160 = arith.constant 0xFF800000 : f32
      %broadcast_in_dim3A_161 = vector.broadcast %jit3A_160 : f32 to vector<64x1024xf32>
      %select_n3A_162 = arith.select %eq3A_159, %broadcast_in_dim3A_161, %select_n3A_139 : vector<64x1024xi1>, vector<64x1024xf32>
      %squeeze3A_163 = vector.shape_cast %broadcast_in_dim3A_149 : vector<1x1024xf32> to vector<1024xf32>
      %swap3A_164 = arith.constant 0 : index
      %swap3A_165 = arith.constant 4 : index
      %swap3A_166 = arith.constant 0 : index
      %swap3A_167 = vector.load %arg3[%swap3A_164, %swap3A_165, %swap3A_166] : memref<1x8x1024xf32, #tpu.memory_space<vmem>>, vector<1x1x1024xf32>
      %swap3A_168 = vector.shape_cast %swap3A_167 : vector<1x1x1024xf32> to vector<1024xf32>
      %swap3A_169 = vector.shape_cast %squeeze3A_163 : vector<1024xf32> to vector<1x1x1024xf32>
      tpu.vector_store %arg3[%swap3A_164, %swap3A_165, %swap3A_166], %swap3A_169 {strides = array<i32>} : memref<1x8x1024xf32, #tpu.memory_space<vmem>>, vector<1x1x1024xf32>,
      %reduce_max3A_170 = arith.constant dense<0xFF800000> : vector<1024xf32>
      %reduce_max3A_171 = vector.multi_reduction <maximumf>, %select_n3A_162, %reduce_max3A_170 [0] : vector<64x1024xf32> to vector<1024xf32>
      %broadcast_in_dim3A_172 = vector.shape_cast %reduce_max3A_171 : vector<1024xf32> to vector<1x1024xf32>
      %eq3A_173 = vector.broadcast %broadcast_in_dim3A_172 : vector<1x1024xf32> to vector<64x1024xf32>
      %eq3A_174 = arith.cmpf oeq, %select_n3A_162, %eq3A_173 : vector<64x1024xf32>
      %jit3A_175 = arith.constant 64 : i32
      %broadcast_in_dim3A_176 = vector.broadcast %jit3A_175 : i32 to vector<64x1024xi32>
      %select_n3A_177 = arith.select %eq3A_174, %iota3A, %broadcast_in_dim3A_176 : vector<64x1024xi1>, vector<64x1024xi32>
      %reduce_min3A_178 = arith.constant dense<2147483647> : vector<1024xi32>
      %reduce_min3A_179 = vector.multi_reduction <minsi>, %select_n3A_177, %reduce_min3A_178 [0] : vector<64x1024xi32> to vector<1024xi32>
      %broadcast_in_dim3A_180 = vector.shape_cast %reduce_min3A_179 : vector<1024xi32> to vector<1x1024xi32>
      %eq3A_181 = vector.broadcast %broadcast_in_dim3A_180 : vector<1x1024xi32> to vector<64x1024xi32>
      %eq3A_182 = arith.cmpi eq, %iota3A, %eq3A_181 : vector<64x1024xi32>
      %jit3A_183 = arith.constant 0xFF800000 : f32
      %broadcast_in_dim3A_184 = vector.broadcast %jit3A_183 : f32 to vector<64x1024xf32>
      %select_n3A_185 = arith.select %eq3A_182, %broadcast_in_dim3A_184, %select_n3A_162 : vector<64x1024xi1>, vector<64x1024xf32>
      %squeeze3A_186 = vector.shape_cast %broadcast_in_dim3A_172 : vector<1x1024xf32> to vector<1024xf32>
      %swap3A_187 = arith.constant 0 : index
      %swap3A_188 = arith.constant 5 : index
      %swap3A_189 = arith.constant 0 : index
      %swap3A_190 = vector.load %arg3[%swap3A_187, %swap3A_188, %swap3A_189] : memref<1x8x1024xf32, #tpu.memory_space<vmem>>, vector<1x1x1024xf32>
      %swap3A_191 = vector.shape_cast %swap3A_190 : vector<1x1x1024xf32> to vector<1024xf32>
      %swap3A_192 = vector.shape_cast %squeeze3A_186 : vector<1024xf32> to vector<1x1x1024xf32>
      tpu.vector_store %arg3[%swap3A_187, %swap3A_188, %swap3A_189], %swap3A_192 {strides = array<i32>} : memref<1x8x1024xf32, #tpu.memory_space<vmem>>, vector<1x1x1024xf32>,
      %reduce_max3A_193 = arith.constant dense<0xFF800000> : vector<1024xf32>
      %reduce_max3A_194 = vector.multi_reduction <maximumf>, %select_n3A_185, %reduce_max3A_193 [0] : vector<64x1024xf32> to vector<1024xf32>
      %broadcast_in_dim3A_195 = vector.shape_cast %reduce_max3A_194 : vector<1024xf32> to vector<1x1024xf32>
      %eq3A_196 = vector.broadcast %broadcast_in_dim3A_195 : vector<1x1024xf32> to vector<64x1024xf32>
      %eq3A_197 = arith.cmpf oeq, %select_n3A_185, %eq3A_196 : vector<64x1024xf32>
      %jit3A_198 = arith.constant 64 : i32
      %broadcast_in_dim3A_199 = vector.broadcast %jit3A_198 : i32 to vector<64x1024xi32>
      %select_n3A_200 = arith.select %eq3A_197, %iota3A, %broadcast_in_dim3A_199 : vector<64x1024xi1>, vector<64x1024xi32>
      %reduce_min3A_201 = arith.constant dense<2147483647> : vector<1024xi32>
      %reduce_min3A_202 = vector.multi_reduction <minsi>, %select_n3A_200, %reduce_min3A_201 [0] : vector<64x1024xi32> to vector<1024xi32>
      %broadcast_in_dim3A_203 = vector.shape_cast %reduce_min3A_202 : vector<1024xi32> to vector<1x1024xi32>
      %eq3A_204 = vector.broadcast %broadcast_in_dim3A_203 : vector<1x1024xi32> to vector<64x1024xi32>
      %eq3A_205 = arith.cmpi eq, %iota3A, %eq3A_204 : vector<64x1024xi32>
      %jit3A_206 = arith.constant 0xFF800000 : f32
      %broadcast_in_dim3A_207 = vector.broadcast %jit3A_206 : f32 to vector<64x1024xf32>
      %select_n3A_208 = arith.select %eq3A_205, %broadcast_in_dim3A_207, %select_n3A_185 : vector<64x1024xi1>, vector<64x1024xf32>
      %squeeze3A_209 = vector.shape_cast %broadcast_in_dim3A_195 : vector<1x1024xf32> to vector<1024xf32>
      %swap3A_210 = arith.constant 0 : index
      %swap3A_211 = arith.constant 6 : index
      %swap3A_212 = arith.constant 0 : index
      %swap3A_213 = vector.load %arg3[%swap3A_210, %swap3A_211, %swap3A_212] : memref<1x8x1024xf32, #tpu.memory_space<vmem>>, vector<1x1x1024xf32>
      %swap3A_214 = vector.shape_cast %swap3A_213 : vector<1x1x1024xf32> to vector<1024xf32>
      %swap3A_215 = vector.shape_cast %squeeze3A_209 : vector<1024xf32> to vector<1x1x1024xf32>
      tpu.vector_store %arg3[%swap3A_210, %swap3A_211, %swap3A_212], %swap3A_215 {strides = array<i32>} : memref<1x8x1024xf32, #tpu.memory_space<vmem>>, vector<1x1x1024xf32>,
      %reduce_max3A_216 = arith.constant dense<0xFF800000> : vector<1024xf32>
      %reduce_max3A_217 = vector.multi_reduction <maximumf>, %select_n3A_208, %reduce_max3A_216 [0] : vector<64x1024xf32> to vector<1024xf32>
      %broadcast_in_dim3A_218 = vector.shape_cast %reduce_max3A_217 : vector<1024xf32> to vector<1x1024xf32>
      %squeeze3A_219 = vector.shape_cast %broadcast_in_dim3A_218 : vector<1x1024xf32> to vector<1024xf32>
      %swap3A_220 = arith.constant 0 : index
      %swap3A_221 = arith.constant 7 : index
      %swap3A_222 = arith.constant 0 : index
      %swap3A_223 = vector.load %arg3[%swap3A_220, %swap3A_221, %swap3A_222] : memref<1x8x1024xf32, #tpu.memory_space<vmem>>, vector<1x1x1024xf32>
      %swap3A_224 = vector.shape_cast %swap3A_223 : vector<1x1x1024xf32> to vector<1024xf32>
      %swap3A_225 = vector.shape_cast %squeeze3A_219 : vector<1024xf32> to vector<1x1x1024xf32>
      tpu.vector_store %arg3[%swap3A_220, %swap3A_221, %swap3A_222], %swap3A_225 {strides = array<i32>} : memref<1x8x1024xf32, #tpu.memory_space<vmem>>, vector<1x1x1024xf32>,
    } else {
    }
    return
  }
  func.func @transform_0(%arg0: i32, %arg1: i32) -> (i32, i32, i32) {
    %c0_i32 = arith.constant 0 : i32
    %c0_i32_0 = arith.constant 0 : i32
    return %arg0, %arg1, %c0_i32 : i32, i32, i32
  }
  func.func @transform_1(%arg0: i32, %arg1: i32) -> (i32, i32, i32) {
    %c0_i32 = arith.constant 0 : i32
    %c0_i32_0 = arith.constant 0 : i32
    %c0_i32_1 = arith.constant 0 : i32
    return %arg0, %c0_i32, %c0_i32_0 : i32, i32, i32
  }
}

module attributes {stable_mosaic.version = 14 : i64} {
  func.func @_merge_kernel(%arg0: i32, %arg1: memref<1x8x1024xf32, #tpu.memory_space<vmem>>, %arg2: memref<1x8x1024xf32, #tpu.memory_space<vmem>>, %arg3: memref<1x8x1024xf32, #tpu.memory_space<vmem>>) attributes {dimension_semantics = [#tpu.dimension_semantics<arbitrary>], iteration_bounds = array<i64: 4>, scalar_prefetch = 0 : i64, scratch_operands = 0 : i64, tpu.core_type = #tpu.core_type<tc>, window_params = [{transform_indices = @transform_0, window_bounds = array<i64: 1, 8, 1024>}, {transform_indices = @transform_1, window_bounds = array<i64: 1, 8, 1024>}, {transform_indices = @transform_2, window_bounds = array<i64: 1, 8, 1024>}]} {
    %get3A = arith.constant 0 : index
    %get3A_0 = arith.constant 0 : index
    %get3A_1 = arith.constant 0 : index
    %get3A_2 = vector.load %arg1[%get3A, %get3A_0, %get3A_1] : memref<1x8x1024xf32, #tpu.memory_space<vmem>>, vector<1x1x1024xf32>
    %get3A_3 = vector.shape_cast %get3A_2 : vector<1x1x1024xf32> to vector<1024xf32>
    %get3A_4 = arith.constant 0 : index
    %get3A_5 = arith.constant 1 : index
    %get3A_6 = arith.constant 0 : index
    %get3A_7 = vector.load %arg1[%get3A_4, %get3A_5, %get3A_6] : memref<1x8x1024xf32, #tpu.memory_space<vmem>>, vector<1x1x1024xf32>
    %get3A_8 = vector.shape_cast %get3A_7 : vector<1x1x1024xf32> to vector<1024xf32>
    %get3A_9 = arith.constant 0 : index
    %get3A_10 = arith.constant 2 : index
    %get3A_11 = arith.constant 0 : index
    %get3A_12 = vector.load %arg1[%get3A_9, %get3A_10, %get3A_11] : memref<1x8x1024xf32, #tpu.memory_space<vmem>>, vector<1x1x1024xf32>
    %get3A_13 = vector.shape_cast %get3A_12 : vector<1x1x1024xf32> to vector<1024xf32>
    %get3A_14 = arith.constant 0 : index
    %get3A_15 = arith.constant 3 : index
    %get3A_16 = arith.constant 0 : index
    %get3A_17 = vector.load %arg1[%get3A_14, %get3A_15, %get3A_16] : memref<1x8x1024xf32, #tpu.memory_space<vmem>>, vector<1x1x1024xf32>
    %get3A_18 = vector.shape_cast %get3A_17 : vector<1x1x1024xf32> to vector<1024xf32>
    %get3A_19 = arith.constant 0 : index
    %get3A_20 = arith.constant 4 : index
    %get3A_21 = arith.constant 0 : index
    %get3A_22 = vector.load %arg1[%get3A_19, %get3A_20, %get3A_21] : memref<1x8x1024xf32, #tpu.memory_space<vmem>>, vector<1x1x1024xf32>
    %get3A_23 = vector.shape_cast %get3A_22 : vector<1x1x1024xf32> to vector<1024xf32>
    %get3A_24 = arith.constant 0 : index
    %get3A_25 = arith.constant 5 : index
    %get3A_26 = arith.constant 0 : index
    %get3A_27 = vector.load %arg1[%get3A_24, %get3A_25, %get3A_26] : memref<1x8x1024xf32, #tpu.memory_space<vmem>>, vector<1x1x1024xf32>
    %get3A_28 = vector.shape_cast %get3A_27 : vector<1x1x1024xf32> to vector<1024xf32>
    %get3A_29 = arith.constant 0 : index
    %get3A_30 = arith.constant 6 : index
    %get3A_31 = arith.constant 0 : index
    %get3A_32 = vector.load %arg1[%get3A_29, %get3A_30, %get3A_31] : memref<1x8x1024xf32, #tpu.memory_space<vmem>>, vector<1x1x1024xf32>
    %get3A_33 = vector.shape_cast %get3A_32 : vector<1x1x1024xf32> to vector<1024xf32>
    %get3A_34 = arith.constant 0 : index
    %get3A_35 = arith.constant 7 : index
    %get3A_36 = arith.constant 0 : index
    %get3A_37 = vector.load %arg1[%get3A_34, %get3A_35, %get3A_36] : memref<1x8x1024xf32, #tpu.memory_space<vmem>>, vector<1x1x1024xf32>
    %get3A_38 = vector.shape_cast %get3A_37 : vector<1x1x1024xf32> to vector<1024xf32>
    %get3A_39 = arith.constant 0 : index
    %get3A_40 = arith.constant 0 : index
    %get3A_41 = arith.constant 0 : index
    %get3A_42 = vector.load %arg2[%get3A_39, %get3A_40, %get3A_41] : memref<1x8x1024xf32, #tpu.memory_space<vmem>>, vector<1x1x1024xf32>
    %get3A_43 = vector.shape_cast %get3A_42 : vector<1x1x1024xf32> to vector<1024xf32>
    %get3A_44 = arith.constant 0 : index
    %get3A_45 = arith.constant 1 : index
    %get3A_46 = arith.constant 0 : index
    %get3A_47 = vector.load %arg2[%get3A_44, %get3A_45, %get3A_46] : memref<1x8x1024xf32, #tpu.memory_space<vmem>>, vector<1x1x1024xf32>
    %get3A_48 = vector.shape_cast %get3A_47 : vector<1x1x1024xf32> to vector<1024xf32>
    %get3A_49 = arith.constant 0 : index
    %get3A_50 = arith.constant 2 : index
    %get3A_51 = arith.constant 0 : index
    %get3A_52 = vector.load %arg2[%get3A_49, %get3A_50, %get3A_51] : memref<1x8x1024xf32, #tpu.memory_space<vmem>>, vector<1x1x1024xf32>
    %get3A_53 = vector.shape_cast %get3A_52 : vector<1x1x1024xf32> to vector<1024xf32>
    %get3A_54 = arith.constant 0 : index
    %get3A_55 = arith.constant 3 : index
    %get3A_56 = arith.constant 0 : index
    %get3A_57 = vector.load %arg2[%get3A_54, %get3A_55, %get3A_56] : memref<1x8x1024xf32, #tpu.memory_space<vmem>>, vector<1x1x1024xf32>
    %get3A_58 = vector.shape_cast %get3A_57 : vector<1x1x1024xf32> to vector<1024xf32>
    %get3A_59 = arith.constant 0 : index
    %get3A_60 = arith.constant 4 : index
    %get3A_61 = arith.constant 0 : index
    %get3A_62 = vector.load %arg2[%get3A_59, %get3A_60, %get3A_61] : memref<1x8x1024xf32, #tpu.memory_space<vmem>>, vector<1x1x1024xf32>
    %get3A_63 = vector.shape_cast %get3A_62 : vector<1x1x1024xf32> to vector<1024xf32>
    %get3A_64 = arith.constant 0 : index
    %get3A_65 = arith.constant 5 : index
    %get3A_66 = arith.constant 0 : index
    %get3A_67 = vector.load %arg2[%get3A_64, %get3A_65, %get3A_66] : memref<1x8x1024xf32, #tpu.memory_space<vmem>>, vector<1x1x1024xf32>
    %get3A_68 = vector.shape_cast %get3A_67 : vector<1x1x1024xf32> to vector<1024xf32>
    %get3A_69 = arith.constant 0 : index
    %get3A_70 = arith.constant 6 : index
    %get3A_71 = arith.constant 0 : index
    %get3A_72 = vector.load %arg2[%get3A_69, %get3A_70, %get3A_71] : memref<1x8x1024xf32, #tpu.memory_space<vmem>>, vector<1x1x1024xf32>
    %get3A_73 = vector.shape_cast %get3A_72 : vector<1x1x1024xf32> to vector<1024xf32>
    %get3A_74 = arith.constant 0 : index
    %get3A_75 = arith.constant 7 : index
    %get3A_76 = arith.constant 0 : index
    %get3A_77 = vector.load %arg2[%get3A_74, %get3A_75, %get3A_76] : memref<1x8x1024xf32, #tpu.memory_space<vmem>>, vector<1x1x1024xf32>
    %get3A_78 = vector.shape_cast %get3A_77 : vector<1x1x1024xf32> to vector<1024xf32>
    %max3A = arith.maximumf %get3A_3, %get3A_78 : vector<1024xf32>
    %max3A_79 = arith.maximumf %get3A_8, %get3A_73 : vector<1024xf32>
    %max3A_80 = arith.maximumf %get3A_13, %get3A_68 : vector<1024xf32>
    %max3A_81 = arith.maximumf %get3A_18, %get3A_63 : vector<1024xf32>
    %max3A_82 = arith.maximumf %get3A_23, %get3A_58 : vector<1024xf32>
    %max3A_83 = arith.maximumf %get3A_28, %get3A_53 : vector<1024xf32>
    %max3A_84 = arith.maximumf %get3A_33, %get3A_48 : vector<1024xf32>
    %max3A_85 = arith.maximumf %get3A_38, %get3A_43 : vector<1024xf32>
    %max3A_86 = arith.maximumf %max3A, %max3A_82 : vector<1024xf32>
    %min3A = arith.minimumf %max3A, %max3A_82 : vector<1024xf32>
    %max3A_87 = arith.maximumf %max3A_79, %max3A_83 : vector<1024xf32>
    %min3A_88 = arith.minimumf %max3A_79, %max3A_83 : vector<1024xf32>
    %max3A_89 = arith.maximumf %max3A_80, %max3A_84 : vector<1024xf32>
    %min3A_90 = arith.minimumf %max3A_80, %max3A_84 : vector<1024xf32>
    %max3A_91 = arith.maximumf %max3A_81, %max3A_85 : vector<1024xf32>
    %min3A_92 = arith.minimumf %max3A_81, %max3A_85 : vector<1024xf32>
    %max3A_93 = arith.maximumf %max3A_86, %max3A_89 : vector<1024xf32>
    %min3A_94 = arith.minimumf %max3A_86, %max3A_89 : vector<1024xf32>
    %max3A_95 = arith.maximumf %max3A_87, %max3A_91 : vector<1024xf32>
    %min3A_96 = arith.minimumf %max3A_87, %max3A_91 : vector<1024xf32>
    %max3A_97 = arith.maximumf %min3A, %min3A_90 : vector<1024xf32>
    %min3A_98 = arith.minimumf %min3A, %min3A_90 : vector<1024xf32>
    %max3A_99 = arith.maximumf %min3A_88, %min3A_92 : vector<1024xf32>
    %min3A_100 = arith.minimumf %min3A_88, %min3A_92 : vector<1024xf32>
    %max3A_101 = arith.maximumf %max3A_93, %max3A_95 : vector<1024xf32>
    %min3A_102 = arith.minimumf %max3A_93, %max3A_95 : vector<1024xf32>
    %max3A_103 = arith.maximumf %min3A_94, %min3A_96 : vector<1024xf32>
    %min3A_104 = arith.minimumf %min3A_94, %min3A_96 : vector<1024xf32>
    %max3A_105 = arith.maximumf %max3A_97, %max3A_99 : vector<1024xf32>
    %min3A_106 = arith.minimumf %max3A_97, %max3A_99 : vector<1024xf32>
    %max3A_107 = arith.maximumf %min3A_98, %min3A_100 : vector<1024xf32>
    %min3A_108 = arith.minimumf %min3A_98, %min3A_100 : vector<1024xf32>
    %swap3A = arith.constant 0 : index
    %swap3A_109 = arith.constant 0 : index
    %swap3A_110 = arith.constant 0 : index
    %swap3A_111 = vector.load %arg3[%swap3A, %swap3A_109, %swap3A_110] : memref<1x8x1024xf32, #tpu.memory_space<vmem>>, vector<1x1x1024xf32>
    %swap3A_112 = vector.shape_cast %swap3A_111 : vector<1x1x1024xf32> to vector<1024xf32>
    %swap3A_113 = vector.shape_cast %max3A_101 : vector<1024xf32> to vector<1x1x1024xf32>
    tpu.vector_store %arg3[%swap3A, %swap3A_109, %swap3A_110], %swap3A_113 {strides = array<i32>} : memref<1x8x1024xf32, #tpu.memory_space<vmem>>, vector<1x1x1024xf32>,
    %swap3A_114 = arith.constant 0 : index
    %swap3A_115 = arith.constant 1 : index
    %swap3A_116 = arith.constant 0 : index
    %swap3A_117 = vector.load %arg3[%swap3A_114, %swap3A_115, %swap3A_116] : memref<1x8x1024xf32, #tpu.memory_space<vmem>>, vector<1x1x1024xf32>
    %swap3A_118 = vector.shape_cast %swap3A_117 : vector<1x1x1024xf32> to vector<1024xf32>
    %swap3A_119 = vector.shape_cast %min3A_102 : vector<1024xf32> to vector<1x1x1024xf32>
    tpu.vector_store %arg3[%swap3A_114, %swap3A_115, %swap3A_116], %swap3A_119 {strides = array<i32>} : memref<1x8x1024xf32, #tpu.memory_space<vmem>>, vector<1x1x1024xf32>,
    %swap3A_120 = arith.constant 0 : index
    %swap3A_121 = arith.constant 2 : index
    %swap3A_122 = arith.constant 0 : index
    %swap3A_123 = vector.load %arg3[%swap3A_120, %swap3A_121, %swap3A_122] : memref<1x8x1024xf32, #tpu.memory_space<vmem>>, vector<1x1x1024xf32>
    %swap3A_124 = vector.shape_cast %swap3A_123 : vector<1x1x1024xf32> to vector<1024xf32>
    %swap3A_125 = vector.shape_cast %max3A_103 : vector<1024xf32> to vector<1x1x1024xf32>
    tpu.vector_store %arg3[%swap3A_120, %swap3A_121, %swap3A_122], %swap3A_125 {strides = array<i32>} : memref<1x8x1024xf32, #tpu.memory_space<vmem>>, vector<1x1x1024xf32>,
    %swap3A_126 = arith.constant 0 : index
    %swap3A_127 = arith.constant 3 : index
    %swap3A_128 = arith.constant 0 : index
    %swap3A_129 = vector.load %arg3[%swap3A_126, %swap3A_127, %swap3A_128] : memref<1x8x1024xf32, #tpu.memory_space<vmem>>, vector<1x1x1024xf32>
    %swap3A_130 = vector.shape_cast %swap3A_129 : vector<1x1x1024xf32> to vector<1024xf32>
    %swap3A_131 = vector.shape_cast %min3A_104 : vector<1024xf32> to vector<1x1x1024xf32>
    tpu.vector_store %arg3[%swap3A_126, %swap3A_127, %swap3A_128], %swap3A_131 {strides = array<i32>} : memref<1x8x1024xf32, #tpu.memory_space<vmem>>, vector<1x1x1024xf32>,
    %swap3A_132 = arith.constant 0 : index
    %swap3A_133 = arith.constant 4 : index
    %swap3A_134 = arith.constant 0 : index
    %swap3A_135 = vector.load %arg3[%swap3A_132, %swap3A_133, %swap3A_134] : memref<1x8x1024xf32, #tpu.memory_space<vmem>>, vector<1x1x1024xf32>
    %swap3A_136 = vector.shape_cast %swap3A_135 : vector<1x1x1024xf32> to vector<1024xf32>
    %swap3A_137 = vector.shape_cast %max3A_105 : vector<1024xf32> to vector<1x1x1024xf32>
    tpu.vector_store %arg3[%swap3A_132, %swap3A_133, %swap3A_134], %swap3A_137 {strides = array<i32>} : memref<1x8x1024xf32, #tpu.memory_space<vmem>>, vector<1x1x1024xf32>,
    %swap3A_138 = arith.constant 0 : index
    %swap3A_139 = arith.constant 5 : index
    %swap3A_140 = arith.constant 0 : index
    %swap3A_141 = vector.load %arg3[%swap3A_138, %swap3A_139, %swap3A_140] : memref<1x8x1024xf32, #tpu.memory_space<vmem>>, vector<1x1x1024xf32>
    %swap3A_142 = vector.shape_cast %swap3A_141 : vector<1x1x1024xf32> to vector<1024xf32>
    %swap3A_143 = vector.shape_cast %min3A_106 : vector<1024xf32> to vector<1x1x1024xf32>
    tpu.vector_store %arg3[%swap3A_138, %swap3A_139, %swap3A_140], %swap3A_143 {strides = array<i32>} : memref<1x8x1024xf32, #tpu.memory_space<vmem>>, vector<1x1x1024xf32>,
    %swap3A_144 = arith.constant 0 : index
    %swap3A_145 = arith.constant 6 : index
    %swap3A_146 = arith.constant 0 : index
    %swap3A_147 = vector.load %arg3[%swap3A_144, %swap3A_145, %swap3A_146] : memref<1x8x1024xf32, #tpu.memory_space<vmem>>, vector<1x1x1024xf32>
    %swap3A_148 = vector.shape_cast %swap3A_147 : vector<1x1x1024xf32> to vector<1024xf32>
    %swap3A_149 = vector.shape_cast %max3A_107 : vector<1024xf32> to vector<1x1x1024xf32>
    tpu.vector_store %arg3[%swap3A_144, %swap3A_145, %swap3A_146], %swap3A_149 {strides = array<i32>} : memref<1x8x1024xf32, #tpu.memory_space<vmem>>, vector<1x1x1024xf32>,
    %swap3A_150 = arith.constant 0 : index
    %swap3A_151 = arith.constant 7 : index
    %swap3A_152 = arith.constant 0 : index
    %swap3A_153 = vector.load %arg3[%swap3A_150, %swap3A_151, %swap3A_152] : memref<1x8x1024xf32, #tpu.memory_space<vmem>>, vector<1x1x1024xf32>
    %swap3A_154 = vector.shape_cast %swap3A_153 : vector<1x1x1024xf32> to vector<1024xf32>
    %swap3A_155 = vector.shape_cast %min3A_108 : vector<1024xf32> to vector<1x1x1024xf32>
    tpu.vector_store %arg3[%swap3A_150, %swap3A_151, %swap3A_152], %swap3A_155 {strides = array<i32>} : memref<1x8x1024xf32, #tpu.memory_space<vmem>>, vector<1x1x1024xf32>,
    return
  }
  func.func @transform_0(%arg0: i32) -> (i32, i32, i32) {
    %c0_i32 = arith.constant 0 : i32
    %c0_i32_0 = arith.constant 0 : i32
    %c0_i32_1 = arith.constant 0 : i32
    return %arg0, %c0_i32, %c0_i32_0 : i32, i32, i32
  }
  func.func @transform_1(%arg0: i32) -> (i32, i32, i32) {
    %c0_i32 = arith.constant 0 : i32
    %c0_i32_0 = arith.constant 0 : i32
    %c0_i32_1 = arith.constant 0 : i32
    return %arg0, %c0_i32, %c0_i32_0 : i32, i32, i32
  }
  func.func @transform_2(%arg0: i32) -> (i32, i32, i32) {
    %c0_i32 = arith.constant 0 : i32
    %c0_i32_0 = arith.constant 0 : i32
    %c0_i32_1 = arith.constant 0 : i32
    return %arg0, %c0_i32, %c0_i32_0 : i32, i32, i32
  }
}

</mosaic_0001>

<sc_bundles>
// kernel: kernel.5.cloned.1.call-start
scs
__scs_entry_jumppad:
0x0: {  	(pc) =	sbr.rel $0x88, $3  }
0x1: {  	(tag) =	ssettag $0x0;
	lr =	simm.s32 $0x1  }
0x2: {  	[smem:$0x3FA0] =	sst lr;
	_ =	strace $0xD0000000  }
0x3: {  	_ = 	snop  }
0x4: {  	_ = 	snop  }
0x5: {  	_ = 	snop  }
0x6: {  	_ = 	snop  }
0x7: {  	_ = 	snop  }
__scs_overlays_trampoline_lowered:
0x8: {  	[smem:$0x3FAF] =	sst s0  }
0x9: {  	[smem:$0x3FB0] =	sst s1  }
0xa: {  	[smem:$0x3FB1] =	sst s2  }
0xb: {  	[smem:$0x3FB2] =	sst s3  }
0xc: {  	[smem:$0x3FB3] =	sst s4  }
0xd: {  	[smem:$0x3FB4] =	sst s5  }
0xe: {  	[smem:$0x3FB5] =	sst s6  }
0xf: {  	[smem:$0x3FB6] =	sst s7  }
0x10: {  	[smem:$0x3FB7] =	sst s8  }
0x11: {  	[smem:$0x3FB8] =	sst s9;
	s0 =	simm.s32 @!p0 $0x0  }
0x12: {  	s1 =	sld [smem:$0x3F9E];
	s0 =	simm.s32 @p0 $0x1  }
0x13: {  	[smem:$0x3FB9] =	sst s0;
	s0 =	simm.s32 @!p1 $0x0  }
0x14: {  	s2 =	sld [smem:$0x3F9D];
	s0 =	simm.s32 @p1 $0x1  }
0x15: {  	[smem:$0x3FBA] =	sst s0;
	s0 =	simm.s32 @!p2 $0x0  }
0x16: {  	s3 =	sld [smem:$0x3FDB];
	s0 =	simm.s32 @p2 $0x1  }
0x17: {  	s4 =	simm.s32 $0x1BF5;
	[smem:$0x3FBC] =	sst s0  }
0x18: {  	s0 =	sld [smem:$0x3F9F];
	_ =	swait.ge [sflag:s4], $0x0  }
0x19: {  	s7 =	sld [smem:$0x3FA0]  }
0x1a: {  	s8 =	sadd.s32 $0xFFFFE003, lr  }
0x1b: {  	s9 =	sadd.s32 $0xFFFFFEF7, lr;
	s5 =	simm.s32 $0xFFFFFFFF;
	p2 =	slt.u32 s8, $0xFFFFF086  }
0x1c: {  	p1 =	slt.u32 s9, $0xF7A;
	s5 =	simm.s32 @!p2 $0x0  }
0x1d: {  	s5 =	simm.s32 @p1 $0x1;
	p0 =	seq.s32 s7, s2  }
0x1e: {  	s7 =	smul.u32 @!p0 $0xF7A, s2;
	p2 =	seq.s32 @!p0 s5, $0x0  }
0x1f: {  	s9 =	smul.u32 $0xF7A, s1;
	s8 =	simm.s32 @!p0 $0x1BF5;
	p2 =	por !p2, p0  }
0x20: {  	[sflag:s8] =	ssyncset.s32 @!p0 $0xFFFFF086;
	s6 =	sadd.s32 @!p0 s3, s7;
	s7 =	simm.s32 @!p0 $0x108  }
0x21: {  	s3 =	sadd.s32 s3, s9;
	s6 =	sadd.s32 @!p0 $0x88, s6;
	s7 =	simm.s32 @p2 $0x1082  }
0x22: {  	[simem:s7], [sflag:s8] =	dma.local @!p0 [hbm:s6], $0xF7A  }
0x23: {  	s9 =	sor.u32 $0xD0000000, s2;
	s6 =	simm.s32 $0x108;
	_ =	swait.ge @!p0 [sflag:s8], $0x0  }
0x24: {  	s3 =	sadd.s32 $0x88, s3;
	s6 =	simm.s32 @!p1 $0x1082;
	[sflag:s4] =	ssyncset.s32 $0xFFFFF086  }
0x25: {  	[simem:s6], [sflag:s4] =	dma.local [hbm:s3], $0xF7A  }
0x26: {  	[smem:$0x3FA0] =	sst s1;
	(tag) =	ssettag s2;
	_ =	strace s9  }
0x27: {  	s1 =	sld [smem:$0x3FB0]  }
0x28: {  	s2 =	sld [smem:$0x3FB1]  }
0x29: {  	s4 =	sld [smem:$0x3FB3]  }
0x2a: {  	p0 =	seq.s32 s5, $0x0;
	s5 =	sld [smem:$0x3FB4]  }
0x2b: {  	s6 =	sld [smem:$0x3FB5]  }
0x2c: {  	s7 =	sld [smem:$0x3FB6]  }
0x2d: {  	s3 =	simm.s32 $0x108;
	s8 =	sld [smem:$0x3FB7]  }
0x2e: {  	s3 =	simm.s32 @!p0 $0x1082;
	s9 =	sld [smem:$0x3FB8]  }
0x2f: {  	lr =	sadd.s32 s0, s3;
	s0 =	sld [smem:$0x3FAF]  }
0x30: {  	s3 =	sld [smem:$0x3FB2]  }
0x31: {  	[smem:$0x3FBB] =	sst s10  }
0x32: {  	s10 =	sld [smem:$0x3FB9];
	_ =	sdelay $0x3  }
0x33: {  	p0 =	seq.s32 s10, $0x1;
	s10 =	sld [smem:$0x3FBB];
	_ =	sdelay $0x3  }
0x34: {  	[smem:$0x3FBB] =	sst s10  }
0x35: {  	s10 =	sld [smem:$0x3FBA];
	_ =	sdelay $0x3  }
0x36: {  	p1 =	seq.s32 s10, $0x1;
	s10 =	sld [smem:$0x3FBB];
	_ =	sdelay $0x3  }
0x37: {  	[smem:$0x3FBB] =	sst s10  }
0x38: {  	s10 =	sld [smem:$0x3FBC]  }
0x39: {  	_ = 	snop;
	(pc) =	sbr.ind lr, $3  }
0x3a: {  	_ = 	snop  }
0x3b: {  	_ = 	snop  }
0x3c: {  	p2 =	seq.s32 s10, $0x1;
	s10 =	sld [smem:$0x3FBB]  }
0x3d: {  	_ =	shalt  }
0x3e: {  	_ =	shalt  }
0x3f: {  	_ =	shalt  }
0x40: {  	_ =	shalt  }
0x41: {  	_ =	shalt  }
0x42: {  	_ =	shalt  }
0x43: {  	_ =	shalt  }
0x44: {  	_ =	shalt  }
0x45: {  	_ =	shalt  }
0x46: {  	_ =	shalt  }
0x47: {  	_ =	shalt  }
0x48: {  	_ =	shalt  }
0x49: {  	_ =	shalt  }
0x4a: {  	_ =	shalt  }
0x4b: {  	_ =	shalt  }
0x4c: {  	_ =	shalt  }
0x4d: {  	_ =	shalt  }
0x4e: {  	_ =	shalt  }
0x4f: {  	_ =	shalt  }
0x50: {  	_ =	shalt  }
0x51: {  	_ =	shalt  }
0x52: {  	_ =	shalt  }
0x53: {  	_ =	shalt  }
0x54: {  	_ =	shalt  }
0x55: {  	_ =	shalt  }
0x56: {  	_ =	shalt  }
0x57: {  	_ =	shalt  }
0x58: {  	_ =	shalt  }
0x59: {  	_ =	shalt  }
0x5a: {  	_ =	shalt  }
0x5b: {  	_ =	shalt  }
0x5c: {  	_ =	shalt  }
0x5d: {  	_ =	shalt  }
0x5e: {  	_ =	shalt  }
0x5f: {  	_ =	shalt  }
0x60: {  	_ =	shalt  }
0x61: {  	_ =	shalt  }
0x62: {  	_ =	shalt  }
0x63: {  	_ =	shalt  }
0x64: {  	_ =	shalt  }
0x65: {  	_ =	shalt  }
0x66: {  	_ =	shalt  }
0x67: {  	_ =	shalt  }
0x68: {  	_ =	shalt  }
0x69: {  	_ =	shalt  }
0x6a: {  	_ =	shalt  }
0x6b: {  	_ =	shalt  }
0x6c: {  	_ =	shalt  }
0x6d: {  	_ =	shalt  }
0x6e: {  	_ =	shalt  }
0x6f: {  	_ =	shalt  }
0x70: {  	_ =	shalt  }
0x71: {  	_ =	shalt  }
0x72: {  	_ =	shalt  }
0x73: {  	_ =	shalt  }
0x74: {  	_ =	shalt  }
0x75: {  	_ =	shalt  }
0x76: {  	_ =	shalt  }
0x77: {  	_ =	shalt  }
0x78: {  	_ =	shalt  }
0x79: {  	_ =	shalt  }
0x7a: {  	_ =	shalt  }
0x7b: {  	_ =	shalt  }
0x7c: {  	_ =	shalt  }
0x7d: {  	_ =	shalt  }
0x7e: {  	_ =	shalt  }
0x7f: {  	_ =	shalt  }
0x80: {  	_ =	shalt  }
0x81: {  	_ =	shalt  }
0x82: {  	_ =	shalt  }
0x83: {  	_ =	shalt  }
0x84: {  	_ =	shalt  }
0x85: {  	_ =	shalt  }
0x86: {  	_ =	shalt  }
0x87: {  	_ =	shalt  }
.Lfunc_end0:
.L_simem_size_0:
called_computation.1_lowered:
.L_overlay_start_0:
0x88: {  	s2 =	sld [smem:$0x3FD9]  }
0x89: {  	s3 =	sld [smem:$0x3FFE];
	_ =	sdelay $0x1  }
0x8a: {  	s1 =	srdreg.scid  }
0x8b: {  	s0 =	sand.u32 $0x1, s1  }
0x8c: {  	s17 =	sshll.u32 s0, $0xA;
	s2 =	sadd.s32 s3, s2  }
0x8d: {  	s2 =	sadd.s32 s2, s17  }
0x8e: {  	[smem:$0x3FC7] =	sst s2  }
0x8f: {  	_ = 	snop  }
0x90: {  	s2 =	sld [smem:$0x3FD0];
	(tm) =	ssettm $0x1  }
0x91: {  	s18 =	sld [smem:$0x3FFB];
	_ =	sdelay $0x3  }
0x92: {  	_ =	strace s18  }
0x93: {  	s3 =	sld [smem:$0x3FFC];
	_ =	sdelay $0x3  }
0x94: {  	_ =	strace s3  }
0x95: {  	s3 =	sld [smem:$0x3FFD];
	_ =	sdelay $0x3  }
0x96: {  	_ =	strace s3  }
0x97: {  	_ =	strace $0x8FFFFFFF  }
0x98: {  	s19 =	sld [smem:$0x3FDB];
	_ =	sdelay $0x1  }
0x99: {  	s4 =	simm.s32 $_scs_section_size  }
0x9a: {  	s5 =	simm.s32 $_size__tile_overlayer_lowered;
	s6 =	simm.s32 $_tile_overlayer_lowered  }
0x9b: {  	s22 =	simm.s32 $0x1BFF;
	s21 =	sshll.u32 s6, $0x1;
	s3 =	sadd.s32 s4, s19  }
0x9c: {  	s7 =	simm.s32 $0x0;
	s20 =	sshll.u32 s5, $0x1;
	s5 =	sadd.s32 s21, s3  }
0x9d: {  	[timem:s7], [sflag:s22] =	dma.local [hbm:s5], s20  }
0x9e: {  	_ =	swait.ge [sflag:s22], s20  }
0x9f: {  	s4 =	ssub.s32 $0x0, s20;
	[sflag:s22] =	ssyncset.done $0x0  }
0xa0: {  	[sflag:s22] =	ssyncadd.s32 s4;
	_ =	sdelay $0x1  }
0xa1: {  	s23 =	simm.s32 $0x1B8B  }
0xa2: {  	_ =	swait.ge [sflag:s23], $0x1  }
0xa3: {  	[sflag:s23] =	ssyncset.done $0x0  }
0xa4: {  	s25 =	simm.s32 $0x1B8E;
	s24 =	sld [smem:$0x3FFE];
	[sflag:s23] =	ssyncadd.s32 $0xFFFFFFFF  }
0xa5: {  	s26 =	simm.s32 $execute0_lowered;
	[smem:$0x3FD2] =	sst s25  }
0xa6: {  	s5 =	sshll.u32 s26, $0x1;
	_ =	strace $0x80000049;
	[dreg:$0x1] =	wrdreg $0xFFFFFFFF  }
0xa7: {  	s28 =	simm.s32 $_size_execute0_lowered;
	s3 =	sadd.s32 s3, s5;
	[dreg:$0x0] =	wrdreg $0x0  }
0xa8: {  	s5 =	sshll.u32 s28, $0x1;
	[dreg:$0x2] =	wrdreg s3  }
0xa9: {  	[dreg:$0x3] =	wrdreg s5  }
0xaa: {  	[dreg:$0x4] =	wrdreg $0xC0  }
0xab: {  	_ =	task [dreg:s7], $0x5FFFF  }
0xac: {  	[dreg:$0x1] =	wrdreg $0xFFFFFFFF  }
0xad: {  	[dreg:$0x0] =	wrdreg $0x60  }
0xae: {  	[dreg:$0x2] =	wrdreg s24  }
0xaf: {  	[dreg:$0x3] =	wrdreg s2  }
0xb0: {  	[dreg:$0x4] =	wrdreg $0x9  }
0xb1: {  	_ =	task.clear_ibuf [dreg:s7], $0x5FFFF;
	_ =	strace $0x90000049  }
0xb2: {  	s29 =	simm.s32 $0x9;
	_ =	strace $0x8000004B  }
0xb3: {  	_ =	swait.ge [sflag:s29], $0x1  }
0xb4: {  	[sflag:s29] =	ssyncadd.s32 $0xFFFFFFFF  }
0xb5: {  	_ =	strace $0x9000004B  }
0xb6: {  	_ =	sfence  }
0xb7: {  	s30 =	sld [smem:$0x0];
	_ =	sdelay $0x2  }
0xb8: {  	s31 =	sshll.u32 s1, $0xD;
	s1 =	sshrl.u32 s1, $0x2  }
0xb9: {  	s3 =	sand.u32 $0x4000, s31;
	s1 =	sadd.s32 s1, s30  }
0xba: {  	s0 =	sor.u32 s3, s0;
	s1 =	sshll.u32 s1, $0x11  }
0xbb: {  	s0 =	sor.u32 s1, s0  }
0xbc: {  	s0 =	sadd.s32 $0x8F2B, s0  }
0xbd: {  	[sflag:s0] =	ssyncadd.remote.s32 $0x1  }
0xbe: {  	_ =	sfence.sel $0xFFFF  }
0xbf: {  	[dreg:$0x0] =	wrdreg $0xFFFFFFFF;
	(pc) =	sbr.abs _section_cstart, $3  }
0xc0: {  	[dreg:$0x1] =	wrdreg $0xFFFFFFFF  }
0xc1: {  	_ =	task.clear_ibuf [dreg:s7], $0x2FFFF;
	_ =	strace $0x9FFFFFFF  }
0xc2: {  	(tm) =	ssettm $0x7FFFFFFF  }
0xc3: {  	_ =	shalt  }
tec
execute0_lowered:
.L_overlay_start_1:
0x0: {  	(tag) =	ssettag $0x1  }
0x1: {  	s3 =	rddreg [dreg:$0x0]  }
0x2: {  	s18 =	rddreg [dreg:$0x1]  }
0x3: {  	s0 =	rddreg [dreg:$0x2];
	s4 =	srdreg.scid  }
0x4: {  	s2 =	simm.s32 $0x0;
	s1 =	stileid.u32;
	s4 =	sand.u32 $0x1, s4  }
0x5: {  	[smem:$0x7FF] =	sst s2;
	s6 =	sshll.u32 s1, $0x8;
	s7 =	sshrl.u32 s1, $0x2  }
0x6: {  	s20 =	sadd.s32 $0xE0800, s3;
	s5 =	ssub.s32 $0x2, s4;
	s4 =	sshll.u32 s4, $0x7  }
0x7: {  	s6 =	sand.u32 $0x300, s6;
	s17 =	sshll.u32 s7, $0x17;
	_ =	strace $0x8000004A  }
0x8: {  	s21 =	sshll.u32 s7, $0xD;
	s8 =	sshrl.u32 s5, $0x1;
	s16 =	sor.u32 s4, s6  }
0x9: {  	s19 =	ssub.s32 s5, s8;
	s4 =	sor.u32 s17, s16;
	s15 =	sor.u32 s21, s16  }
0xa: {  	s22 =	sor.u32 $0x10, s16;
	s25 =	sor.u32 $0x20, s16;
	s10 =	sor.u32 $0x30, s16  }
0xb: {  	s29 =	sor.u32 $0x40, s16;
	s30 =	sor.u32 $0x50, s16;
	s4 =	sshrl.u32 s4, $0x3  }
0xc: {  	s23 =	sor.u32 s17, s22;
	s5 =	sor.u32 s21, s22;
	s26 =	sor.u32 s17, s25  }
0xd: {  	s7 =	sor.u32 s21, s25;
	s11 =	sor.u32 s17, s10;
	s10 =	sor.u32 s21, s10  }
0xe: {  	s12 =	sor.u32 s17, s29;
	s14 =	sor.u32 s17, s30;
	s22 =	sor.u32 $0x60, s16  }
0xf: {  	s16 =	sor.u32 $0x70, s16;
	s19 =	smax.u32 s19, $0x1;
	s25 =	simm.s32 $0x0  }
0x10: {  	s3 =	sadd.s32 s4, s20;
	s4 =	sshrl.u32 s15, $0x3;
	s6 =	sshrl.u32 s23, $0x3  }
0x11: {  	s24 =	sshrl.u32 s5, $0x3;
	s8 =	sshrl.u32 s26, $0x3;
	s9 =	sshrl.u32 s7, $0x3  }
0x12: {  	s28 =	sshrl.u32 s11, $0x3;
	s10 =	sshrl.u32 s10, $0x3;
	s11 =	sor.u32 s21, s29  }
0x13: {  	s12 =	sshrl.u32 s12, $0x3;
	s14 =	sshrl.u32 s14, $0x3;
	s23 =	sor.u32 s17, s22  }
0x14: {  	s22 =	sor.u32 s21, s22;
	s17 =	sor.u32 s17, s16;
	s4 =	sadd.s32 s18, s4  }
0x15: {  	s5 =	sadd.s32 s6, s20;
	s6 =	sadd.s32 s18, s24;
	s7 =	sadd.s32 s8, s20  }
0x16: {  	s8 =	sadd.s32 s18, s9;
	s9 =	sadd.s32 s28, s20;
	s10 =	sadd.s32 s18, s10  }
0x17: {  	s13 =	sshrl.u32 s11, $0x3;
	s11 =	sadd.s32 s12, s20;
	s31 =	sshrl.u32 s23, $0x3  }
0x18: {  	s22 =	sshrl.u32 s22, $0x3;
	s17 =	sshrl.u32 s17, $0x3;
	s23 =	simm.s32 $0x4000  }
0x19: {  	s24 =	simm.s32 $0x2;
	s12 =	sadd.s32 s18, s13;
	s13 =	sor.u32 s21, s30  }
0x1a: {  	s21 =	sor.u32 s21, s16;
	s16 =	sadd.s32 s18, s22;
	s17 =	sadd.s32 s17, s20  }
0x1b: {  	s22 =	simm.s32 $0x1;
	s15 =	sshrl.u32 s13, $0x3;
	s13 =	sadd.s32 s14, s20  }
0x1c: {  	s21 =	sshrl.u32 s21, $0x3;
	s14 =	sadd.s32 s18, s15;
	s15 =	sadd.s32 s31, s20  }
0x1d: {  	s18 =	sadd.s32 s18, s21;
	s20 =	simm.s32 $0x10;
	s21 =	simm.s32 $0x400  }
.LBB2_1:
0x1e: {  	[tilespmem:s2], [sflag:$0x1] =	stream.strided.gather [hbm4b:s3+s20], $0x4000, s21, s20, $0x38;
	[tilespmem:$0x4080] =	vst v63  }
0x1f: {  	_ =	swait.ge [sflag:s22], $0x4000  }
0x20: {  	[sflag:s22] =	ssyncset.done $0x0  }
0x21: {  	s26 =	simm.s32 $0x20;
	[sflag:s22] =	ssyncadd.s32 $0xFFFFC000  }
0x22: {  	v0 =	vld [tilespmem:s26+$0xFFFFFFE0];
	_ =	sdelay $0x1  }
0x23: {  	v1 =	vld [tilespmem:s26+$0xFFFFFFF0];
	_ =	sdelay $0x1  }
0x24: {  	v2 =	vimm.f32 $-Inf;
	v3 =	vld [tilespmem:s26+$0x0]  }
0x25: {  	v4 =	vmin.f32 v2, v0  }
0x26: {  	v0 =	vmax.f32 v2, v0;
	v5 =	vmin.f32 v2, v4  }
0x27: {  	v6 =	vld [tilespmem:s26+$0x10];
	v4 =	vmax.f32 v2, v4;
	v8 =	vmin.f32 v0, v1;
	v0 =	vmax.f32 v0, v1  }
0x28: {  	v7 =	vmax.f32 v2, v5;
	v9 =	vmax.f32 v4, v8;
	v4 =	vmin.f32 v4, v8  }
0x29: {  	v1 =	vmin.f32 v2, v5;
	v5 =	vmax.f32 v0, v3;
	v0 =	vmin.f32 v0, v3  }
0x2a: {  	v3 =	vmin.f32 v2, v1;
	v8 =	vmax.f32 v7, v4;
	v10 =	vmin.f32 v9, v0  }
0x2b: {  	v4 =	vmin.f32 v7, v4;
	v0 =	vmax.f32 v9, v0;
	v1 =	vmax.f32 v2, v1  }
0x2c: {  	v7 =	vmin.f32 v5, v6;
	v5 =	vmax.f32 v5, v6;
	v9 =	vmax.f32 v1, v4  }
0x2d: {  	v11 =	vmin.f32 v8, v10;
	v12 =	vmin.f32 v0, v7;
	v13 =	vmin.f32 v2, v3  }
0x2e: {  	v8 =	vmax.f32 v8, v10;
	v3 =	vmax.f32 v2, v3;
	v0 =	vmax.f32 v0, v7  }
0x2f: {  	s31 =	simm.s32 $0x60;
	v1 =	vmin.f32 v1, v4;
	v10 =	vmin.f32 v2, v13;
	v14 =	vmax.f32 v9, v11  }
0x30: {  	v15 =	vmin.f32 v8, v12;
	v13 =	vmax.f32 v2, v13;
	v7 =	vmax.f32 v8, v12;
	v8 =	vld [tilespmem:s31+$0xFFFFFFE0]  }
0x31: {  	v12 =	vmax.f32 v3, v1;
	v9 =	vmin.f32 v9, v11;
	v1 =	vmin.f32 v3, v1  }
0x32: {  	v6 =	vld [tilespmem:s31+$0xFFFFFFF0];
	v16 =	vmin.f32 v2, v10;
	v17 =	vmin.f32 v14, v15;
	v10 =	vmax.f32 v2, v10  }
0x33: {  	v4 =	vmax.f32 v14, v15;
	v14 =	vmin.f32 v13, v1;
	v11 =	vmax.f32 v2, v16  }
0x34: {  	v2 =	vmax.f32 v12, v9;
	v9 =	vmin.f32 v12, v9;
	v21 =	vmin.f32 v10, v14  }
0x35: {  	v12 =	vld [tilespmem:s31+$0x0];
	v10 =	vmax.f32 v10, v14;
	v3 =	vmin.f32 v2, v17;
	v15 =	vmax.f32 v5, v8  }
0x36: {  	v5 =	vmin.f32 v5, v8;
	v8 =	vmax.f32 v13, v1;
	v13 =	vmax.f32 v2, v17  }
0x37: {  	v1 =	vmax.f32 v0, v5;
	v5 =	vmin.f32 v0, v5;
	v2 =	vmin.f32 v15, v6  }
0x38: {  	v17 =	vmax.f32 v8, v9;
	v6 =	vmax.f32 v15, v6;
	v16 =	vmax.f32 v7, v5  }
0x39: {  	v18 =	vmax.f32 v1, v2;
	v19 =	vmin.f32 v1, v2;
	v20 =	vmax.f32 v17, v3  }
0x3a: {  	v5 =	vmin.f32 v7, v5;
	v1 =	vmin.f32 v17, v3;
	v2 =	vmax.f32 v6, v12  }
0x3b: {  	v0 =	vld [tilespmem:s31+$0x10];
	v6 =	vmin.f32 v6, v12;
	v7 =	vmin.f32 v4, v5;
	v15 =	vmax.f32 v16, v19  }
0x3c: {  	v17 =	vmin.f32 v18, v6;
	v3 =	vmin.f32 v16, v19;
	v22 =	vmax.f32 v18, v6  }
0x3d: {  	v16 =	vmin.f32 v8, v9;
	v9 =	vmax.f32 v4, v5;
	v19 =	vmax.f32 v11, v21  }
0x3e: {  	v6 =	vmax.f32 v9, v3;
	v8 =	vmin.f32 v15, v17;
	v5 =	vmax.f32 v13, v7  }
0x3f: {  	v24 =	vmin.f32 v13, v7;
	v12 =	vmax.f32 v10, v16;
	v25 =	vmax.f32 v15, v17  }
0x40: {  	v16 =	vmin.f32 v10, v16;
	v14 =	vmin.f32 v20, v24;
	v4 =	vmin.f32 v2, v0  }
0x41: {  	v18 =	vmax.f32 v12, v1;
	v15 =	vmax.f32 v6, v8;
	v23 =	vmin.f32 v22, v4  }
0x42: {  	v11 =	vmax.f32 v20, v24;
	v13 =	vmin.f32 v18, v14;
	v17 =	vmin.f32 v25, v23  }
0x43: {  	s28 =	simm.s32 $0xA0;
	s26 =	simm.s32 $0x4;
	v10 =	vmax.f32 v22, v4;
	v4 =	vmax.f32 v25, v23;
	v7 =	vmin.f32 v15, v17  }
.LBB2_2:
0x44: {  	v20 =	vld [tilespmem:s28+$0xFFFFFFE0];
	s26 =	sadd.s32 $0x4, s26;
	v14 =	vmax.f32 v18, v14;
	v0 =	vmax.f32 v2, v0;
	v15 =	vmax.f32 v15, v17  }
0x45: {  	v3 =	vmin.f32 v9, v3;
	v9 =	vmax.f32 v19, v16;
	v1 =	vmin.f32 v12, v1;
	v2 =	vld [tilespmem:s28+$0xFFFFFFF0];
	p0 =	slt.u32 s26, $0x3FC  }
0x46: {  	v6 =	vmin.f32 v6, v8;
	v12 =	vmax.f32 v5, v3;
	v1 =	vmax.f32 v9, v1  }
0x47: {  	v19 =	vmax.f32 v1, v13;
	v1 =	vmin.f32 v5, v3;
	v3 =	vmax.f32 v12, v6;
	v8 =	vld [tilespmem:s28+$0x0]  }
0x48: {  	v6 =	vmin.f32 v12, v6;
	v5 =	vmin.f32 v11, v1;
	v9 =	vmin.f32 v3, v7  }
0x49: {  	v11 =	vmax.f32 v11, v1;
	v12 =	vmax.f32 v0, v20;
	v13 =	vmin.f32 v0, v20;
	v0 =	vld [tilespmem:s28+$0x10]  }
0x4a: {  	v7 =	vmax.f32 v3, v7;
	v1 =	vmax.f32 v10, v13;
	v10 =	vmin.f32 v10, v13  }
0x4b: {  	v16 =	vmax.f32 v11, v6;
	v13 =	vmin.f32 v12, v2;
	v3 =	vmax.f32 v4, v10  }
0x4c: {  	v20 =	vmax.f32 v16, v9;
	v17 =	vmax.f32 v1, v13;
	v13 =	vmin.f32 v1, v13  }
0x4d: {  	v4 =	vmin.f32 v4, v10;
	v10 =	vmax.f32 v12, v2;
	v1 =	vmin.f32 v16, v9  }
0x4e: {  	v2 =	vmax.f32 v10, v8;
	v8 =	vmin.f32 v10, v8;
	v10 =	vmin.f32 v14, v5  }
0x4f: {  	v12 =	vmin.f32 v15, v4;
	v16 =	vmax.f32 v3, v13;
	v18 =	vmin.f32 v17, v8  }
0x50: {  	v11 =	vmin.f32 v11, v6;
	v3 =	vmin.f32 v3, v13;
	v21 =	vmax.f32 v17, v8  }
0x51: {  	v9 =	vmax.f32 v15, v4;
	v13 =	vmax.f32 v14, v5;
	v4 =	vmin.f32 v2, v0  }
0x52: {  	v6 =	vmax.f32 v9, v3;
	v8 =	vmin.f32 v16, v18;
	v22 =	vmin.f32 v21, v4  }
.Ltmp0:
0x53: {  	v5 =	vmax.f32 v7, v12;
	v23 =	vmin.f32 v7, v12;
	v12 =	vmax.f32 v13, v11;
	(pc) =	sbr.rel @p0 .LBB2_2-.Ltmp0, $4  }
0x54: {  	v14 =	vmin.f32 v20, v23;
	v24 =	vmax.f32 v16, v18;
	v18 =	vmax.f32 v12, v1  }
0x55: {  	v16 =	vmin.f32 v13, v11;
	v15 =	vmax.f32 v6, v8;
	v17 =	vmin.f32 v24, v22  }
0x56: {  	v19 =	vmax.f32 v19, v10;
	v13 =	vmin.f32 v18, v14;
	v7 =	vmin.f32 v15, v17  }
0x57: {  	s28 =	sadd.s32 $0x40, s28;
	v11 =	vmax.f32 v20, v23;
	v10 =	vmax.f32 v21, v4;
	v4 =	vmax.f32 v24, v22  }
0x58: {  	v14 =	vmax.f32 v18, v14;
	v0 =	vmax.f32 v2, v0  }
0x59: {  	v2 =	vmin.f32 v9, v3;
	v3 =	vmax.f32 v19, v16;
	v1 =	vmin.f32 v12, v1  }
0x5a: {  	v9 =	vmax.f32 v15, v17;
	v12 =	vmax.f32 v5, v2;
	v1 =	vmax.f32 v3, v1  }
0x5b: {  	v3 =	vmin.f32 v6, v8;
	v2 =	vmin.f32 v5, v2;
	v1 =	vmax.f32 v1, v13  }
0x5c: {  	[tilespmem:$0x4010] =	vst v10;
	v5 =	vmax.f32 v12, v3;
	v3 =	vmin.f32 v12, v3;
	v6 =	vmax.f32 v11, v2  }
0x5d: {  	[tilespmem:$0x4000] =	vst v0;
	v0 =	vmin.f32 v11, v2;
	v2 =	vmin.f32 v5, v7;
	v8 =	vmax.f32 v6, v3  }
0x5e: {  	[tilespmem:$0x4020] =	vst v4;
	v5 =	vmax.f32 v5, v7;
	v4 =	vmin.f32 v14, v0;
	v3 =	vmin.f32 v6, v3  }
0x5f: {  	[tilespmem:$0x4030] =	vst v9;
	v0 =	vmax.f32 v14, v0;
	v7 =	vmax.f32 v8, v2;
	v2 =	vmin.f32 v8, v2  }
0x60: {  	v6 =	vmax.f32 v0, v3;
	v0 =	vmin.f32 v0, v3;
	v1 =	vmax.f32 v1, v4;
	[tilespmem:$0x4040] =	vst v5  }
0x61: {  	v3 =	vmax.f32 v6, v2;
	v0 =	vmax.f32 v1, v0;
	v1 =	vmin.f32 v6, v2;
	[tilespmem:$0x4050] =	vst v7  }
0x62: {  	v0 =	vmax.f32 v0, v1;
	[tilespmem:$0x4060] =	vst v3  }
0x63: {  	[tilespmem:$0x4070] =	vst v0  }
0x64: {  	[hbm4b:s4+s20] =	stream.strided.scatter [tilespmem:s23], [sflag:$0x2], $0x80, s21, s20, $0x38;
	[tilespmem:$0x4080] =	vst v63  }
0x65: {  	_ =	swait.ge [sflag:s24], $0x80  }
0x66: {  	[sflag:s24] =	ssyncset.done $0x0  }
0x67: {  	[sflag:s24] =	ssyncadd.s32 $0xFFFFFF80  }
0x68: {  	[tilespmem:s2], [sflag:$0x1] =	stream.strided.gather [hbm4b:s5+s20], $0x4000, s21, s20, $0x38;
	[tilespmem:$0x4080] =	vst v63  }
0x69: {  	_ =	swait.ge [sflag:s22], $0x4000  }
0x6a: {  	[sflag:s22] =	ssyncset.done $0x0  }
0x6b: {  	s26 =	simm.s32 $0x20;
	[sflag:s22] =	ssyncadd.s32 $0xFFFFC000  }
0x6c: {  	v0 =	vld [tilespmem:s26+$0xFFFFFFE0];
	_ =	sdelay $0x1  }
0x6d: {  	v1 =	vld [tilespmem:s26+$0xFFFFFFF0];
	_ =	sdelay $0x1  }
0x6e: {  	v2 =	vimm.f32 $-Inf;
	v3 =	vld [tilespmem:s26+$0x0]  }
0x6f: {  	v4 =	vmin.f32 v2, v0  }
0x70: {  	v0 =	vmax.f32 v2, v0;
	v5 =	vmin.f32 v2, v4  }
0x71: {  	v6 =	vld [tilespmem:s26+$0x10];
	v4 =	vmax.f32 v2, v4;
	v8 =	vmin.f32 v0, v1;
	v0 =	vmax.f32 v0, v1  }
0x72: {  	v7 =	vmax.f32 v2, v5;
	v9 =	vmax.f32 v4, v8;
	v4 =	vmin.f32 v4, v8  }
0x73: {  	v1 =	vmin.f32 v2, v5;
	v5 =	vmax.f32 v0, v3;
	v0 =	vmin.f32 v0, v3  }
0x74: {  	v3 =	vmin.f32 v2, v1;
	v8 =	vmax.f32 v7, v4;
	v10 =	vmin.f32 v9, v0  }
0x75: {  	v4 =	vmin.f32 v7, v4;
	v0 =	vmax.f32 v9, v0;
	v1 =	vmax.f32 v2, v1  }
0x76: {  	v7 =	vmin.f32 v5, v6;
	v5 =	vmax.f32 v5, v6;
	v9 =	vmax.f32 v1, v4  }
0x77: {  	v11 =	vmin.f32 v8, v10;
	v12 =	vmin.f32 v0, v7;
	v13 =	vmin.f32 v2, v3  }
0x78: {  	v8 =	vmax.f32 v8, v10;
	v3 =	vmax.f32 v2, v3;
	v0 =	vmax.f32 v0, v7  }
0x79: {  	s31 =	simm.s32 $0x60;
	v1 =	vmin.f32 v1, v4;
	v10 =	vmin.f32 v2, v13;
	v14 =	vmax.f32 v9, v11  }
0x7a: {  	v15 =	vmin.f32 v8, v12;
	v13 =	vmax.f32 v2, v13;
	v7 =	vmax.f32 v8, v12;
	v8 =	vld [tilespmem:s31+$0xFFFFFFE0]  }
0x7b: {  	v12 =	vmax.f32 v3, v1;
	v9 =	vmin.f32 v9, v11;
	v1 =	vmin.f32 v3, v1  }
0x7c: {  	v6 =	vld [tilespmem:s31+$0xFFFFFFF0];
	v16 =	vmin.f32 v2, v10;
	v17 =	vmin.f32 v14, v15;
	v10 =	vmax.f32 v2, v10  }
0x7d: {  	v4 =	vmax.f32 v14, v15;
	v14 =	vmin.f32 v13, v1;
	v11 =	vmax.f32 v2, v16  }
0x7e: {  	v2 =	vmax.f32 v12, v9;
	v9 =	vmin.f32 v12, v9;
	v21 =	vmin.f32 v10, v14  }
0x7f: {  	v12 =	vld [tilespmem:s31+$0x0];
	v10 =	vmax.f32 v10, v14;
	v3 =	vmin.f32 v2, v17;
	v15 =	vmax.f32 v5, v8  }
0x80: {  	v5 =	vmin.f32 v5, v8;
	v8 =	vmax.f32 v13, v1;
	v13 =	vmax.f32 v2, v17  }
0x81: {  	v1 =	vmax.f32 v0, v5;
	v5 =	vmin.f32 v0, v5;
	v2 =	vmin.f32 v15, v6  }
0x82: {  	v17 =	vmax.f32 v8, v9;
	v6 =	vmax.f32 v15, v6;
	v16 =	vmax.f32 v7, v5  }
0x83: {  	v18 =	vmax.f32 v1, v2;
	v19 =	vmin.f32 v1, v2;
	v20 =	vmax.f32 v17, v3  }
0x84: {  	v5 =	vmin.f32 v7, v5;
	v1 =	vmin.f32 v17, v3;
	v2 =	vmax.f32 v6, v12  }
0x85: {  	v0 =	vld [tilespmem:s31+$0x10];
	v6 =	vmin.f32 v6, v12;
	v7 =	vmin.f32 v4, v5;
	v15 =	vmax.f32 v16, v19  }
0x86: {  	v17 =	vmin.f32 v18, v6;
	v3 =	vmin.f32 v16, v19;
	v22 =	vmax.f32 v18, v6  }
0x87: {  	v16 =	vmin.f32 v8, v9;
	v9 =	vmax.f32 v4, v5;
	v19 =	vmax.f32 v11, v21  }
0x88: {  	v6 =	vmax.f32 v9, v3;
	v8 =	vmin.f32 v15, v17;
	v5 =	vmax.f32 v13, v7  }
0x89: {  	v24 =	vmin.f32 v13, v7;
	v12 =	vmax.f32 v10, v16;
	v25 =	vmax.f32 v15, v17  }
0x8a: {  	v16 =	vmin.f32 v10, v16;
	v14 =	vmin.f32 v20, v24;
	v4 =	vmin.f32 v2, v0  }
0x8b: {  	v18 =	vmax.f32 v12, v1;
	v15 =	vmax.f32 v6, v8;
	v23 =	vmin.f32 v22, v4  }
0x8c: {  	v11 =	vmax.f32 v20, v24;
	v13 =	vmin.f32 v18, v14;
	v17 =	vmin.f32 v25, v23  }
0x8d: {  	s28 =	simm.s32 $0xA0;
	s26 =	simm.s32 $0x4;
	v10 =	vmax.f32 v22, v4;
	v4 =	vmax.f32 v25, v23;
	v7 =	vmin.f32 v15, v17  }
.LBB2_4:
0x8e: {  	v20 =	vld [tilespmem:s28+$0xFFFFFFE0];
	s26 =	sadd.s32 $0x4, s26;
	v14 =	vmax.f32 v18, v14;
	v0 =	vmax.f32 v2, v0;
	v15 =	vmax.f32 v15, v17  }
0x8f: {  	v3 =	vmin.f32 v9, v3;
	v9 =	vmax.f32 v19, v16;
	v1 =	vmin.f32 v12, v1;
	v2 =	vld [tilespmem:s28+$0xFFFFFFF0];
	p0 =	slt.u32 s26, $0x3FC  }
0x90: {  	v6 =	vmin.f32 v6, v8;
	v12 =	vmax.f32 v5, v3;
	v1 =	vmax.f32 v9, v1  }
0x91: {  	v19 =	vmax.f32 v1, v13;
	v1 =	vmin.f32 v5, v3;
	v3 =	vmax.f32 v12, v6;
	v8 =	vld [tilespmem:s28+$0x0]  }
0x92: {  	v6 =	vmin.f32 v12, v6;
	v5 =	vmin.f32 v11, v1;
	v9 =	vmin.f32 v3, v7  }
0x93: {  	v11 =	vmax.f32 v11, v1;
	v12 =	vmax.f32 v0, v20;
	v13 =	vmin.f32 v0, v20;
	v0 =	vld [tilespmem:s28+$0x10]  }
0x94: {  	v7 =	vmax.f32 v3, v7;
	v1 =	vmax.f32 v10, v13;
	v10 =	vmin.f32 v10, v13  }
0x95: {  	v16 =	vmax.f32 v11, v6;
	v13 =	vmin.f32 v12, v2;
	v3 =	vmax.f32 v4, v10  }
0x96: {  	v20 =	vmax.f32 v16, v9;
	v17 =	vmax.f32 v1, v13;
	v13 =	vmin.f32 v1, v13  }
0x97: {  	v4 =	vmin.f32 v4, v10;
	v10 =	vmax.f32 v12, v2;
	v1 =	vmin.f32 v16, v9  }
0x98: {  	v2 =	vmax.f32 v10, v8;
	v8 =	vmin.f32 v10, v8;
	v10 =	vmin.f32 v14, v5  }
0x99: {  	v12 =	vmin.f32 v15, v4;
	v16 =	vmax.f32 v3, v13;
	v18 =	vmin.f32 v17, v8  }
0x9a: {  	v11 =	vmin.f32 v11, v6;
	v3 =	vmin.f32 v3, v13;
	v21 =	vmax.f32 v17, v8  }
0x9b: {  	v9 =	vmax.f32 v15, v4;
	v13 =	vmax.f32 v14, v5;
	v4 =	vmin.f32 v2, v0  }
0x9c: {  	v6 =	vmax.f32 v9, v3;
	v8 =	vmin.f32 v16, v18;
	v22 =	vmin.f32 v21, v4  }
.Ltmp1:
0x9d: {  	v5 =	vmax.f32 v7, v12;
	v23 =	vmin.f32 v7, v12;
	v12 =	vmax.f32 v13, v11;
	(pc) =	sbr.rel @p0 .LBB2_4-.Ltmp1, $4  }
0x9e: {  	v14 =	vmin.f32 v20, v23;
	v24 =	vmax.f32 v16, v18;
	v18 =	vmax.f32 v12, v1  }
0x9f: {  	v16 =	vmin.f32 v13, v11;
	v15 =	vmax.f32 v6, v8;
	v17 =	vmin.f32 v24, v22  }
0xa0: {  	v19 =	vmax.f32 v19, v10;
	v13 =	vmin.f32 v18, v14;
	v7 =	vmin.f32 v15, v17  }
0xa1: {  	s28 =	sadd.s32 $0x40, s28;
	v11 =	vmax.f32 v20, v23;
	v10 =	vmax.f32 v21, v4;
	v4 =	vmax.f32 v24, v22  }
0xa2: {  	v14 =	vmax.f32 v18, v14;
	v0 =	vmax.f32 v2, v0  }
0xa3: {  	v2 =	vmin.f32 v9, v3;
	v3 =	vmax.f32 v19, v16;
	v1 =	vmin.f32 v12, v1  }
0xa4: {  	v9 =	vmax.f32 v15, v17;
	v12 =	vmax.f32 v5, v2;
	v1 =	vmax.f32 v3, v1  }
0xa5: {  	v3 =	vmin.f32 v6, v8;
	v2 =	vmin.f32 v5, v2;
	v1 =	vmax.f32 v1, v13  }
0xa6: {  	[tilespmem:$0x4010] =	vst v10;
	v5 =	vmax.f32 v12, v3;
	v3 =	vmin.f32 v12, v3;
	v6 =	vmax.f32 v11, v2  }
0xa7: {  	[tilespmem:$0x4000] =	vst v0;
	v0 =	vmin.f32 v11, v2;
	v2 =	vmin.f32 v5, v7;
	v8 =	vmax.f32 v6, v3  }
0xa8: {  	[tilespmem:$0x4020] =	vst v4;
	v5 =	vmax.f32 v5, v7;
	v4 =	vmin.f32 v14, v0;
	v3 =	vmin.f32 v6, v3  }
0xa9: {  	[tilespmem:$0x4030] =	vst v9;
	v0 =	vmax.f32 v14, v0;
	v7 =	vmax.f32 v8, v2;
	v2 =	vmin.f32 v8, v2  }
0xaa: {  	v6 =	vmax.f32 v0, v3;
	v0 =	vmin.f32 v0, v3;
	v1 =	vmax.f32 v1, v4;
	[tilespmem:$0x4040] =	vst v5  }
0xab: {  	v3 =	vmax.f32 v6, v2;
	v0 =	vmax.f32 v1, v0;
	v1 =	vmin.f32 v6, v2;
	[tilespmem:$0x4050] =	vst v7  }
0xac: {  	v0 =	vmax.f32 v0, v1;
	[tilespmem:$0x4060] =	vst v3  }
0xad: {  	[tilespmem:$0x4070] =	vst v0  }
0xae: {  	[hbm4b:s6+s20] =	stream.strided.scatter [tilespmem:s23], [sflag:$0x2], $0x80, s21, s20, $0x38;
	[tilespmem:$0x4080] =	vst v63  }
0xaf: {  	_ =	swait.ge [sflag:s24], $0x80  }
0xb0: {  	[sflag:s24] =	ssyncset.done $0x0  }
0xb1: {  	[sflag:s24] =	ssyncadd.s32 $0xFFFFFF80  }
0xb2: {  	[tilespmem:s2], [sflag:$0x1] =	stream.strided.gather [hbm4b:s7+s20], $0x4000, s21, s20, $0x38;
	[tilespmem:$0x4080] =	vst v63  }
0xb3: {  	_ =	swait.ge [sflag:s22], $0x4000  }
0xb4: {  	[sflag:s22] =	ssyncset.done $0x0  }
0xb5: {  	s26 =	simm.s32 $0x20;
	[sflag:s22] =	ssyncadd.s32 $0xFFFFC000  }
0xb6: {  	v0 =	vld [tilespmem:s26+$0xFFFFFFE0];
	_ =	sdelay $0x1  }
0xb7: {  	v1 =	vld [tilespmem:s26+$0xFFFFFFF0];
	_ =	sdelay $0x1  }
0xb8: {  	v2 =	vimm.f32 $-Inf;
	v3 =	vld [tilespmem:s26+$0x0]  }
0xb9: {  	v4 =	vmin.f32 v2, v0  }
0xba: {  	v0 =	vmax.f32 v2, v0;
	v5 =	vmin.f32 v2, v4  }
0xbb: {  	v6 =	vld [tilespmem:s26+$0x10];
	v4 =	vmax.f32 v2, v4;
	v8 =	vmin.f32 v0, v1;
	v0 =	vmax.f32 v0, v1  }
0xbc: {  	v7 =	vmax.f32 v2, v5;
	v9 =	vmax.f32 v4, v8;
	v4 =	vmin.f32 v4, v8  }
0xbd: {  	v1 =	vmin.f32 v2, v5;
	v5 =	vmax.f32 v0, v3;
	v0 =	vmin.f32 v0, v3  }
0xbe: {  	v3 =	vmin.f32 v2, v1;
	v8 =	vmax.f32 v7, v4;
	v10 =	vmin.f32 v9, v0  }
0xbf: {  	v4 =	vmin.f32 v7, v4;
	v0 =	vmax.f32 v9, v0;
	v1 =	vmax.f32 v2, v1  }
0xc0: {  	v7 =	vmin.f32 v5, v6;
	v5 =	vmax.f32 v5, v6;
	v9 =	vmax.f32 v1, v4  }
0xc1: {  	v11 =	vmin.f32 v8, v10;
	v12 =	vmin.f32 v0, v7;
	v13 =	vmin.f32 v2, v3  }
0xc2: {  	v8 =	vmax.f32 v8, v10;
	v3 =	vmax.f32 v2, v3;
	v0 =	vmax.f32 v0, v7  }
0xc3: {  	s31 =	simm.s32 $0x60;
	v1 =	vmin.f32 v1, v4;
	v10 =	vmin.f32 v2, v13;
	v14 =	vmax.f32 v9, v11  }
0xc4: {  	v15 =	vmin.f32 v8, v12;
	v13 =	vmax.f32 v2, v13;
	v7 =	vmax.f32 v8, v12;
	v8 =	vld [tilespmem:s31+$0xFFFFFFE0]  }
0xc5: {  	v12 =	vmax.f32 v3, v1;
	v9 =	vmin.f32 v9, v11;
	v1 =	vmin.f32 v3, v1  }
0xc6: {  	v6 =	vld [tilespmem:s31+$0xFFFFFFF0];
	v16 =	vmin.f32 v2, v10;
	v17 =	vmin.f32 v14, v15;
	v10 =	vmax.f32 v2, v10  }
0xc7: {  	v4 =	vmax.f32 v14, v15;
	v14 =	vmin.f32 v13, v1;
	v11 =	vmax.f32 v2, v16  }
0xc8: {  	v2 =	vmax.f32 v12, v9;
	v9 =	vmin.f32 v12, v9;
	v21 =	vmin.f32 v10, v14  }
0xc9: {  	v12 =	vld [tilespmem:s31+$0x0];
	v10 =	vmax.f32 v10, v14;
	v3 =	vmin.f32 v2, v17;
	v15 =	vmax.f32 v5, v8  }
0xca: {  	v5 =	vmin.f32 v5, v8;
	v8 =	vmax.f32 v13, v1;
	v13 =	vmax.f32 v2, v17  }
0xcb: {  	v1 =	vmax.f32 v0, v5;
	v5 =	vmin.f32 v0, v5;
	v2 =	vmin.f32 v15, v6  }
0xcc: {  	v17 =	vmax.f32 v8, v9;
	v6 =	vmax.f32 v15, v6;
	v16 =	vmax.f32 v7, v5  }
0xcd: {  	v18 =	vmax.f32 v1, v2;
	v19 =	vmin.f32 v1, v2;
	v20 =	vmax.f32 v17, v3  }
0xce: {  	v5 =	vmin.f32 v7, v5;
	v1 =	vmin.f32 v17, v3;
	v2 =	vmax.f32 v6, v12  }
0xcf: {  	v0 =	vld [tilespmem:s31+$0x10];
	v6 =	vmin.f32 v6, v12;
	v7 =	vmin.f32 v4, v5;
	v15 =	vmax.f32 v16, v19  }
0xd0: {  	v17 =	vmin.f32 v18, v6;
	v3 =	vmin.f32 v16, v19;
	v22 =	vmax.f32 v18, v6  }
0xd1: {  	v16 =	vmin.f32 v8, v9;
	v9 =	vmax.f32 v4, v5;
	v19 =	vmax.f32 v11, v21  }
0xd2: {  	v6 =	vmax.f32 v9, v3;
	v8 =	vmin.f32 v15, v17;
	v5 =	vmax.f32 v13, v7  }
0xd3: {  	v24 =	vmin.f32 v13, v7;
	v12 =	vmax.f32 v10, v16;
	v25 =	vmax.f32 v15, v17  }
0xd4: {  	v16 =	vmin.f32 v10, v16;
	v14 =	vmin.f32 v20, v24;
	v4 =	vmin.f32 v2, v0  }
0xd5: {  	v18 =	vmax.f32 v12, v1;
	v15 =	vmax.f32 v6, v8;
	v23 =	vmin.f32 v22, v4  }
0xd6: {  	v11 =	vmax.f32 v20, v24;
	v13 =	vmin.f32 v18, v14;
	v17 =	vmin.f32 v25, v23  }
0xd7: {  	s28 =	simm.s32 $0xA0;
	s26 =	simm.s32 $0x4;
	v10 =	vmax.f32 v22, v4;
	v4 =	vmax.f32 v25, v23;
	v7 =	vmin.f32 v15, v17  }
.LBB2_6:
0xd8: {  	v20 =	vld [tilespmem:s28+$0xFFFFFFE0];
	s26 =	sadd.s32 $0x4, s26;
	v14 =	vmax.f32 v18, v14;
	v0 =	vmax.f32 v2, v0;
	v15 =	vmax.f32 v15, v17  }
0xd9: {  	v3 =	vmin.f32 v9, v3;
	v9 =	vmax.f32 v19, v16;
	v1 =	vmin.f32 v12, v1;
	v2 =	vld [tilespmem:s28+$0xFFFFFFF0];
	p0 =	slt.u32 s26, $0x3FC  }
0xda: {  	v6 =	vmin.f32 v6, v8;
	v12 =	vmax.f32 v5, v3;
	v1 =	vmax.f32 v9, v1  }
0xdb: {  	v19 =	vmax.f32 v1, v13;
	v1 =	vmin.f32 v5, v3;
	v3 =	vmax.f32 v12, v6;
	v8 =	vld [tilespmem:s28+$0x0]  }
0xdc: {  	v6 =	vmin.f32 v12, v6;
	v5 =	vmin.f32 v11, v1;
	v9 =	vmin.f32 v3, v7  }
0xdd: {  	v11 =	vmax.f32 v11, v1;
	v12 =	vmax.f32 v0, v20;
	v13 =	vmin.f32 v0, v20;
	v0 =	vld [tilespmem:s28+$0x10]  }
0xde: {  	v7 =	vmax.f32 v3, v7;
	v1 =	vmax.f32 v10, v13;
	v10 =	vmin.f32 v10, v13  }
0xdf: {  	v16 =	vmax.f32 v11, v6;
	v13 =	vmin.f32 v12, v2;
	v3 =	vmax.f32 v4, v10  }
0xe0: {  	v20 =	vmax.f32 v16, v9;
	v17 =	vmax.f32 v1, v13;
	v13 =	vmin.f32 v1, v13  }
0xe1: {  	v4 =	vmin.f32 v4, v10;
	v10 =	vmax.f32 v12, v2;
	v1 =	vmin.f32 v16, v9  }
0xe2: {  	v2 =	vmax.f32 v10, v8;
	v8 =	vmin.f32 v10, v8;
	v10 =	vmin.f32 v14, v5  }
0xe3: {  	v12 =	vmin.f32 v15, v4;
	v16 =	vmax.f32 v3, v13;
	v18 =	vmin.f32 v17, v8  }
0xe4: {  	v11 =	vmin.f32 v11, v6;
	v3 =	vmin.f32 v3, v13;
	v21 =	vmax.f32 v17, v8  }
0xe5: {  	v9 =	vmax.f32 v15, v4;
	v13 =	vmax.f32 v14, v5;
	v4 =	vmin.f32 v2, v0  }
0xe6: {  	v6 =	vmax.f32 v9, v3;
	v8 =	vmin.f32 v16, v18;
	v22 =	vmin.f32 v21, v4  }
.Ltmp2:
0xe7: {  	v5 =	vmax.f32 v7, v12;
	v23 =	vmin.f32 v7, v12;
	v12 =	vmax.f32 v13, v11;
	(pc) =	sbr.rel @p0 .LBB2_6-.Ltmp2, $4  }
0xe8: {  	v14 =	vmin.f32 v20, v23;
	v24 =	vmax.f32 v16, v18;
	v18 =	vmax.f32 v12, v1  }
0xe9: {  	v16 =	vmin.f32 v13, v11;
	v15 =	vmax.f32 v6, v8;
	v17 =	vmin.f32 v24, v22  }
0xea: {  	v19 =	vmax.f32 v19, v10;
	v13 =	vmin.f32 v18, v14;
	v7 =	vmin.f32 v15, v17  }
0xeb: {  	s28 =	sadd.s32 $0x40, s28;
	v11 =	vmax.f32 v20, v23;
	v10 =	vmax.f32 v21, v4;
	v4 =	vmax.f32 v24, v22  }
0xec: {  	v14 =	vmax.f32 v18, v14;
	v0 =	vmax.f32 v2, v0  }
0xed: {  	v2 =	vmin.f32 v9, v3;
	v3 =	vmax.f32 v19, v16;
	v1 =	vmin.f32 v12, v1  }
0xee: {  	v9 =	vmax.f32 v15, v17;
	v12 =	vmax.f32 v5, v2;
	v1 =	vmax.f32 v3, v1  }
0xef: {  	v3 =	vmin.f32 v6, v8;
	v2 =	vmin.f32 v5, v2;
	v1 =	vmax.f32 v1, v13  }
0xf0: {  	[tilespmem:$0x4010] =	vst v10;
	v5 =	vmax.f32 v12, v3;
	v3 =	vmin.f32 v12, v3;
	v6 =	vmax.f32 v11, v2  }
0xf1: {  	[tilespmem:$0x4000] =	vst v0;
	v0 =	vmin.f32 v11, v2;
	v2 =	vmin.f32 v5, v7;
	v8 =	vmax.f32 v6, v3  }
0xf2: {  	[tilespmem:$0x4020] =	vst v4;
	v5 =	vmax.f32 v5, v7;
	v4 =	vmin.f32 v14, v0;
	v3 =	vmin.f32 v6, v3  }
0xf3: {  	[tilespmem:$0x4030] =	vst v9;
	v0 =	vmax.f32 v14, v0;
	v7 =	vmax.f32 v8, v2;
	v2 =	vmin.f32 v8, v2  }
0xf4: {  	v6 =	vmax.f32 v0, v3;
	v0 =	vmin.f32 v0, v3;
	v1 =	vmax.f32 v1, v4;
	[tilespmem:$0x4040] =	vst v5  }
0xf5: {  	v3 =	vmax.f32 v6, v2;
	v0 =	vmax.f32 v1, v0;
	v1 =	vmin.f32 v6, v2;
	[tilespmem:$0x4050] =	vst v7  }
0xf6: {  	v0 =	vmax.f32 v0, v1;
	[tilespmem:$0x4060] =	vst v3  }
0xf7: {  	[tilespmem:$0x4070] =	vst v0  }
0xf8: {  	[hbm4b:s8+s20] =	stream.strided.scatter [tilespmem:s23], [sflag:$0x2], $0x80, s21, s20, $0x38;
	[tilespmem:$0x4080] =	vst v63  }
0xf9: {  	_ =	swait.ge [sflag:s24], $0x80  }
0xfa: {  	[sflag:s24] =	ssyncset.done $0x0  }
0xfb: {  	[sflag:s24] =	ssyncadd.s32 $0xFFFFFF80  }
0xfc: {  	[tilespmem:s2], [sflag:$0x1] =	stream.strided.gather [hbm4b:s9+s20], $0x4000, s21, s20, $0x38;
	[tilespmem:$0x4080] =	vst v63  }
0xfd: {  	_ =	swait.ge [sflag:s22], $0x4000  }
0xfe: {  	[sflag:s22] =	ssyncset.done $0x0  }
0xff: {  	s26 =	simm.s32 $0x20;
	[sflag:s22] =	ssyncadd.s32 $0xFFFFC000  }
0x100: {  	v0 =	vld [tilespmem:s26+$0xFFFFFFE0];
	_ =	sdelay $0x1  }
0x101: {  	v1 =	vld [tilespmem:s26+$0xFFFFFFF0];
	_ =	sdelay $0x1  }
0x102: {  	v2 =	vimm.f32 $-Inf;
	v3 =	vld [tilespmem:s26+$0x0]  }
0x103: {  	v4 =	vmin.f32 v2, v0  }
0x104: {  	v0 =	vmax.f32 v2, v0;
	v5 =	vmin.f32 v2, v4  }
0x105: {  	v6 =	vld [tilespmem:s26+$0x10];
	v4 =	vmax.f32 v2, v4;
	v8 =	vmin.f32 v0, v1;
	v0 =	vmax.f32 v0, v1  }
0x106: {  	v7 =	vmax.f32 v2, v5;
	v9 =	vmax.f32 v4, v8;
	v4 =	vmin.f32 v4, v8  }
0x107: {  	v1 =	vmin.f32 v2, v5;
	v5 =	vmax.f32 v0, v3;
	v0 =	vmin.f32 v0, v3  }
0x108: {  	v3 =	vmin.f32 v2, v1;
	v8 =	vmax.f32 v7, v4;
	v10 =	vmin.f32 v9, v0  }
0x109: {  	v4 =	vmin.f32 v7, v4;
	v0 =	vmax.f32 v9, v0;
	v1 =	vmax.f32 v2, v1  }
0x10a: {  	v7 =	vmin.f32 v5, v6;
	v5 =	vmax.f32 v5, v6;
	v9 =	vmax.f32 v1, v4  }
0x10b: {  	v11 =	vmin.f32 v8, v10;
	v12 =	vmin.f32 v0, v7;
	v13 =	vmin.f32 v2, v3  }
0x10c: {  	v8 =	vmax.f32 v8, v10;
	v3 =	vmax.f32 v2, v3;
	v0 =	vmax.f32 v0, v7  }
0x10d: {  	s31 =	simm.s32 $0x60;
	v1 =	vmin.f32 v1, v4;
	v10 =	vmin.f32 v2, v13;
	v14 =	vmax.f32 v9, v11  }
0x10e: {  	v15 =	vmin.f32 v8, v12;
	v13 =	vmax.f32 v2, v13;
	v7 =	vmax.f32 v8, v12;
	v8 =	vld [tilespmem:s31+$0xFFFFFFE0]  }
0x10f: {  	v12 =	vmax.f32 v3, v1;
	v9 =	vmin.f32 v9, v11;
	v1 =	vmin.f32 v3, v1  }
0x110: {  	v6 =	vld [tilespmem:s31+$0xFFFFFFF0];
	v16 =	vmin.f32 v2, v10;
	v17 =	vmin.f32 v14, v15;
	v10 =	vmax.f32 v2, v10  }
0x111: {  	v4 =	vmax.f32 v14, v15;
	v14 =	vmin.f32 v13, v1;
	v11 =	vmax.f32 v2, v16  }
0x112: {  	v2 =	vmax.f32 v12, v9;
	v9 =	vmin.f32 v12, v9;
	v21 =	vmin.f32 v10, v14  }
0x113: {  	v12 =	vld [tilespmem:s31+$0x0];
	v10 =	vmax.f32 v10, v14;
	v3 =	vmin.f32 v2, v17;
	v15 =	vmax.f32 v5, v8  }
0x114: {  	v5 =	vmin.f32 v5, v8;
	v8 =	vmax.f32 v13, v1;
	v13 =	vmax.f32 v2, v17  }
0x115: {  	v1 =	vmax.f32 v0, v5;
	v5 =	vmin.f32 v0, v5;
	v2 =	vmin.f32 v15, v6  }
0x116: {  	v17 =	vmax.f32 v8, v9;
	v6 =	vmax.f32 v15, v6;
	v16 =	vmax.f32 v7, v5  }
0x117: {  	v18 =	vmax.f32 v1, v2;
	v19 =	vmin.f32 v1, v2;
	v20 =	vmax.f32 v17, v3  }
0x118: {  	v5 =	vmin.f32 v7, v5;
	v1 =	vmin.f32 v17, v3;
	v2 =	vmax.f32 v6, v12  }
0x119: {  	v0 =	vld [tilespmem:s31+$0x10];
	v6 =	vmin.f32 v6, v12;
	v7 =	vmin.f32 v4, v5;
	v15 =	vmax.f32 v16, v19  }
0x11a: {  	v17 =	vmin.f32 v18, v6;
	v3 =	vmin.f32 v16, v19;
	v22 =	vmax.f32 v18, v6  }
0x11b: {  	v16 =	vmin.f32 v8, v9;
	v9 =	vmax.f32 v4, v5;
	v19 =	vmax.f32 v11, v21  }
0x11c: {  	v6 =	vmax.f32 v9, v3;
	v8 =	vmin.f32 v15, v17;
	v5 =	vmax.f32 v13, v7  }
0x11d: {  	v24 =	vmin.f32 v13, v7;
	v12 =	vmax.f32 v10, v16;
	v25 =	vmax.f32 v15, v17  }
0x11e: {  	v16 =	vmin.f32 v10, v16;
	v14 =	vmin.f32 v20, v24;
	v4 =	vmin.f32 v2, v0  }
0x11f: {  	v18 =	vmax.f32 v12, v1;
	v15 =	vmax.f32 v6, v8;
	v23 =	vmin.f32 v22, v4  }
0x120: {  	v11 =	vmax.f32 v20, v24;
	v13 =	vmin.f32 v18, v14;
	v17 =	vmin.f32 v25, v23  }
0x121: {  	s28 =	simm.s32 $0xA0;
	s26 =	simm.s32 $0x4;
	v10 =	vmax.f32 v22, v4;
	v4 =	vmax.f32 v25, v23;
	v7 =	vmin.f32 v15, v17  }
.LBB2_8:
0x122: {  	v20 =	vld [tilespmem:s28+$0xFFFFFFE0];
	s26 =	sadd.s32 $0x4, s26;
	v14 =	vmax.f32 v18, v14;
	v0 =	vmax.f32 v2, v0;
	v15 =	vmax.f32 v15, v17  }
0x123: {  	v3 =	vmin.f32 v9, v3;
	v9 =	vmax.f32 v19, v16;
	v1 =	vmin.f32 v12, v1;
	v2 =	vld [tilespmem:s28+$0xFFFFFFF0];
	p0 =	slt.u32 s26, $0x3FC  }
0x124: {  	v6 =	vmin.f32 v6, v8;
	v12 =	vmax.f32 v5, v3;
	v1 =	vmax.f32 v9, v1  }
0x125: {  	v19 =	vmax.f32 v1, v13;
	v1 =	vmin.f32 v5, v3;
	v3 =	vmax.f32 v12, v6;
	v8 =	vld [tilespmem:s28+$0x0]  }
0x126: {  	v6 =	vmin.f32 v12, v6;
	v5 =	vmin.f32 v11, v1;
	v9 =	vmin.f32 v3, v7  }
0x127: {  	v11 =	vmax.f32 v11, v1;
	v12 =	vmax.f32 v0, v20;
	v13 =	vmin.f32 v0, v20;
	v0 =	vld [tilespmem:s28+$0x10]  }
0x128: {  	v7 =	vmax.f32 v3, v7;
	v1 =	vmax.f32 v10, v13;
	v10 =	vmin.f32 v10, v13  }
0x129: {  	v16 =	vmax.f32 v11, v6;
	v13 =	vmin.f32 v12, v2;
	v3 =	vmax.f32 v4, v10  }
0x12a: {  	v20 =	vmax.f32 v16, v9;
	v17 =	vmax.f32 v1, v13;
	v13 =	vmin.f32 v1, v13  }
0x12b: {  	v4 =	vmin.f32 v4, v10;
	v10 =	vmax.f32 v12, v2;
	v1 =	vmin.f32 v16, v9  }
0x12c: {  	v2 =	vmax.f32 v10, v8;
	v8 =	vmin.f32 v10, v8;
	v10 =	vmin.f32 v14, v5  }
0x12d: {  	v12 =	vmin.f32 v15, v4;
	v16 =	vmax.f32 v3, v13;
	v18 =	vmin.f32 v17, v8  }
0x12e: {  	v11 =	vmin.f32 v11, v6;
	v3 =	vmin.f32 v3, v13;
	v21 =	vmax.f32 v17, v8  }
0x12f: {  	v9 =	vmax.f32 v15, v4;
	v13 =	vmax.f32 v14, v5;
	v4 =	vmin.f32 v2, v0  }
0x130: {  	v6 =	vmax.f32 v9, v3;
	v8 =	vmin.f32 v16, v18;
	v22 =	vmin.f32 v21, v4  }
.Ltmp3:
0x131: {  	v5 =	vmax.f32 v7, v12;
	v23 =	vmin.f32 v7, v12;
	v12 =	vmax.f32 v13, v11;
	(pc) =	sbr.rel @p0 .LBB2_8-.Ltmp3, $4  }
0x132: {  	v14 =	vmin.f32 v20, v23;
	v24 =	vmax.f32 v16, v18;
	v18 =	vmax.f32 v12, v1  }
0x133: {  	v16 =	vmin.f32 v13, v11;
	v15 =	vmax.f32 v6, v8;
	v17 =	vmin.f32 v24, v22  }
0x134: {  	v19 =	vmax.f32 v19, v10;
	v13 =	vmin.f32 v18, v14;
	v7 =	vmin.f32 v15, v17  }
0x135: {  	s28 =	sadd.s32 $0x40, s28;
	v11 =	vmax.f32 v20, v23;
	v10 =	vmax.f32 v21, v4;
	v4 =	vmax.f32 v24, v22  }
0x136: {  	v14 =	vmax.f32 v18, v14;
	v0 =	vmax.f32 v2, v0  }
0x137: {  	v2 =	vmin.f32 v9, v3;
	v3 =	vmax.f32 v19, v16;
	v1 =	vmin.f32 v12, v1  }
0x138: {  	v9 =	vmax.f32 v15, v17;
	v12 =	vmax.f32 v5, v2;
	v1 =	vmax.f32 v3, v1  }
0x139: {  	v3 =	vmin.f32 v6, v8;
	v2 =	vmin.f32 v5, v2;
	v1 =	vmax.f32 v1, v13  }
0x13a: {  	[tilespmem:$0x4010] =	vst v10;
	v5 =	vmax.f32 v12, v3;
	v3 =	vmin.f32 v12, v3;
	v6 =	vmax.f32 v11, v2  }
0x13b: {  	[tilespmem:$0x4000] =	vst v0;
	v0 =	vmin.f32 v11, v2;
	v2 =	vmin.f32 v5, v7;
	v8 =	vmax.f32 v6, v3  }
0x13c: {  	[tilespmem:$0x4020] =	vst v4;
	v5 =	vmax.f32 v5, v7;
	v4 =	vmin.f32 v14, v0;
	v3 =	vmin.f32 v6, v3  }
0x13d: {  	[tilespmem:$0x4030] =	vst v9;
	v0 =	vmax.f32 v14, v0;
	v7 =	vmax.f32 v8, v2;
	v2 =	vmin.f32 v8, v2  }
0x13e: {  	v6 =	vmax.f32 v0, v3;
	v0 =	vmin.f32 v0, v3;
	v1 =	vmax.f32 v1, v4;
	[tilespmem:$0x4040] =	vst v5  }
0x13f: {  	v3 =	vmax.f32 v6, v2;
	v0 =	vmax.f32 v1, v0;
	v1 =	vmin.f32 v6, v2;
	[tilespmem:$0x4050] =	vst v7  }
0x140: {  	v0 =	vmax.f32 v0, v1;
	[tilespmem:$0x4060] =	vst v3  }
0x141: {  	[tilespmem:$0x4070] =	vst v0  }
0x142: {  	[hbm4b:s10+s20] =	stream.strided.scatter [tilespmem:s23], [sflag:$0x2], $0x80, s21, s20, $0x38;
	[tilespmem:$0x4080] =	vst v63  }
0x143: {  	_ =	swait.ge [sflag:s24], $0x80  }
0x144: {  	[sflag:s24] =	ssyncset.done $0x0  }
0x145: {  	[sflag:s24] =	ssyncadd.s32 $0xFFFFFF80  }
0x146: {  	[tilespmem:s2], [sflag:$0x1] =	stream.strided.gather [hbm4b:s11+s20], $0x4000, s21, s20, $0x38;
	[tilespmem:$0x4080] =	vst v63  }
0x147: {  	_ =	swait.ge [sflag:s22], $0x4000  }
0x148: {  	[sflag:s22] =	ssyncset.done $0x0  }
0x149: {  	s26 =	simm.s32 $0x20;
	[sflag:s22] =	ssyncadd.s32 $0xFFFFC000  }
0x14a: {  	v0 =	vld [tilespmem:s26+$0xFFFFFFE0];
	_ =	sdelay $0x1  }
0x14b: {  	v1 =	vld [tilespmem:s26+$0xFFFFFFF0];
	_ =	sdelay $0x1  }
0x14c: {  	v2 =	vimm.f32 $-Inf;
	v3 =	vld [tilespmem:s26+$0x0]  }
0x14d: {  	v4 =	vmin.f32 v2, v0  }
0x14e: {  	v0 =	vmax.f32 v2, v0;
	v5 =	vmin.f32 v2, v4  }
0x14f: {  	v6 =	vld [tilespmem:s26+$0x10];
	v4 =	vmax.f32 v2, v4;
	v8 =	vmin.f32 v0, v1;
	v0 =	vmax.f32 v0, v1  }
0x150: {  	v7 =	vmax.f32 v2, v5;
	v9 =	vmax.f32 v4, v8;
	v4 =	vmin.f32 v4, v8  }
0x151: {  	v1 =	vmin.f32 v2, v5;
	v5 =	vmax.f32 v0, v3;
	v0 =	vmin.f32 v0, v3  }
0x152: {  	v3 =	vmin.f32 v2, v1;
	v8 =	vmax.f32 v7, v4;
	v10 =	vmin.f32 v9, v0  }
0x153: {  	v4 =	vmin.f32 v7, v4;
	v0 =	vmax.f32 v9, v0;
	v1 =	vmax.f32 v2, v1  }
0x154: {  	v7 =	vmin.f32 v5, v6;
	v5 =	vmax.f32 v5, v6;
	v9 =	vmax.f32 v1, v4  }
0x155: {  	v11 =	vmin.f32 v8, v10;
	v12 =	vmin.f32 v0, v7;
	v13 =	vmin.f32 v2, v3  }
0x156: {  	v8 =	vmax.f32 v8, v10;
	v3 =	vmax.f32 v2, v3;
	v0 =	vmax.f32 v0, v7  }
0x157: {  	s31 =	simm.s32 $0x60;
	v1 =	vmin.f32 v1, v4;
	v10 =	vmin.f32 v2, v13;
	v14 =	vmax.f32 v9, v11  }
0x158: {  	v15 =	vmin.f32 v8, v12;
	v13 =	vmax.f32 v2, v13;
	v7 =	vmax.f32 v8, v12;
	v8 =	vld [tilespmem:s31+$0xFFFFFFE0]  }
0x159: {  	v12 =	vmax.f32 v3, v1;
	v9 =	vmin.f32 v9, v11;
	v1 =	vmin.f32 v3, v1  }
0x15a: {  	v6 =	vld [tilespmem:s31+$0xFFFFFFF0];
	v16 =	vmin.f32 v2, v10;
	v17 =	vmin.f32 v14, v15;
	v10 =	vmax.f32 v2, v10  }
0x15b: {  	v4 =	vmax.f32 v14, v15;
	v14 =	vmin.f32 v13, v1;
	v11 =	vmax.f32 v2, v16  }
0x15c: {  	v2 =	vmax.f32 v12, v9;
	v9 =	vmin.f32 v12, v9;
	v21 =	vmin.f32 v10, v14  }
0x15d: {  	v12 =	vld [tilespmem:s31+$0x0];
	v10 =	vmax.f32 v10, v14;
	v3 =	vmin.f32 v2, v17;
	v15 =	vmax.f32 v5, v8  }
0x15e: {  	v5 =	vmin.f32 v5, v8;
	v8 =	vmax.f32 v13, v1;
	v13 =	vmax.f32 v2, v17  }
0x15f: {  	v1 =	vmax.f32 v0, v5;
	v5 =	vmin.f32 v0, v5;
	v2 =	vmin.f32 v15, v6  }
0x160: {  	v17 =	vmax.f32 v8, v9;
	v6 =	vmax.f32 v15, v6;
	v16 =	vmax.f32 v7, v5  }
0x161: {  	v18 =	vmax.f32 v1, v2;
	v19 =	vmin.f32 v1, v2;
	v20 =	vmax.f32 v17, v3  }
0x162: {  	v5 =	vmin.f32 v7, v5;
	v1 =	vmin.f32 v17, v3;
	v2 =	vmax.f32 v6, v12  }
0x163: {  	v0 =	vld [tilespmem:s31+$0x10];
	v6 =	vmin.f32 v6, v12;
	v7 =	vmin.f32 v4, v5;
	v15 =	vmax.f32 v16, v19  }
0x164: {  	v17 =	vmin.f32 v18, v6;
	v3 =	vmin.f32 v16, v19;
	v22 =	vmax.f32 v18, v6  }
0x165: {  	v16 =	vmin.f32 v8, v9;
	v9 =	vmax.f32 v4, v5;
	v19 =	vmax.f32 v11, v21  }
0x166: {  	v6 =	vmax.f32 v9, v3;
	v8 =	vmin.f32 v15, v17;
	v5 =	vmax.f32 v13, v7  }
0x167: {  	v24 =	vmin.f32 v13, v7;
	v12 =	vmax.f32 v10, v16;
	v25 =	vmax.f32 v15, v17  }
0x168: {  	v16 =	vmin.f32 v10, v16;
	v14 =	vmin.f32 v20, v24;
	v4 =	vmin.f32 v2, v0  }
0x169: {  	v18 =	vmax.f32 v12, v1;
	v15 =	vmax.f32 v6, v8;
	v23 =	vmin.f32 v22, v4  }
0x16a: {  	v11 =	vmax.f32 v20, v24;
	v13 =	vmin.f32 v18, v14;
	v17 =	vmin.f32 v25, v23  }
0x16b: {  	s28 =	simm.s32 $0xA0;
	s26 =	simm.s32 $0x4;
	v10 =	vmax.f32 v22, v4;
	v4 =	vmax.f32 v25, v23;
	v7 =	vmin.f32 v15, v17  }
.LBB2_10:
0x16c: {  	v20 =	vld [tilespmem:s28+$0xFFFFFFE0];
	s26 =	sadd.s32 $0x4, s26;
	v14 =	vmax.f32 v18, v14;
	v0 =	vmax.f32 v2, v0;
	v15 =	vmax.f32 v15, v17  }
0x16d: {  	v3 =	vmin.f32 v9, v3;
	v9 =	vmax.f32 v19, v16;
	v1 =	vmin.f32 v12, v1;
	v2 =	vld [tilespmem:s28+$0xFFFFFFF0];
	p0 =	slt.u32 s26, $0x3FC  }
0x16e: {  	v6 =	vmin.f32 v6, v8;
	v12 =	vmax.f32 v5, v3;
	v1 =	vmax.f32 v9, v1  }
0x16f: {  	v19 =	vmax.f32 v1, v13;
	v1 =	vmin.f32 v5, v3;
	v3 =	vmax.f32 v12, v6;
	v8 =	vld [tilespmem:s28+$0x0]  }
0x170: {  	v6 =	vmin.f32 v12, v6;
	v5 =	vmin.f32 v11, v1;
	v9 =	vmin.f32 v3, v7  }
0x171: {  	v11 =	vmax.f32 v11, v1;
	v12 =	vmax.f32 v0, v20;
	v13 =	vmin.f32 v0, v20;
	v0 =	vld [tilespmem:s28+$0x10]  }
0x172: {  	v7 =	vmax.f32 v3, v7;
	v1 =	vmax.f32 v10, v13;
	v10 =	vmin.f32 v10, v13  }
0x173: {  	v16 =	vmax.f32 v11, v6;
	v13 =	vmin.f32 v12, v2;
	v3 =	vmax.f32 v4, v10  }
0x174: {  	v20 =	vmax.f32 v16, v9;
	v17 =	vmax.f32 v1, v13;
	v13 =	vmin.f32 v1, v13  }
0x175: {  	v4 =	vmin.f32 v4, v10;
	v10 =	vmax.f32 v12, v2;
	v1 =	vmin.f32 v16, v9  }
0x176: {  	v2 =	vmax.f32 v10, v8;
	v8 =	vmin.f32 v10, v8;
	v10 =	vmin.f32 v14, v5  }
0x177: {  	v12 =	vmin.f32 v15, v4;
	v16 =	vmax.f32 v3, v13;
	v18 =	vmin.f32 v17, v8  }
0x178: {  	v11 =	vmin.f32 v11, v6;
	v3 =	vmin.f32 v3, v13;
	v21 =	vmax.f32 v17, v8  }
0x179: {  	v9 =	vmax.f32 v15, v4;
	v13 =	vmax.f32 v14, v5;
	v4 =	vmin.f32 v2, v0  }
0x17a: {  	v6 =	vmax.f32 v9, v3;
	v8 =	vmin.f32 v16, v18;
	v22 =	vmin.f32 v21, v4  }
.Ltmp4:
0x17b: {  	v5 =	vmax.f32 v7, v12;
	v23 =	vmin.f32 v7, v12;
	v12 =	vmax.f32 v13, v11;
	(pc) =	sbr.rel @p0 .LBB2_10-.Ltmp4, $4  }
0x17c: {  	v14 =	vmin.f32 v20, v23;
	v24 =	vmax.f32 v16, v18;
	v18 =	vmax.f32 v12, v1  }
0x17d: {  	v16 =	vmin.f32 v13, v11;
	v15 =	vmax.f32 v6, v8;
	v17 =	vmin.f32 v24, v22  }
0x17e: {  	v19 =	vmax.f32 v19, v10;
	v13 =	vmin.f32 v18, v14;
	v7 =	vmin.f32 v15, v17  }
0x17f: {  	s28 =	sadd.s32 $0x40, s28;
	v11 =	vmax.f32 v20, v23;
	v10 =	vmax.f32 v21, v4;
	v4 =	vmax.f32 v24, v22  }
0x180: {  	v14 =	vmax.f32 v18, v14;
	v0 =	vmax.f32 v2, v0  }
0x181: {  	v2 =	vmin.f32 v9, v3;
	v3 =	vmax.f32 v19, v16;
	v1 =	vmin.f32 v12, v1  }
0x182: {  	v9 =	vmax.f32 v15, v17;
	v12 =	vmax.f32 v5, v2;
	v1 =	vmax.f32 v3, v1  }
0x183: {  	v3 =	vmin.f32 v6, v8;
	v2 =	vmin.f32 v5, v2;
	v1 =	vmax.f32 v1, v13  }
0x184: {  	[tilespmem:$0x4010] =	vst v10;
	v5 =	vmax.f32 v12, v3;
	v3 =	vmin.f32 v12, v3;
	v6 =	vmax.f32 v11, v2  }
0x185: {  	[tilespmem:$0x4000] =	vst v0;
	v0 =	vmin.f32 v11, v2;
	v2 =	vmin.f32 v5, v7;
	v8 =	vmax.f32 v6, v3  }
0x186: {  	[tilespmem:$0x4020] =	vst v4;
	v5 =	vmax.f32 v5, v7;
	v4 =	vmin.f32 v14, v0;
	v3 =	vmin.f32 v6, v3  }
0x187: {  	[tilespmem:$0x4030] =	vst v9;
	v0 =	vmax.f32 v14, v0;
	v7 =	vmax.f32 v8, v2;
	v2 =	vmin.f32 v8, v2  }
0x188: {  	v6 =	vmax.f32 v0, v3;
	v0 =	vmin.f32 v0, v3;
	v1 =	vmax.f32 v1, v4;
	[tilespmem:$0x4040] =	vst v5  }
0x189: {  	v3 =	vmax.f32 v6, v2;
	v0 =	vmax.f32 v1, v0;
	v1 =	vmin.f32 v6, v2;
	[tilespmem:$0x4050] =	vst v7  }
0x18a: {  	v0 =	vmax.f32 v0, v1;
	[tilespmem:$0x4060] =	vst v3  }
0x18b: {  	[tilespmem:$0x4070] =	vst v0  }
0x18c: {  	[hbm4b:s12+s20] =	stream.strided.scatter [tilespmem:s23], [sflag:$0x2], $0x80, s21, s20, $0x38;
	[tilespmem:$0x4080] =	vst v63  }
0x18d: {  	_ =	swait.ge [sflag:s24], $0x80  }
0x18e: {  	[sflag:s24] =	ssyncset.done $0x0  }
0x18f: {  	[sflag:s24] =	ssyncadd.s32 $0xFFFFFF80  }
0x190: {  	[tilespmem:s2], [sflag:$0x1] =	stream.strided.gather [hbm4b:s13+s20], $0x4000, s21, s20, $0x38;
	[tilespmem:$0x4080] =	vst v63  }
0x191: {  	_ =	swait.ge [sflag:s22], $0x4000  }
0x192: {  	[sflag:s22] =	ssyncset.done $0x0  }
0x193: {  	s26 =	simm.s32 $0x20;
	[sflag:s22] =	ssyncadd.s32 $0xFFFFC000  }
0x194: {  	v0 =	vld [tilespmem:s26+$0xFFFFFFE0];
	_ =	sdelay $0x1  }
0x195: {  	v1 =	vld [tilespmem:s26+$0xFFFFFFF0];
	_ =	sdelay $0x1  }
0x196: {  	v2 =	vimm.f32 $-Inf;
	v3 =	vld [tilespmem:s26+$0x0]  }
0x197: {  	v4 =	vmin.f32 v2, v0  }
0x198: {  	v0 =	vmax.f32 v2, v0;
	v5 =	vmin.f32 v2, v4  }
0x199: {  	v6 =	vld [tilespmem:s26+$0x10];
	v4 =	vmax.f32 v2, v4;
	v8 =	vmin.f32 v0, v1;
	v0 =	vmax.f32 v0, v1  }
0x19a: {  	v7 =	vmax.f32 v2, v5;
	v9 =	vmax.f32 v4, v8;
	v4 =	vmin.f32 v4, v8  }
0x19b: {  	v1 =	vmin.f32 v2, v5;
	v5 =	vmax.f32 v0, v3;
	v0 =	vmin.f32 v0, v3  }
0x19c: {  	v3 =	vmin.f32 v2, v1;
	v8 =	vmax.f32 v7, v4;
	v10 =	vmin.f32 v9, v0  }
0x19d: {  	v4 =	vmin.f32 v7, v4;
	v0 =	vmax.f32 v9, v0;
	v1 =	vmax.f32 v2, v1  }
0x19e: {  	v7 =	vmin.f32 v5, v6;
	v5 =	vmax.f32 v5, v6;
	v9 =	vmax.f32 v1, v4  }
0x19f: {  	v11 =	vmin.f32 v8, v10;
	v12 =	vmin.f32 v0, v7;
	v13 =	vmin.f32 v2, v3  }
0x1a0: {  	v8 =	vmax.f32 v8, v10;
	v3 =	vmax.f32 v2, v3;
	v0 =	vmax.f32 v0, v7  }
0x1a1: {  	s31 =	simm.s32 $0x60;
	v1 =	vmin.f32 v1, v4;
	v10 =	vmin.f32 v2, v13;
	v14 =	vmax.f32 v9, v11  }
0x1a2: {  	v15 =	vmin.f32 v8, v12;
	v13 =	vmax.f32 v2, v13;
	v7 =	vmax.f32 v8, v12;
	v8 =	vld [tilespmem:s31+$0xFFFFFFE0]  }
0x1a3: {  	v12 =	vmax.f32 v3, v1;
	v9 =	vmin.f32 v9, v11;
	v1 =	vmin.f32 v3, v1  }
0x1a4: {  	v6 =	vld [tilespmem:s31+$0xFFFFFFF0];
	v16 =	vmin.f32 v2, v10;
	v17 =	vmin.f32 v14, v15;
	v10 =	vmax.f32 v2, v10  }
0x1a5: {  	v4 =	vmax.f32 v14, v15;
	v14 =	vmin.f32 v13, v1;
	v11 =	vmax.f32 v2, v16  }
0x1a6: {  	v2 =	vmax.f32 v12, v9;
	v9 =	vmin.f32 v12, v9;
	v21 =	vmin.f32 v10, v14  }
0x1a7: {  	v12 =	vld [tilespmem:s31+$0x0];
	v10 =	vmax.f32 v10, v14;
	v3 =	vmin.f32 v2, v17;
	v15 =	vmax.f32 v5, v8  }
0x1a8: {  	v5 =	vmin.f32 v5, v8;
	v8 =	vmax.f32 v13, v1;
	v13 =	vmax.f32 v2, v17  }
0x1a9: {  	v1 =	vmax.f32 v0, v5;
	v5 =	vmin.f32 v0, v5;
	v2 =	vmin.f32 v15, v6  }
0x1aa: {  	v17 =	vmax.f32 v8, v9;
	v6 =	vmax.f32 v15, v6;
	v16 =	vmax.f32 v7, v5  }
0x1ab: {  	v18 =	vmax.f32 v1, v2;
	v19 =	vmin.f32 v1, v2;
	v20 =	vmax.f32 v17, v3  }
0x1ac: {  	v5 =	vmin.f32 v7, v5;
	v1 =	vmin.f32 v17, v3;
	v2 =	vmax.f32 v6, v12  }
0x1ad: {  	v0 =	vld [tilespmem:s31+$0x10];
	v6 =	vmin.f32 v6, v12;
	v7 =	vmin.f32 v4, v5;
	v15 =	vmax.f32 v16, v19  }
0x1ae: {  	v17 =	vmin.f32 v18, v6;
	v3 =	vmin.f32 v16, v19;
	v22 =	vmax.f32 v18, v6  }
0x1af: {  	v16 =	vmin.f32 v8, v9;
	v9 =	vmax.f32 v4, v5;
	v19 =	vmax.f32 v11, v21  }
0x1b0: {  	v6 =	vmax.f32 v9, v3;
	v8 =	vmin.f32 v15, v17;
	v5 =	vmax.f32 v13, v7  }
0x1b1: {  	v24 =	vmin.f32 v13, v7;
	v12 =	vmax.f32 v10, v16;
	v25 =	vmax.f32 v15, v17  }
0x1b2: {  	v16 =	vmin.f32 v10, v16;
	v14 =	vmin.f32 v20, v24;
	v4 =	vmin.f32 v2, v0  }
0x1b3: {  	v18 =	vmax.f32 v12, v1;
	v15 =	vmax.f32 v6, v8;
	v23 =	vmin.f32 v22, v4  }
0x1b4: {  	v11 =	vmax.f32 v20, v24;
	v13 =	vmin.f32 v18, v14;
	v17 =	vmin.f32 v25, v23  }
0x1b5: {  	s28 =	simm.s32 $0xA0;
	s26 =	simm.s32 $0x4;
	v10 =	vmax.f32 v22, v4;
	v4 =	vmax.f32 v25, v23;
	v7 =	vmin.f32 v15, v17  }
.LBB2_12:
0x1b6: {  	v20 =	vld [tilespmem:s28+$0xFFFFFFE0];
	s26 =	sadd.s32 $0x4, s26;
	v14 =	vmax.f32 v18, v14;
	v0 =	vmax.f32 v2, v0;
	v15 =	vmax.f32 v15, v17  }
0x1b7: {  	v3 =	vmin.f32 v9, v3;
	v9 =	vmax.f32 v19, v16;
	v1 =	vmin.f32 v12, v1;
	v2 =	vld [tilespmem:s28+$0xFFFFFFF0];
	p0 =	slt.u32 s26, $0x3FC  }
0x1b8: {  	v6 =	vmin.f32 v6, v8;
	v12 =	vmax.f32 v5, v3;
	v1 =	vmax.f32 v9, v1  }
0x1b9: {  	v19 =	vmax.f32 v1, v13;
	v1 =	vmin.f32 v5, v3;
	v3 =	vmax.f32 v12, v6;
	v8 =	vld [tilespmem:s28+$0x0]  }
0x1ba: {  	v6 =	vmin.f32 v12, v6;
	v5 =	vmin.f32 v11, v1;
	v9 =	vmin.f32 v3, v7  }
0x1bb: {  	v11 =	vmax.f32 v11, v1;
	v12 =	vmax.f32 v0, v20;
	v13 =	vmin.f32 v0, v20;
	v0 =	vld [tilespmem:s28+$0x10]  }
0x1bc: {  	v7 =	vmax.f32 v3, v7;
	v1 =	vmax.f32 v10, v13;
	v10 =	vmin.f32 v10, v13  }
0x1bd: {  	v16 =	vmax.f32 v11, v6;
	v13 =	vmin.f32 v12, v2;
	v3 =	vmax.f32 v4, v10  }
0x1be: {  	v20 =	vmax.f32 v16, v9;
	v17 =	vmax.f32 v1, v13;
	v13 =	vmin.f32 v1, v13  }
0x1bf: {  	v4 =	vmin.f32 v4, v10;
	v10 =	vmax.f32 v12, v2;
	v1 =	vmin.f32 v16, v9  }
0x1c0: {  	v2 =	vmax.f32 v10, v8;
	v8 =	vmin.f32 v10, v8;
	v10 =	vmin.f32 v14, v5  }
0x1c1: {  	v12 =	vmin.f32 v15, v4;
	v16 =	vmax.f32 v3, v13;
	v18 =	vmin.f32 v17, v8  }
0x1c2: {  	v11 =	vmin.f32 v11, v6;
	v3 =	vmin.f32 v3, v13;
	v21 =	vmax.f32 v17, v8  }
0x1c3: {  	v9 =	vmax.f32 v15, v4;
	v13 =	vmax.f32 v14, v5;
	v4 =	vmin.f32 v2, v0  }
0x1c4: {  	v6 =	vmax.f32 v9, v3;
	v8 =	vmin.f32 v16, v18;
	v22 =	vmin.f32 v21, v4  }
.Ltmp5:
0x1c5: {  	v5 =	vmax.f32 v7, v12;
	v23 =	vmin.f32 v7, v12;
	v12 =	vmax.f32 v13, v11;
	(pc) =	sbr.rel @p0 .LBB2_12-.Ltmp5, $4  }
0x1c6: {  	v14 =	vmin.f32 v20, v23;
	v24 =	vmax.f32 v16, v18;
	v18 =	vmax.f32 v12, v1  }
0x1c7: {  	v16 =	vmin.f32 v13, v11;
	v15 =	vmax.f32 v6, v8;
	v17 =	vmin.f32 v24, v22  }
0x1c8: {  	v19 =	vmax.f32 v19, v10;
	v13 =	vmin.f32 v18, v14;
	v7 =	vmin.f32 v15, v17  }
0x1c9: {  	s28 =	sadd.s32 $0x40, s28;
	v11 =	vmax.f32 v20, v23;
	v10 =	vmax.f32 v21, v4;
	v4 =	vmax.f32 v24, v22  }
0x1ca: {  	v14 =	vmax.f32 v18, v14;
	v0 =	vmax.f32 v2, v0  }
0x1cb: {  	v2 =	vmin.f32 v9, v3;
	v3 =	vmax.f32 v19, v16;
	v1 =	vmin.f32 v12, v1  }
0x1cc: {  	v9 =	vmax.f32 v15, v17;
	v12 =	vmax.f32 v5, v2;
	v1 =	vmax.f32 v3, v1  }
0x1cd: {  	v3 =	vmin.f32 v6, v8;
	v2 =	vmin.f32 v5, v2;
	v1 =	vmax.f32 v1, v13  }
0x1ce: {  	[tilespmem:$0x4010] =	vst v10;
	v5 =	vmax.f32 v12, v3;
	v3 =	vmin.f32 v12, v3;
	v6 =	vmax.f32 v11, v2  }
0x1cf: {  	[tilespmem:$0x4000] =	vst v0;
	v0 =	vmin.f32 v11, v2;
	v2 =	vmin.f32 v5, v7;
	v8 =	vmax.f32 v6, v3  }
0x1d0: {  	[tilespmem:$0x4020] =	vst v4;
	v5 =	vmax.f32 v5, v7;
	v4 =	vmin.f32 v14, v0;
	v3 =	vmin.f32 v6, v3  }
0x1d1: {  	[tilespmem:$0x4030] =	vst v9;
	v0 =	vmax.f32 v14, v0;
	v7 =	vmax.f32 v8, v2;
	v2 =	vmin.f32 v8, v2  }
0x1d2: {  	v6 =	vmax.f32 v0, v3;
	v0 =	vmin.f32 v0, v3;
	v1 =	vmax.f32 v1, v4;
	[tilespmem:$0x4040] =	vst v5  }
0x1d3: {  	v3 =	vmax.f32 v6, v2;
	v0 =	vmax.f32 v1, v0;
	v1 =	vmin.f32 v6, v2;
	[tilespmem:$0x4050] =	vst v7  }
0x1d4: {  	v0 =	vmax.f32 v0, v1;
	[tilespmem:$0x4060] =	vst v3  }
0x1d5: {  	[tilespmem:$0x4070] =	vst v0  }
0x1d6: {  	[hbm4b:s14+s20] =	stream.strided.scatter [tilespmem:s23], [sflag:$0x2], $0x80, s21, s20, $0x38;
	[tilespmem:$0x4080] =	vst v63  }
0x1d7: {  	_ =	swait.ge [sflag:s24], $0x80  }
0x1d8: {  	[sflag:s24] =	ssyncset.done $0x0  }
0x1d9: {  	[sflag:s24] =	ssyncadd.s32 $0xFFFFFF80  }
0x1da: {  	[tilespmem:s2], [sflag:$0x1] =	stream.strided.gather [hbm4b:s15+s20], $0x4000, s21, s20, $0x38;
	[tilespmem:$0x4080] =	vst v63  }
0x1db: {  	_ =	swait.ge [sflag:s22], $0x4000  }
0x1dc: {  	[sflag:s22] =	ssyncset.done $0x0  }
0x1dd: {  	s26 =	simm.s32 $0x20;
	[sflag:s22] =	ssyncadd.s32 $0xFFFFC000  }
0x1de: {  	v0 =	vld [tilespmem:s26+$0xFFFFFFE0];
	_ =	sdelay $0x1  }
0x1df: {  	v1 =	vld [tilespmem:s26+$0xFFFFFFF0];
	_ =	sdelay $0x1  }
0x1e0: {  	v2 =	vimm.f32 $-Inf;
	v3 =	vld [tilespmem:s26+$0x0]  }
0x1e1: {  	v4 =	vmin.f32 v2, v0  }
0x1e2: {  	v0 =	vmax.f32 v2, v0;
	v5 =	vmin.f32 v2, v4  }
0x1e3: {  	v6 =	vld [tilespmem:s26+$0x10];
	v4 =	vmax.f32 v2, v4;
	v8 =	vmin.f32 v0, v1;
	v0 =	vmax.f32 v0, v1  }
0x1e4: {  	v7 =	vmax.f32 v2, v5;
	v9 =	vmax.f32 v4, v8;
	v4 =	vmin.f32 v4, v8  }
0x1e5: {  	v1 =	vmin.f32 v2, v5;
	v5 =	vmax.f32 v0, v3;
	v0 =	vmin.f32 v0, v3  }
0x1e6: {  	v3 =	vmin.f32 v2, v1;
	v8 =	vmax.f32 v7, v4;
	v10 =	vmin.f32 v9, v0  }
0x1e7: {  	v4 =	vmin.f32 v7, v4;
	v0 =	vmax.f32 v9, v0;
	v1 =	vmax.f32 v2, v1  }
0x1e8: {  	v7 =	vmin.f32 v5, v6;
	v5 =	vmax.f32 v5, v6;
	v9 =	vmax.f32 v1, v4  }
0x1e9: {  	v11 =	vmin.f32 v8, v10;
	v12 =	vmin.f32 v0, v7;
	v13 =	vmin.f32 v2, v3  }
0x1ea: {  	v8 =	vmax.f32 v8, v10;
	v3 =	vmax.f32 v2, v3;
	v0 =	vmax.f32 v0, v7  }
0x1eb: {  	s31 =	simm.s32 $0x60;
	v1 =	vmin.f32 v1, v4;
	v10 =	vmin.f32 v2, v13;
	v14 =	vmax.f32 v9, v11  }
0x1ec: {  	v15 =	vmin.f32 v8, v12;
	v13 =	vmax.f32 v2, v13;
	v7 =	vmax.f32 v8, v12;
	v8 =	vld [tilespmem:s31+$0xFFFFFFE0]  }
0x1ed: {  	v12 =	vmax.f32 v3, v1;
	v9 =	vmin.f32 v9, v11;
	v1 =	vmin.f32 v3, v1  }
0x1ee: {  	v6 =	vld [tilespmem:s31+$0xFFFFFFF0];
	v16 =	vmin.f32 v2, v10;
	v17 =	vmin.f32 v14, v15;
	v10 =	vmax.f32 v2, v10  }
0x1ef: {  	v4 =	vmax.f32 v14, v15;
	v14 =	vmin.f32 v13, v1;
	v11 =	vmax.f32 v2, v16  }
0x1f0: {  	v2 =	vmax.f32 v12, v9;
	v9 =	vmin.f32 v12, v9;
	v21 =	vmin.f32 v10, v14  }
0x1f1: {  	v12 =	vld [tilespmem:s31+$0x0];
	v10 =	vmax.f32 v10, v14;
	v3 =	vmin.f32 v2, v17;
	v15 =	vmax.f32 v5, v8  }
0x1f2: {  	v5 =	vmin.f32 v5, v8;
	v8 =	vmax.f32 v13, v1;
	v13 =	vmax.f32 v2, v17  }
0x1f3: {  	v1 =	vmax.f32 v0, v5;
	v5 =	vmin.f32 v0, v5;
	v2 =	vmin.f32 v15, v6  }
0x1f4: {  	v17 =	vmax.f32 v8, v9;
	v6 =	vmax.f32 v15, v6;
	v16 =	vmax.f32 v7, v5  }
0x1f5: {  	v18 =	vmax.f32 v1, v2;
	v19 =	vmin.f32 v1, v2;
	v20 =	vmax.f32 v17, v3  }
0x1f6: {  	v5 =	vmin.f32 v7, v5;
	v1 =	vmin.f32 v17, v3;
	v2 =	vmax.f32 v6, v12  }
0x1f7: {  	v0 =	vld [tilespmem:s31+$0x10];
	v6 =	vmin.f32 v6, v12;
	v7 =	vmin.f32 v4, v5;
	v15 =	vmax.f32 v16, v19  }
0x1f8: {  	v17 =	vmin.f32 v18, v6;
	v3 =	vmin.f32 v16, v19;
	v22 =	vmax.f32 v18, v6  }
0x1f9: {  	v16 =	vmin.f32 v8, v9;
	v9 =	vmax.f32 v4, v5;
	v19 =	vmax.f32 v11, v21  }
0x1fa: {  	v6 =	vmax.f32 v9, v3;
	v8 =	vmin.f32 v15, v17;
	v5 =	vmax.f32 v13, v7  }
0x1fb: {  	v24 =	vmin.f32 v13, v7;
	v12 =	vmax.f32 v10, v16;
	v25 =	vmax.f32 v15, v17  }
0x1fc: {  	v16 =	vmin.f32 v10, v16;
	v14 =	vmin.f32 v20, v24;
	v4 =	vmin.f32 v2, v0  }
0x1fd: {  	v18 =	vmax.f32 v12, v1;
	v15 =	vmax.f32 v6, v8;
	v23 =	vmin.f32 v22, v4  }
0x1fe: {  	v11 =	vmax.f32 v20, v24;
	v13 =	vmin.f32 v18, v14;
	v17 =	vmin.f32 v25, v23  }
0x1ff: {  	s28 =	simm.s32 $0xA0;
	s26 =	simm.s32 $0x4;
	v10 =	vmax.f32 v22, v4;
	v4 =	vmax.f32 v25, v23;
	v7 =	vmin.f32 v15, v17  }
.LBB2_14:
0x200: {  	v20 =	vld [tilespmem:s28+$0xFFFFFFE0];
	s26 =	sadd.s32 $0x4, s26;
	v14 =	vmax.f32 v18, v14;
	v0 =	vmax.f32 v2, v0;
	v15 =	vmax.f32 v15, v17  }
0x201: {  	v3 =	vmin.f32 v9, v3;
	v9 =	vmax.f32 v19, v16;
	v1 =	vmin.f32 v12, v1;
	v2 =	vld [tilespmem:s28+$0xFFFFFFF0];
	p0 =	slt.u32 s26, $0x3FC  }
0x202: {  	v6 =	vmin.f32 v6, v8;
	v12 =	vmax.f32 v5, v3;
	v1 =	vmax.f32 v9, v1  }
0x203: {  	v19 =	vmax.f32 v1, v13;
	v1 =	vmin.f32 v5, v3;
	v3 =	vmax.f32 v12, v6;
	v8 =	vld [tilespmem:s28+$0x0]  }
0x204: {  	v6 =	vmin.f32 v12, v6;
	v5 =	vmin.f32 v11, v1;
	v9 =	vmin.f32 v3, v7  }
0x205: {  	v11 =	vmax.f32 v11, v1;
	v12 =	vmax.f32 v0, v20;
	v13 =	vmin.f32 v0, v20;
	v0 =	vld [tilespmem:s28+$0x10]  }
0x206: {  	v7 =	vmax.f32 v3, v7;
	v1 =	vmax.f32 v10, v13;
	v10 =	vmin.f32 v10, v13  }
0x207: {  	v16 =	vmax.f32 v11, v6;
	v13 =	vmin.f32 v12, v2;
	v3 =	vmax.f32 v4, v10  }
0x208: {  	v20 =	vmax.f32 v16, v9;
	v17 =	vmax.f32 v1, v13;
	v13 =	vmin.f32 v1, v13  }
0x209: {  	v4 =	vmin.f32 v4, v10;
	v10 =	vmax.f32 v12, v2;
	v1 =	vmin.f32 v16, v9  }
0x20a: {  	v2 =	vmax.f32 v10, v8;
	v8 =	vmin.f32 v10, v8;
	v10 =	vmin.f32 v14, v5  }
0x20b: {  	v12 =	vmin.f32 v15, v4;
	v16 =	vmax.f32 v3, v13;
	v18 =	vmin.f32 v17, v8  }
0x20c: {  	v11 =	vmin.f32 v11, v6;
	v3 =	vmin.f32 v3, v13;
	v21 =	vmax.f32 v17, v8  }
0x20d: {  	v9 =	vmax.f32 v15, v4;
	v13 =	vmax.f32 v14, v5;
	v4 =	vmin.f32 v2, v0  }
0x20e: {  	v6 =	vmax.f32 v9, v3;
	v8 =	vmin.f32 v16, v18;
	v22 =	vmin.f32 v21, v4  }
.Ltmp6:
0x20f: {  	v5 =	vmax.f32 v7, v12;
	v23 =	vmin.f32 v7, v12;
	v12 =	vmax.f32 v13, v11;
	(pc) =	sbr.rel @p0 .LBB2_14-.Ltmp6, $4  }
0x210: {  	v14 =	vmin.f32 v20, v23;
	v24 =	vmax.f32 v16, v18;
	v18 =	vmax.f32 v12, v1  }
0x211: {  	v16 =	vmin.f32 v13, v11;
	v15 =	vmax.f32 v6, v8;
	v17 =	vmin.f32 v24, v22  }
0x212: {  	v19 =	vmax.f32 v19, v10;
	v13 =	vmin.f32 v18, v14;
	v7 =	vmin.f32 v15, v17  }
0x213: {  	s28 =	sadd.s32 $0x40, s28;
	v11 =	vmax.f32 v20, v23;
	v10 =	vmax.f32 v21, v4;
	v4 =	vmax.f32 v24, v22  }
0x214: {  	v14 =	vmax.f32 v18, v14;
	v0 =	vmax.f32 v2, v0  }
0x215: {  	v2 =	vmin.f32 v9, v3;
	v3 =	vmax.f32 v19, v16;
	v1 =	vmin.f32 v12, v1  }
0x216: {  	v9 =	vmax.f32 v15, v17;
	v12 =	vmax.f32 v5, v2;
	v1 =	vmax.f32 v3, v1  }
0x217: {  	v3 =	vmin.f32 v6, v8;
	v2 =	vmin.f32 v5, v2;
	v1 =	vmax.f32 v1, v13  }
0x218: {  	[tilespmem:$0x4010] =	vst v10;
	v5 =	vmax.f32 v12, v3;
	v3 =	vmin.f32 v12, v3;
	v6 =	vmax.f32 v11, v2  }
0x219: {  	[tilespmem:$0x4000] =	vst v0;
	v0 =	vmin.f32 v11, v2;
	v2 =	vmin.f32 v5, v7;
	v8 =	vmax.f32 v6, v3  }
0x21a: {  	[tilespmem:$0x4020] =	vst v4;
	v5 =	vmax.f32 v5, v7;
	v4 =	vmin.f32 v14, v0;
	v3 =	vmin.f32 v6, v3  }
0x21b: {  	[tilespmem:$0x4030] =	vst v9;
	v0 =	vmax.f32 v14, v0;
	v7 =	vmax.f32 v8, v2;
	v2 =	vmin.f32 v8, v2  }
0x21c: {  	v6 =	vmax.f32 v0, v3;
	v0 =	vmin.f32 v0, v3;
	v1 =	vmax.f32 v1, v4;
	[tilespmem:$0x4040] =	vst v5  }
0x21d: {  	v3 =	vmax.f32 v6, v2;
	v0 =	vmax.f32 v1, v0;
	v1 =	vmin.f32 v6, v2;
	[tilespmem:$0x4050] =	vst v7  }
0x21e: {  	v0 =	vmax.f32 v0, v1;
	[tilespmem:$0x4060] =	vst v3  }
0x21f: {  	[tilespmem:$0x4070] =	vst v0  }
0x220: {  	[hbm4b:s16+s20] =	stream.strided.scatter [tilespmem:s23], [sflag:$0x2], $0x80, s21, s20, $0x38;
	[tilespmem:$0x4080] =	vst v63  }
0x221: {  	_ =	swait.ge [sflag:s24], $0x80  }
0x222: {  	[sflag:s24] =	ssyncset.done $0x0  }
0x223: {  	[sflag:s24] =	ssyncadd.s32 $0xFFFFFF80  }
0x224: {  	[tilespmem:s2], [sflag:$0x1] =	stream.strided.gather [hbm4b:s17+s20], $0x4000, s21, s20, $0x38;
	[tilespmem:$0x4080] =	vst v63  }
0x225: {  	_ =	swait.ge [sflag:s22], $0x4000  }
0x226: {  	[sflag:s22] =	ssyncset.done $0x0  }
0x227: {  	s26 =	simm.s32 $0x20;
	[sflag:s22] =	ssyncadd.s32 $0xFFFFC000  }
0x228: {  	v0 =	vld [tilespmem:s26+$0xFFFFFFE0];
	_ =	sdelay $0x1  }
0x229: {  	v1 =	vld [tilespmem:s26+$0xFFFFFFF0];
	_ =	sdelay $0x1  }
0x22a: {  	v2 =	vimm.f32 $-Inf;
	v3 =	vld [tilespmem:s26+$0x0]  }
0x22b: {  	v4 =	vmin.f32 v2, v0  }
0x22c: {  	v0 =	vmax.f32 v2, v0;
	v5 =	vmin.f32 v2, v4  }
0x22d: {  	v6 =	vld [tilespmem:s26+$0x10];
	v4 =	vmax.f32 v2, v4;
	v8 =	vmin.f32 v0, v1;
	v0 =	vmax.f32 v0, v1  }
0x22e: {  	v7 =	vmax.f32 v2, v5;
	v9 =	vmax.f32 v4, v8;
	v4 =	vmin.f32 v4, v8  }
0x22f: {  	v1 =	vmin.f32 v2, v5;
	v5 =	vmax.f32 v0, v3;
	v0 =	vmin.f32 v0, v3  }
0x230: {  	v3 =	vmin.f32 v2, v1;
	v8 =	vmax.f32 v7, v4;
	v10 =	vmin.f32 v9, v0  }
0x231: {  	v4 =	vmin.f32 v7, v4;
	v0 =	vmax.f32 v9, v0;
	v1 =	vmax.f32 v2, v1  }
0x232: {  	v7 =	vmin.f32 v5, v6;
	v5 =	vmax.f32 v5, v6;
	v9 =	vmax.f32 v1, v4  }
0x233: {  	v11 =	vmin.f32 v8, v10;
	v12 =	vmin.f32 v0, v7;
	v13 =	vmin.f32 v2, v3  }
0x234: {  	v8 =	vmax.f32 v8, v10;
	v3 =	vmax.f32 v2, v3;
	v0 =	vmax.f32 v0, v7  }
0x235: {  	s31 =	simm.s32 $0x60;
	v1 =	vmin.f32 v1, v4;
	v10 =	vmin.f32 v2, v13;
	v14 =	vmax.f32 v9, v11  }
0x236: {  	v15 =	vmin.f32 v8, v12;
	v13 =	vmax.f32 v2, v13;
	v7 =	vmax.f32 v8, v12;
	v8 =	vld [tilespmem:s31+$0xFFFFFFE0]  }
0x237: {  	v12 =	vmax.f32 v3, v1;
	v9 =	vmin.f32 v9, v11;
	v1 =	vmin.f32 v3, v1  }
0x238: {  	v6 =	vld [tilespmem:s31+$0xFFFFFFF0];
	v16 =	vmin.f32 v2, v10;
	v17 =	vmin.f32 v14, v15;
	v10 =	vmax.f32 v2, v10  }
0x239: {  	v4 =	vmax.f32 v14, v15;
	v14 =	vmin.f32 v13, v1;
	v11 =	vmax.f32 v2, v16  }
0x23a: {  	v2 =	vmax.f32 v12, v9;
	v9 =	vmin.f32 v12, v9;
	v21 =	vmin.f32 v10, v14  }
0x23b: {  	v12 =	vld [tilespmem:s31+$0x0];
	v10 =	vmax.f32 v10, v14;
	v3 =	vmin.f32 v2, v17;
	v15 =	vmax.f32 v5, v8  }
0x23c: {  	v5 =	vmin.f32 v5, v8;
	v8 =	vmax.f32 v13, v1;
	v13 =	vmax.f32 v2, v17  }
0x23d: {  	v1 =	vmax.f32 v0, v5;
	v5 =	vmin.f32 v0, v5;
	v2 =	vmin.f32 v15, v6  }
0x23e: {  	v17 =	vmax.f32 v8, v9;
	v6 =	vmax.f32 v15, v6;
	v16 =	vmax.f32 v7, v5  }
0x23f: {  	v18 =	vmax.f32 v1, v2;
	v19 =	vmin.f32 v1, v2;
	v20 =	vmax.f32 v17, v3  }
0x240: {  	v5 =	vmin.f32 v7, v5;
	v1 =	vmin.f32 v17, v3;
	v2 =	vmax.f32 v6, v12  }
0x241: {  	v0 =	vld [tilespmem:s31+$0x10];
	v6 =	vmin.f32 v6, v12;
	v7 =	vmin.f32 v4, v5;
	v15 =	vmax.f32 v16, v19  }
0x242: {  	v17 =	vmin.f32 v18, v6;
	v3 =	vmin.f32 v16, v19;
	v22 =	vmax.f32 v18, v6  }
0x243: {  	v16 =	vmin.f32 v8, v9;
	v9 =	vmax.f32 v4, v5;
	v19 =	vmax.f32 v11, v21  }
0x244: {  	v6 =	vmax.f32 v9, v3;
	v8 =	vmin.f32 v15, v17;
	v5 =	vmax.f32 v13, v7  }
0x245: {  	v24 =	vmin.f32 v13, v7;
	v12 =	vmax.f32 v10, v16;
	v25 =	vmax.f32 v15, v17  }
0x246: {  	v16 =	vmin.f32 v10, v16;
	v14 =	vmin.f32 v20, v24;
	v4 =	vmin.f32 v2, v0  }
0x247: {  	v18 =	vmax.f32 v12, v1;
	v15 =	vmax.f32 v6, v8;
	v23 =	vmin.f32 v22, v4  }
0x248: {  	v11 =	vmax.f32 v20, v24;
	v13 =	vmin.f32 v18, v14;
	v17 =	vmin.f32 v25, v23  }
0x249: {  	s28 =	simm.s32 $0xA0;
	s26 =	simm.s32 $0x4;
	v10 =	vmax.f32 v22, v4;
	v4 =	vmax.f32 v25, v23;
	v7 =	vmin.f32 v15, v17  }
.LBB2_16:
0x24a: {  	v20 =	vld [tilespmem:s28+$0xFFFFFFE0];
	s26 =	sadd.s32 $0x4, s26;
	v14 =	vmax.f32 v18, v14;
	v0 =	vmax.f32 v2, v0;
	v15 =	vmax.f32 v15, v17  }
0x24b: {  	v3 =	vmin.f32 v9, v3;
	v9 =	vmax.f32 v19, v16;
	v1 =	vmin.f32 v12, v1;
	v2 =	vld [tilespmem:s28+$0xFFFFFFF0];
	p0 =	slt.u32 s26, $0x3FC  }
0x24c: {  	v6 =	vmin.f32 v6, v8;
	v12 =	vmax.f32 v5, v3;
	v1 =	vmax.f32 v9, v1  }
0x24d: {  	v19 =	vmax.f32 v1, v13;
	v1 =	vmin.f32 v5, v3;
	v3 =	vmax.f32 v12, v6;
	v8 =	vld [tilespmem:s28+$0x0]  }
0x24e: {  	v6 =	vmin.f32 v12, v6;
	v5 =	vmin.f32 v11, v1;
	v9 =	vmin.f32 v3, v7  }
0x24f: {  	v11 =	vmax.f32 v11, v1;
	v12 =	vmax.f32 v0, v20;
	v13 =	vmin.f32 v0, v20;
	v0 =	vld [tilespmem:s28+$0x10]  }
0x250: {  	v7 =	vmax.f32 v3, v7;
	v1 =	vmax.f32 v10, v13;
	v10 =	vmin.f32 v10, v13  }
0x251: {  	v16 =	vmax.f32 v11, v6;
	v13 =	vmin.f32 v12, v2;
	v3 =	vmax.f32 v4, v10  }
0x252: {  	v20 =	vmax.f32 v16, v9;
	v17 =	vmax.f32 v1, v13;
	v13 =	vmin.f32 v1, v13  }
0x253: {  	v4 =	vmin.f32 v4, v10;
	v10 =	vmax.f32 v12, v2;
	v1 =	vmin.f32 v16, v9  }
0x254: {  	v2 =	vmax.f32 v10, v8;
	v8 =	vmin.f32 v10, v8;
	v10 =	vmin.f32 v14, v5  }
0x255: {  	v12 =	vmin.f32 v15, v4;
	v16 =	vmax.f32 v3, v13;
	v18 =	vmin.f32 v17, v8  }
0x256: {  	v11 =	vmin.f32 v11, v6;
	v3 =	vmin.f32 v3, v13;
	v21 =	vmax.f32 v17, v8  }
0x257: {  	v9 =	vmax.f32 v15, v4;
	v13 =	vmax.f32 v14, v5;
	v4 =	vmin.f32 v2, v0  }
0x258: {  	v6 =	vmax.f32 v9, v3;
	v8 =	vmin.f32 v16, v18;
	v22 =	vmin.f32 v21, v4  }
.Ltmp7:
0x259: {  	v5 =	vmax.f32 v7, v12;
	v23 =	vmin.f32 v7, v12;
	v12 =	vmax.f32 v13, v11;
	(pc) =	sbr.rel @p0 .LBB2_16-.Ltmp7, $4  }
0x25a: {  	v14 =	vmin.f32 v20, v23;
	v24 =	vmax.f32 v16, v18;
	v18 =	vmax.f32 v12, v1  }
0x25b: {  	v16 =	vmin.f32 v13, v11;
	v15 =	vmax.f32 v6, v8;
	v17 =	vmin.f32 v24, v22  }
0x25c: {  	v19 =	vmax.f32 v19, v10;
	v13 =	vmin.f32 v18, v14;
	v7 =	vmin.f32 v15, v17  }
0x25d: {  	s28 =	sadd.s32 $0x40, s28;
	v11 =	vmax.f32 v20, v23;
	v10 =	vmax.f32 v21, v4;
	v4 =	vmax.f32 v24, v22  }
0x25e: {  	v14 =	vmax.f32 v18, v14;
	v0 =	vmax.f32 v2, v0  }
0x25f: {  	v50 =	vmin.f32 v9, v3;
	v51 =	vmax.f32 v19, v16;
	v1 =	vmin.f32 v12, v1  }
0x260: {  	v52 =	vmax.f32 v15, v17;
	v54 =	vmin.f32 v6, v8;
	v1 =	vmax.f32 v51, v1  }
0x261: {  	v53 =	vmax.f32 v5, v50;
	v2 =	vmin.f32 v5, v50;
	v1 =	vmax.f32 v1, v13  }
0x262: {  	[tilespmem:$0x4010] =	vst v10;
	v55 =	vmax.f32 v53, v54;
	v3 =	vmin.f32 v53, v54;
	v56 =	vmax.f32 v11, v2  }
0x263: {  	[tilespmem:$0x4020] =	vst v4;
	v57 =	vmin.f32 v11, v2;
	v58 =	vmin.f32 v55, v7;
	v59 =	vmax.f32 v56, v3  }
0x264: {  	[tilespmem:$0x4000] =	vst v0;
	v5 =	vmax.f32 v55, v7;
	v61 =	vmin.f32 v14, v57;
	v3 =	vmin.f32 v56, v3  }
0x265: {  	[tilespmem:$0x4030] =	vst v52;
	v0 =	vmax.f32 v14, v57;
	v60 =	vmax.f32 v59, v58;
	v2 =	vmin.f32 v59, v58  }
0x266: {  	v6 =	vmax.f32 v0, v3;
	v0 =	vmin.f32 v0, v3;
	v1 =	vmax.f32 v1, v61;
	[tilespmem:$0x4040] =	vst v5  }
0x267: {  	s25 =	sadd.s32 $0x1, s25;
	v62 =	vmax.f32 v6, v2;
	v0 =	vmax.f32 v1, v0;
	v63 =	vmin.f32 v6, v2;
	[tilespmem:$0x4050] =	vst v60  }
0x268: {  	p0 =	sne.s32 s25, s19;
	v0 =	vmax.f32 v0, v63;
	[tilespmem:$0x4060] =	vst v62  }
.Ltmp8:
0x269: {  	[tilespmem:$0x4070] =	vst v0;
	(pc) =	sbr.rel @p0 .LBB2_1-.Ltmp8, $4  }
0x26a: {  	[hbm4b:s18+s20] =	stream.strided.scatter [tilespmem:s23], [sflag:$0x2], $0x80, s21, s20, $0x38;
	[tilespmem:$0x4080] =	vst v63  }
0x26b: {  	_ =	swait.ge [sflag:s24], $0x80  }
0x26c: {  	[sflag:s24] =	ssyncset.done $0x0  }
0x26d: {  	[sflag:s24] =	ssyncadd.s32 $0xFFFFFF80  }
0x26e: {  	_ =	sfence.sel $0x180000  }
0x26f: {  	[bflag:$0x0] =	sbarrier.arrive $0xFFFF  }
0x270: {  	p0 =	sne.s32 s1, $0x0;
	_ =	strace $0x9000004A  }
0x271: {  	s0 =	sadd.s32 @!p0 $0x100000, s0;
	[bflag:$0x2] =	sbarrier.arrive $0xFFFF  }
0x272: {  	[sflag:s0] =	ssyncadd.tile.s32 @!p0 $0x1;
	_ =	shalt  }
.Lfunc_end2:
_tile_overlayer_lowered:
.L_overlay_start_2:
0x273: {  	(tag) =	ssettag $0x2  }
0x274: {  	s0 =	rddreg [dreg:$0x0];
	s2 =	stileid.u32  }
0x275: {  	s1 =	rddreg [dreg:$0x1];
	p0 =	sne.s32 s2, $0x0  }
0x276: {  	s3 =	rddreg [dreg:$0x2];
	[bflag:$0x3] =	sbarrier.arrive $0xFFFF;
	s2 =	simm.s32 @!p0 $0x1C02  }
0x277: {  	[timem:s3], [sflag:s2] =	dma.local @!p0 [hbm:s0], s1  }
0x278: {  	s0 =	simm.s32 @!p0 $0x2  }
0x279: {  	_ =	swait.ge @!p0 [sflag:s0], s1  }
0x27a: {  	s1 =	ssub.s32 @!p0 $0x0, s1;
	[sflag:s0] =	ssyncset.done @!p0 $0x0  }
0x27b: {  	[sflag:s0] =	ssyncadd.s32 @!p0 s1  }
0x27c: {  	[bflag:$0x3] =	sbarrier.arrive $0xFFFF  }
0x27d: {  	_ =	shalt  }

// kernel: sparse-core-data-format-call.cloned.1.call-start
scs
called_computation_lowered:
.L_overlay_start_0:
0x0: {  	s2 =	sld [smem:$0x3FD9]  }
0x1: {  	s3 =	sld [smem:$0x3FFE];
	_ =	sdelay $0x1  }
0x2: {  	s1 =	srdreg.scid  }
0x3: {  	s0 =	sand.u32 $0x1, s1  }
0x4: {  	s18 =	sshll.u32 s0, $0xA;
	s2 =	sadd.s32 s3, s2  }
0x5: {  	s2 =	sadd.s32 s2, s18  }
0x6: {  	[smem:$0x3FC7] =	sst s2  }
0x7: {  	_ = 	snop  }
0x8: {  	s2 =	sld [smem:$0x3FC9];
	(tm) =	ssettm $0x1  }
0x9: {  	s19 =	sld [smem:$0x3FFB];
	_ =	sdelay $0x3  }
0xa: {  	_ =	strace s19  }
0xb: {  	s3 =	sld [smem:$0x3FFC];
	_ =	sdelay $0x3  }
0xc: {  	_ =	strace s3  }
0xd: {  	s3 =	sld [smem:$0x3FFD];
	_ =	sdelay $0x3  }
0xe: {  	_ =	strace s3  }
0xf: {  	_ =	strace $0x8FFFFFFF  }
0x10: {  	s20 =	sld [smem:$0x3FDB];
	_ =	sdelay $0x1  }
0x11: {  	s4 =	simm.s32 $_scs_section_size  }
0x12: {  	s5 =	simm.s32 $_size__tile_overlayer_lowered;
	s6 =	simm.s32 $_tile_overlayer_lowered  }
0x13: {  	s23 =	simm.s32 $0x1BFF;
	s22 =	sshll.u32 s6, $0x1;
	s3 =	sadd.s32 s4, s20  }
0x14: {  	s7 =	simm.s32 $0x0;
	s21 =	sshll.u32 s5, $0x1;
	s5 =	sadd.s32 s22, s3  }
0x15: {  	[timem:s7], [sflag:s23] =	dma.local [hbm:s5], s21  }
0x16: {  	_ =	swait.ge [sflag:s23], s21  }
0x17: {  	s4 =	ssub.s32 $0x0, s21;
	[sflag:s23] =	ssyncset.done $0x0  }
0x18: {  	[sflag:s23] =	ssyncadd.s32 s4;
	_ =	sdelay $0x1  }
0x19: {  	s24 =	simm.s32 $0x1B8B  }
0x1a: {  	_ =	swait.ge [sflag:s24], $0x1  }
0x1b: {  	[sflag:s24] =	ssyncset.done $0x0  }
0x1c: {  	s26 =	simm.s32 $0x1B8E;
	s25 =	sld [smem:$0x3FFE];
	[sflag:s24] =	ssyncadd.s32 $0xFFFFFFFF  }
0x1d: {  	s27 =	simm.s32 $execute0_lowered;
	[smem:$0x3FD2] =	sst s26  }
0x1e: {  	s5 =	sshll.u32 s27, $0x1;
	_ =	strace $0x80000046;
	[dreg:$0x1] =	wrdreg $0xFFFFFFFF  }
0x1f: {  	s28 =	simm.s32 $_size_execute0_lowered;
	s3 =	sadd.s32 s3, s5;
	[dreg:$0x0] =	wrdreg $0x0  }
0x20: {  	s5 =	sshll.u32 s28, $0x1;
	[dreg:$0x2] =	wrdreg s3  }
0x21: {  	[dreg:$0x3] =	wrdreg s5  }
0x22: {  	[dreg:$0x4] =	wrdreg $0xC0  }
0x23: {  	_ =	task [dreg:s7], $0x5FFFF  }
0x24: {  	[dreg:$0x1] =	wrdreg $0xFFFFFFFF  }
0x25: {  	[dreg:$0x0] =	wrdreg $0x60  }
0x26: {  	[dreg:$0x2] =	wrdreg s2  }
0x27: {  	[dreg:$0x3] =	wrdreg s25  }
0x28: {  	[dreg:$0x4] =	wrdreg $0x9  }
0x29: {  	_ =	task.clear_ibuf [dreg:s7], $0x5FFFF;
	_ =	strace $0x90000046  }
0x2a: {  	s29 =	simm.s32 $0x9;
	_ =	strace $0x80000048  }
0x2b: {  	_ =	swait.ge [sflag:s29], $0x1  }
0x2c: {  	[sflag:s29] =	ssyncadd.s32 $0xFFFFFFFF  }
0x2d: {  	_ =	strace $0x90000048  }
0x2e: {  	_ =	sfence  }
0x2f: {  	s30 =	sld [smem:$0x0];
	_ =	sdelay $0x2  }
0x30: {  	s31 =	sshll.u32 s1, $0xD;
	s1 =	sshrl.u32 s1, $0x2  }
0x31: {  	s3 =	sand.u32 $0x4000, s31;
	s1 =	sadd.s32 s1, s30  }
0x32: {  	s0 =	sor.u32 s3, s0;
	s1 =	sshll.u32 s1, $0x11  }
0x33: {  	s0 =	sor.u32 s1, s0  }
0x34: {  	s0 =	sadd.s32 $0x8F2B, s0  }
0x35: {  	[sflag:s0] =	ssyncadd.remote.s32 $0x1  }
0x36: {  	_ =	sfence.sel $0xFFFF  }
0x37: {  	[dreg:$0x0] =	wrdreg $0xFFFFFFFF;
	(pc) =	sbr.abs _section_cstart, $3  }
0x38: {  	[dreg:$0x1] =	wrdreg $0xFFFFFFFF  }
0x39: {  	_ =	task.clear_ibuf [dreg:s7], $0x2FFFF;
	_ =	strace $0x9FFFFFFF  }
0x3a: {  	(tm) =	ssettm $0x7FFFFFFF  }
0x3b: {  	_ =	shalt  }
tec
execute0_lowered:
.L_overlay_start_1:
0x0: {  	(tag) =	ssettag $0x1  }
0x1: {  	s0 =	srdreg.scid  }
0x2: {  	s1 =	sshll.u32 s0, $0x4  }
0x3: {  	s2 =	rddreg [dreg:$0x0];
	s0 =	stileid.u32;
	s1 =	sand.u32 $0x10, s1  }
0x4: {  	s4 =	rddreg [dreg:$0x1];
	s7 =	simm.s32 $0x1;
	s1 =	sor.u32 s0, s1  }
0x5: {  	s8 =	simm.s32 $0x2;
	s9 =	simm.s32 $0x0;
	s3 =	sshll.u32 s1, $0x1  }
0x6: {  	s12 =	simm.s32 $0x0;
	s11 =	simm.s32 $0x0;
	s6 =	ssub.s32 $0x1000, s3  }
.Ltmp0:
0x7: {  	s4 =	sadd.s32 $0x800, s4;
	s5 =	sand.u32 $0x3E, s6;
	(pc) =	sbr.rel .LBB1_1-.Ltmp0, $4  }
0x8: {  	s1 =	rddreg [dreg:$0x2];
	_ =	strace $0x80000047;
	p0 =	sne.s32 s5, $0x0  }
0x9: {  	s6 =	sshrl.u32 s6, $0x6;
	s5 =	simm.s32 $0x1;
	s7 =	simm.s32 @!p0 $0x0  }
0xa: {  	s10 =	smov.u32 s3;
	[sflag:s5] =	ssyncpa.u1 $0x0;
	s6 =	sadd.s32 s7, s6  }
0xb: {  	[sflag:s8] =	ssyncpa.u1 $0x0;
	s8 =	simm.s32 $0x0;
	s7 =	sadd.s32 $0x1, s6  }
.LBB1_9:
0xc: {  	s14 =	sadd.s32 $0x40, s10  }
0xd: {  	p1 =	sgt.s32 s14, $0xFFF  }
0xe: {  	s14 =	smov.u32 @p1 s3;
	p1 =	sne.s32 s11, s7  }
.Ltmp1:
0xf: {  	p0 =	slt.u32 s11, $0x2;
	(pc) =	sbr.rel @!p1 .LBB1_10-.Ltmp1, $4  }
0x10: {  	s13 =	simm.s32 @!p0 $0x2  }
0x11: {  	s15 =	sadd.s32 $0x1, s11;
	_ =	swait.ge @!p0 [sflag:s13], $0x4000  }
0x12: {  	s12 =	smov.u32 s10;
	s9 =	sadd.s32 $0x4000, s9;
	[sflag:s13] =	ssyncset.done @!p0 $0x0  }
0x13: {  	s11 =	smov.u32 s15;
	s10 =	smov.u32 s14;
	[sflag:s13] =	ssyncadd.s32 @!p0 $0xFFFFC000  }
.LBB1_1:
0x14: {  	p0 =	sge.u32 s11, s6  }
0x15: {  	s13 =	sxor.u32 @!p0 $0xFFFFFFFF, s11  }
0x16: {  	s31 =	sadd.s32 $0xFFFFFFFF, s11;
	s14 =	sshll.u32 @!p0 s10, $0xA;
	s13 =	sshll.u32 @!p0 s13, $0xE  }
0x17: {  	s15 =	simm.s32 @!p0 $0x0;
	s14 =	sadd.s32 @!p0 s2, s14;
	s13 =	sand.u32 @!p0 $0x4000, s13  }
0x18: {  	[tilespmem:s13], [sflag:$0x1] =	stream.linear.gather @!p0 [hbm4b:s14+s15], $0x4000, $0x38;
	[tilespmem:$0x10000] =	vst v63  }
0x19: {  	p0 =	sge.u32 s31, s6  }
.Ltmp2:
0x1a: {  	_ = 	snop;
	(pc) =	sbr.rel @p0 .LBB1_9-.Ltmp2, $1  }
0x1b: {  	_ =	sdelay $0x3  }
0x1c: {  	s13 =	sshll.u32 s9, $0x2  }
0x1d: {  	_ =	swait.ge [sflag:s5], $0x4000;
	s14 =	sshll.u32 s11, $0xE;
	s16 =	simm.s32 $0x0  }
0x1e: {  	p1 =	por $0x1, $0x1;
	s13 =	sand.u32 $0x10000, s13;
	[sflag:s5] =	ssyncset.done $0x0  }
0x1f: {  	s14 =	sand.u32 $0x4000, s14;
	s15 =	sshrl.u32 s13, $0x2;
	[sflag:s5] =	ssyncadd.s32 $0xFFFFC000  }
0x20: {  	s13 =	sor.u32 $0x8000, s14;
	s14 =	sadd.s32 $0x8040, s15;
	s15 =	sadd.s32 $0x40, s15  }
.LBB1_3:
0x21: {  	s16 =	sshll.u32 s16, $0x2  }
0x22: {  	p0 =	por p1, p1;
	s17 =	sshra.s32 s16, $0x2  }
0x23: {  	s18 =	simm.s32 $0x0;
	s16 =	sadd.s32 s17, s14;
	s17 =	sadd.s32 s17, s15  }
.LBB1_4:
0x24: {  	v0 =	vmov s17;
	_ =	sdelay $0x3  }
0x25: {  	s20 =	simm.s32 $0x0  }
0x26: {  	v6 =	vld.idx.msk [tilespmem:v0+s20+$0x30 ss:$0x1], $0xffff  }
0x27: {  	v7 =	vld.idx.msk [tilespmem:v0+s20+$0xFFFFFFC0 ss:$0x1], $0xffff  }
0x28: {  	v5 =	vld.idx.msk [tilespmem:v0+s20+$0xFFFFFFD0 ss:$0x1], $0xffff  }
0x29: {  	v4 =	vld.idx.msk [tilespmem:v0+s20+$0xFFFFFFE0 ss:$0x1], $0xffff  }
0x2a: {  	v3 =	vld.idx.msk [tilespmem:v0+s20+$0xFFFFFFF0 ss:$0x1], $0xffff  }
0x2b: {  	v1 =	vld.idx.msk [tilespmem:v0+s20+$0x0 ss:$0x1], $0xffff  }
0x2c: {  	v2 =	vld.idx.msk [tilespmem:v0+s20+$0x10 ss:$0x1], $0xffff;
	[tilespmem:s16+$0x30] =	vst v6  }
0x2d: {  	s19 =	simm.s32 $0x80;
	s21 =	simm.s32 $0x400;
	[tilespmem:s16+$0xFFFFFFC0] =	vst v7;
	v6 =	vld.idx.msk [tilespmem:v0+s20+$0x20 ss:$0x1], $0xffff;
	s20 =	smov.u32 s16  }
.LBB1_5:
0x2e: {  	p1 =	sne.s32 s21, $0xE00;
	v7 =	vld.idx.msk [tilespmem:v0+s19+$0x30 ss:$0x1], $0xffff;
	[tilespmem:s20+$0xFFFFFFD0] =	vst v5  }
0x2f: {  	v8 =	vld.idx.msk [tilespmem:v0+s19+$0xFFFFFFC0 ss:$0x1], $0xffff;
	[tilespmem:s20+$0xFFFFFFE0] =	vst v4  }
0x30: {  	v5 =	vld.idx.msk [tilespmem:v0+s19+$0xFFFFFFD0 ss:$0x1], $0xffff;
	[tilespmem:s20+$0xFFFFFFF0] =	vst v3  }
.Ltmp3:
0x31: {  	v4 =	vld.idx.msk [tilespmem:v0+s19+$0xFFFFFFE0 ss:$0x1], $0xffff;
	[tilespmem:s20+$0x0] =	vst v1;
	(pc) =	sbr.rel @p1 .LBB1_5-.Ltmp3, $4  }
0x32: {  	v3 =	vld.idx.msk [tilespmem:v0+s19+$0xFFFFFFF0 ss:$0x1], $0xffff;
	[tilespmem:s20+$0x10] =	vst v2  }
0x33: {  	v1 =	vld.idx.msk [tilespmem:v0+s19+$0x0 ss:$0x1], $0xffff;
	[tilespmem:s20+$0x20] =	vst v6;
	s20 =	sadd.s32 $0x400, s20  }
0x34: {  	v2 =	vld.idx.msk [tilespmem:v0+s19+$0x10 ss:$0x1], $0xffff;
	[tilespmem:s20+$0x30] =	vst v7  }
0x35: {  	[tilespmem:s20+$0xFFFFFFC0] =	vst v8;
	v6 =	vld.idx.msk [tilespmem:v0+s19+$0x20 ss:$0x1], $0xffff;
	s19 =	sshra.s32 s21, $0x2;
	s21 =	sadd.s32 $0x200, s21  }
0x36: {  	_ =	sdelay $0x2  }
0x37: {  	[tilespmem:s20+$0xFFFFFFD0] =	vst v5  }
0x38: {  	v56 =	vld.idx.msk [tilespmem:v0+s19+$0x30 ss:$0x1], $0xffff;
	[tilespmem:s20+$0xFFFFFFE0] =	vst v4  }
0x39: {  	v57 =	vld.idx.msk [tilespmem:v0+s19+$0xFFFFFFC0 ss:$0x1], $0xffff;
	[tilespmem:s20+$0xFFFFFFF0] =	vst v3  }
0x3a: {  	v58 =	vld.idx.msk [tilespmem:v0+s19+$0xFFFFFFD0 ss:$0x1], $0xffff;
	[tilespmem:s20+$0x0] =	vst v1  }
0x3b: {  	v59 =	vld.idx.msk [tilespmem:v0+s19+$0xFFFFFFE0 ss:$0x1], $0xffff;
	[tilespmem:s20+$0x10] =	vst v2  }
0x3c: {  	v60 =	vld.idx.msk [tilespmem:v0+s19+$0xFFFFFFF0 ss:$0x1], $0xffff;
	s31 =	sadd.s32 $0x400, s20;
	[tilespmem:s20+$0x20] =	vst v6  }
0x3d: {  	v61 =	vld.idx.msk [tilespmem:v0+s19+$0x0 ss:$0x1], $0xffff;
	[tilespmem:s31+$0x30] =	vst v56  }
0x3e: {  	v62 =	vld.idx.msk [tilespmem:v0+s19+$0x10 ss:$0x1], $0xffff;
	s18 =	sadd.s32 $0x1, s18;
	[tilespmem:s31+$0xFFFFFFC0] =	vst v57  }
0x3f: {  	v63 =	vld.idx.msk [tilespmem:v0+s19+$0x20 ss:$0x1], $0xffff;
	p1 =	sne.s32 s18, $0x8;
	[tilespmem:s31+$0xFFFFFFD0] =	vst v58  }
.Ltmp4:
0x40: {  	[tilespmem:s31+$0xFFFFFFE0] =	vst v59;
	(pc) =	sbr.rel @p1 .LBB1_4-.Ltmp4, $4  }
0x41: {  	[tilespmem:s31+$0xFFFFFFF0] =	vst v60  }
0x42: {  	[tilespmem:s31+$0x0] =	vst v61  }
0x43: {  	[tilespmem:s31+$0x10] =	vst v62  }
0x44: {  	s16 =	sadd.s32 $0x80, s16;
	s17 =	sadd.s32 $0x400, s17;
	[tilespmem:s31+$0x20] =	vst v63  }
.Ltmp5:
0x45: {  	(pc) =	sbr.rel @p0 .LBB1_3-.Ltmp5, $2  }
0x46: {  	_ =	sdelay $0x2  }
0x47: {  	s16 =	simm.s32 $0x2000;
	p1 =	por $0x0, $0x0  }
.Ltmp6:
0x48: {  	(pc) =	sbr.rel .LBB1_9-.Ltmp6, $4  }
0x49: {  	_ = 	snop  }
0x4a: {  	s12 =	sshll.u32 s12, $0xA  }
0x4b: {  	s12 =	sadd.s32 s4, s12  }
0x4c: {  	[hbm4b:s12+s8] =	stream.linear.scatter [tilespmem:s13], [sflag:$0x2], $0x4000, $0x38;
	[tilespmem:$0x10000] =	vst v63  }
.LBB1_10:
0x4d: {  	_ =	sfence.sel $0x180000  }
0x4e: {  	s2 =	simm.s32 $0x1;
	[bflag:$0x0] =	sbarrier.arrive $0xFFFF  }
0x4f: {  	s31 =	simm.s32 $0x2;
	[sflag:s2] =	ssyncpa.u1 $0x1  }
0x50: {  	[sflag:s31] =	ssyncpa.u1 $0x1  }
0x51: {  	p0 =	sne.s32 s0, $0x0;
	_ =	strace $0x90000047  }
0x52: {  	s0 =	sadd.s32 @!p0 $0x100000, s1;
	[bflag:$0x2] =	sbarrier.arrive $0xFFFF  }
0x53: {  	[sflag:s0] =	ssyncadd.tile.s32 @!p0 $0x1;
	_ =	shalt  }
.Lfunc_end1:
_tile_overlayer_lowered:
.L_overlay_start_2:
0x54: {  	(tag) =	ssettag $0x2  }
0x55: {  	s0 =	rddreg [dreg:$0x0];
	s2 =	stileid.u32  }
0x56: {  	s1 =	rddreg [dreg:$0x1];
	p0 =	sne.s32 s2, $0x0  }
0x57: {  	s3 =	rddreg [dreg:$0x2];
	[bflag:$0x3] =	sbarrier.arrive $0xFFFF;
	s2 =	simm.s32 @!p0 $0x1C01  }
0x58: {  	[timem:s3], [sflag:s2] =	dma.local @!p0 [hbm:s0], s1  }
0x59: {  	s0 =	simm.s32 @!p0 $0x1  }
0x5a: {  	_ =	swait.ge @!p0 [sflag:s0], s1  }
0x5b: {  	s1 =	ssub.s32 @!p0 $0x0, s1;
	[sflag:s0] =	ssyncset.done @!p0 $0x0  }
0x5c: {  	[sflag:s0] =	ssyncadd.s32 @!p0 s1  }
0x5d: {  	[bflag:$0x3] =	sbarrier.arrive $0xFFFF  }
0x5e: {  	_ =	shalt  }

</sc_bundles>
